<compile_context>
chip_gen: v7x
topology: tpu7x:2x2x1
jax: 0.10.2.dev20260603
libtpu: 0.0.44.dev20260713+nightly
codegen_flags: <defaults>
</compile_context>

<pallas_src>
import jax
import jax.numpy as jnp
from jax import lax
from jax.experimental import pallas as pl
from jax.experimental.pallas import tpu as pltpu
from jax.experimental.pallas import tpu_sc as plsc

NC, NS = 2, 16
NW = NC * NS
NEIGH = 50
P = 56
W = 64
HR = P * W // 128
EMB = 16
G = 8
BLK = 64


def _mesh():
    return plsc.VectorSubcoreMesh(
        core_axis_name="c", subcore_axis_name="s", num_cores=NC, num_subcores=NS)


def _gather_all(user_idxs, item_idxs, utab, itab, uscr, iscr, uemb, iemb):
    B = user_idxs.shape[0]
    bpw = B // NW
    ngroups = bpw // G

    def body(uidx, iidx, utab_h, itab_h, uscr_h, iscr_h, uemb_h, iemb_h,
             su, eu, si, ei,
             idx_v, nu_v, ni_v, s_stg, e_stg, sem_n, sem_s, sem_e, sem_o):
        wid = lax.axis_index("s") * NC + lax.axis_index("c")
        ebase = wid * bpw

        pltpu.sync_copy(uidx.at[pl.ds(ebase, bpw)], idx_v.at[0])
        cu = pltpu.async_copy(utab_h.at[idx_v.at[0]], nu_v, sem_n)
        pltpu.sync_copy(iidx.at[pl.ds(ebase, bpw)], idx_v.at[1])
        ci = pltpu.async_copy(itab_h.at[idx_v.at[1]], ni_v, sem_n)
        cu.wait()
        ci.wait()

        for n_v, scr, emb, s_out, e_out in (
                (nu_v, uscr_h, uemb_h, su, eu), (ni_v, iscr_h, iemb_h, si, ei)):
            @pl.loop(0, ngroups)
            def _(g):
                p = lax.rem(g, 2)
                @pl.when(g >= 2)
                def _():
                    pltpu.make_async_copy(
                        s_stg.at[p], s_out.at[pl.ds(0, G * P)], sem_o).wait()
                    pltpu.make_async_copy(
                        e_stg.at[p], e_out.at[pl.ds(0, G * P)], sem_o).wait()
                for m in range(G):
                    e = g * G + m
                    pltpu.async_copy(
                        scr.at[n_v.at[e]], s_stg.at[p, pl.ds(m * P, P)], sem_s)
                    pltpu.async_copy(
                        emb.at[n_v.at[e]], e_stg.at[p, pl.ds(m * P, P)], sem_e)
                for m in range(G):
                    pltpu.make_async_copy(
                        scr.at[pl.ds(0, P)], s_stg.at[p, pl.ds(m * P, P)],
                        sem_s).wait()
                    pltpu.make_async_copy(
                        emb.at[pl.ds(0, P)], e_stg.at[p, pl.ds(m * P, P)],
                        sem_e).wait()
                rbase = (ebase + g * G) * P
                pltpu.async_copy(s_stg.at[p], s_out.at[pl.ds(rbase, G * P)],
                                 sem_o)
                pltpu.async_copy(e_stg.at[p], e_out.at[pl.ds(rbase, G * P)],
                                 sem_o)
            for _p in range(2):
                pltpu.make_async_copy(
                    s_stg.at[_p], s_out.at[pl.ds(0, G * P)], sem_o).wait()
                pltpu.make_async_copy(
                    e_stg.at[_p], e_out.at[pl.ds(0, G * P)], sem_o).wait()

    R = B * P
    call = pl.kernel(
        body,
        out_type=(
            jax.ShapeDtypeStruct((R, W), jnp.float32),
            jax.ShapeDtypeStruct((R, EMB), jnp.float32),
            jax.ShapeDtypeStruct((R, W), jnp.float32),
            jax.ShapeDtypeStruct((R, EMB), jnp.float32),
        ),
        mesh=_mesh(),
        scratch_types=[
            pltpu.VMEM((2, bpw), jnp.int32),
            pltpu.VMEM((bpw, P), jnp.int32),
            pltpu.VMEM((bpw, P), jnp.int32),
            pltpu.VMEM((2, G * P, W), jnp.float32),
            pltpu.VMEM((2, G * P, EMB), jnp.float32),
            pltpu.SemaphoreType.DMA,
            pltpu.SemaphoreType.DMA,
            pltpu.SemaphoreType.DMA,
            pltpu.SemaphoreType.DMA,
        ],
        compiler_params=pltpu.CompilerParams(use_tc_tiling_on_sc=False),
    )
    return call(user_idxs, item_idxs, utab, itab, uscr, iscr, uemb, iemb)


def _mlp_body(su_ref, eu_ref, si_ref, ei_ref, w1_ref, b1_ref, w2_ref, b2_ref,
              w3_ref, b3_ref, out_ref):
    f32 = jnp.float32
    w1 = w1_ref[...]
    gu = jnp.dot(eu_ref[...], w1[0:EMB, :], preferred_element_type=f32)
    gi = jnp.dot(ei_ref[...], w1[EMB:2 * EMB, :], preferred_element_type=f32)
    su = su_ref[...]
    si = si_ref[...]
    evens, odds = [], []
    for e in range(BLK):
        fsu = su[e * HR:(e + 1) * HR, :]
        fsi = si[e * HR:(e + 1) * HR, :]
        gue = gu[e * P:(e + 1) * P, :]
        gie = gi[e * P:(e + 1) * P, :]
        evens.append(jnp.dot(fsu[:, 0:P], gue, preferred_element_type=f32)
                     + jnp.dot(fsi[:, 0:P], gie, preferred_element_type=f32))
        odds.append(jnp.dot(fsu[:, W:W + P], gue, preferred_element_type=f32)
                    + jnp.dot(fsi[:, W:W + P], gie, preferred_element_type=f32))
    pre1 = jnp.concatenate(evens + odds, axis=0)
    h1 = jnp.maximum(pre1 + b1_ref[...], 0.0)
    h2 = jnp.maximum(
        jnp.dot(h1, w2_ref[...], preferred_element_type=f32) + b2_ref[...], 0.0)
    z = jnp.dot(h2, w3_ref[...], preferred_element_type=f32) + b3_ref[...]
    o = jax.nn.sigmoid(z)
    half = BLK * HR
    t = lax.broadcasted_iota(jnp.int32, (2 * half, BLK), 0)
    c = lax.broadcasted_iota(jnp.int32, (2 * half, BLK), 1)
    th = t % half
    msk = ((th // HR == c) & (th % HR < (NEIGH + 1) // 2)).astype(f32)
    out_ref[0, 0, :] = jnp.sum(o * msk, axis=0) * (1.0 / NEIGH)


def _mlp_call(su, eu, si, ei, W1, b1, W2, b2, W3, b3):
    B = eu.shape[0] // P
    srows = BLK * HR
    erows = BLK * P
    out = pl.pallas_call(
        _mlp_body,
        grid=(B // BLK,),
        in_specs=[
            pl.BlockSpec((srows, 128), lambda i: (i, 0)),
            pl.BlockSpec((erows, EMB), lambda i: (i, 0)),
            pl.BlockSpec((srows, 128), lambda i: (i, 0)),
            pl.BlockSpec((erows, EMB), lambda i: (i, 0)),
            pl.BlockSpec((2 * EMB, EMB), lambda i: (0, 0)),
            pl.BlockSpec((1, EMB), lambda i: (0, 0)),
            pl.BlockSpec((EMB, 8), lambda i: (0, 0)),
            pl.BlockSpec((1, 8), lambda i: (0, 0)),
            pl.BlockSpec((8, 1), lambda i: (0, 0)),
            pl.BlockSpec((1, 1), lambda i: (0, 0)),
        ],
        out_specs=pl.BlockSpec((1, 1, BLK), lambda i: (i, 0, 0)),
        out_shape=jax.ShapeDtypeStruct((B // BLK, 1, BLK), jnp.float32),
    )(su, eu, si, ei, W1, b1.reshape(1, EMB), W2, b2.reshape(1, 8),
      W3, b3.reshape(1, 1))
    return out.reshape(B)


def kernel(user_idxs, item_idxs, user_idx_tensor, item_idx_tensor,
           user_scr_tensor, item_scr_tensor, user_emb, item_emb,
           W1, b1, W2, b2, W3, b3):
    utab = jnp.concatenate(
        [user_idx_tensor, user_idx_tensor[:, :P - NEIGH]], axis=1)
    itab = jnp.concatenate(
        [item_idx_tensor, item_idx_tensor[:, :P - NEIGH]], axis=1)
    padw = ((0, 0), (0, W - NEIGH))
    uscr = jnp.pad(user_scr_tensor, padw)
    iscr = jnp.pad(item_scr_tensor, padw)
    su, eu, si, ei = _gather_all(user_idxs, item_idxs, utab, itab,
                                 uscr, iscr, user_emb, item_emb)
    su = su.reshape(-1, 128)
    si = si.reshape(-1, 128)
    return _mlp_call(su, eu, si, ei, W1, b1, W2, b2, W3, b3)

# --- scband reference (transcript-rebuilt; emitter-appended) ---
"""Pipeline reference for scband-contextualized-nn-50843822850191 (READ-ONLY COPY).

The authoritative reference and input builder live on the scoring server;
editing this copy changes nothing except your own understanding.
"""

import jax, jax.numpy as jnp
import numpy as np

N_USERS = 100000
N_ITEMS = 100000
EMB = 16
MULTI_FACTOR = 5
TOP_K = 10
NEIGH = MULTI_FACTOR * TOP_K  # 50
B = 4096


def setup_inputs(seed: int = 0) -> dict:
    key = jax.random.key(seed)
    ks = jax.random.split(key, 14)
    cat = 2 * EMB
    h1 = cat // 2
    h2 = cat // 4
    inp = {}
    # forward args
    inp["user_idxs"] = jax.random.randint(ks[0], (B,), 0, N_USERS)
    inp["item_idxs"] = jax.random.randint(ks[1], (B,), 0, N_ITEMS)
    # constructor tensors (neighbor index tables and score tables)
    inp["user_idx_tensor"] = jax.random.randint(ks[2], (N_USERS, NEIGH), 0, N_USERS)
    inp["item_idx_tensor"] = jax.random.randint(ks[3], (N_ITEMS, NEIGH), 0, N_ITEMS)
    inp["user_scr_tensor"] = jax.random.uniform(ks[4], (N_USERS, NEIGH), dtype=jnp.float32)
    inp["item_scr_tensor"] = jax.random.uniform(ks[5], (N_ITEMS, NEIGH), dtype=jnp.float32)
    # embedding tables
    inp["user_emb"] = jax.random.normal(ks[6], (N_USERS, EMB), dtype=jnp.float32) * 0.05
    inp["item_emb"] = jax.random.normal(ks[7], (N_ITEMS, EMB), dtype=jnp.float32) * 0.05
    # InterLin MLP params (stored as (in, out); forward uses x @ W + b, same math as nn.Linear)
    inp["W1"] = jax.random.normal(ks[8], (cat, h1), dtype=jnp.float32) * (1.0 / np.sqrt(cat))
    inp["b1"] = jnp.zeros((h1,), dtype=jnp.float32)
    inp["W2"] = jax.random.normal(ks[9], (h1, h2), dtype=jnp.float32) * (1.0 / np.sqrt(h1))
    inp["b2"] = jnp.zeros((h2,), dtype=jnp.float32)
    inp["W3"] = jax.random.normal(ks[10], (h2, 1), dtype=jnp.float32) * (1.0 / np.sqrt(h2))
    inp["b3"] = jnp.zeros((1,), dtype=jnp.float32)
    return inp


def reference(user_idxs, item_idxs, user_idx_tensor, item_idx_tensor, user_scr_tensor, item_scr_tensor, user_emb, item_emb, W1, b1, W2, b2, W3, b3):
    # user side
    user_neighs = jnp.take(user_idx_tensor, user_idxs, axis=0)          # [B, NEIGH]
    neigh_emb = jnp.take(user_emb, user_neighs, axis=0)                 # [B, NEIGH, EMB]
    neigh_score = jnp.take(user_scr_tensor, user_neighs, axis=0)        # [B, NEIGH, NEIGH]
    scored_user_emb = jnp.matmul(neigh_score, neigh_emb)                # [B, NEIGH, EMB]
    # item side
    item_neighs = jnp.take(item_idx_tensor, item_idxs, axis=0)          # [B, NEIGH]
    item_neigh_emb = jnp.take(item_emb, item_neighs, axis=0)            # [B, NEIGH, EMB]
    item_neigh_scr = jnp.take(item_scr_tensor, item_neighs, axis=0)     # [B, NEIGH, NEIGH]
    scored_item_emb = jnp.matmul(item_neigh_scr, item_neigh_emb)        # [B, NEIGH, EMB]
    # interaction MLP
    x = jnp.concatenate((scored_user_emb, scored_item_emb), axis=-1)    # [B, NEIGH, 2*EMB]
    h = jax.nn.relu(x @ W1 + b1)
    h = jax.nn.relu(h @ W2 + b2)
    out = h @ W3 + b3                                                   # [B, NEIGH, 1]
    res = jax.nn.sigmoid(out)
    return jnp.squeeze(jnp.mean(res, axis=-2))                          # [B]

if __name__ == "__main__":
    import jax
    _d = setup_inputs()
    print(jax.jit(kernel)(*tuple(_d.values())))

</pallas_src>

<mosaic_0001>
#map = affine_map<(d0, d1) -> (0)>
#map1 = affine_map<(d0, d1) -> (0, 0)>
module attributes {stable_mosaic.version = 14 : i64} {
  func.func @body(%arg0: i32, %arg1: i32, %arg2: memref<4096xi32, #tpu.memory_space<hbm>>, %arg3: memref<4096xi32, #tpu.memory_space<hbm>>, %arg4: memref<100000x56xi32, #tpu.memory_space<hbm>>, %arg5: memref<100000x56xi32, #tpu.memory_space<hbm>>, %arg6: memref<100000x64xf32, #tpu.memory_space<hbm>>, %arg7: memref<100000x64xf32, #tpu.memory_space<hbm>>, %arg8: memref<100000x16xf32, #tpu.memory_space<hbm>>, %arg9: memref<100000x16xf32, #tpu.memory_space<hbm>>, %arg10: memref<229376x64xf32, #tpu.memory_space<hbm>>, %arg11: memref<229376x16xf32, #tpu.memory_space<hbm>>, %arg12: memref<229376x64xf32, #tpu.memory_space<hbm>>, %arg13: memref<229376x16xf32, #tpu.memory_space<hbm>>, %arg14: memref<2x128xi32, #tpu.memory_space<vmem>>, %arg15: memref<128x56xi32, #tpu.memory_space<vmem>>, %arg16: memref<128x56xi32, #tpu.memory_space<vmem>>, %arg17: memref<2x448x64xf32, #tpu.memory_space<vmem>>, %arg18: memref<2x448x16xf32, #tpu.memory_space<vmem>>, %arg19: memref<!tpu.dma_semaphore, #tpu.memory_space<semaphore_mem>>, %arg20: memref<!tpu.dma_semaphore, #tpu.memory_space<semaphore_mem>>, %arg21: memref<!tpu.dma_semaphore, #tpu.memory_space<semaphore_mem>>, %arg22: memref<!tpu.dma_semaphore, #tpu.memory_space<semaphore_mem>>) attributes {dimension_semantics = [#tpu.dimension_semantics<core_parallel>, #tpu.dimension_semantics<subcore_parallel>], iteration_bounds = array<i64: 2, 16>, scalar_prefetch = 0 : i64, scratch_operands = 9 : i64, tpu.core_type = #tpu.core_type<sc_vector_subcore>, window_params = [{transform_indices = #map}, {transform_indices = #map}, {transform_indices = #map1}, {transform_indices = #map1}, {transform_indices = #map1}, {transform_indices = #map1}, {transform_indices = #map1}, {transform_indices = #map1}, {transform_indices = #map1}, {transform_indices = #map1}, {transform_indices = #map1}, {transform_indices = #map1}]} {
    %mul3A = arith.constant 2 : i32
    %mul3A_0 = arith.muli %arg1, %mul3A : i32
    %add3A = arith.addi %mul3A_0, %arg0 : i32
    %mul3A_1 = arith.constant 128 : i32
    %mul3A_2 = arith.muli %add3A, %mul3A_1 : i32
    %run_scoped3A = arith.constant 0 : i32
    "tpu.region"() ({
      %run_scoped3A_159 = tpu.sem_alloc : memref<!tpu.dma_semaphore, #tpu.memory_space<semaphore_mem>>
      %dma_start3A_160 = arith.constant 0 : i32
      %dma_start3A_161 = tpu.memref_slice %arg14[%run_scoped3A, %dma_start3A_160] : memref<2x128xi32, #tpu.memory_space<vmem>> -> memref<1x128xi32, #tpu.memory_space<vmem>>
      %dma_start3A_162 = tpu.memref_squeeze %dma_start3A_161 : memref<1x128xi32, #tpu.memory_space<vmem>> -> memref<128xi32, #tpu.memory_space<vmem>>
      %dma_start3A_163 = tpu.memref_slice %arg2[%mul3A_2] : memref<4096xi32, #tpu.memory_space<hbm>> -> memref<128xi32, #tpu.memory_space<hbm>>
      %dma_start3A_164 = arith.constant 0 : i32
      %dma_start3A_165 = tpu.memref_slice %arg14[%run_scoped3A, %dma_start3A_164] : memref<2x128xi32, #tpu.memory_space<vmem>> -> memref<1x128xi32, #tpu.memory_space<vmem>>
      %dma_start3A_166 = tpu.memref_squeeze %dma_start3A_165 : memref<1x128xi32, #tpu.memory_space<vmem>> -> memref<128xi32, #tpu.memory_space<vmem>>
      %dma_start3A_167 = tpu.memref_slice %arg2[%mul3A_2] : memref<4096xi32, #tpu.memory_space<hbm>> -> memref<128xi32, #tpu.memory_space<hbm>>
      tpu.enqueue_dma source(%dma_start3A_167 : memref<128xi32, #tpu.memory_space<hbm>>) target(%dma_start3A_166 : memref<128xi32, #tpu.memory_space<vmem>>) target_semaphore(%run_scoped3A_159 : memref<!tpu.dma_semaphore, #tpu.memory_space<semaphore_mem>>)
      %dma_wait3A_168 = arith.constant 0 : i32
      %dma_wait3A_169 = tpu.memref_slice %arg14[%run_scoped3A, %dma_wait3A_168] : memref<2x128xi32, #tpu.memory_space<vmem>> -> memref<1x128xi32, #tpu.memory_space<vmem>>
      %dma_wait3A_170 = tpu.memref_squeeze %dma_wait3A_169 : memref<1x128xi32, #tpu.memory_space<vmem>> -> memref<128xi32, #tpu.memory_space<vmem>>
      %dma_wait3A_171 = tpu.memref_slice %arg2[%mul3A_2] : memref<4096xi32, #tpu.memory_space<hbm>> -> memref<128xi32, #tpu.memory_space<hbm>>
      %dma_wait3A_172 = arith.constant 0 : i32
      %dma_wait3A_173 = tpu.memref_slice %arg14[%run_scoped3A, %dma_wait3A_172] : memref<2x128xi32, #tpu.memory_space<vmem>> -> memref<1x128xi32, #tpu.memory_space<vmem>>
      %dma_wait3A_174 = tpu.memref_squeeze %dma_wait3A_173 : memref<1x128xi32, #tpu.memory_space<vmem>> -> memref<128xi32, #tpu.memory_space<vmem>>
      %dma_wait3A_175 = tpu.memref_slice %arg2[%mul3A_2] : memref<4096xi32, #tpu.memory_space<hbm>> -> memref<128xi32, #tpu.memory_space<hbm>>
      tpu.wait_dma2 semaphore(%run_scoped3A_159 : memref<!tpu.dma_semaphore, #tpu.memory_space<semaphore_mem>>) src(%dma_wait3A_175 : memref<128xi32, #tpu.memory_space<hbm>>) dst(%dma_wait3A_174 : memref<128xi32, #tpu.memory_space<vmem>>)
      tpu.yield
    }) : () -> ()
    %dma_start3A = arith.constant 0 : i32
    %dma_start3A_3 = arith.constant 0 : i32
    %dma_start3A_4 = tpu.memref_slice %arg14[%dma_start3A, %dma_start3A_3] : memref<2x128xi32, #tpu.memory_space<vmem>> -> memref<1x128xi32, #tpu.memory_space<vmem>>
    %dma_start3A_5 = tpu.memref_squeeze %dma_start3A_4 : memref<1x128xi32, #tpu.memory_space<vmem>> -> memref<128xi32, #tpu.memory_space<vmem>>
    %dma_start3A_6 = arith.constant 0 : i32
    %dma_start3A_7 = arith.constant 0 : i32
    %dma_start3A_8 = tpu.memref_slice %arg4[%dma_start3A_6, %dma_start3A_7] : memref<100000x56xi32, #tpu.memory_space<hbm>> -> memref<100000x56xi32, #tpu.memory_space<hbm>>
    tpu.enqueue_indirect_dma source(%dma_start3A_8 : memref<100000x56xi32, #tpu.memory_space<hbm>>) target(%arg15 : memref<128x56xi32, #tpu.memory_space<vmem>>) offsets(%dma_start3A_5 : memref<128xi32, #tpu.memory_space<vmem>>) semaphore(%arg19 : memref<!tpu.dma_semaphore, #tpu.memory_space<semaphore_mem>>)
    %run_scoped3A_9 = arith.constant 1 : i32
    "tpu.region"() ({
      %run_scoped3A_159 = tpu.sem_alloc : memref<!tpu.dma_semaphore, #tpu.memory_space<semaphore_mem>>
      %dma_start3A_160 = arith.constant 0 : i32
      %dma_start3A_161 = tpu.memref_slice %arg14[%run_scoped3A_9, %dma_start3A_160] : memref<2x128xi32, #tpu.memory_space<vmem>> -> memref<1x128xi32, #tpu.memory_space<vmem>>
      %dma_start3A_162 = tpu.memref_squeeze %dma_start3A_161 : memref<1x128xi32, #tpu.memory_space<vmem>> -> memref<128xi32, #tpu.memory_space<vmem>>
      %dma_start3A_163 = tpu.memref_slice %arg3[%mul3A_2] : memref<4096xi32, #tpu.memory_space<hbm>> -> memref<128xi32, #tpu.memory_space<hbm>>
      %dma_start3A_164 = arith.constant 0 : i32
      %dma_start3A_165 = tpu.memref_slice %arg14[%run_scoped3A_9, %dma_start3A_164] : memref<2x128xi32, #tpu.memory_space<vmem>> -> memref<1x128xi32, #tpu.memory_space<vmem>>
      %dma_start3A_166 = tpu.memref_squeeze %dma_start3A_165 : memref<1x128xi32, #tpu.memory_space<vmem>> -> memref<128xi32, #tpu.memory_space<vmem>>
      %dma_start3A_167 = tpu.memref_slice %arg3[%mul3A_2] : memref<4096xi32, #tpu.memory_space<hbm>> -> memref<128xi32, #tpu.memory_space<hbm>>
      tpu.enqueue_dma source(%dma_start3A_167 : memref<128xi32, #tpu.memory_space<hbm>>) target(%dma_start3A_166 : memref<128xi32, #tpu.memory_space<vmem>>) target_semaphore(%run_scoped3A_159 : memref<!tpu.dma_semaphore, #tpu.memory_space<semaphore_mem>>)
      %dma_wait3A_168 = arith.constant 0 : i32
      %dma_wait3A_169 = tpu.memref_slice %arg14[%run_scoped3A_9, %dma_wait3A_168] : memref<2x128xi32, #tpu.memory_space<vmem>> -> memref<1x128xi32, #tpu.memory_space<vmem>>
      %dma_wait3A_170 = tpu.memref_squeeze %dma_wait3A_169 : memref<1x128xi32, #tpu.memory_space<vmem>> -> memref<128xi32, #tpu.memory_space<vmem>>
      %dma_wait3A_171 = tpu.memref_slice %arg3[%mul3A_2] : memref<4096xi32, #tpu.memory_space<hbm>> -> memref<128xi32, #tpu.memory_space<hbm>>
      %dma_wait3A_172 = arith.constant 0 : i32
      %dma_wait3A_173 = tpu.memref_slice %arg14[%run_scoped3A_9, %dma_wait3A_172] : memref<2x128xi32, #tpu.memory_space<vmem>> -> memref<1x128xi32, #tpu.memory_space<vmem>>
      %dma_wait3A_174 = tpu.memref_squeeze %dma_wait3A_173 : memref<1x128xi32, #tpu.memory_space<vmem>> -> memref<128xi32, #tpu.memory_space<vmem>>
      %dma_wait3A_175 = tpu.memref_slice %arg3[%mul3A_2] : memref<4096xi32, #tpu.memory_space<hbm>> -> memref<128xi32, #tpu.memory_space<hbm>>
      tpu.wait_dma2 semaphore(%run_scoped3A_159 : memref<!tpu.dma_semaphore, #tpu.memory_space<semaphore_mem>>) src(%dma_wait3A_175 : memref<128xi32, #tpu.memory_space<hbm>>) dst(%dma_wait3A_174 : memref<128xi32, #tpu.memory_space<vmem>>)
      tpu.yield
    }) : () -> ()
    %dma_start3A_10 = arith.constant 1 : i32
    %dma_start3A_11 = arith.constant 0 : i32
    %dma_start3A_12 = tpu.memref_slice %arg14[%dma_start3A_10, %dma_start3A_11] : memref<2x128xi32, #tpu.memory_space<vmem>> -> memref<1x128xi32, #tpu.memory_space<vmem>>
    %dma_start3A_13 = tpu.memref_squeeze %dma_start3A_12 : memref<1x128xi32, #tpu.memory_space<vmem>> -> memref<128xi32, #tpu.memory_space<vmem>>
    %dma_start3A_14 = arith.constant 0 : i32
    %dma_start3A_15 = arith.constant 0 : i32
    %dma_start3A_16 = tpu.memref_slice %arg5[%dma_start3A_14, %dma_start3A_15] : memref<100000x56xi32, #tpu.memory_space<hbm>> -> memref<100000x56xi32, #tpu.memory_space<hbm>>
    tpu.enqueue_indirect_dma source(%dma_start3A_16 : memref<100000x56xi32, #tpu.memory_space<hbm>>) target(%arg16 : memref<128x56xi32, #tpu.memory_space<vmem>>) offsets(%dma_start3A_13 : memref<128xi32, #tpu.memory_space<vmem>>) semaphore(%arg19 : memref<!tpu.dma_semaphore, #tpu.memory_space<semaphore_mem>>)
    %dma_wait3A = arith.constant 0 : i32
    %dma_wait3A_17 = arith.constant 0 : i32
    %dma_wait3A_18 = tpu.memref_slice %arg14[%dma_wait3A, %dma_wait3A_17] : memref<2x128xi32, #tpu.memory_space<vmem>> -> memref<1x128xi32, #tpu.memory_space<vmem>>
    %dma_wait3A_19 = tpu.memref_squeeze %dma_wait3A_18 : memref<1x128xi32, #tpu.memory_space<vmem>> -> memref<128xi32, #tpu.memory_space<vmem>>
    %dma_wait3A_20 = arith.constant 0 : i32
    %dma_wait3A_21 = arith.constant 0 : i32
    %dma_wait3A_22 = tpu.memref_slice %arg4[%dma_wait3A_20, %dma_wait3A_21] : memref<100000x56xi32, #tpu.memory_space<hbm>> -> memref<100000x56xi32, #tpu.memory_space<hbm>>
    tpu.wait_indirect_dma semaphore(%arg19 : memref<!tpu.dma_semaphore, #tpu.memory_space<semaphore_mem>>) src(%dma_wait3A_22 : memref<100000x56xi32, #tpu.memory_space<hbm>>) dst(%arg15 : memref<128x56xi32, #tpu.memory_space<vmem>>)
    %dma_wait3A_23 = arith.constant 1 : i32
    %dma_wait3A_24 = arith.constant 0 : i32
    %dma_wait3A_25 = tpu.memref_slice %arg14[%dma_wait3A_23, %dma_wait3A_24] : memref<2x128xi32, #tpu.memory_space<vmem>> -> memref<1x128xi32, #tpu.memory_space<vmem>>
    %dma_wait3A_26 = tpu.memref_squeeze %dma_wait3A_25 : memref<1x128xi32, #tpu.memory_space<vmem>> -> memref<128xi32, #tpu.memory_space<vmem>>
    %dma_wait3A_27 = arith.constant 0 : i32
    %dma_wait3A_28 = arith.constant 0 : i32
    %dma_wait3A_29 = tpu.memref_slice %arg5[%dma_wait3A_27, %dma_wait3A_28] : memref<100000x56xi32, #tpu.memory_space<hbm>> -> memref<100000x56xi32, #tpu.memory_space<hbm>>
    tpu.wait_indirect_dma semaphore(%arg19 : memref<!tpu.dma_semaphore, #tpu.memory_space<semaphore_mem>>) src(%dma_wait3A_29 : memref<100000x56xi32, #tpu.memory_space<hbm>>) dst(%arg16 : memref<128x56xi32, #tpu.memory_space<vmem>>)
    %scan3A = arith.constant 0 : i32
    %scan3A_30 = arith.constant 16 : i32
    %scan3A_31 = arith.addi %scan3A, %scan3A_30 : i32
    %scan3A_32 = arith.constant 1 : i32
    scf.for %scan3A_159 = %scan3A to %scan3A_31 step %scan3A_32  : i32 {
      %mul3A_160 = arith.constant 1 : i32
      %mul3A_161 = arith.muli %scan3A_159, %mul3A_160 : i32
      %add3A_162 = arith.constant 0 : i32
      %add3A_163 = arith.addi %add3A_162, %mul3A_161 : i32
      %rem3A = arith.constant 2 : i32
      %rem3A_164 = arith.remsi %add3A_163, %rem3A : i32
      %ge3A = arith.constant 2 : i32
      %ge3A_165 = arith.cmpi sge, %add3A_163, %ge3A : i32
      %convert_element_type3A = arith.extui %ge3A_165 : i1 to i32
      %cond3A = arith.constant 0 : i32
      %cond3A_166 = arith.cmpi ne, %convert_element_type3A, %cond3A : i32
      scf.if %cond3A_166 {
        %dma_wait3A_612 = arith.constant 0 : i32
        %dma_wait3A_613 = arith.constant 0 : i32
        %dma_wait3A_614 = tpu.memref_slice %arg17[%rem3A_164, %dma_wait3A_612, %dma_wait3A_613] : memref<2x448x64xf32, #tpu.memory_space<vmem>> -> memref<1x448x64xf32, #tpu.memory_space<vmem>>
        %dma_wait3A_615 = tpu.memref_squeeze %dma_wait3A_614 : memref<1x448x64xf32, #tpu.memory_space<vmem>> -> memref<448x64xf32, #tpu.memory_space<vmem>>
        %dma_wait3A_616 = arith.constant 0 : i32
        %dma_wait3A_617 = arith.constant 0 : i32
        %dma_wait3A_618 = tpu.memref_slice %arg10[%dma_wait3A_616, %dma_wait3A_617] : memref<229376x64xf32, #tpu.memory_space<hbm>> -> memref<448x64xf32, #tpu.memory_space<hbm>>
        %dma_wait3A_619 = arith.constant 0 : i32
        %dma_wait3A_620 = arith.constant 0 : i32
        %dma_wait3A_621 = tpu.memref_slice %arg10[%dma_wait3A_619, %dma_wait3A_620] : memref<229376x64xf32, #tpu.memory_space<hbm>> -> memref<448x64xf32, #tpu.memory_space<hbm>>
        %dma_wait3A_622 = arith.constant 0 : i32
        %dma_wait3A_623 = arith.constant 0 : i32
        %dma_wait3A_624 = tpu.memref_slice %arg17[%rem3A_164, %dma_wait3A_622, %dma_wait3A_623] : memref<2x448x64xf32, #tpu.memory_space<vmem>> -> memref<1x448x64xf32, #tpu.memory_space<vmem>>
        %dma_wait3A_625 = tpu.memref_squeeze %dma_wait3A_624 : memref<1x448x64xf32, #tpu.memory_space<vmem>> -> memref<448x64xf32, #tpu.memory_space<vmem>>
        tpu.wait_dma2 semaphore(%arg22 : memref<!tpu.dma_semaphore, #tpu.memory_space<semaphore_mem>>) src(%dma_wait3A_625 : memref<448x64xf32, #tpu.memory_space<vmem>>) dst(%dma_wait3A_621 : memref<448x64xf32, #tpu.memory_space<hbm>>)
        %dma_wait3A_626 = arith.constant 0 : i32
        %dma_wait3A_627 = arith.constant 0 : i32
        %dma_wait3A_628 = tpu.memref_slice %arg18[%rem3A_164, %dma_wait3A_626, %dma_wait3A_627] : memref<2x448x16xf32, #tpu.memory_space<vmem>> -> memref<1x448x16xf32, #tpu.memory_space<vmem>>
        %dma_wait3A_629 = tpu.memref_squeeze %dma_wait3A_628 : memref<1x448x16xf32, #tpu.memory_space<vmem>> -> memref<448x16xf32, #tpu.memory_space<vmem>>
        %dma_wait3A_630 = arith.constant 0 : i32
        %dma_wait3A_631 = arith.constant 0 : i32
        %dma_wait3A_632 = tpu.memref_slice %arg11[%dma_wait3A_630, %dma_wait3A_631] : memref<229376x16xf32, #tpu.memory_space<hbm>> -> memref<448x16xf32, #tpu.memory_space<hbm>>
        %dma_wait3A_633 = arith.constant 0 : i32
        %dma_wait3A_634 = arith.constant 0 : i32
        %dma_wait3A_635 = tpu.memref_slice %arg11[%dma_wait3A_633, %dma_wait3A_634] : memref<229376x16xf32, #tpu.memory_space<hbm>> -> memref<448x16xf32, #tpu.memory_space<hbm>>
        %dma_wait3A_636 = arith.constant 0 : i32
        %dma_wait3A_637 = arith.constant 0 : i32
        %dma_wait3A_638 = tpu.memref_slice %arg18[%rem3A_164, %dma_wait3A_636, %dma_wait3A_637] : memref<2x448x16xf32, #tpu.memory_space<vmem>> -> memref<1x448x16xf32, #tpu.memory_space<vmem>>
        %dma_wait3A_639 = tpu.memref_squeeze %dma_wait3A_638 : memref<1x448x16xf32, #tpu.memory_space<vmem>> -> memref<448x16xf32, #tpu.memory_space<vmem>>
        tpu.wait_dma2 semaphore(%arg22 : memref<!tpu.dma_semaphore, #tpu.memory_space<semaphore_mem>>) src(%dma_wait3A_639 : memref<448x16xf32, #tpu.memory_space<vmem>>) dst(%dma_wait3A_635 : memref<448x16xf32, #tpu.memory_space<hbm>>)
      } else {
      }
      %mul3A_167 = arith.constant 8 : i32
      %mul3A_168 = arith.muli %add3A_163, %mul3A_167 : i32
      %add3A_169 = arith.constant 0 : i32
      %add3A_170 = arith.addi %mul3A_168, %add3A_169 : i32
      %dma_start3A_171 = arith.constant 0 : i32
      %dma_start3A_172 = arith.constant 0 : i32
      %dma_start3A_173 = tpu.memref_slice %arg17[%rem3A_164, %dma_start3A_171, %dma_start3A_172] : memref<2x448x64xf32, #tpu.memory_space<vmem>> -> memref<1x56x64xf32, #tpu.memory_space<vmem>>
      %dma_start3A_174 = tpu.memref_squeeze %dma_start3A_173 : memref<1x56x64xf32, #tpu.memory_space<vmem>> -> memref<56x64xf32, #tpu.memory_space<vmem>>
      %dma_start3A_175 = arith.constant 0 : i32
      %dma_start3A_176 = tpu.memref_slice %arg15[%add3A_170, %dma_start3A_175] : memref<128x56xi32, #tpu.memory_space<vmem>> -> memref<1x56xi32, #tpu.memory_space<vmem>>
      %dma_start3A_177 = tpu.memref_squeeze %dma_start3A_176 : memref<1x56xi32, #tpu.memory_space<vmem>> -> memref<56xi32, #tpu.memory_space<vmem>>
      %dma_start3A_178 = arith.constant 0 : i32
      %dma_start3A_179 = arith.constant 0 : i32
      %dma_start3A_180 = tpu.memref_slice %arg6[%dma_start3A_178, %dma_start3A_179] : memref<100000x64xf32, #tpu.memory_space<hbm>> -> memref<100000x64xf32, #tpu.memory_space<hbm>>
      tpu.enqueue_indirect_dma source(%dma_start3A_180 : memref<100000x64xf32, #tpu.memory_space<hbm>>) target(%dma_start3A_174 : memref<56x64xf32, #tpu.memory_space<vmem>>) offsets(%dma_start3A_177 : memref<56xi32, #tpu.memory_space<vmem>>) semaphore(%arg20 : memref<!tpu.dma_semaphore, #tpu.memory_space<semaphore_mem>>)
      %dma_start3A_181 = arith.constant 0 : i32
      %dma_start3A_182 = arith.constant 0 : i32
      %dma_start3A_183 = tpu.memref_slice %arg18[%rem3A_164, %dma_start3A_181, %dma_start3A_182] : memref<2x448x16xf32, #tpu.memory_space<vmem>> -> memref<1x56x16xf32, #tpu.memory_space<vmem>>
      %dma_start3A_184 = tpu.memref_squeeze %dma_start3A_183 : memref<1x56x16xf32, #tpu.memory_space<vmem>> -> memref<56x16xf32, #tpu.memory_space<vmem>>
      %dma_start3A_185 = arith.constant 0 : i32
      %dma_start3A_186 = tpu.memref_slice %arg15[%add3A_170, %dma_start3A_185] : memref<128x56xi32, #tpu.memory_space<vmem>> -> memref<1x56xi32, #tpu.memory_space<vmem>>
      %dma_start3A_187 = tpu.memref_squeeze %dma_start3A_186 : memref<1x56xi32, #tpu.memory_space<vmem>> -> memref<56xi32, #tpu.memory_space<vmem>>
      %dma_start3A_188 = arith.constant 0 : i32
      %dma_start3A_189 = arith.constant 0 : i32
      %dma_start3A_190 = tpu.memref_slice %arg8[%dma_start3A_188, %dma_start3A_189] : memref<100000x16xf32, #tpu.memory_space<hbm>> -> memref<100000x16xf32, #tpu.memory_space<hbm>>
      tpu.enqueue_indirect_dma source(%dma_start3A_190 : memref<100000x16xf32, #tpu.memory_space<hbm>>) target(%dma_start3A_184 : memref<56x16xf32, #tpu.memory_space<vmem>>) offsets(%dma_start3A_187 : memref<56xi32, #tpu.memory_space<vmem>>) semaphore(%arg21 : memref<!tpu.dma_semaphore, #tpu.memory_space<semaphore_mem>>)
      %mul3A_191 = arith.constant 8 : i32
      %mul3A_192 = arith.muli %add3A_163, %mul3A_191 : i32
      %add3A_193 = arith.constant 1 : i32
      %add3A_194 = arith.addi %mul3A_192, %add3A_193 : i32
      %dma_start3A_195 = arith.constant 56 : i32
      %dma_start3A_196 = arith.constant 0 : i32
      %dma_start3A_197 = tpu.memref_slice %arg17[%rem3A_164, %dma_start3A_195, %dma_start3A_196] : memref<2x448x64xf32, #tpu.memory_space<vmem>> -> memref<1x56x64xf32, #tpu.memory_space<vmem>>
      %dma_start3A_198 = tpu.memref_squeeze %dma_start3A_197 : memref<1x56x64xf32, #tpu.memory_space<vmem>> -> memref<56x64xf32, #tpu.memory_space<vmem>>
      %dma_start3A_199 = arith.constant 0 : i32
      %dma_start3A_200 = tpu.memref_slice %arg15[%add3A_194, %dma_start3A_199] : memref<128x56xi32, #tpu.memory_space<vmem>> -> memref<1x56xi32, #tpu.memory_space<vmem>>
      %dma_start3A_201 = tpu.memref_squeeze %dma_start3A_200 : memref<1x56xi32, #tpu.memory_space<vmem>> -> memref<56xi32, #tpu.memory_space<vmem>>
      %dma_start3A_202 = arith.constant 0 : i32
      %dma_start3A_203 = arith.constant 0 : i32
      %dma_start3A_204 = tpu.memref_slice %arg6[%dma_start3A_202, %dma_start3A_203] : memref<100000x64xf32, #tpu.memory_space<hbm>> -> memref<100000x64xf32, #tpu.memory_space<hbm>>
      tpu.enqueue_indirect_dma source(%dma_start3A_204 : memref<100000x64xf32, #tpu.memory_space<hbm>>) target(%dma_start3A_198 : memref<56x64xf32, #tpu.memory_space<vmem>>) offsets(%dma_start3A_201 : memref<56xi32, #tpu.memory_space<vmem>>) semaphore(%arg20 : memref<!tpu.dma_semaphore, #tpu.memory_space<semaphore_mem>>)
      %dma_start3A_205 = arith.constant 56 : i32
      %dma_start3A_206 = arith.constant 0 : i32
      %dma_start3A_207 = tpu.memref_slice %arg18[%rem3A_164, %dma_start3A_205, %dma_start3A_206] : memref<2x448x16xf32, #tpu.memory_space<vmem>> -> memref<1x56x16xf32, #tpu.memory_space<vmem>>
      %dma_start3A_208 = tpu.memref_squeeze %dma_start3A_207 : memref<1x56x16xf32, #tpu.memory_space<vmem>> -> memref<56x16xf32, #tpu.memory_space<vmem>>
      %dma_start3A_209 = arith.constant 0 : i32
      %dma_start3A_210 = tpu.memref_slice %arg15[%add3A_194, %dma_start3A_209] : memref<128x56xi32, #tpu.memory_space<vmem>> -> memref<1x56xi32, #tpu.memory_space<vmem>>
      %dma_start3A_211 = tpu.memref_squeeze %dma_start3A_210 : memref<1x56xi32, #tpu.memory_space<vmem>> -> memref<56xi32, #tpu.memory_space<vmem>>
      %dma_start3A_212 = arith.constant 0 : i32
      %dma_start3A_213 = arith.constant 0 : i32
      %dma_start3A_214 = tpu.memref_slice %arg8[%dma_start3A_212, %dma_start3A_213] : memref<100000x16xf32, #tpu.memory_space<hbm>> -> memref<100000x16xf32, #tpu.memory_space<hbm>>
      tpu.enqueue_indirect_dma source(%dma_start3A_214 : memref<100000x16xf32, #tpu.memory_space<hbm>>) target(%dma_start3A_208 : memref<56x16xf32, #tpu.memory_space<vmem>>) offsets(%dma_start3A_211 : memref<56xi32, #tpu.memory_space<vmem>>) semaphore(%arg21 : memref<!tpu.dma_semaphore, #tpu.memory_space<semaphore_mem>>)
      %mul3A_215 = arith.constant 8 : i32
      %mul3A_216 = arith.muli %add3A_163, %mul3A_215 : i32
      %add3A_217 = arith.constant 2 : i32
      %add3A_218 = arith.addi %mul3A_216, %add3A_217 : i32
      %dma_start3A_219 = arith.constant 112 : i32
      %dma_start3A_220 = arith.constant 0 : i32
      %dma_start3A_221 = tpu.memref_slice %arg17[%rem3A_164, %dma_start3A_219, %dma_start3A_220] : memref<2x448x64xf32, #tpu.memory_space<vmem>> -> memref<1x56x64xf32, #tpu.memory_space<vmem>>
      %dma_start3A_222 = tpu.memref_squeeze %dma_start3A_221 : memref<1x56x64xf32, #tpu.memory_space<vmem>> -> memref<56x64xf32, #tpu.memory_space<vmem>>
      %dma_start3A_223 = arith.constant 0 : i32
      %dma_start3A_224 = tpu.memref_slice %arg15[%add3A_218, %dma_start3A_223] : memref<128x56xi32, #tpu.memory_space<vmem>> -> memref<1x56xi32, #tpu.memory_space<vmem>>
      %dma_start3A_225 = tpu.memref_squeeze %dma_start3A_224 : memref<1x56xi32, #tpu.memory_space<vmem>> -> memref<56xi32, #tpu.memory_space<vmem>>
      %dma_start3A_226 = arith.constant 0 : i32
      %dma_start3A_227 = arith.constant 0 : i32
      %dma_start3A_228 = tpu.memref_slice %arg6[%dma_start3A_226, %dma_start3A_227] : memref<100000x64xf32, #tpu.memory_space<hbm>> -> memref<100000x64xf32, #tpu.memory_space<hbm>>
      tpu.enqueue_indirect_dma source(%dma_start3A_228 : memref<100000x64xf32, #tpu.memory_space<hbm>>) target(%dma_start3A_222 : memref<56x64xf32, #tpu.memory_space<vmem>>) offsets(%dma_start3A_225 : memref<56xi32, #tpu.memory_space<vmem>>) semaphore(%arg20 : memref<!tpu.dma_semaphore, #tpu.memory_space<semaphore_mem>>)
      %dma_start3A_229 = arith.constant 112 : i32
      %dma_start3A_230 = arith.constant 0 : i32
      %dma_start3A_231 = tpu.memref_slice %arg18[%rem3A_164, %dma_start3A_229, %dma_start3A_230] : memref<2x448x16xf32, #tpu.memory_space<vmem>> -> memref<1x56x16xf32, #tpu.memory_space<vmem>>
      %dma_start3A_232 = tpu.memref_squeeze %dma_start3A_231 : memref<1x56x16xf32, #tpu.memory_space<vmem>> -> memref<56x16xf32, #tpu.memory_space<vmem>>
      %dma_start3A_233 = arith.constant 0 : i32
      %dma_start3A_234 = tpu.memref_slice %arg15[%add3A_218, %dma_start3A_233] : memref<128x56xi32, #tpu.memory_space<vmem>> -> memref<1x56xi32, #tpu.memory_space<vmem>>
      %dma_start3A_235 = tpu.memref_squeeze %dma_start3A_234 : memref<1x56xi32, #tpu.memory_space<vmem>> -> memref<56xi32, #tpu.memory_space<vmem>>
      %dma_start3A_236 = arith.constant 0 : i32
      %dma_start3A_237 = arith.constant 0 : i32
      %dma_start3A_238 = tpu.memref_slice %arg8[%dma_start3A_236, %dma_start3A_237] : memref<100000x16xf32, #tpu.memory_space<hbm>> -> memref<100000x16xf32, #tpu.memory_space<hbm>>
      tpu.enqueue_indirect_dma source(%dma_start3A_238 : memref<100000x16xf32, #tpu.memory_space<hbm>>) target(%dma_start3A_232 : memref<56x16xf32, #tpu.memory_space<vmem>>) offsets(%dma_start3A_235 : memref<56xi32, #tpu.memory_space<vmem>>) semaphore(%arg21 : memref<!tpu.dma_semaphore, #tpu.memory_space<semaphore_mem>>)
      %mul3A_239 = arith.constant 8 : i32
      %mul3A_240 = arith.muli %add3A_163, %mul3A_239 : i32
      %add3A_241 = arith.constant 3 : i32
      %add3A_242 = arith.addi %mul3A_240, %add3A_241 : i32
      %dma_start3A_243 = arith.constant 168 : i32
      %dma_start3A_244 = arith.constant 0 : i32
      %dma_start3A_245 = tpu.memref_slice %arg17[%rem3A_164, %dma_start3A_243, %dma_start3A_244] : memref<2x448x64xf32, #tpu.memory_space<vmem>> -> memref<1x56x64xf32, #tpu.memory_space<vmem>>
      %dma_start3A_246 = tpu.memref_squeeze %dma_start3A_245 : memref<1x56x64xf32, #tpu.memory_space<vmem>> -> memref<56x64xf32, #tpu.memory_space<vmem>>
      %dma_start3A_247 = arith.constant 0 : i32
      %dma_start3A_248 = tpu.memref_slice %arg15[%add3A_242, %dma_start3A_247] : memref<128x56xi32, #tpu.memory_space<vmem>> -> memref<1x56xi32, #tpu.memory_space<vmem>>
      %dma_start3A_249 = tpu.memref_squeeze %dma_start3A_248 : memref<1x56xi32, #tpu.memory_space<vmem>> -> memref<56xi32, #tpu.memory_space<vmem>>
      %dma_start3A_250 = arith.constant 0 : i32
      %dma_start3A_251 = arith.constant 0 : i32
      %dma_start3A_252 = tpu.memref_slice %arg6[%dma_start3A_250, %dma_start3A_251] : memref<100000x64xf32, #tpu.memory_space<hbm>> -> memref<100000x64xf32, #tpu.memory_space<hbm>>
      tpu.enqueue_indirect_dma source(%dma_start3A_252 : memref<100000x64xf32, #tpu.memory_space<hbm>>) target(%dma_start3A_246 : memref<56x64xf32, #tpu.memory_space<vmem>>) offsets(%dma_start3A_249 : memref<56xi32, #tpu.memory_space<vmem>>) semaphore(%arg20 : memref<!tpu.dma_semaphore, #tpu.memory_space<semaphore_mem>>)
      %dma_start3A_253 = arith.constant 168 : i32
      %dma_start3A_254 = arith.constant 0 : i32
      %dma_start3A_255 = tpu.memref_slice %arg18[%rem3A_164, %dma_start3A_253, %dma_start3A_254] : memref<2x448x16xf32, #tpu.memory_space<vmem>> -> memref<1x56x16xf32, #tpu.memory_space<vmem>>
      %dma_start3A_256 = tpu.memref_squeeze %dma_start3A_255 : memref<1x56x16xf32, #tpu.memory_space<vmem>> -> memref<56x16xf32, #tpu.memory_space<vmem>>
      %dma_start3A_257 = arith.constant 0 : i32
      %dma_start3A_258 = tpu.memref_slice %arg15[%add3A_242, %dma_start3A_257] : memref<128x56xi32, #tpu.memory_space<vmem>> -> memref<1x56xi32, #tpu.memory_space<vmem>>
      %dma_start3A_259 = tpu.memref_squeeze %dma_start3A_258 : memref<1x56xi32, #tpu.memory_space<vmem>> -> memref<56xi32, #tpu.memory_space<vmem>>
      %dma_start3A_260 = arith.constant 0 : i32
      %dma_start3A_261 = arith.constant 0 : i32
      %dma_start3A_262 = tpu.memref_slice %arg8[%dma_start3A_260, %dma_start3A_261] : memref<100000x16xf32, #tpu.memory_space<hbm>> -> memref<100000x16xf32, #tpu.memory_space<hbm>>
      tpu.enqueue_indirect_dma source(%dma_start3A_262 : memref<100000x16xf32, #tpu.memory_space<hbm>>) target(%dma_start3A_256 : memref<56x16xf32, #tpu.memory_space<vmem>>) offsets(%dma_start3A_259 : memref<56xi32, #tpu.memory_space<vmem>>) semaphore(%arg21 : memref<!tpu.dma_semaphore, #tpu.memory_space<semaphore_mem>>)
      %mul3A_263 = arith.constant 8 : i32
      %mul3A_264 = arith.muli %add3A_163, %mul3A_263 : i32
      %add3A_265 = arith.constant 4 : i32
      %add3A_266 = arith.addi %mul3A_264, %add3A_265 : i32
      %dma_start3A_267 = arith.constant 224 : i32
      %dma_start3A_268 = arith.constant 0 : i32
      %dma_start3A_269 = tpu.memref_slice %arg17[%rem3A_164, %dma_start3A_267, %dma_start3A_268] : memref<2x448x64xf32, #tpu.memory_space<vmem>> -> memref<1x56x64xf32, #tpu.memory_space<vmem>>
      %dma_start3A_270 = tpu.memref_squeeze %dma_start3A_269 : memref<1x56x64xf32, #tpu.memory_space<vmem>> -> memref<56x64xf32, #tpu.memory_space<vmem>>
      %dma_start3A_271 = arith.constant 0 : i32
      %dma_start3A_272 = tpu.memref_slice %arg15[%add3A_266, %dma_start3A_271] : memref<128x56xi32, #tpu.memory_space<vmem>> -> memref<1x56xi32, #tpu.memory_space<vmem>>
      %dma_start3A_273 = tpu.memref_squeeze %dma_start3A_272 : memref<1x56xi32, #tpu.memory_space<vmem>> -> memref<56xi32, #tpu.memory_space<vmem>>
      %dma_start3A_274 = arith.constant 0 : i32
      %dma_start3A_275 = arith.constant 0 : i32
      %dma_start3A_276 = tpu.memref_slice %arg6[%dma_start3A_274, %dma_start3A_275] : memref<100000x64xf32, #tpu.memory_space<hbm>> -> memref<100000x64xf32, #tpu.memory_space<hbm>>
      tpu.enqueue_indirect_dma source(%dma_start3A_276 : memref<100000x64xf32, #tpu.memory_space<hbm>>) target(%dma_start3A_270 : memref<56x64xf32, #tpu.memory_space<vmem>>) offsets(%dma_start3A_273 : memref<56xi32, #tpu.memory_space<vmem>>) semaphore(%arg20 : memref<!tpu.dma_semaphore, #tpu.memory_space<semaphore_mem>>)
      %dma_start3A_277 = arith.constant 224 : i32
      %dma_start3A_278 = arith.constant 0 : i32
      %dma_start3A_279 = tpu.memref_slice %arg18[%rem3A_164, %dma_start3A_277, %dma_start3A_278] : memref<2x448x16xf32, #tpu.memory_space<vmem>> -> memref<1x56x16xf32, #tpu.memory_space<vmem>>
      %dma_start3A_280 = tpu.memref_squeeze %dma_start3A_279 : memref<1x56x16xf32, #tpu.memory_space<vmem>> -> memref<56x16xf32, #tpu.memory_space<vmem>>
      %dma_start3A_281 = arith.constant 0 : i32
      %dma_start3A_282 = tpu.memref_slice %arg15[%add3A_266, %dma_start3A_281] : memref<128x56xi32, #tpu.memory_space<vmem>> -> memref<1x56xi32, #tpu.memory_space<vmem>>
      %dma_start3A_283 = tpu.memref_squeeze %dma_start3A_282 : memref<1x56xi32, #tpu.memory_space<vmem>> -> memref<56xi32, #tpu.memory_space<vmem>>
      %dma_start3A_284 = arith.constant 0 : i32
      %dma_start3A_285 = arith.constant 0 : i32
      %dma_start3A_286 = tpu.memref_slice %arg8[%dma_start3A_284, %dma_start3A_285] : memref<100000x16xf32, #tpu.memory_space<hbm>> -> memref<100000x16xf32, #tpu.memory_space<hbm>>
      tpu.enqueue_indirect_dma source(%dma_start3A_286 : memref<100000x16xf32, #tpu.memory_space<hbm>>) target(%dma_start3A_280 : memref<56x16xf32, #tpu.memory_space<vmem>>) offsets(%dma_start3A_283 : memref<56xi32, #tpu.memory_space<vmem>>) semaphore(%arg21 : memref<!tpu.dma_semaphore, #tpu.memory_space<semaphore_mem>>)
      %mul3A_287 = arith.constant 8 : i32
      %mul3A_288 = arith.muli %add3A_163, %mul3A_287 : i32
      %add3A_289 = arith.constant 5 : i32
      %add3A_290 = arith.addi %mul3A_288, %add3A_289 : i32
      %dma_start3A_291 = arith.constant 280 : i32
      %dma_start3A_292 = arith.constant 0 : i32
      %dma_start3A_293 = tpu.memref_slice %arg17[%rem3A_164, %dma_start3A_291, %dma_start3A_292] : memref<2x448x64xf32, #tpu.memory_space<vmem>> -> memref<1x56x64xf32, #tpu.memory_space<vmem>>
      %dma_start3A_294 = tpu.memref_squeeze %dma_start3A_293 : memref<1x56x64xf32, #tpu.memory_space<vmem>> -> memref<56x64xf32, #tpu.memory_space<vmem>>
      %dma_start3A_295 = arith.constant 0 : i32
      %dma_start3A_296 = tpu.memref_slice %arg15[%add3A_290, %dma_start3A_295] : memref<128x56xi32, #tpu.memory_space<vmem>> -> memref<1x56xi32, #tpu.memory_space<vmem>>
      %dma_start3A_297 = tpu.memref_squeeze %dma_start3A_296 : memref<1x56xi32, #tpu.memory_space<vmem>> -> memref<56xi32, #tpu.memory_space<vmem>>
      %dma_start3A_298 = arith.constant 0 : i32
      %dma_start3A_299 = arith.constant 0 : i32
      %dma_start3A_300 = tpu.memref_slice %arg6[%dma_start3A_298, %dma_start3A_299] : memref<100000x64xf32, #tpu.memory_space<hbm>> -> memref<100000x64xf32, #tpu.memory_space<hbm>>
      tpu.enqueue_indirect_dma source(%dma_start3A_300 : memref<100000x64xf32, #tpu.memory_space<hbm>>) target(%dma_start3A_294 : memref<56x64xf32, #tpu.memory_space<vmem>>) offsets(%dma_start3A_297 : memref<56xi32, #tpu.memory_space<vmem>>) semaphore(%arg20 : memref<!tpu.dma_semaphore, #tpu.memory_space<semaphore_mem>>)
      %dma_start3A_301 = arith.constant 280 : i32
      %dma_start3A_302 = arith.constant 0 : i32
      %dma_start3A_303 = tpu.memref_slice %arg18[%rem3A_164, %dma_start3A_301, %dma_start3A_302] : memref<2x448x16xf32, #tpu.memory_space<vmem>> -> memref<1x56x16xf32, #tpu.memory_space<vmem>>
      %dma_start3A_304 = tpu.memref_squeeze %dma_start3A_303 : memref<1x56x16xf32, #tpu.memory_space<vmem>> -> memref<56x16xf32, #tpu.memory_space<vmem>>
      %dma_start3A_305 = arith.constant 0 : i32
      %dma_start3A_306 = tpu.memref_slice %arg15[%add3A_290, %dma_start3A_305] : memref<128x56xi32, #tpu.memory_space<vmem>> -> memref<1x56xi32, #tpu.memory_space<vmem>>
      %dma_start3A_307 = tpu.memref_squeeze %dma_start3A_306 : memref<1x56xi32, #tpu.memory_space<vmem>> -> memref<56xi32, #tpu.memory_space<vmem>>
      %dma_start3A_308 = arith.constant 0 : i32
      %dma_start3A_309 = arith.constant 0 : i32
      %dma_start3A_310 = tpu.memref_slice %arg8[%dma_start3A_308, %dma_start3A_309] : memref<100000x16xf32, #tpu.memory_space<hbm>> -> memref<100000x16xf32, #tpu.memory_space<hbm>>
      tpu.enqueue_indirect_dma source(%dma_start3A_310 : memref<100000x16xf32, #tpu.memory_space<hbm>>) target(%dma_start3A_304 : memref<56x16xf32, #tpu.memory_space<vmem>>) offsets(%dma_start3A_307 : memref<56xi32, #tpu.memory_space<vmem>>) semaphore(%arg21 : memref<!tpu.dma_semaphore, #tpu.memory_space<semaphore_mem>>)
      %mul3A_311 = arith.constant 8 : i32
      %mul3A_312 = arith.muli %add3A_163, %mul3A_311 : i32
      %add3A_313 = arith.constant 6 : i32
      %add3A_314 = arith.addi %mul3A_312, %add3A_313 : i32
      %dma_start3A_315 = arith.constant 336 : i32
      %dma_start3A_316 = arith.constant 0 : i32
      %dma_start3A_317 = tpu.memref_slice %arg17[%rem3A_164, %dma_start3A_315, %dma_start3A_316] : memref<2x448x64xf32, #tpu.memory_space<vmem>> -> memref<1x56x64xf32, #tpu.memory_space<vmem>>
      %dma_start3A_318 = tpu.memref_squeeze %dma_start3A_317 : memref<1x56x64xf32, #tpu.memory_space<vmem>> -> memref<56x64xf32, #tpu.memory_space<vmem>>
      %dma_start3A_319 = arith.constant 0 : i32
      %dma_start3A_320 = tpu.memref_slice %arg15[%add3A_314, %dma_start3A_319] : memref<128x56xi32, #tpu.memory_space<vmem>> -> memref<1x56xi32, #tpu.memory_space<vmem>>
      %dma_start3A_321 = tpu.memref_squeeze %dma_start3A_320 : memref<1x56xi32, #tpu.memory_space<vmem>> -> memref<56xi32, #tpu.memory_space<vmem>>
      %dma_start3A_322 = arith.constant 0 : i32
      %dma_start3A_323 = arith.constant 0 : i32
      %dma_start3A_324 = tpu.memref_slice %arg6[%dma_start3A_322, %dma_start3A_323] : memref<100000x64xf32, #tpu.memory_space<hbm>> -> memref<100000x64xf32, #tpu.memory_space<hbm>>
      tpu.enqueue_indirect_dma source(%dma_start3A_324 : memref<100000x64xf32, #tpu.memory_space<hbm>>) target(%dma_start3A_318 : memref<56x64xf32, #tpu.memory_space<vmem>>) offsets(%dma_start3A_321 : memref<56xi32, #tpu.memory_space<vmem>>) semaphore(%arg20 : memref<!tpu.dma_semaphore, #tpu.memory_space<semaphore_mem>>)
      %dma_start3A_325 = arith.constant 336 : i32
      %dma_start3A_326 = arith.constant 0 : i32
      %dma_start3A_327 = tpu.memref_slice %arg18[%rem3A_164, %dma_start3A_325, %dma_start3A_326] : memref<2x448x16xf32, #tpu.memory_space<vmem>> -> memref<1x56x16xf32, #tpu.memory_space<vmem>>
      %dma_start3A_328 = tpu.memref_squeeze %dma_start3A_327 : memref<1x56x16xf32, #tpu.memory_space<vmem>> -> memref<56x16xf32, #tpu.memory_space<vmem>>
      %dma_start3A_329 = arith.constant 0 : i32
      %dma_start3A_330 = tpu.memref_slice %arg15[%add3A_314, %dma_start3A_329] : memref<128x56xi32, #tpu.memory_space<vmem>> -> memref<1x56xi32, #tpu.memory_space<vmem>>
      %dma_start3A_331 = tpu.memref_squeeze %dma_start3A_330 : memref<1x56xi32, #tpu.memory_space<vmem>> -> memref<56xi32, #tpu.memory_space<vmem>>
      %dma_start3A_332 = arith.constant 0 : i32
      %dma_start3A_333 = arith.constant 0 : i32
      %dma_start3A_334 = tpu.memref_slice %arg8[%dma_start3A_332, %dma_start3A_333] : memref<100000x16xf32, #tpu.memory_space<hbm>> -> memref<100000x16xf32, #tpu.memory_space<hbm>>
      tpu.enqueue_indirect_dma source(%dma_start3A_334 : memref<100000x16xf32, #tpu.memory_space<hbm>>) target(%dma_start3A_328 : memref<56x16xf32, #tpu.memory_space<vmem>>) offsets(%dma_start3A_331 : memref<56xi32, #tpu.memory_space<vmem>>) semaphore(%arg21 : memref<!tpu.dma_semaphore, #tpu.memory_space<semaphore_mem>>)
      %mul3A_335 = arith.constant 8 : i32
      %mul3A_336 = arith.muli %add3A_163, %mul3A_335 : i32
      %add3A_337 = arith.constant 7 : i32
      %add3A_338 = arith.addi %mul3A_336, %add3A_337 : i32
      %dma_start3A_339 = arith.constant 392 : i32
      %dma_start3A_340 = arith.constant 0 : i32
      %dma_start3A_341 = tpu.memref_slice %arg17[%rem3A_164, %dma_start3A_339, %dma_start3A_340] : memref<2x448x64xf32, #tpu.memory_space<vmem>> -> memref<1x56x64xf32, #tpu.memory_space<vmem>>
      %dma_start3A_342 = tpu.memref_squeeze %dma_start3A_341 : memref<1x56x64xf32, #tpu.memory_space<vmem>> -> memref<56x64xf32, #tpu.memory_space<vmem>>
      %dma_start3A_343 = arith.constant 0 : i32
      %dma_start3A_344 = tpu.memref_slice %arg15[%add3A_338, %dma_start3A_343] : memref<128x56xi32, #tpu.memory_space<vmem>> -> memref<1x56xi32, #tpu.memory_space<vmem>>
      %dma_start3A_345 = tpu.memref_squeeze %dma_start3A_344 : memref<1x56xi32, #tpu.memory_space<vmem>> -> memref<56xi32, #tpu.memory_space<vmem>>
      %dma_start3A_346 = arith.constant 0 : i32
      %dma_start3A_347 = arith.constant 0 : i32
      %dma_start3A_348 = tpu.memref_slice %arg6[%dma_start3A_346, %dma_start3A_347] : memref<100000x64xf32, #tpu.memory_space<hbm>> -> memref<100000x64xf32, #tpu.memory_space<hbm>>
      tpu.enqueue_indirect_dma source(%dma_start3A_348 : memref<100000x64xf32, #tpu.memory_space<hbm>>) target(%dma_start3A_342 : memref<56x64xf32, #tpu.memory_space<vmem>>) offsets(%dma_start3A_345 : memref<56xi32, #tpu.memory_space<vmem>>) semaphore(%arg20 : memref<!tpu.dma_semaphore, #tpu.memory_space<semaphore_mem>>)
      %dma_start3A_349 = arith.constant 392 : i32
      %dma_start3A_350 = arith.constant 0 : i32
      %dma_start3A_351 = tpu.memref_slice %arg18[%rem3A_164, %dma_start3A_349, %dma_start3A_350] : memref<2x448x16xf32, #tpu.memory_space<vmem>> -> memref<1x56x16xf32, #tpu.memory_space<vmem>>
      %dma_start3A_352 = tpu.memref_squeeze %dma_start3A_351 : memref<1x56x16xf32, #tpu.memory_space<vmem>> -> memref<56x16xf32, #tpu.memory_space<vmem>>
      %dma_start3A_353 = arith.constant 0 : i32
      %dma_start3A_354 = tpu.memref_slice %arg15[%add3A_338, %dma_start3A_353] : memref<128x56xi32, #tpu.memory_space<vmem>> -> memref<1x56xi32, #tpu.memory_space<vmem>>
      %dma_start3A_355 = tpu.memref_squeeze %dma_start3A_354 : memref<1x56xi32, #tpu.memory_space<vmem>> -> memref<56xi32, #tpu.memory_space<vmem>>
      %dma_start3A_356 = arith.constant 0 : i32
      %dma_start3A_357 = arith.constant 0 : i32
      %dma_start3A_358 = tpu.memref_slice %arg8[%dma_start3A_356, %dma_start3A_357] : memref<100000x16xf32, #tpu.memory_space<hbm>> -> memref<100000x16xf32, #tpu.memory_space<hbm>>
      tpu.enqueue_indirect_dma source(%dma_start3A_358 : memref<100000x16xf32, #tpu.memory_space<hbm>>) target(%dma_start3A_352 : memref<56x16xf32, #tpu.memory_space<vmem>>) offsets(%dma_start3A_355 : memref<56xi32, #tpu.memory_space<vmem>>) semaphore(%arg21 : memref<!tpu.dma_semaphore, #tpu.memory_space<semaphore_mem>>)
      %dma_wait3A_359 = arith.constant 0 : i32
      %dma_wait3A_360 = arith.constant 0 : i32
      %dma_wait3A_361 = tpu.memref_slice %arg17[%rem3A_164, %dma_wait3A_359, %dma_wait3A_360] : memref<2x448x64xf32, #tpu.memory_space<vmem>> -> memref<1x56x64xf32, #tpu.memory_space<vmem>>
      %dma_wait3A_362 = tpu.memref_squeeze %dma_wait3A_361 : memref<1x56x64xf32, #tpu.memory_space<vmem>> -> memref<56x64xf32, #tpu.memory_space<vmem>>
      %dma_wait3A_363 = arith.constant 0 : i32
      %dma_wait3A_364 = arith.constant 0 : i32
      %dma_wait3A_365 = tpu.memref_slice %arg6[%dma_wait3A_363, %dma_wait3A_364] : memref<100000x64xf32, #tpu.memory_space<hbm>> -> memref<56x64xf32, #tpu.memory_space<hbm>>
      %dma_wait3A_366 = arith.constant 0 : i32
      %dma_wait3A_367 = arith.constant 0 : i32
      %dma_wait3A_368 = tpu.memref_slice %arg17[%rem3A_164, %dma_wait3A_366, %dma_wait3A_367] : memref<2x448x64xf32, #tpu.memory_space<vmem>> -> memref<1x56x64xf32, #tpu.memory_space<vmem>>
      %dma_wait3A_369 = tpu.memref_squeeze %dma_wait3A_368 : memref<1x56x64xf32, #tpu.memory_space<vmem>> -> memref<56x64xf32, #tpu.memory_space<vmem>>
      %dma_wait3A_370 = arith.constant 0 : i32
      %dma_wait3A_371 = arith.constant 0 : i32
      %dma_wait3A_372 = tpu.memref_slice %arg6[%dma_wait3A_370, %dma_wait3A_371] : memref<100000x64xf32, #tpu.memory_space<hbm>> -> memref<56x64xf32, #tpu.memory_space<hbm>>
      tpu.wait_dma2 semaphore(%arg20 : memref<!tpu.dma_semaphore, #tpu.memory_space<semaphore_mem>>) src(%dma_wait3A_372 : memref<56x64xf32, #tpu.memory_space<hbm>>) dst(%dma_wait3A_369 : memref<56x64xf32, #tpu.memory_space<vmem>>)
      %dma_wait3A_373 = arith.constant 0 : i32
      %dma_wait3A_374 = arith.constant 0 : i32
      %dma_wait3A_375 = tpu.memref_slice %arg18[%rem3A_164, %dma_wait3A_373, %dma_wait3A_374] : memref<2x448x16xf32, #tpu.memory_space<vmem>> -> memref<1x56x16xf32, #tpu.memory_space<vmem>>
      %dma_wait3A_376 = tpu.memref_squeeze %dma_wait3A_375 : memref<1x56x16xf32, #tpu.memory_space<vmem>> -> memref<56x16xf32, #tpu.memory_space<vmem>>
      %dma_wait3A_377 = arith.constant 0 : i32
      %dma_wait3A_378 = arith.constant 0 : i32
      %dma_wait3A_379 = tpu.memref_slice %arg8[%dma_wait3A_377, %dma_wait3A_378] : memref<100000x16xf32, #tpu.memory_space<hbm>> -> memref<56x16xf32, #tpu.memory_space<hbm>>
      %dma_wait3A_380 = arith.constant 0 : i32
      %dma_wait3A_381 = arith.constant 0 : i32
      %dma_wait3A_382 = tpu.memref_slice %arg18[%rem3A_164, %dma_wait3A_380, %dma_wait3A_381] : memref<2x448x16xf32, #tpu.memory_space<vmem>> -> memref<1x56x16xf32, #tpu.memory_space<vmem>>
      %dma_wait3A_383 = tpu.memref_squeeze %dma_wait3A_382 : memref<1x56x16xf32, #tpu.memory_space<vmem>> -> memref<56x16xf32, #tpu.memory_space<vmem>>
      %dma_wait3A_384 = arith.constant 0 : i32
      %dma_wait3A_385 = arith.constant 0 : i32
      %dma_wait3A_386 = tpu.memref_slice %arg8[%dma_wait3A_384, %dma_wait3A_385] : memref<100000x16xf32, #tpu.memory_space<hbm>> -> memref<56x16xf32, #tpu.memory_space<hbm>>
      tpu.wait_dma2 semaphore(%arg21 : memref<!tpu.dma_semaphore, #tpu.memory_space<semaphore_mem>>) src(%dma_wait3A_386 : memref<56x16xf32, #tpu.memory_space<hbm>>) dst(%dma_wait3A_383 : memref<56x16xf32, #tpu.memory_space<vmem>>)
      %dma_wait3A_387 = arith.constant 56 : i32
      %dma_wait3A_388 = arith.constant 0 : i32
      %dma_wait3A_389 = tpu.memref_slice %arg17[%rem3A_164, %dma_wait3A_387, %dma_wait3A_388] : memref<2x448x64xf32, #tpu.memory_space<vmem>> -> memref<1x56x64xf32, #tpu.memory_space<vmem>>
      %dma_wait3A_390 = tpu.memref_squeeze %dma_wait3A_389 : memref<1x56x64xf32, #tpu.memory_space<vmem>> -> memref<56x64xf32, #tpu.memory_space<vmem>>
      %dma_wait3A_391 = arith.constant 0 : i32
      %dma_wait3A_392 = arith.constant 0 : i32
      %dma_wait3A_393 = tpu.memref_slice %arg6[%dma_wait3A_391, %dma_wait3A_392] : memref<100000x64xf32, #tpu.memory_space<hbm>> -> memref<56x64xf32, #tpu.memory_space<hbm>>
      %dma_wait3A_394 = arith.constant 56 : i32
      %dma_wait3A_395 = arith.constant 0 : i32
      %dma_wait3A_396 = tpu.memref_slice %arg17[%rem3A_164, %dma_wait3A_394, %dma_wait3A_395] : memref<2x448x64xf32, #tpu.memory_space<vmem>> -> memref<1x56x64xf32, #tpu.memory_space<vmem>>
      %dma_wait3A_397 = tpu.memref_squeeze %dma_wait3A_396 : memref<1x56x64xf32, #tpu.memory_space<vmem>> -> memref<56x64xf32, #tpu.memory_space<vmem>>
      %dma_wait3A_398 = arith.constant 0 : i32
      %dma_wait3A_399 = arith.constant 0 : i32
      %dma_wait3A_400 = tpu.memref_slice %arg6[%dma_wait3A_398, %dma_wait3A_399] : memref<100000x64xf32, #tpu.memory_space<hbm>> -> memref<56x64xf32, #tpu.memory_space<hbm>>
      tpu.wait_dma2 semaphore(%arg20 : memref<!tpu.dma_semaphore, #tpu.memory_space<semaphore_mem>>) src(%dma_wait3A_400 : memref<56x64xf32, #tpu.memory_space<hbm>>) dst(%dma_wait3A_397 : memref<56x64xf32, #tpu.memory_space<vmem>>)
      %dma_wait3A_401 = arith.constant 56 : i32
      %dma_wait3A_402 = arith.constant 0 : i32
      %dma_wait3A_403 = tpu.memref_slice %arg18[%rem3A_164, %dma_wait3A_401, %dma_wait3A_402] : memref<2x448x16xf32, #tpu.memory_space<vmem>> -> memref<1x56x16xf32, #tpu.memory_space<vmem>>
      %dma_wait3A_404 = tpu.memref_squeeze %dma_wait3A_403 : memref<1x56x16xf32, #tpu.memory_space<vmem>> -> memref<56x16xf32, #tpu.memory_space<vmem>>
      %dma_wait3A_405 = arith.constant 0 : i32
      %dma_wait3A_406 = arith.constant 0 : i32
      %dma_wait3A_407 = tpu.memref_slice %arg8[%dma_wait3A_405, %dma_wait3A_406] : memref<100000x16xf32, #tpu.memory_space<hbm>> -> memref<56x16xf32, #tpu.memory_space<hbm>>
      %dma_wait3A_408 = arith.constant 56 : i32
      %dma_wait3A_409 = arith.constant 0 : i32
      %dma_wait3A_410 = tpu.memref_slice %arg18[%rem3A_164, %dma_wait3A_408, %dma_wait3A_409] : memref<2x448x16xf32, #tpu.memory_space<vmem>> -> memref<1x56x16xf32, #tpu.memory_space<vmem>>
      %dma_wait3A_411 = tpu.memref_squeeze %dma_wait3A_410 : memref<1x56x16xf32, #tpu.memory_space<vmem>> -> memref<56x16xf32, #tpu.memory_space<vmem>>
      %dma_wait3A_412 = arith.constant 0 : i32
      %dma_wait3A_413 = arith.constant 0 : i32
      %dma_wait3A_414 = tpu.memref_slice %arg8[%dma_wait3A_412, %dma_wait3A_413] : memref<100000x16xf32, #tpu.memory_space<hbm>> -> memref<56x16xf32, #tpu.memory_space<hbm>>
      tpu.wait_dma2 semaphore(%arg21 : memref<!tpu.dma_semaphore, #tpu.memory_space<semaphore_mem>>) src(%dma_wait3A_414 : memref<56x16xf32, #tpu.memory_space<hbm>>) dst(%dma_wait3A_411 : memref<56x16xf32, #tpu.memory_space<vmem>>)
      %dma_wait3A_415 = arith.constant 112 : i32
      %dma_wait3A_416 = arith.constant 0 : i32
      %dma_wait3A_417 = tpu.memref_slice %arg17[%rem3A_164, %dma_wait3A_415, %dma_wait3A_416] : memref<2x448x64xf32, #tpu.memory_space<vmem>> -> memref<1x56x64xf32, #tpu.memory_space<vmem>>
      %dma_wait3A_418 = tpu.memref_squeeze %dma_wait3A_417 : memref<1x56x64xf32, #tpu.memory_space<vmem>> -> memref<56x64xf32, #tpu.memory_space<vmem>>
      %dma_wait3A_419 = arith.constant 0 : i32
      %dma_wait3A_420 = arith.constant 0 : i32
      %dma_wait3A_421 = tpu.memref_slice %arg6[%dma_wait3A_419, %dma_wait3A_420] : memref<100000x64xf32, #tpu.memory_space<hbm>> -> memref<56x64xf32, #tpu.memory_space<hbm>>
      %dma_wait3A_422 = arith.constant 112 : i32
      %dma_wait3A_423 = arith.constant 0 : i32
      %dma_wait3A_424 = tpu.memref_slice %arg17[%rem3A_164, %dma_wait3A_422, %dma_wait3A_423] : memref<2x448x64xf32, #tpu.memory_space<vmem>> -> memref<1x56x64xf32, #tpu.memory_space<vmem>>
      %dma_wait3A_425 = tpu.memref_squeeze %dma_wait3A_424 : memref<1x56x64xf32, #tpu.memory_space<vmem>> -> memref<56x64xf32, #tpu.memory_space<vmem>>
      %dma_wait3A_426 = arith.constant 0 : i32
      %dma_wait3A_427 = arith.constant 0 : i32
      %dma_wait3A_428 = tpu.memref_slice %arg6[%dma_wait3A_426, %dma_wait3A_427] : memref<100000x64xf32, #tpu.memory_space<hbm>> -> memref<56x64xf32, #tpu.memory_space<hbm>>
      tpu.wait_dma2 semaphore(%arg20 : memref<!tpu.dma_semaphore, #tpu.memory_space<semaphore_mem>>) src(%dma_wait3A_428 : memref<56x64xf32, #tpu.memory_space<hbm>>) dst(%dma_wait3A_425 : memref<56x64xf32, #tpu.memory_space<vmem>>)
      %dma_wait3A_429 = arith.constant 112 : i32
      %dma_wait3A_430 = arith.constant 0 : i32
      %dma_wait3A_431 = tpu.memref_slice %arg18[%rem3A_164, %dma_wait3A_429, %dma_wait3A_430] : memref<2x448x16xf32, #tpu.memory_space<vmem>> -> memref<1x56x16xf32, #tpu.memory_space<vmem>>
      %dma_wait3A_432 = tpu.memref_squeeze %dma_wait3A_431 : memref<1x56x16xf32, #tpu.memory_space<vmem>> -> memref<56x16xf32, #tpu.memory_space<vmem>>
      %dma_wait3A_433 = arith.constant 0 : i32
      %dma_wait3A_434 = arith.constant 0 : i32
      %dma_wait3A_435 = tpu.memref_slice %arg8[%dma_wait3A_433, %dma_wait3A_434] : memref<100000x16xf32, #tpu.memory_space<hbm>> -> memref<56x16xf32, #tpu.memory_space<hbm>>
      %dma_wait3A_436 = arith.constant 112 : i32
      %dma_wait3A_437 = arith.constant 0 : i32
      %dma_wait3A_438 = tpu.memref_slice %arg18[%rem3A_164, %dma_wait3A_436, %dma_wait3A_437] : memref<2x448x16xf32, #tpu.memory_space<vmem>> -> memref<1x56x16xf32, #tpu.memory_space<vmem>>
      %dma_wait3A_439 = tpu.memref_squeeze %dma_wait3A_438 : memref<1x56x16xf32, #tpu.memory_space<vmem>> -> memref<56x16xf32, #tpu.memory_space<vmem>>
      %dma_wait3A_440 = arith.constant 0 : i32
      %dma_wait3A_441 = arith.constant 0 : i32
      %dma_wait3A_442 = tpu.memref_slice %arg8[%dma_wait3A_440, %dma_wait3A_441] : memref<100000x16xf32, #tpu.memory_space<hbm>> -> memref<56x16xf32, #tpu.memory_space<hbm>>
      tpu.wait_dma2 semaphore(%arg21 : memref<!tpu.dma_semaphore, #tpu.memory_space<semaphore_mem>>) src(%dma_wait3A_442 : memref<56x16xf32, #tpu.memory_space<hbm>>) dst(%dma_wait3A_439 : memref<56x16xf32, #tpu.memory_space<vmem>>)
      %dma_wait3A_443 = arith.constant 168 : i32
      %dma_wait3A_444 = arith.constant 0 : i32
      %dma_wait3A_445 = tpu.memref_slice %arg17[%rem3A_164, %dma_wait3A_443, %dma_wait3A_444] : memref<2x448x64xf32, #tpu.memory_space<vmem>> -> memref<1x56x64xf32, #tpu.memory_space<vmem>>
      %dma_wait3A_446 = tpu.memref_squeeze %dma_wait3A_445 : memref<1x56x64xf32, #tpu.memory_space<vmem>> -> memref<56x64xf32, #tpu.memory_space<vmem>>
      %dma_wait3A_447 = arith.constant 0 : i32
      %dma_wait3A_448 = arith.constant 0 : i32
      %dma_wait3A_449 = tpu.memref_slice %arg6[%dma_wait3A_447, %dma_wait3A_448] : memref<100000x64xf32, #tpu.memory_space<hbm>> -> memref<56x64xf32, #tpu.memory_space<hbm>>
      %dma_wait3A_450 = arith.constant 168 : i32
      %dma_wait3A_451 = arith.constant 0 : i32
      %dma_wait3A_452 = tpu.memref_slice %arg17[%rem3A_164, %dma_wait3A_450, %dma_wait3A_451] : memref<2x448x64xf32, #tpu.memory_space<vmem>> -> memref<1x56x64xf32, #tpu.memory_space<vmem>>
      %dma_wait3A_453 = tpu.memref_squeeze %dma_wait3A_452 : memref<1x56x64xf32, #tpu.memory_space<vmem>> -> memref<56x64xf32, #tpu.memory_space<vmem>>
      %dma_wait3A_454 = arith.constant 0 : i32
      %dma_wait3A_455 = arith.constant 0 : i32
      %dma_wait3A_456 = tpu.memref_slice %arg6[%dma_wait3A_454, %dma_wait3A_455] : memref<100000x64xf32, #tpu.memory_space<hbm>> -> memref<56x64xf32, #tpu.memory_space<hbm>>
      tpu.wait_dma2 semaphore(%arg20 : memref<!tpu.dma_semaphore, #tpu.memory_space<semaphore_mem>>) src(%dma_wait3A_456 : memref<56x64xf32, #tpu.memory_space<hbm>>) dst(%dma_wait3A_453 : memref<56x64xf32, #tpu.memory_space<vmem>>)
      %dma_wait3A_457 = arith.constant 168 : i32
      %dma_wait3A_458 = arith.constant 0 : i32
      %dma_wait3A_459 = tpu.memref_slice %arg18[%rem3A_164, %dma_wait3A_457, %dma_wait3A_458] : memref<2x448x16xf32, #tpu.memory_space<vmem>> -> memref<1x56x16xf32, #tpu.memory_space<vmem>>
      %dma_wait3A_460 = tpu.memref_squeeze %dma_wait3A_459 : memref<1x56x16xf32, #tpu.memory_space<vmem>> -> memref<56x16xf32, #tpu.memory_space<vmem>>
      %dma_wait3A_461 = arith.constant 0 : i32
      %dma_wait3A_462 = arith.constant 0 : i32
      %dma_wait3A_463 = tpu.memref_slice %arg8[%dma_wait3A_461, %dma_wait3A_462] : memref<100000x16xf32, #tpu.memory_space<hbm>> -> memref<56x16xf32, #tpu.memory_space<hbm>>
      %dma_wait3A_464 = arith.constant 168 : i32
      %dma_wait3A_465 = arith.constant 0 : i32
      %dma_wait3A_466 = tpu.memref_slice %arg18[%rem3A_164, %dma_wait3A_464, %dma_wait3A_465] : memref<2x448x16xf32, #tpu.memory_space<vmem>> -> memref<1x56x16xf32, #tpu.memory_space<vmem>>
      %dma_wait3A_467 = tpu.memref_squeeze %dma_wait3A_466 : memref<1x56x16xf32, #tpu.memory_space<vmem>> -> memref<56x16xf32, #tpu.memory_space<vmem>>
      %dma_wait3A_468 = arith.constant 0 : i32
      %dma_wait3A_469 = arith.constant 0 : i32
      %dma_wait3A_470 = tpu.memref_slice %arg8[%dma_wait3A_468, %dma_wait3A_469] : memref<100000x16xf32, #tpu.memory_space<hbm>> -> memref<56x16xf32, #tpu.memory_space<hbm>>
      tpu.wait_dma2 semaphore(%arg21 : memref<!tpu.dma_semaphore, #tpu.memory_space<semaphore_mem>>) src(%dma_wait3A_470 : memref<56x16xf32, #tpu.memory_space<hbm>>) dst(%dma_wait3A_467 : memref<56x16xf32, #tpu.memory_space<vmem>>)
      %dma_wait3A_471 = arith.constant 224 : i32
      %dma_wait3A_472 = arith.constant 0 : i32
      %dma_wait3A_473 = tpu.memref_slice %arg17[%rem3A_164, %dma_wait3A_471, %dma_wait3A_472] : memref<2x448x64xf32, #tpu.memory_space<vmem>> -> memref<1x56x64xf32, #tpu.memory_space<vmem>>
      %dma_wait3A_474 = tpu.memref_squeeze %dma_wait3A_473 : memref<1x56x64xf32, #tpu.memory_space<vmem>> -> memref<56x64xf32, #tpu.memory_space<vmem>>
      %dma_wait3A_475 = arith.constant 0 : i32
      %dma_wait3A_476 = arith.constant 0 : i32
      %dma_wait3A_477 = tpu.memref_slice %arg6[%dma_wait3A_475, %dma_wait3A_476] : memref<100000x64xf32, #tpu.memory_space<hbm>> -> memref<56x64xf32, #tpu.memory_space<hbm>>
      %dma_wait3A_478 = arith.constant 224 : i32
      %dma_wait3A_479 = arith.constant 0 : i32
      %dma_wait3A_480 = tpu.memref_slice %arg17[%rem3A_164, %dma_wait3A_478, %dma_wait3A_479] : memref<2x448x64xf32, #tpu.memory_space<vmem>> -> memref<1x56x64xf32, #tpu.memory_space<vmem>>
      %dma_wait3A_481 = tpu.memref_squeeze %dma_wait3A_480 : memref<1x56x64xf32, #tpu.memory_space<vmem>> -> memref<56x64xf32, #tpu.memory_space<vmem>>
      %dma_wait3A_482 = arith.constant 0 : i32
      %dma_wait3A_483 = arith.constant 0 : i32
      %dma_wait3A_484 = tpu.memref_slice %arg6[%dma_wait3A_482, %dma_wait3A_483] : memref<100000x64xf32, #tpu.memory_space<hbm>> -> memref<56x64xf32, #tpu.memory_space<hbm>>
      tpu.wait_dma2 semaphore(%arg20 : memref<!tpu.dma_semaphore, #tpu.memory_space<semaphore_mem>>) src(%dma_wait3A_484 : memref<56x64xf32, #tpu.memory_space<hbm>>) dst(%dma_wait3A_481 : memref<56x64xf32, #tpu.memory_space<vmem>>)
      %dma_wait3A_485 = arith.constant 224 : i32
      %dma_wait3A_486 = arith.constant 0 : i32
      %dma_wait3A_487 = tpu.memref_slice %arg18[%rem3A_164, %dma_wait3A_485, %dma_wait3A_486] : memref<2x448x16xf32, #tpu.memory_space<vmem>> -> memref<1x56x16xf32, #tpu.memory_space<vmem>>
      %dma_wait3A_488 = tpu.memref_squeeze %dma_wait3A_487 : memref<1x56x16xf32, #tpu.memory_space<vmem>> -> memref<56x16xf32, #tpu.memory_space<vmem>>
      %dma_wait3A_489 = arith.constant 0 : i32
      %dma_wait3A_490 = arith.constant 0 : i32
      %dma_wait3A_491 = tpu.memref_slice %arg8[%dma_wait3A_489, %dma_wait3A_490] : memref<100000x16xf32, #tpu.memory_space<hbm>> -> memref<56x16xf32, #tpu.memory_space<hbm>>
      %dma_wait3A_492 = arith.constant 224 : i32
      %dma_wait3A_493 = arith.constant 0 : i32
      %dma_wait3A_494 = tpu.memref_slice %arg18[%rem3A_164, %dma_wait3A_492, %dma_wait3A_493] : memref<2x448x16xf32, #tpu.memory_space<vmem>> -> memref<1x56x16xf32, #tpu.memory_space<vmem>>
      %dma_wait3A_495 = tpu.memref_squeeze %dma_wait3A_494 : memref<1x56x16xf32, #tpu.memory_space<vmem>> -> memref<56x16xf32, #tpu.memory_space<vmem>>
      %dma_wait3A_496 = arith.constant 0 : i32
      %dma_wait3A_497 = arith.constant 0 : i32
      %dma_wait3A_498 = tpu.memref_slice %arg8[%dma_wait3A_496, %dma_wait3A_497] : memref<100000x16xf32, #tpu.memory_space<hbm>> -> memref<56x16xf32, #tpu.memory_space<hbm>>
      tpu.wait_dma2 semaphore(%arg21 : memref<!tpu.dma_semaphore, #tpu.memory_space<semaphore_mem>>) src(%dma_wait3A_498 : memref<56x16xf32, #tpu.memory_space<hbm>>) dst(%dma_wait3A_495 : memref<56x16xf32, #tpu.memory_space<vmem>>)
      %dma_wait3A_499 = arith.constant 280 : i32
      %dma_wait3A_500 = arith.constant 0 : i32
      %dma_wait3A_501 = tpu.memref_slice %arg17[%rem3A_164, %dma_wait3A_499, %dma_wait3A_500] : memref<2x448x64xf32, #tpu.memory_space<vmem>> -> memref<1x56x64xf32, #tpu.memory_space<vmem>>
      %dma_wait3A_502 = tpu.memref_squeeze %dma_wait3A_501 : memref<1x56x64xf32, #tpu.memory_space<vmem>> -> memref<56x64xf32, #tpu.memory_space<vmem>>
      %dma_wait3A_503 = arith.constant 0 : i32
      %dma_wait3A_504 = arith.constant 0 : i32
      %dma_wait3A_505 = tpu.memref_slice %arg6[%dma_wait3A_503, %dma_wait3A_504] : memref<100000x64xf32, #tpu.memory_space<hbm>> -> memref<56x64xf32, #tpu.memory_space<hbm>>
      %dma_wait3A_506 = arith.constant 280 : i32
      %dma_wait3A_507 = arith.constant 0 : i32
      %dma_wait3A_508 = tpu.memref_slice %arg17[%rem3A_164, %dma_wait3A_506, %dma_wait3A_507] : memref<2x448x64xf32, #tpu.memory_space<vmem>> -> memref<1x56x64xf32, #tpu.memory_space<vmem>>
      %dma_wait3A_509 = tpu.memref_squeeze %dma_wait3A_508 : memref<1x56x64xf32, #tpu.memory_space<vmem>> -> memref<56x64xf32, #tpu.memory_space<vmem>>
      %dma_wait3A_510 = arith.constant 0 : i32
      %dma_wait3A_511 = arith.constant 0 : i32
      %dma_wait3A_512 = tpu.memref_slice %arg6[%dma_wait3A_510, %dma_wait3A_511] : memref<100000x64xf32, #tpu.memory_space<hbm>> -> memref<56x64xf32, #tpu.memory_space<hbm>>
      tpu.wait_dma2 semaphore(%arg20 : memref<!tpu.dma_semaphore, #tpu.memory_space<semaphore_mem>>) src(%dma_wait3A_512 : memref<56x64xf32, #tpu.memory_space<hbm>>) dst(%dma_wait3A_509 : memref<56x64xf32, #tpu.memory_space<vmem>>)
      %dma_wait3A_513 = arith.constant 280 : i32
      %dma_wait3A_514 = arith.constant 0 : i32
      %dma_wait3A_515 = tpu.memref_slice %arg18[%rem3A_164, %dma_wait3A_513, %dma_wait3A_514] : memref<2x448x16xf32, #tpu.memory_space<vmem>> -> memref<1x56x16xf32, #tpu.memory_space<vmem>>
      %dma_wait3A_516 = tpu.memref_squeeze %dma_wait3A_515 : memref<1x56x16xf32, #tpu.memory_space<vmem>> -> memref<56x16xf32, #tpu.memory_space<vmem>>
      %dma_wait3A_517 = arith.constant 0 : i32
      %dma_wait3A_518 = arith.constant 0 : i32
      %dma_wait3A_519 = tpu.memref_slice %arg8[%dma_wait3A_517, %dma_wait3A_518] : memref<100000x16xf32, #tpu.memory_space<hbm>> -> memref<56x16xf32, #tpu.memory_space<hbm>>
      %dma_wait3A_520 = arith.constant 280 : i32
      %dma_wait3A_521 = arith.constant 0 : i32
      %dma_wait3A_522 = tpu.memref_slice %arg18[%rem3A_164, %dma_wait3A_520, %dma_wait3A_521] : memref<2x448x16xf32, #tpu.memory_space<vmem>> -> memref<1x56x16xf32, #tpu.memory_space<vmem>>
      %dma_wait3A_523 = tpu.memref_squeeze %dma_wait3A_522 : memref<1x56x16xf32, #tpu.memory_space<vmem>> -> memref<56x16xf32, #tpu.memory_space<vmem>>
      %dma_wait3A_524 = arith.constant 0 : i32
      %dma_wait3A_525 = arith.constant 0 : i32
      %dma_wait3A_526 = tpu.memref_slice %arg8[%dma_wait3A_524, %dma_wait3A_525] : memref<100000x16xf32, #tpu.memory_space<hbm>> -> memref<56x16xf32, #tpu.memory_space<hbm>>
      tpu.wait_dma2 semaphore(%arg21 : memref<!tpu.dma_semaphore, #tpu.memory_space<semaphore_mem>>) src(%dma_wait3A_526 : memref<56x16xf32, #tpu.memory_space<hbm>>) dst(%dma_wait3A_523 : memref<56x16xf32, #tpu.memory_space<vmem>>)
      %dma_wait3A_527 = arith.constant 336 : i32
      %dma_wait3A_528 = arith.constant 0 : i32
      %dma_wait3A_529 = tpu.memref_slice %arg17[%rem3A_164, %dma_wait3A_527, %dma_wait3A_528] : memref<2x448x64xf32, #tpu.memory_space<vmem>> -> memref<1x56x64xf32, #tpu.memory_space<vmem>>
      %dma_wait3A_530 = tpu.memref_squeeze %dma_wait3A_529 : memref<1x56x64xf32, #tpu.memory_space<vmem>> -> memref<56x64xf32, #tpu.memory_space<vmem>>
      %dma_wait3A_531 = arith.constant 0 : i32
      %dma_wait3A_532 = arith.constant 0 : i32
      %dma_wait3A_533 = tpu.memref_slice %arg6[%dma_wait3A_531, %dma_wait3A_532] : memref<100000x64xf32, #tpu.memory_space<hbm>> -> memref<56x64xf32, #tpu.memory_space<hbm>>
      %dma_wait3A_534 = arith.constant 336 : i32
      %dma_wait3A_535 = arith.constant 0 : i32
      %dma_wait3A_536 = tpu.memref_slice %arg17[%rem3A_164, %dma_wait3A_534, %dma_wait3A_535] : memref<2x448x64xf32, #tpu.memory_space<vmem>> -> memref<1x56x64xf32, #tpu.memory_space<vmem>>
      %dma_wait3A_537 = tpu.memref_squeeze %dma_wait3A_536 : memref<1x56x64xf32, #tpu.memory_space<vmem>> -> memref<56x64xf32, #tpu.memory_space<vmem>>
      %dma_wait3A_538 = arith.constant 0 : i32
      %dma_wait3A_539 = arith.constant 0 : i32
      %dma_wait3A_540 = tpu.memref_slice %arg6[%dma_wait3A_538, %dma_wait3A_539] : memref<100000x64xf32, #tpu.memory_space<hbm>> -> memref<56x64xf32, #tpu.memory_space<hbm>>
      tpu.wait_dma2 semaphore(%arg20 : memref<!tpu.dma_semaphore, #tpu.memory_space<semaphore_mem>>) src(%dma_wait3A_540 : memref<56x64xf32, #tpu.memory_space<hbm>>) dst(%dma_wait3A_537 : memref<56x64xf32, #tpu.memory_space<vmem>>)
      %dma_wait3A_541 = arith.constant 336 : i32
      %dma_wait3A_542 = arith.constant 0 : i32
      %dma_wait3A_543 = tpu.memref_slice %arg18[%rem3A_164, %dma_wait3A_541, %dma_wait3A_542] : memref<2x448x16xf32, #tpu.memory_space<vmem>> -> memref<1x56x16xf32, #tpu.memory_space<vmem>>
      %dma_wait3A_544 = tpu.memref_squeeze %dma_wait3A_543 : memref<1x56x16xf32, #tpu.memory_space<vmem>> -> memref<56x16xf32, #tpu.memory_space<vmem>>
      %dma_wait3A_545 = arith.constant 0 : i32
      %dma_wait3A_546 = arith.constant 0 : i32
      %dma_wait3A_547 = tpu.memref_slice %arg8[%dma_wait3A_545, %dma_wait3A_546] : memref<100000x16xf32, #tpu.memory_space<hbm>> -> memref<56x16xf32, #tpu.memory_space<hbm>>
      %dma_wait3A_548 = arith.constant 336 : i32
      %dma_wait3A_549 = arith.constant 0 : i32
      %dma_wait3A_550 = tpu.memref_slice %arg18[%rem3A_164, %dma_wait3A_548, %dma_wait3A_549] : memref<2x448x16xf32, #tpu.memory_space<vmem>> -> memref<1x56x16xf32, #tpu.memory_space<vmem>>
      %dma_wait3A_551 = tpu.memref_squeeze %dma_wait3A_550 : memref<1x56x16xf32, #tpu.memory_space<vmem>> -> memref<56x16xf32, #tpu.memory_space<vmem>>
      %dma_wait3A_552 = arith.constant 0 : i32
      %dma_wait3A_553 = arith.constant 0 : i32
      %dma_wait3A_554 = tpu.memref_slice %arg8[%dma_wait3A_552, %dma_wait3A_553] : memref<100000x16xf32, #tpu.memory_space<hbm>> -> memref<56x16xf32, #tpu.memory_space<hbm>>
      tpu.wait_dma2 semaphore(%arg21 : memref<!tpu.dma_semaphore, #tpu.memory_space<semaphore_mem>>) src(%dma_wait3A_554 : memref<56x16xf32, #tpu.memory_space<hbm>>) dst(%dma_wait3A_551 : memref<56x16xf32, #tpu.memory_space<vmem>>)
      %dma_wait3A_555 = arith.constant 392 : i32
      %dma_wait3A_556 = arith.constant 0 : i32
      %dma_wait3A_557 = tpu.memref_slice %arg17[%rem3A_164, %dma_wait3A_555, %dma_wait3A_556] : memref<2x448x64xf32, #tpu.memory_space<vmem>> -> memref<1x56x64xf32, #tpu.memory_space<vmem>>
      %dma_wait3A_558 = tpu.memref_squeeze %dma_wait3A_557 : memref<1x56x64xf32, #tpu.memory_space<vmem>> -> memref<56x64xf32, #tpu.memory_space<vmem>>
      %dma_wait3A_559 = arith.constant 0 : i32
      %dma_wait3A_560 = arith.constant 0 : i32
      %dma_wait3A_561 = tpu.memref_slice %arg6[%dma_wait3A_559, %dma_wait3A_560] : memref<100000x64xf32, #tpu.memory_space<hbm>> -> memref<56x64xf32, #tpu.memory_space<hbm>>
      %dma_wait3A_562 = arith.constant 392 : i32
      %dma_wait3A_563 = arith.constant 0 : i32
      %dma_wait3A_564 = tpu.memref_slice %arg17[%rem3A_164, %dma_wait3A_562, %dma_wait3A_563] : memref<2x448x64xf32, #tpu.memory_space<vmem>> -> memref<1x56x64xf32, #tpu.memory_space<vmem>>
      %dma_wait3A_565 = tpu.memref_squeeze %dma_wait3A_564 : memref<1x56x64xf32, #tpu.memory_space<vmem>> -> memref<56x64xf32, #tpu.memory_space<vmem>>
      %dma_wait3A_566 = arith.constant 0 : i32
      %dma_wait3A_567 = arith.constant 0 : i32
      %dma_wait3A_568 = tpu.memref_slice %arg6[%dma_wait3A_566, %dma_wait3A_567] : memref<100000x64xf32, #tpu.memory_space<hbm>> -> memref<56x64xf32, #tpu.memory_space<hbm>>
      tpu.wait_dma2 semaphore(%arg20 : memref<!tpu.dma_semaphore, #tpu.memory_space<semaphore_mem>>) src(%dma_wait3A_568 : memref<56x64xf32, #tpu.memory_space<hbm>>) dst(%dma_wait3A_565 : memref<56x64xf32, #tpu.memory_space<vmem>>)
      %dma_wait3A_569 = arith.constant 392 : i32
      %dma_wait3A_570 = arith.constant 0 : i32
      %dma_wait3A_571 = tpu.memref_slice %arg18[%rem3A_164, %dma_wait3A_569, %dma_wait3A_570] : memref<2x448x16xf32, #tpu.memory_space<vmem>> -> memref<1x56x16xf32, #tpu.memory_space<vmem>>
      %dma_wait3A_572 = tpu.memref_squeeze %dma_wait3A_571 : memref<1x56x16xf32, #tpu.memory_space<vmem>> -> memref<56x16xf32, #tpu.memory_space<vmem>>
      %dma_wait3A_573 = arith.constant 0 : i32
      %dma_wait3A_574 = arith.constant 0 : i32
      %dma_wait3A_575 = tpu.memref_slice %arg8[%dma_wait3A_573, %dma_wait3A_574] : memref<100000x16xf32, #tpu.memory_space<hbm>> -> memref<56x16xf32, #tpu.memory_space<hbm>>
      %dma_wait3A_576 = arith.constant 392 : i32
      %dma_wait3A_577 = arith.constant 0 : i32
      %dma_wait3A_578 = tpu.memref_slice %arg18[%rem3A_164, %dma_wait3A_576, %dma_wait3A_577] : memref<2x448x16xf32, #tpu.memory_space<vmem>> -> memref<1x56x16xf32, #tpu.memory_space<vmem>>
      %dma_wait3A_579 = tpu.memref_squeeze %dma_wait3A_578 : memref<1x56x16xf32, #tpu.memory_space<vmem>> -> memref<56x16xf32, #tpu.memory_space<vmem>>
      %dma_wait3A_580 = arith.constant 0 : i32
      %dma_wait3A_581 = arith.constant 0 : i32
      %dma_wait3A_582 = tpu.memref_slice %arg8[%dma_wait3A_580, %dma_wait3A_581] : memref<100000x16xf32, #tpu.memory_space<hbm>> -> memref<56x16xf32, #tpu.memory_space<hbm>>
      tpu.wait_dma2 semaphore(%arg21 : memref<!tpu.dma_semaphore, #tpu.memory_space<semaphore_mem>>) src(%dma_wait3A_582 : memref<56x16xf32, #tpu.memory_space<hbm>>) dst(%dma_wait3A_579 : memref<56x16xf32, #tpu.memory_space<vmem>>)
      %mul3A_583 = arith.constant 8 : i32
      %mul3A_584 = arith.muli %add3A_163, %mul3A_583 : i32
      %add3A_585 = arith.addi %mul3A_2, %mul3A_584 : i32
      %mul3A_586 = arith.constant 56 : i32
      %mul3A_587 = arith.muli %add3A_585, %mul3A_586 : i32
      %dma_start3A_588 = arith.constant 0 : i32
      %dma_start3A_589 = arith.constant 0 : i32
      %dma_start3A_590 = tpu.memref_slice %arg17[%rem3A_164, %dma_start3A_588, %dma_start3A_589] : memref<2x448x64xf32, #tpu.memory_space<vmem>> -> memref<1x448x64xf32, #tpu.memory_space<vmem>>
      %dma_start3A_591 = tpu.memref_squeeze %dma_start3A_590 : memref<1x448x64xf32, #tpu.memory_space<vmem>> -> memref<448x64xf32, #tpu.memory_space<vmem>>
      %dma_start3A_592 = arith.constant 0 : i32
      %dma_start3A_593 = tpu.memref_slice %arg10[%mul3A_587, %dma_start3A_592] : memref<229376x64xf32, #tpu.memory_space<hbm>> -> memref<448x64xf32, #tpu.memory_space<hbm>>
      %dma_start3A_594 = arith.constant 0 : i32
      %dma_start3A_595 = tpu.memref_slice %arg10[%mul3A_587, %dma_start3A_594] : memref<229376x64xf32, #tpu.memory_space<hbm>> -> memref<448x64xf32, #tpu.memory_space<hbm>>
      %dma_start3A_596 = arith.constant 0 : i32
      %dma_start3A_597 = arith.constant 0 : i32
      %dma_start3A_598 = tpu.memref_slice %arg17[%rem3A_164, %dma_start3A_596, %dma_start3A_597] : memref<2x448x64xf32, #tpu.memory_space<vmem>> -> memref<1x448x64xf32, #tpu.memory_space<vmem>>
      %dma_start3A_599 = tpu.memref_squeeze %dma_start3A_598 : memref<1x448x64xf32, #tpu.memory_space<vmem>> -> memref<448x64xf32, #tpu.memory_space<vmem>>
      tpu.enqueue_dma source(%dma_start3A_599 : memref<448x64xf32, #tpu.memory_space<vmem>>) target(%dma_start3A_595 : memref<448x64xf32, #tpu.memory_space<hbm>>) target_semaphore(%arg22 : memref<!tpu.dma_semaphore, #tpu.memory_space<semaphore_mem>>)
      %dma_start3A_600 = arith.constant 0 : i32
      %dma_start3A_601 = arith.constant 0 : i32
      %dma_start3A_602 = tpu.memref_slice %arg18[%rem3A_164, %dma_start3A_600, %dma_start3A_601] : memref<2x448x16xf32, #tpu.memory_space<vmem>> -> memref<1x448x16xf32, #tpu.memory_space<vmem>>
      %dma_start3A_603 = tpu.memref_squeeze %dma_start3A_602 : memref<1x448x16xf32, #tpu.memory_space<vmem>> -> memref<448x16xf32, #tpu.memory_space<vmem>>
      %dma_start3A_604 = arith.constant 0 : i32
      %dma_start3A_605 = tpu.memref_slice %arg11[%mul3A_587, %dma_start3A_604] : memref<229376x16xf32, #tpu.memory_space<hbm>> -> memref<448x16xf32, #tpu.memory_space<hbm>>
      %dma_start3A_606 = arith.constant 0 : i32
      %dma_start3A_607 = tpu.memref_slice %arg11[%mul3A_587, %dma_start3A_606] : memref<229376x16xf32, #tpu.memory_space<hbm>> -> memref<448x16xf32, #tpu.memory_space<hbm>>
      %dma_start3A_608 = arith.constant 0 : i32
      %dma_start3A_609 = arith.constant 0 : i32
      %dma_start3A_610 = tpu.memref_slice %arg18[%rem3A_164, %dma_start3A_608, %dma_start3A_609] : memref<2x448x16xf32, #tpu.memory_space<vmem>> -> memref<1x448x16xf32, #tpu.memory_space<vmem>>
      %dma_start3A_611 = tpu.memref_squeeze %dma_start3A_610 : memref<1x448x16xf32, #tpu.memory_space<vmem>> -> memref<448x16xf32, #tpu.memory_space<vmem>>
      tpu.enqueue_dma source(%dma_start3A_611 : memref<448x16xf32, #tpu.memory_space<vmem>>) target(%dma_start3A_607 : memref<448x16xf32, #tpu.memory_space<hbm>>) target_semaphore(%arg22 : memref<!tpu.dma_semaphore, #tpu.memory_space<semaphore_mem>>)
    }
    %scan3A_33 = arith.constant 16 : i32
    %dma_wait3A_34 = arith.constant 0 : i32
    %dma_wait3A_35 = arith.constant 0 : i32
    %dma_wait3A_36 = arith.constant 0 : i32
    %dma_wait3A_37 = tpu.memref_slice %arg17[%dma_wait3A_34, %dma_wait3A_35, %dma_wait3A_36] : memref<2x448x64xf32, #tpu.memory_space<vmem>> -> memref<1x448x64xf32, #tpu.memory_space<vmem>>
    %dma_wait3A_38 = tpu.memref_squeeze %dma_wait3A_37 : memref<1x448x64xf32, #tpu.memory_space<vmem>> -> memref<448x64xf32, #tpu.memory_space<vmem>>
    %dma_wait3A_39 = arith.constant 0 : i32
    %dma_wait3A_40 = arith.constant 0 : i32
    %dma_wait3A_41 = tpu.memref_slice %arg10[%dma_wait3A_39, %dma_wait3A_40] : memref<229376x64xf32, #tpu.memory_space<hbm>> -> memref<448x64xf32, #tpu.memory_space<hbm>>
    %dma_wait3A_42 = arith.constant 0 : i32
    %dma_wait3A_43 = arith.constant 0 : i32
    %dma_wait3A_44 = tpu.memref_slice %arg10[%dma_wait3A_42, %dma_wait3A_43] : memref<229376x64xf32, #tpu.memory_space<hbm>> -> memref<448x64xf32, #tpu.memory_space<hbm>>
    %dma_wait3A_45 = arith.constant 0 : i32
    %dma_wait3A_46 = arith.constant 0 : i32
    %dma_wait3A_47 = tpu.memref_slice %arg17[%dma_wait3A_34, %dma_wait3A_45, %dma_wait3A_46] : memref<2x448x64xf32, #tpu.memory_space<vmem>> -> memref<1x448x64xf32, #tpu.memory_space<vmem>>
    %dma_wait3A_48 = tpu.memref_squeeze %dma_wait3A_47 : memref<1x448x64xf32, #tpu.memory_space<vmem>> -> memref<448x64xf32, #tpu.memory_space<vmem>>
    tpu.wait_dma2 semaphore(%arg22 : memref<!tpu.dma_semaphore, #tpu.memory_space<semaphore_mem>>) src(%dma_wait3A_48 : memref<448x64xf32, #tpu.memory_space<vmem>>) dst(%dma_wait3A_44 : memref<448x64xf32, #tpu.memory_space<hbm>>)
    %dma_wait3A_49 = arith.constant 0 : i32
    %dma_wait3A_50 = arith.constant 0 : i32
    %dma_wait3A_51 = arith.constant 0 : i32
    %dma_wait3A_52 = tpu.memref_slice %arg18[%dma_wait3A_49, %dma_wait3A_50, %dma_wait3A_51] : memref<2x448x16xf32, #tpu.memory_space<vmem>> -> memref<1x448x16xf32, #tpu.memory_space<vmem>>
    %dma_wait3A_53 = tpu.memref_squeeze %dma_wait3A_52 : memref<1x448x16xf32, #tpu.memory_space<vmem>> -> memref<448x16xf32, #tpu.memory_space<vmem>>
    %dma_wait3A_54 = arith.constant 0 : i32
    %dma_wait3A_55 = arith.constant 0 : i32
    %dma_wait3A_56 = tpu.memref_slice %arg11[%dma_wait3A_54, %dma_wait3A_55] : memref<229376x16xf32, #tpu.memory_space<hbm>> -> memref<448x16xf32, #tpu.memory_space<hbm>>
    %dma_wait3A_57 = arith.constant 0 : i32
    %dma_wait3A_58 = arith.constant 0 : i32
    %dma_wait3A_59 = tpu.memref_slice %arg11[%dma_wait3A_57, %dma_wait3A_58] : memref<229376x16xf32, #tpu.memory_space<hbm>> -> memref<448x16xf32, #tpu.memory_space<hbm>>
    %dma_wait3A_60 = arith.constant 0 : i32
    %dma_wait3A_61 = arith.constant 0 : i32
    %dma_wait3A_62 = tpu.memref_slice %arg18[%dma_wait3A_49, %dma_wait3A_60, %dma_wait3A_61] : memref<2x448x16xf32, #tpu.memory_space<vmem>> -> memref<1x448x16xf32, #tpu.memory_space<vmem>>
    %dma_wait3A_63 = tpu.memref_squeeze %dma_wait3A_62 : memref<1x448x16xf32, #tpu.memory_space<vmem>> -> memref<448x16xf32, #tpu.memory_space<vmem>>
    tpu.wait_dma2 semaphore(%arg22 : memref<!tpu.dma_semaphore, #tpu.memory_space<semaphore_mem>>) src(%dma_wait3A_63 : memref<448x16xf32, #tpu.memory_space<vmem>>) dst(%dma_wait3A_59 : memref<448x16xf32, #tpu.memory_space<hbm>>)
    %dma_wait3A_64 = arith.constant 1 : i32
    %dma_wait3A_65 = arith.constant 0 : i32
    %dma_wait3A_66 = arith.constant 0 : i32
    %dma_wait3A_67 = tpu.memref_slice %arg17[%dma_wait3A_64, %dma_wait3A_65, %dma_wait3A_66] : memref<2x448x64xf32, #tpu.memory_space<vmem>> -> memref<1x448x64xf32, #tpu.memory_space<vmem>>
    %dma_wait3A_68 = tpu.memref_squeeze %dma_wait3A_67 : memref<1x448x64xf32, #tpu.memory_space<vmem>> -> memref<448x64xf32, #tpu.memory_space<vmem>>
    %dma_wait3A_69 = arith.constant 0 : i32
    %dma_wait3A_70 = arith.constant 0 : i32
    %dma_wait3A_71 = tpu.memref_slice %arg10[%dma_wait3A_69, %dma_wait3A_70] : memref<229376x64xf32, #tpu.memory_space<hbm>> -> memref<448x64xf32, #tpu.memory_space<hbm>>
    %dma_wait3A_72 = arith.constant 0 : i32
    %dma_wait3A_73 = arith.constant 0 : i32
    %dma_wait3A_74 = tpu.memref_slice %arg10[%dma_wait3A_72, %dma_wait3A_73] : memref<229376x64xf32, #tpu.memory_space<hbm>> -> memref<448x64xf32, #tpu.memory_space<hbm>>
    %dma_wait3A_75 = arith.constant 0 : i32
    %dma_wait3A_76 = arith.constant 0 : i32
    %dma_wait3A_77 = tpu.memref_slice %arg17[%dma_wait3A_64, %dma_wait3A_75, %dma_wait3A_76] : memref<2x448x64xf32, #tpu.memory_space<vmem>> -> memref<1x448x64xf32, #tpu.memory_space<vmem>>
    %dma_wait3A_78 = tpu.memref_squeeze %dma_wait3A_77 : memref<1x448x64xf32, #tpu.memory_space<vmem>> -> memref<448x64xf32, #tpu.memory_space<vmem>>
    tpu.wait_dma2 semaphore(%arg22 : memref<!tpu.dma_semaphore, #tpu.memory_space<semaphore_mem>>) src(%dma_wait3A_78 : memref<448x64xf32, #tpu.memory_space<vmem>>) dst(%dma_wait3A_74 : memref<448x64xf32, #tpu.memory_space<hbm>>)
    %dma_wait3A_79 = arith.constant 1 : i32
    %dma_wait3A_80 = arith.constant 0 : i32
    %dma_wait3A_81 = arith.constant 0 : i32
    %dma_wait3A_82 = tpu.memref_slice %arg18[%dma_wait3A_79, %dma_wait3A_80, %dma_wait3A_81] : memref<2x448x16xf32, #tpu.memory_space<vmem>> -> memref<1x448x16xf32, #tpu.memory_space<vmem>>
    %dma_wait3A_83 = tpu.memref_squeeze %dma_wait3A_82 : memref<1x448x16xf32, #tpu.memory_space<vmem>> -> memref<448x16xf32, #tpu.memory_space<vmem>>
    %dma_wait3A_84 = arith.constant 0 : i32
    %dma_wait3A_85 = arith.constant 0 : i32
    %dma_wait3A_86 = tpu.memref_slice %arg11[%dma_wait3A_84, %dma_wait3A_85] : memref<229376x16xf32, #tpu.memory_space<hbm>> -> memref<448x16xf32, #tpu.memory_space<hbm>>
    %dma_wait3A_87 = arith.constant 0 : i32
    %dma_wait3A_88 = arith.constant 0 : i32
    %dma_wait3A_89 = tpu.memref_slice %arg11[%dma_wait3A_87, %dma_wait3A_88] : memref<229376x16xf32, #tpu.memory_space<hbm>> -> memref<448x16xf32, #tpu.memory_space<hbm>>
    %dma_wait3A_90 = arith.constant 0 : i32
    %dma_wait3A_91 = arith.constant 0 : i32
    %dma_wait3A_92 = tpu.memref_slice %arg18[%dma_wait3A_79, %dma_wait3A_90, %dma_wait3A_91] : memref<2x448x16xf32, #tpu.memory_space<vmem>> -> memref<1x448x16xf32, #tpu.memory_space<vmem>>
    %dma_wait3A_93 = tpu.memref_squeeze %dma_wait3A_92 : memref<1x448x16xf32, #tpu.memory_space<vmem>> -> memref<448x16xf32, #tpu.memory_space<vmem>>
    tpu.wait_dma2 semaphore(%arg22 : memref<!tpu.dma_semaphore, #tpu.memory_space<semaphore_mem>>) src(%dma_wait3A_93 : memref<448x16xf32, #tpu.memory_space<vmem>>) dst(%dma_wait3A_89 : memref<448x16xf32, #tpu.memory_space<hbm>>)
    %scan3A_94 = arith.constant 0 : i32
    %scan3A_95 = arith.constant 16 : i32
    %scan3A_96 = arith.addi %scan3A_94, %scan3A_95 : i32
    %scan3A_97 = arith.constant 1 : i32
    scf.for %scan3A_159 = %scan3A_94 to %scan3A_96 step %scan3A_97  : i32 {
      %mul3A_160 = arith.constant 1 : i32
      %mul3A_161 = arith.muli %scan3A_159, %mul3A_160 : i32
      %add3A_162 = arith.constant 0 : i32
      %add3A_163 = arith.addi %add3A_162, %mul3A_161 : i32
      %rem3A = arith.constant 2 : i32
      %rem3A_164 = arith.remsi %add3A_163, %rem3A : i32
      %ge3A = arith.constant 2 : i32
      %ge3A_165 = arith.cmpi sge, %add3A_163, %ge3A : i32
      %convert_element_type3A = arith.extui %ge3A_165 : i1 to i32
      %cond3A = arith.constant 0 : i32
      %cond3A_166 = arith.cmpi ne, %convert_element_type3A, %cond3A : i32
      scf.if %cond3A_166 {
        %dma_wait3A_612 = arith.constant 0 : i32
        %dma_wait3A_613 = arith.constant 0 : i32
        %dma_wait3A_614 = tpu.memref_slice %arg17[%rem3A_164, %dma_wait3A_612, %dma_wait3A_613] : memref<2x448x64xf32, #tpu.memory_space<vmem>> -> memref<1x448x64xf32, #tpu.memory_space<vmem>>
        %dma_wait3A_615 = tpu.memref_squeeze %dma_wait3A_614 : memref<1x448x64xf32, #tpu.memory_space<vmem>> -> memref<448x64xf32, #tpu.memory_space<vmem>>
        %dma_wait3A_616 = arith.constant 0 : i32
        %dma_wait3A_617 = arith.constant 0 : i32
        %dma_wait3A_618 = tpu.memref_slice %arg12[%dma_wait3A_616, %dma_wait3A_617] : memref<229376x64xf32, #tpu.memory_space<hbm>> -> memref<448x64xf32, #tpu.memory_space<hbm>>
        %dma_wait3A_619 = arith.constant 0 : i32
        %dma_wait3A_620 = arith.constant 0 : i32
        %dma_wait3A_621 = tpu.memref_slice %arg12[%dma_wait3A_619, %dma_wait3A_620] : memref<229376x64xf32, #tpu.memory_space<hbm>> -> memref<448x64xf32, #tpu.memory_space<hbm>>
        %dma_wait3A_622 = arith.constant 0 : i32
        %dma_wait3A_623 = arith.constant 0 : i32
        %dma_wait3A_624 = tpu.memref_slice %arg17[%rem3A_164, %dma_wait3A_622, %dma_wait3A_623] : memref<2x448x64xf32, #tpu.memory_space<vmem>> -> memref<1x448x64xf32, #tpu.memory_space<vmem>>
        %dma_wait3A_625 = tpu.memref_squeeze %dma_wait3A_624 : memref<1x448x64xf32, #tpu.memory_space<vmem>> -> memref<448x64xf32, #tpu.memory_space<vmem>>
        tpu.wait_dma2 semaphore(%arg22 : memref<!tpu.dma_semaphore, #tpu.memory_space<semaphore_mem>>) src(%dma_wait3A_625 : memref<448x64xf32, #tpu.memory_space<vmem>>) dst(%dma_wait3A_621 : memref<448x64xf32, #tpu.memory_space<hbm>>)
        %dma_wait3A_626 = arith.constant 0 : i32
        %dma_wait3A_627 = arith.constant 0 : i32
        %dma_wait3A_628 = tpu.memref_slice %arg18[%rem3A_164, %dma_wait3A_626, %dma_wait3A_627] : memref<2x448x16xf32, #tpu.memory_space<vmem>> -> memref<1x448x16xf32, #tpu.memory_space<vmem>>
        %dma_wait3A_629 = tpu.memref_squeeze %dma_wait3A_628 : memref<1x448x16xf32, #tpu.memory_space<vmem>> -> memref<448x16xf32, #tpu.memory_space<vmem>>
        %dma_wait3A_630 = arith.constant 0 : i32
        %dma_wait3A_631 = arith.constant 0 : i32
        %dma_wait3A_632 = tpu.memref_slice %arg13[%dma_wait3A_630, %dma_wait3A_631] : memref<229376x16xf32, #tpu.memory_space<hbm>> -> memref<448x16xf32, #tpu.memory_space<hbm>>
        %dma_wait3A_633 = arith.constant 0 : i32
        %dma_wait3A_634 = arith.constant 0 : i32
        %dma_wait3A_635 = tpu.memref_slice %arg13[%dma_wait3A_633, %dma_wait3A_634] : memref<229376x16xf32, #tpu.memory_space<hbm>> -> memref<448x16xf32, #tpu.memory_space<hbm>>
        %dma_wait3A_636 = arith.constant 0 : i32
        %dma_wait3A_637 = arith.constant 0 : i32
        %dma_wait3A_638 = tpu.memref_slice %arg18[%rem3A_164, %dma_wait3A_636, %dma_wait3A_637] : memref<2x448x16xf32, #tpu.memory_space<vmem>> -> memref<1x448x16xf32, #tpu.memory_space<vmem>>
        %dma_wait3A_639 = tpu.memref_squeeze %dma_wait3A_638 : memref<1x448x16xf32, #tpu.memory_space<vmem>> -> memref<448x16xf32, #tpu.memory_space<vmem>>
        tpu.wait_dma2 semaphore(%arg22 : memref<!tpu.dma_semaphore, #tpu.memory_space<semaphore_mem>>) src(%dma_wait3A_639 : memref<448x16xf32, #tpu.memory_space<vmem>>) dst(%dma_wait3A_635 : memref<448x16xf32, #tpu.memory_space<hbm>>)
      } else {
      }
      %mul3A_167 = arith.constant 8 : i32
      %mul3A_168 = arith.muli %add3A_163, %mul3A_167 : i32
      %add3A_169 = arith.constant 0 : i32
      %add3A_170 = arith.addi %mul3A_168, %add3A_169 : i32
      %dma_start3A_171 = arith.constant 0 : i32
      %dma_start3A_172 = arith.constant 0 : i32
      %dma_start3A_173 = tpu.memref_slice %arg17[%rem3A_164, %dma_start3A_171, %dma_start3A_172] : memref<2x448x64xf32, #tpu.memory_space<vmem>> -> memref<1x56x64xf32, #tpu.memory_space<vmem>>
      %dma_start3A_174 = tpu.memref_squeeze %dma_start3A_173 : memref<1x56x64xf32, #tpu.memory_space<vmem>> -> memref<56x64xf32, #tpu.memory_space<vmem>>
      %dma_start3A_175 = arith.constant 0 : i32
      %dma_start3A_176 = tpu.memref_slice %arg16[%add3A_170, %dma_start3A_175] : memref<128x56xi32, #tpu.memory_space<vmem>> -> memref<1x56xi32, #tpu.memory_space<vmem>>
      %dma_start3A_177 = tpu.memref_squeeze %dma_start3A_176 : memref<1x56xi32, #tpu.memory_space<vmem>> -> memref<56xi32, #tpu.memory_space<vmem>>
      %dma_start3A_178 = arith.constant 0 : i32
      %dma_start3A_179 = arith.constant 0 : i32
      %dma_start3A_180 = tpu.memref_slice %arg7[%dma_start3A_178, %dma_start3A_179] : memref<100000x64xf32, #tpu.memory_space<hbm>> -> memref<100000x64xf32, #tpu.memory_space<hbm>>
      tpu.enqueue_indirect_dma source(%dma_start3A_180 : memref<100000x64xf32, #tpu.memory_space<hbm>>) target(%dma_start3A_174 : memref<56x64xf32, #tpu.memory_space<vmem>>) offsets(%dma_start3A_177 : memref<56xi32, #tpu.memory_space<vmem>>) semaphore(%arg20 : memref<!tpu.dma_semaphore, #tpu.memory_space<semaphore_mem>>)
      %dma_start3A_181 = arith.constant 0 : i32
      %dma_start3A_182 = arith.constant 0 : i32
      %dma_start3A_183 = tpu.memref_slice %arg18[%rem3A_164, %dma_start3A_181, %dma_start3A_182] : memref<2x448x16xf32, #tpu.memory_space<vmem>> -> memref<1x56x16xf32, #tpu.memory_space<vmem>>
      %dma_start3A_184 = tpu.memref_squeeze %dma_start3A_183 : memref<1x56x16xf32, #tpu.memory_space<vmem>> -> memref<56x16xf32, #tpu.memory_space<vmem>>
      %dma_start3A_185 = arith.constant 0 : i32
      %dma_start3A_186 = tpu.memref_slice %arg16[%add3A_170, %dma_start3A_185] : memref<128x56xi32, #tpu.memory_space<vmem>> -> memref<1x56xi32, #tpu.memory_space<vmem>>
      %dma_start3A_187 = tpu.memref_squeeze %dma_start3A_186 : memref<1x56xi32, #tpu.memory_space<vmem>> -> memref<56xi32, #tpu.memory_space<vmem>>
      %dma_start3A_188 = arith.constant 0 : i32
      %dma_start3A_189 = arith.constant 0 : i32
      %dma_start3A_190 = tpu.memref_slice %arg9[%dma_start3A_188, %dma_start3A_189] : memref<100000x16xf32, #tpu.memory_space<hbm>> -> memref<100000x16xf32, #tpu.memory_space<hbm>>
      tpu.enqueue_indirect_dma source(%dma_start3A_190 : memref<100000x16xf32, #tpu.memory_space<hbm>>) target(%dma_start3A_184 : memref<56x16xf32, #tpu.memory_space<vmem>>) offsets(%dma_start3A_187 : memref<56xi32, #tpu.memory_space<vmem>>) semaphore(%arg21 : memref<!tpu.dma_semaphore, #tpu.memory_space<semaphore_mem>>)
      %mul3A_191 = arith.constant 8 : i32
      %mul3A_192 = arith.muli %add3A_163, %mul3A_191 : i32
      %add3A_193 = arith.constant 1 : i32
      %add3A_194 = arith.addi %mul3A_192, %add3A_193 : i32
      %dma_start3A_195 = arith.constant 56 : i32
      %dma_start3A_196 = arith.constant 0 : i32
      %dma_start3A_197 = tpu.memref_slice %arg17[%rem3A_164, %dma_start3A_195, %dma_start3A_196] : memref<2x448x64xf32, #tpu.memory_space<vmem>> -> memref<1x56x64xf32, #tpu.memory_space<vmem>>
      %dma_start3A_198 = tpu.memref_squeeze %dma_start3A_197 : memref<1x56x64xf32, #tpu.memory_space<vmem>> -> memref<56x64xf32, #tpu.memory_space<vmem>>
      %dma_start3A_199 = arith.constant 0 : i32
      %dma_start3A_200 = tpu.memref_slice %arg16[%add3A_194, %dma_start3A_199] : memref<128x56xi32, #tpu.memory_space<vmem>> -> memref<1x56xi32, #tpu.memory_space<vmem>>
      %dma_start3A_201 = tpu.memref_squeeze %dma_start3A_200 : memref<1x56xi32, #tpu.memory_space<vmem>> -> memref<56xi32, #tpu.memory_space<vmem>>
      %dma_start3A_202 = arith.constant 0 : i32
      %dma_start3A_203 = arith.constant 0 : i32
      %dma_start3A_204 = tpu.memref_slice %arg7[%dma_start3A_202, %dma_start3A_203] : memref<100000x64xf32, #tpu.memory_space<hbm>> -> memref<100000x64xf32, #tpu.memory_space<hbm>>
      tpu.enqueue_indirect_dma source(%dma_start3A_204 : memref<100000x64xf32, #tpu.memory_space<hbm>>) target(%dma_start3A_198 : memref<56x64xf32, #tpu.memory_space<vmem>>) offsets(%dma_start3A_201 : memref<56xi32, #tpu.memory_space<vmem>>) semaphore(%arg20 : memref<!tpu.dma_semaphore, #tpu.memory_space<semaphore_mem>>)
      %dma_start3A_205 = arith.constant 56 : i32
      %dma_start3A_206 = arith.constant 0 : i32
      %dma_start3A_207 = tpu.memref_slice %arg18[%rem3A_164, %dma_start3A_205, %dma_start3A_206] : memref<2x448x16xf32, #tpu.memory_space<vmem>> -> memref<1x56x16xf32, #tpu.memory_space<vmem>>
      %dma_start3A_208 = tpu.memref_squeeze %dma_start3A_207 : memref<1x56x16xf32, #tpu.memory_space<vmem>> -> memref<56x16xf32, #tpu.memory_space<vmem>>
      %dma_start3A_209 = arith.constant 0 : i32
      %dma_start3A_210 = tpu.memref_slice %arg16[%add3A_194, %dma_start3A_209] : memref<128x56xi32, #tpu.memory_space<vmem>> -> memref<1x56xi32, #tpu.memory_space<vmem>>
      %dma_start3A_211 = tpu.memref_squeeze %dma_start3A_210 : memref<1x56xi32, #tpu.memory_space<vmem>> -> memref<56xi32, #tpu.memory_space<vmem>>
      %dma_start3A_212 = arith.constant 0 : i32
      %dma_start3A_213 = arith.constant 0 : i32
      %dma_start3A_214 = tpu.memref_slice %arg9[%dma_start3A_212, %dma_start3A_213] : memref<100000x16xf32, #tpu.memory_space<hbm>> -> memref<100000x16xf32, #tpu.memory_space<hbm>>
      tpu.enqueue_indirect_dma source(%dma_start3A_214 : memref<100000x16xf32, #tpu.memory_space<hbm>>) target(%dma_start3A_208 : memref<56x16xf32, #tpu.memory_space<vmem>>) offsets(%dma_start3A_211 : memref<56xi32, #tpu.memory_space<vmem>>) semaphore(%arg21 : memref<!tpu.dma_semaphore, #tpu.memory_space<semaphore_mem>>)
      %mul3A_215 = arith.constant 8 : i32
      %mul3A_216 = arith.muli %add3A_163, %mul3A_215 : i32
      %add3A_217 = arith.constant 2 : i32
      %add3A_218 = arith.addi %mul3A_216, %add3A_217 : i32
      %dma_start3A_219 = arith.constant 112 : i32
      %dma_start3A_220 = arith.constant 0 : i32
      %dma_start3A_221 = tpu.memref_slice %arg17[%rem3A_164, %dma_start3A_219, %dma_start3A_220] : memref<2x448x64xf32, #tpu.memory_space<vmem>> -> memref<1x56x64xf32, #tpu.memory_space<vmem>>
      %dma_start3A_222 = tpu.memref_squeeze %dma_start3A_221 : memref<1x56x64xf32, #tpu.memory_space<vmem>> -> memref<56x64xf32, #tpu.memory_space<vmem>>
      %dma_start3A_223 = arith.constant 0 : i32
      %dma_start3A_224 = tpu.memref_slice %arg16[%add3A_218, %dma_start3A_223] : memref<128x56xi32, #tpu.memory_space<vmem>> -> memref<1x56xi32, #tpu.memory_space<vmem>>
      %dma_start3A_225 = tpu.memref_squeeze %dma_start3A_224 : memref<1x56xi32, #tpu.memory_space<vmem>> -> memref<56xi32, #tpu.memory_space<vmem>>
      %dma_start3A_226 = arith.constant 0 : i32
      %dma_start3A_227 = arith.constant 0 : i32
      %dma_start3A_228 = tpu.memref_slice %arg7[%dma_start3A_226, %dma_start3A_227] : memref<100000x64xf32, #tpu.memory_space<hbm>> -> memref<100000x64xf32, #tpu.memory_space<hbm>>
      tpu.enqueue_indirect_dma source(%dma_start3A_228 : memref<100000x64xf32, #tpu.memory_space<hbm>>) target(%dma_start3A_222 : memref<56x64xf32, #tpu.memory_space<vmem>>) offsets(%dma_start3A_225 : memref<56xi32, #tpu.memory_space<vmem>>) semaphore(%arg20 : memref<!tpu.dma_semaphore, #tpu.memory_space<semaphore_mem>>)
      %dma_start3A_229 = arith.constant 112 : i32
      %dma_start3A_230 = arith.constant 0 : i32
      %dma_start3A_231 = tpu.memref_slice %arg18[%rem3A_164, %dma_start3A_229, %dma_start3A_230] : memref<2x448x16xf32, #tpu.memory_space<vmem>> -> memref<1x56x16xf32, #tpu.memory_space<vmem>>
      %dma_start3A_232 = tpu.memref_squeeze %dma_start3A_231 : memref<1x56x16xf32, #tpu.memory_space<vmem>> -> memref<56x16xf32, #tpu.memory_space<vmem>>
      %dma_start3A_233 = arith.constant 0 : i32
      %dma_start3A_234 = tpu.memref_slice %arg16[%add3A_218, %dma_start3A_233] : memref<128x56xi32, #tpu.memory_space<vmem>> -> memref<1x56xi32, #tpu.memory_space<vmem>>
      %dma_start3A_235 = tpu.memref_squeeze %dma_start3A_234 : memref<1x56xi32, #tpu.memory_space<vmem>> -> memref<56xi32, #tpu.memory_space<vmem>>
      %dma_start3A_236 = arith.constant 0 : i32
      %dma_start3A_237 = arith.constant 0 : i32
      %dma_start3A_238 = tpu.memref_slice %arg9[%dma_start3A_236, %dma_start3A_237] : memref<100000x16xf32, #tpu.memory_space<hbm>> -> memref<100000x16xf32, #tpu.memory_space<hbm>>
      tpu.enqueue_indirect_dma source(%dma_start3A_238 : memref<100000x16xf32, #tpu.memory_space<hbm>>) target(%dma_start3A_232 : memref<56x16xf32, #tpu.memory_space<vmem>>) offsets(%dma_start3A_235 : memref<56xi32, #tpu.memory_space<vmem>>) semaphore(%arg21 : memref<!tpu.dma_semaphore, #tpu.memory_space<semaphore_mem>>)
      %mul3A_239 = arith.constant 8 : i32
      %mul3A_240 = arith.muli %add3A_163, %mul3A_239 : i32
      %add3A_241 = arith.constant 3 : i32
      %add3A_242 = arith.addi %mul3A_240, %add3A_241 : i32
      %dma_start3A_243 = arith.constant 168 : i32
      %dma_start3A_244 = arith.constant 0 : i32
      %dma_start3A_245 = tpu.memref_slice %arg17[%rem3A_164, %dma_start3A_243, %dma_start3A_244] : memref<2x448x64xf32, #tpu.memory_space<vmem>> -> memref<1x56x64xf32, #tpu.memory_space<vmem>>
      %dma_start3A_246 = tpu.memref_squeeze %dma_start3A_245 : memref<1x56x64xf32, #tpu.memory_space<vmem>> -> memref<56x64xf32, #tpu.memory_space<vmem>>
      %dma_start3A_247 = arith.constant 0 : i32
      %dma_start3A_248 = tpu.memref_slice %arg16[%add3A_242, %dma_start3A_247] : memref<128x56xi32, #tpu.memory_space<vmem>> -> memref<1x56xi32, #tpu.memory_space<vmem>>
      %dma_start3A_249 = tpu.memref_squeeze %dma_start3A_248 : memref<1x56xi32, #tpu.memory_space<vmem>> -> memref<56xi32, #tpu.memory_space<vmem>>
      %dma_start3A_250 = arith.constant 0 : i32
      %dma_start3A_251 = arith.constant 0 : i32
      %dma_start3A_252 = tpu.memref_slice %arg7[%dma_start3A_250, %dma_start3A_251] : memref<100000x64xf32, #tpu.memory_space<hbm>> -> memref<100000x64xf32, #tpu.memory_space<hbm>>
      tpu.enqueue_indirect_dma source(%dma_start3A_252 : memref<100000x64xf32, #tpu.memory_space<hbm>>) target(%dma_start3A_246 : memref<56x64xf32, #tpu.memory_space<vmem>>) offsets(%dma_start3A_249 : memref<56xi32, #tpu.memory_space<vmem>>) semaphore(%arg20 : memref<!tpu.dma_semaphore, #tpu.memory_space<semaphore_mem>>)
      %dma_start3A_253 = arith.constant 168 : i32
      %dma_start3A_254 = arith.constant 0 : i32
      %dma_start3A_255 = tpu.memref_slice %arg18[%rem3A_164, %dma_start3A_253, %dma_start3A_254] : memref<2x448x16xf32, #tpu.memory_space<vmem>> -> memref<1x56x16xf32, #tpu.memory_space<vmem>>
      %dma_start3A_256 = tpu.memref_squeeze %dma_start3A_255 : memref<1x56x16xf32, #tpu.memory_space<vmem>> -> memref<56x16xf32, #tpu.memory_space<vmem>>
      %dma_start3A_257 = arith.constant 0 : i32
      %dma_start3A_258 = tpu.memref_slice %arg16[%add3A_242, %dma_start3A_257] : memref<128x56xi32, #tpu.memory_space<vmem>> -> memref<1x56xi32, #tpu.memory_space<vmem>>
      %dma_start3A_259 = tpu.memref_squeeze %dma_start3A_258 : memref<1x56xi32, #tpu.memory_space<vmem>> -> memref<56xi32, #tpu.memory_space<vmem>>
      %dma_start3A_260 = arith.constant 0 : i32
      %dma_start3A_261 = arith.constant 0 : i32
      %dma_start3A_262 = tpu.memref_slice %arg9[%dma_start3A_260, %dma_start3A_261] : memref<100000x16xf32, #tpu.memory_space<hbm>> -> memref<100000x16xf32, #tpu.memory_space<hbm>>
      tpu.enqueue_indirect_dma source(%dma_start3A_262 : memref<100000x16xf32, #tpu.memory_space<hbm>>) target(%dma_start3A_256 : memref<56x16xf32, #tpu.memory_space<vmem>>) offsets(%dma_start3A_259 : memref<56xi32, #tpu.memory_space<vmem>>) semaphore(%arg21 : memref<!tpu.dma_semaphore, #tpu.memory_space<semaphore_mem>>)
      %mul3A_263 = arith.constant 8 : i32
      %mul3A_264 = arith.muli %add3A_163, %mul3A_263 : i32
      %add3A_265 = arith.constant 4 : i32
      %add3A_266 = arith.addi %mul3A_264, %add3A_265 : i32
      %dma_start3A_267 = arith.constant 224 : i32
      %dma_start3A_268 = arith.constant 0 : i32
      %dma_start3A_269 = tpu.memref_slice %arg17[%rem3A_164, %dma_start3A_267, %dma_start3A_268] : memref<2x448x64xf32, #tpu.memory_space<vmem>> -> memref<1x56x64xf32, #tpu.memory_space<vmem>>
      %dma_start3A_270 = tpu.memref_squeeze %dma_start3A_269 : memref<1x56x64xf32, #tpu.memory_space<vmem>> -> memref<56x64xf32, #tpu.memory_space<vmem>>
      %dma_start3A_271 = arith.constant 0 : i32
      %dma_start3A_272 = tpu.memref_slice %arg16[%add3A_266, %dma_start3A_271] : memref<128x56xi32, #tpu.memory_space<vmem>> -> memref<1x56xi32, #tpu.memory_space<vmem>>
      %dma_start3A_273 = tpu.memref_squeeze %dma_start3A_272 : memref<1x56xi32, #tpu.memory_space<vmem>> -> memref<56xi32, #tpu.memory_space<vmem>>
      %dma_start3A_274 = arith.constant 0 : i32
      %dma_start3A_275 = arith.constant 0 : i32
      %dma_start3A_276 = tpu.memref_slice %arg7[%dma_start3A_274, %dma_start3A_275] : memref<100000x64xf32, #tpu.memory_space<hbm>> -> memref<100000x64xf32, #tpu.memory_space<hbm>>
      tpu.enqueue_indirect_dma source(%dma_start3A_276 : memref<100000x64xf32, #tpu.memory_space<hbm>>) target(%dma_start3A_270 : memref<56x64xf32, #tpu.memory_space<vmem>>) offsets(%dma_start3A_273 : memref<56xi32, #tpu.memory_space<vmem>>) semaphore(%arg20 : memref<!tpu.dma_semaphore, #tpu.memory_space<semaphore_mem>>)
      %dma_start3A_277 = arith.constant 224 : i32
      %dma_start3A_278 = arith.constant 0 : i32
      %dma_start3A_279 = tpu.memref_slice %arg18[%rem3A_164, %dma_start3A_277, %dma_start3A_278] : memref<2x448x16xf32, #tpu.memory_space<vmem>> -> memref<1x56x16xf32, #tpu.memory_space<vmem>>
      %dma_start3A_280 = tpu.memref_squeeze %dma_start3A_279 : memref<1x56x16xf32, #tpu.memory_space<vmem>> -> memref<56x16xf32, #tpu.memory_space<vmem>>
      %dma_start3A_281 = arith.constant 0 : i32
      %dma_start3A_282 = tpu.memref_slice %arg16[%add3A_266, %dma_start3A_281] : memref<128x56xi32, #tpu.memory_space<vmem>> -> memref<1x56xi32, #tpu.memory_space<vmem>>
      %dma_start3A_283 = tpu.memref_squeeze %dma_start3A_282 : memref<1x56xi32, #tpu.memory_space<vmem>> -> memref<56xi32, #tpu.memory_space<vmem>>
      %dma_start3A_284 = arith.constant 0 : i32
      %dma_start3A_285 = arith.constant 0 : i32
      %dma_start3A_286 = tpu.memref_slice %arg9[%dma_start3A_284, %dma_start3A_285] : memref<100000x16xf32, #tpu.memory_space<hbm>> -> memref<100000x16xf32, #tpu.memory_space<hbm>>
      tpu.enqueue_indirect_dma source(%dma_start3A_286 : memref<100000x16xf32, #tpu.memory_space<hbm>>) target(%dma_start3A_280 : memref<56x16xf32, #tpu.memory_space<vmem>>) offsets(%dma_start3A_283 : memref<56xi32, #tpu.memory_space<vmem>>) semaphore(%arg21 : memref<!tpu.dma_semaphore, #tpu.memory_space<semaphore_mem>>)
      %mul3A_287 = arith.constant 8 : i32
      %mul3A_288 = arith.muli %add3A_163, %mul3A_287 : i32
      %add3A_289 = arith.constant 5 : i32
      %add3A_290 = arith.addi %mul3A_288, %add3A_289 : i32
      %dma_start3A_291 = arith.constant 280 : i32
      %dma_start3A_292 = arith.constant 0 : i32
      %dma_start3A_293 = tpu.memref_slice %arg17[%rem3A_164, %dma_start3A_291, %dma_start3A_292] : memref<2x448x64xf32, #tpu.memory_space<vmem>> -> memref<1x56x64xf32, #tpu.memory_space<vmem>>
      %dma_start3A_294 = tpu.memref_squeeze %dma_start3A_293 : memref<1x56x64xf32, #tpu.memory_space<vmem>> -> memref<56x64xf32, #tpu.memory_space<vmem>>
      %dma_start3A_295 = arith.constant 0 : i32
      %dma_start3A_296 = tpu.memref_slice %arg16[%add3A_290, %dma_start3A_295] : memref<128x56xi32, #tpu.memory_space<vmem>> -> memref<1x56xi32, #tpu.memory_space<vmem>>
      %dma_start3A_297 = tpu.memref_squeeze %dma_start3A_296 : memref<1x56xi32, #tpu.memory_space<vmem>> -> memref<56xi32, #tpu.memory_space<vmem>>
      %dma_start3A_298 = arith.constant 0 : i32
      %dma_start3A_299 = arith.constant 0 : i32
      %dma_start3A_300 = tpu.memref_slice %arg7[%dma_start3A_298, %dma_start3A_299] : memref<100000x64xf32, #tpu.memory_space<hbm>> -> memref<100000x64xf32, #tpu.memory_space<hbm>>
      tpu.enqueue_indirect_dma source(%dma_start3A_300 : memref<100000x64xf32, #tpu.memory_space<hbm>>) target(%dma_start3A_294 : memref<56x64xf32, #tpu.memory_space<vmem>>) offsets(%dma_start3A_297 : memref<56xi32, #tpu.memory_space<vmem>>) semaphore(%arg20 : memref<!tpu.dma_semaphore, #tpu.memory_space<semaphore_mem>>)
      %dma_start3A_301 = arith.constant 280 : i32
      %dma_start3A_302 = arith.constant 0 : i32
      %dma_start3A_303 = tpu.memref_slice %arg18[%rem3A_164, %dma_start3A_301, %dma_start3A_302] : memref<2x448x16xf32, #tpu.memory_space<vmem>> -> memref<1x56x16xf32, #tpu.memory_space<vmem>>
      %dma_start3A_304 = tpu.memref_squeeze %dma_start3A_303 : memref<1x56x16xf32, #tpu.memory_space<vmem>> -> memref<56x16xf32, #tpu.memory_space<vmem>>
      %dma_start3A_305 = arith.constant 0 : i32
      %dma_start3A_306 = tpu.memref_slice %arg16[%add3A_290, %dma_start3A_305] : memref<128x56xi32, #tpu.memory_space<vmem>> -> memref<1x56xi32, #tpu.memory_space<vmem>>
      %dma_start3A_307 = tpu.memref_squeeze %dma_start3A_306 : memref<1x56xi32, #tpu.memory_space<vmem>> -> memref<56xi32, #tpu.memory_space<vmem>>
      %dma_start3A_308 = arith.constant 0 : i32
      %dma_start3A_309 = arith.constant 0 : i32
      %dma_start3A_310 = tpu.memref_slice %arg9[%dma_start3A_308, %dma_start3A_309] : memref<100000x16xf32, #tpu.memory_space<hbm>> -> memref<100000x16xf32, #tpu.memory_space<hbm>>
      tpu.enqueue_indirect_dma source(%dma_start3A_310 : memref<100000x16xf32, #tpu.memory_space<hbm>>) target(%dma_start3A_304 : memref<56x16xf32, #tpu.memory_space<vmem>>) offsets(%dma_start3A_307 : memref<56xi32, #tpu.memory_space<vmem>>) semaphore(%arg21 : memref<!tpu.dma_semaphore, #tpu.memory_space<semaphore_mem>>)
      %mul3A_311 = arith.constant 8 : i32
      %mul3A_312 = arith.muli %add3A_163, %mul3A_311 : i32
      %add3A_313 = arith.constant 6 : i32
      %add3A_314 = arith.addi %mul3A_312, %add3A_313 : i32
      %dma_start3A_315 = arith.constant 336 : i32
      %dma_start3A_316 = arith.constant 0 : i32
      %dma_start3A_317 = tpu.memref_slice %arg17[%rem3A_164, %dma_start3A_315, %dma_start3A_316] : memref<2x448x64xf32, #tpu.memory_space<vmem>> -> memref<1x56x64xf32, #tpu.memory_space<vmem>>
      %dma_start3A_318 = tpu.memref_squeeze %dma_start3A_317 : memref<1x56x64xf32, #tpu.memory_space<vmem>> -> memref<56x64xf32, #tpu.memory_space<vmem>>
      %dma_start3A_319 = arith.constant 0 : i32
      %dma_start3A_320 = tpu.memref_slice %arg16[%add3A_314, %dma_start3A_319] : memref<128x56xi32, #tpu.memory_space<vmem>> -> memref<1x56xi32, #tpu.memory_space<vmem>>
      %dma_start3A_321 = tpu.memref_squeeze %dma_start3A_320 : memref<1x56xi32, #tpu.memory_space<vmem>> -> memref<56xi32, #tpu.memory_space<vmem>>
      %dma_start3A_322 = arith.constant 0 : i32
      %dma_start3A_323 = arith.constant 0 : i32
      %dma_start3A_324 = tpu.memref_slice %arg7[%dma_start3A_322, %dma_start3A_323] : memref<100000x64xf32, #tpu.memory_space<hbm>> -> memref<100000x64xf32, #tpu.memory_space<hbm>>
      tpu.enqueue_indirect_dma source(%dma_start3A_324 : memref<100000x64xf32, #tpu.memory_space<hbm>>) target(%dma_start3A_318 : memref<56x64xf32, #tpu.memory_space<vmem>>) offsets(%dma_start3A_321 : memref<56xi32, #tpu.memory_space<vmem>>) semaphore(%arg20 : memref<!tpu.dma_semaphore, #tpu.memory_space<semaphore_mem>>)
      %dma_start3A_325 = arith.constant 336 : i32
      %dma_start3A_326 = arith.constant 0 : i32
      %dma_start3A_327 = tpu.memref_slice %arg18[%rem3A_164, %dma_start3A_325, %dma_start3A_326] : memref<2x448x16xf32, #tpu.memory_space<vmem>> -> memref<1x56x16xf32, #tpu.memory_space<vmem>>
      %dma_start3A_328 = tpu.memref_squeeze %dma_start3A_327 : memref<1x56x16xf32, #tpu.memory_space<vmem>> -> memref<56x16xf32, #tpu.memory_space<vmem>>
      %dma_start3A_329 = arith.constant 0 : i32
      %dma_start3A_330 = tpu.memref_slice %arg16[%add3A_314, %dma_start3A_329] : memref<128x56xi32, #tpu.memory_space<vmem>> -> memref<1x56xi32, #tpu.memory_space<vmem>>
      %dma_start3A_331 = tpu.memref_squeeze %dma_start3A_330 : memref<1x56xi32, #tpu.memory_space<vmem>> -> memref<56xi32, #tpu.memory_space<vmem>>
      %dma_start3A_332 = arith.constant 0 : i32
      %dma_start3A_333 = arith.constant 0 : i32
      %dma_start3A_334 = tpu.memref_slice %arg9[%dma_start3A_332, %dma_start3A_333] : memref<100000x16xf32, #tpu.memory_space<hbm>> -> memref<100000x16xf32, #tpu.memory_space<hbm>>
      tpu.enqueue_indirect_dma source(%dma_start3A_334 : memref<100000x16xf32, #tpu.memory_space<hbm>>) target(%dma_start3A_328 : memref<56x16xf32, #tpu.memory_space<vmem>>) offsets(%dma_start3A_331 : memref<56xi32, #tpu.memory_space<vmem>>) semaphore(%arg21 : memref<!tpu.dma_semaphore, #tpu.memory_space<semaphore_mem>>)
      %mul3A_335 = arith.constant 8 : i32
      %mul3A_336 = arith.muli %add3A_163, %mul3A_335 : i32
      %add3A_337 = arith.constant 7 : i32
      %add3A_338 = arith.addi %mul3A_336, %add3A_337 : i32
      %dma_start3A_339 = arith.constant 392 : i32
      %dma_start3A_340 = arith.constant 0 : i32
      %dma_start3A_341 = tpu.memref_slice %arg17[%rem3A_164, %dma_start3A_339, %dma_start3A_340] : memref<2x448x64xf32, #tpu.memory_space<vmem>> -> memref<1x56x64xf32, #tpu.memory_space<vmem>>
      %dma_start3A_342 = tpu.memref_squeeze %dma_start3A_341 : memref<1x56x64xf32, #tpu.memory_space<vmem>> -> memref<56x64xf32, #tpu.memory_space<vmem>>
      %dma_start3A_343 = arith.constant 0 : i32
      %dma_start3A_344 = tpu.memref_slice %arg16[%add3A_338, %dma_start3A_343] : memref<128x56xi32, #tpu.memory_space<vmem>> -> memref<1x56xi32, #tpu.memory_space<vmem>>
      %dma_start3A_345 = tpu.memref_squeeze %dma_start3A_344 : memref<1x56xi32, #tpu.memory_space<vmem>> -> memref<56xi32, #tpu.memory_space<vmem>>
      %dma_start3A_346 = arith.constant 0 : i32
      %dma_start3A_347 = arith.constant 0 : i32
      %dma_start3A_348 = tpu.memref_slice %arg7[%dma_start3A_346, %dma_start3A_347] : memref<100000x64xf32, #tpu.memory_space<hbm>> -> memref<100000x64xf32, #tpu.memory_space<hbm>>
      tpu.enqueue_indirect_dma source(%dma_start3A_348 : memref<100000x64xf32, #tpu.memory_space<hbm>>) target(%dma_start3A_342 : memref<56x64xf32, #tpu.memory_space<vmem>>) offsets(%dma_start3A_345 : memref<56xi32, #tpu.memory_space<vmem>>) semaphore(%arg20 : memref<!tpu.dma_semaphore, #tpu.memory_space<semaphore_mem>>)
      %dma_start3A_349 = arith.constant 392 : i32
      %dma_start3A_350 = arith.constant 0 : i32
      %dma_start3A_351 = tpu.memref_slice %arg18[%rem3A_164, %dma_start3A_349, %dma_start3A_350] : memref<2x448x16xf32, #tpu.memory_space<vmem>> -> memref<1x56x16xf32, #tpu.memory_space<vmem>>
      %dma_start3A_352 = tpu.memref_squeeze %dma_start3A_351 : memref<1x56x16xf32, #tpu.memory_space<vmem>> -> memref<56x16xf32, #tpu.memory_space<vmem>>
      %dma_start3A_353 = arith.constant 0 : i32
      %dma_start3A_354 = tpu.memref_slice %arg16[%add3A_338, %dma_start3A_353] : memref<128x56xi32, #tpu.memory_space<vmem>> -> memref<1x56xi32, #tpu.memory_space<vmem>>
      %dma_start3A_355 = tpu.memref_squeeze %dma_start3A_354 : memref<1x56xi32, #tpu.memory_space<vmem>> -> memref<56xi32, #tpu.memory_space<vmem>>
      %dma_start3A_356 = arith.constant 0 : i32
      %dma_start3A_357 = arith.constant 0 : i32
      %dma_start3A_358 = tpu.memref_slice %arg9[%dma_start3A_356, %dma_start3A_357] : memref<100000x16xf32, #tpu.memory_space<hbm>> -> memref<100000x16xf32, #tpu.memory_space<hbm>>
      tpu.enqueue_indirect_dma source(%dma_start3A_358 : memref<100000x16xf32, #tpu.memory_space<hbm>>) target(%dma_start3A_352 : memref<56x16xf32, #tpu.memory_space<vmem>>) offsets(%dma_start3A_355 : memref<56xi32, #tpu.memory_space<vmem>>) semaphore(%arg21 : memref<!tpu.dma_semaphore, #tpu.memory_space<semaphore_mem>>)
      %dma_wait3A_359 = arith.constant 0 : i32
      %dma_wait3A_360 = arith.constant 0 : i32
      %dma_wait3A_361 = tpu.memref_slice %arg17[%rem3A_164, %dma_wait3A_359, %dma_wait3A_360] : memref<2x448x64xf32, #tpu.memory_space<vmem>> -> memref<1x56x64xf32, #tpu.memory_space<vmem>>
      %dma_wait3A_362 = tpu.memref_squeeze %dma_wait3A_361 : memref<1x56x64xf32, #tpu.memory_space<vmem>> -> memref<56x64xf32, #tpu.memory_space<vmem>>
      %dma_wait3A_363 = arith.constant 0 : i32
      %dma_wait3A_364 = arith.constant 0 : i32
      %dma_wait3A_365 = tpu.memref_slice %arg7[%dma_wait3A_363, %dma_wait3A_364] : memref<100000x64xf32, #tpu.memory_space<hbm>> -> memref<56x64xf32, #tpu.memory_space<hbm>>
      %dma_wait3A_366 = arith.constant 0 : i32
      %dma_wait3A_367 = arith.constant 0 : i32
      %dma_wait3A_368 = tpu.memref_slice %arg17[%rem3A_164, %dma_wait3A_366, %dma_wait3A_367] : memref<2x448x64xf32, #tpu.memory_space<vmem>> -> memref<1x56x64xf32, #tpu.memory_space<vmem>>
      %dma_wait3A_369 = tpu.memref_squeeze %dma_wait3A_368 : memref<1x56x64xf32, #tpu.memory_space<vmem>> -> memref<56x64xf32, #tpu.memory_space<vmem>>
      %dma_wait3A_370 = arith.constant 0 : i32
      %dma_wait3A_371 = arith.constant 0 : i32
      %dma_wait3A_372 = tpu.memref_slice %arg7[%dma_wait3A_370, %dma_wait3A_371] : memref<100000x64xf32, #tpu.memory_space<hbm>> -> memref<56x64xf32, #tpu.memory_space<hbm>>
      tpu.wait_dma2 semaphore(%arg20 : memref<!tpu.dma_semaphore, #tpu.memory_space<semaphore_mem>>) src(%dma_wait3A_372 : memref<56x64xf32, #tpu.memory_space<hbm>>) dst(%dma_wait3A_369 : memref<56x64xf32, #tpu.memory_space<vmem>>)
      %dma_wait3A_373 = arith.constant 0 : i32
      %dma_wait3A_374 = arith.constant 0 : i32
      %dma_wait3A_375 = tpu.memref_slice %arg18[%rem3A_164, %dma_wait3A_373, %dma_wait3A_374] : memref<2x448x16xf32, #tpu.memory_space<vmem>> -> memref<1x56x16xf32, #tpu.memory_space<vmem>>
      %dma_wait3A_376 = tpu.memref_squeeze %dma_wait3A_375 : memref<1x56x16xf32, #tpu.memory_space<vmem>> -> memref<56x16xf32, #tpu.memory_space<vmem>>
      %dma_wait3A_377 = arith.constant 0 : i32
      %dma_wait3A_378 = arith.constant 0 : i32
      %dma_wait3A_379 = tpu.memref_slice %arg9[%dma_wait3A_377, %dma_wait3A_378] : memref<100000x16xf32, #tpu.memory_space<hbm>> -> memref<56x16xf32, #tpu.memory_space<hbm>>
      %dma_wait3A_380 = arith.constant 0 : i32
      %dma_wait3A_381 = arith.constant 0 : i32
      %dma_wait3A_382 = tpu.memref_slice %arg18[%rem3A_164, %dma_wait3A_380, %dma_wait3A_381] : memref<2x448x16xf32, #tpu.memory_space<vmem>> -> memref<1x56x16xf32, #tpu.memory_space<vmem>>
      %dma_wait3A_383 = tpu.memref_squeeze %dma_wait3A_382 : memref<1x56x16xf32, #tpu.memory_space<vmem>> -> memref<56x16xf32, #tpu.memory_space<vmem>>
      %dma_wait3A_384 = arith.constant 0 : i32
      %dma_wait3A_385 = arith.constant 0 : i32
      %dma_wait3A_386 = tpu.memref_slice %arg9[%dma_wait3A_384, %dma_wait3A_385] : memref<100000x16xf32, #tpu.memory_space<hbm>> -> memref<56x16xf32, #tpu.memory_space<hbm>>
      tpu.wait_dma2 semaphore(%arg21 : memref<!tpu.dma_semaphore, #tpu.memory_space<semaphore_mem>>) src(%dma_wait3A_386 : memref<56x16xf32, #tpu.memory_space<hbm>>) dst(%dma_wait3A_383 : memref<56x16xf32, #tpu.memory_space<vmem>>)
      %dma_wait3A_387 = arith.constant 56 : i32
      %dma_wait3A_388 = arith.constant 0 : i32
      %dma_wait3A_389 = tpu.memref_slice %arg17[%rem3A_164, %dma_wait3A_387, %dma_wait3A_388] : memref<2x448x64xf32, #tpu.memory_space<vmem>> -> memref<1x56x64xf32, #tpu.memory_space<vmem>>
      %dma_wait3A_390 = tpu.memref_squeeze %dma_wait3A_389 : memref<1x56x64xf32, #tpu.memory_space<vmem>> -> memref<56x64xf32, #tpu.memory_space<vmem>>
      %dma_wait3A_391 = arith.constant 0 : i32
      %dma_wait3A_392 = arith.constant 0 : i32
      %dma_wait3A_393 = tpu.memref_slice %arg7[%dma_wait3A_391, %dma_wait3A_392] : memref<100000x64xf32, #tpu.memory_space<hbm>> -> memref<56x64xf32, #tpu.memory_space<hbm>>
      %dma_wait3A_394 = arith.constant 56 : i32
      %dma_wait3A_395 = arith.constant 0 : i32
      %dma_wait3A_396 = tpu.memref_slice %arg17[%rem3A_164, %dma_wait3A_394, %dma_wait3A_395] : memref<2x448x64xf32, #tpu.memory_space<vmem>> -> memref<1x56x64xf32, #tpu.memory_space<vmem>>
      %dma_wait3A_397 = tpu.memref_squeeze %dma_wait3A_396 : memref<1x56x64xf32, #tpu.memory_space<vmem>> -> memref<56x64xf32, #tpu.memory_space<vmem>>
      %dma_wait3A_398 = arith.constant 0 : i32
      %dma_wait3A_399 = arith.constant 0 : i32
      %dma_wait3A_400 = tpu.memref_slice %arg7[%dma_wait3A_398, %dma_wait3A_399] : memref<100000x64xf32, #tpu.memory_space<hbm>> -> memref<56x64xf32, #tpu.memory_space<hbm>>
      tpu.wait_dma2 semaphore(%arg20 : memref<!tpu.dma_semaphore, #tpu.memory_space<semaphore_mem>>) src(%dma_wait3A_400 : memref<56x64xf32, #tpu.memory_space<hbm>>) dst(%dma_wait3A_397 : memref<56x64xf32, #tpu.memory_space<vmem>>)
      %dma_wait3A_401 = arith.constant 56 : i32
      %dma_wait3A_402 = arith.constant 0 : i32
      %dma_wait3A_403 = tpu.memref_slice %arg18[%rem3A_164, %dma_wait3A_401, %dma_wait3A_402] : memref<2x448x16xf32, #tpu.memory_space<vmem>> -> memref<1x56x16xf32, #tpu.memory_space<vmem>>
      %dma_wait3A_404 = tpu.memref_squeeze %dma_wait3A_403 : memref<1x56x16xf32, #tpu.memory_space<vmem>> -> memref<56x16xf32, #tpu.memory_space<vmem>>
      %dma_wait3A_405 = arith.constant 0 : i32
      %dma_wait3A_406 = arith.constant 0 : i32
      %dma_wait3A_407 = tpu.memref_slice %arg9[%dma_wait3A_405, %dma_wait3A_406] : memref<100000x16xf32, #tpu.memory_space<hbm>> -> memref<56x16xf32, #tpu.memory_space<hbm>>
      %dma_wait3A_408 = arith.constant 56 : i32
      %dma_wait3A_409 = arith.constant 0 : i32
      %dma_wait3A_410 = tpu.memref_slice %arg18[%rem3A_164, %dma_wait3A_408, %dma_wait3A_409] : memref<2x448x16xf32, #tpu.memory_space<vmem>> -> memref<1x56x16xf32, #tpu.memory_space<vmem>>
      %dma_wait3A_411 = tpu.memref_squeeze %dma_wait3A_410 : memref<1x56x16xf32, #tpu.memory_space<vmem>> -> memref<56x16xf32, #tpu.memory_space<vmem>>
      %dma_wait3A_412 = arith.constant 0 : i32
      %dma_wait3A_413 = arith.constant 0 : i32
      %dma_wait3A_414 = tpu.memref_slice %arg9[%dma_wait3A_412, %dma_wait3A_413] : memref<100000x16xf32, #tpu.memory_space<hbm>> -> memref<56x16xf32, #tpu.memory_space<hbm>>
      tpu.wait_dma2 semaphore(%arg21 : memref<!tpu.dma_semaphore, #tpu.memory_space<semaphore_mem>>) src(%dma_wait3A_414 : memref<56x16xf32, #tpu.memory_space<hbm>>) dst(%dma_wait3A_411 : memref<56x16xf32, #tpu.memory_space<vmem>>)
      %dma_wait3A_415 = arith.constant 112 : i32
      %dma_wait3A_416 = arith.constant 0 : i32
      %dma_wait3A_417 = tpu.memref_slice %arg17[%rem3A_164, %dma_wait3A_415, %dma_wait3A_416] : memref<2x448x64xf32, #tpu.memory_space<vmem>> -> memref<1x56x64xf32, #tpu.memory_space<vmem>>
      %dma_wait3A_418 = tpu.memref_squeeze %dma_wait3A_417 : memref<1x56x64xf32, #tpu.memory_space<vmem>> -> memref<56x64xf32, #tpu.memory_space<vmem>>
      %dma_wait3A_419 = arith.constant 0 : i32
      %dma_wait3A_420 = arith.constant 0 : i32
      %dma_wait3A_421 = tpu.memref_slice %arg7[%dma_wait3A_419, %dma_wait3A_420] : memref<100000x64xf32, #tpu.memory_space<hbm>> -> memref<56x64xf32, #tpu.memory_space<hbm>>
      %dma_wait3A_422 = arith.constant 112 : i32
      %dma_wait3A_423 = arith.constant 0 : i32
      %dma_wait3A_424 = tpu.memref_slice %arg17[%rem3A_164, %dma_wait3A_422, %dma_wait3A_423] : memref<2x448x64xf32, #tpu.memory_space<vmem>> -> memref<1x56x64xf32, #tpu.memory_space<vmem>>
      %dma_wait3A_425 = tpu.memref_squeeze %dma_wait3A_424 : memref<1x56x64xf32, #tpu.memory_space<vmem>> -> memref<56x64xf32, #tpu.memory_space<vmem>>
      %dma_wait3A_426 = arith.constant 0 : i32
      %dma_wait3A_427 = arith.constant 0 : i32
      %dma_wait3A_428 = tpu.memref_slice %arg7[%dma_wait3A_426, %dma_wait3A_427] : memref<100000x64xf32, #tpu.memory_space<hbm>> -> memref<56x64xf32, #tpu.memory_space<hbm>>
      tpu.wait_dma2 semaphore(%arg20 : memref<!tpu.dma_semaphore, #tpu.memory_space<semaphore_mem>>) src(%dma_wait3A_428 : memref<56x64xf32, #tpu.memory_space<hbm>>) dst(%dma_wait3A_425 : memref<56x64xf32, #tpu.memory_space<vmem>>)
      %dma_wait3A_429 = arith.constant 112 : i32
      %dma_wait3A_430 = arith.constant 0 : i32
      %dma_wait3A_431 = tpu.memref_slice %arg18[%rem3A_164, %dma_wait3A_429, %dma_wait3A_430] : memref<2x448x16xf32, #tpu.memory_space<vmem>> -> memref<1x56x16xf32, #tpu.memory_space<vmem>>
      %dma_wait3A_432 = tpu.memref_squeeze %dma_wait3A_431 : memref<1x56x16xf32, #tpu.memory_space<vmem>> -> memref<56x16xf32, #tpu.memory_space<vmem>>
      %dma_wait3A_433 = arith.constant 0 : i32
      %dma_wait3A_434 = arith.constant 0 : i32
      %dma_wait3A_435 = tpu.memref_slice %arg9[%dma_wait3A_433, %dma_wait3A_434] : memref<100000x16xf32, #tpu.memory_space<hbm>> -> memref<56x16xf32, #tpu.memory_space<hbm>>
      %dma_wait3A_436 = arith.constant 112 : i32
      %dma_wait3A_437 = arith.constant 0 : i32
      %dma_wait3A_438 = tpu.memref_slice %arg18[%rem3A_164, %dma_wait3A_436, %dma_wait3A_437] : memref<2x448x16xf32, #tpu.memory_space<vmem>> -> memref<1x56x16xf32, #tpu.memory_space<vmem>>
      %dma_wait3A_439 = tpu.memref_squeeze %dma_wait3A_438 : memref<1x56x16xf32, #tpu.memory_space<vmem>> -> memref<56x16xf32, #tpu.memory_space<vmem>>
      %dma_wait3A_440 = arith.constant 0 : i32
      %dma_wait3A_441 = arith.constant 0 : i32
      %dma_wait3A_442 = tpu.memref_slice %arg9[%dma_wait3A_440, %dma_wait3A_441] : memref<100000x16xf32, #tpu.memory_space<hbm>> -> memref<56x16xf32, #tpu.memory_space<hbm>>
      tpu.wait_dma2 semaphore(%arg21 : memref<!tpu.dma_semaphore, #tpu.memory_space<semaphore_mem>>) src(%dma_wait3A_442 : memref<56x16xf32, #tpu.memory_space<hbm>>) dst(%dma_wait3A_439 : memref<56x16xf32, #tpu.memory_space<vmem>>)
      %dma_wait3A_443 = arith.constant 168 : i32
      %dma_wait3A_444 = arith.constant 0 : i32
      %dma_wait3A_445 = tpu.memref_slice %arg17[%rem3A_164, %dma_wait3A_443, %dma_wait3A_444] : memref<2x448x64xf32, #tpu.memory_space<vmem>> -> memref<1x56x64xf32, #tpu.memory_space<vmem>>
      %dma_wait3A_446 = tpu.memref_squeeze %dma_wait3A_445 : memref<1x56x64xf32, #tpu.memory_space<vmem>> -> memref<56x64xf32, #tpu.memory_space<vmem>>
      %dma_wait3A_447 = arith.constant 0 : i32
      %dma_wait3A_448 = arith.constant 0 : i32
      %dma_wait3A_449 = tpu.memref_slice %arg7[%dma_wait3A_447, %dma_wait3A_448] : memref<100000x64xf32, #tpu.memory_space<hbm>> -> memref<56x64xf32, #tpu.memory_space<hbm>>
      %dma_wait3A_450 = arith.constant 168 : i32
      %dma_wait3A_451 = arith.constant 0 : i32
      %dma_wait3A_452 = tpu.memref_slice %arg17[%rem3A_164, %dma_wait3A_450, %dma_wait3A_451] : memref<2x448x64xf32, #tpu.memory_space<vmem>> -> memref<1x56x64xf32, #tpu.memory_space<vmem>>
      %dma_wait3A_453 = tpu.memref_squeeze %dma_wait3A_452 : memref<1x56x64xf32, #tpu.memory_space<vmem>> -> memref<56x64xf32, #tpu.memory_space<vmem>>
      %dma_wait3A_454 = arith.constant 0 : i32
      %dma_wait3A_455 = arith.constant 0 : i32
      %dma_wait3A_456 = tpu.memref_slice %arg7[%dma_wait3A_454, %dma_wait3A_455] : memref<100000x64xf32, #tpu.memory_space<hbm>> -> memref<56x64xf32, #tpu.memory_space<hbm>>
      tpu.wait_dma2 semaphore(%arg20 : memref<!tpu.dma_semaphore, #tpu.memory_space<semaphore_mem>>) src(%dma_wait3A_456 : memref<56x64xf32, #tpu.memory_space<hbm>>) dst(%dma_wait3A_453 : memref<56x64xf32, #tpu.memory_space<vmem>>)
      %dma_wait3A_457 = arith.constant 168 : i32
      %dma_wait3A_458 = arith.constant 0 : i32
      %dma_wait3A_459 = tpu.memref_slice %arg18[%rem3A_164, %dma_wait3A_457, %dma_wait3A_458] : memref<2x448x16xf32, #tpu.memory_space<vmem>> -> memref<1x56x16xf32, #tpu.memory_space<vmem>>
      %dma_wait3A_460 = tpu.memref_squeeze %dma_wait3A_459 : memref<1x56x16xf32, #tpu.memory_space<vmem>> -> memref<56x16xf32, #tpu.memory_space<vmem>>
      %dma_wait3A_461 = arith.constant 0 : i32
      %dma_wait3A_462 = arith.constant 0 : i32
      %dma_wait3A_463 = tpu.memref_slice %arg9[%dma_wait3A_461, %dma_wait3A_462] : memref<100000x16xf32, #tpu.memory_space<hbm>> -> memref<56x16xf32, #tpu.memory_space<hbm>>
      %dma_wait3A_464 = arith.constant 168 : i32
      %dma_wait3A_465 = arith.constant 0 : i32
      %dma_wait3A_466 = tpu.memref_slice %arg18[%rem3A_164, %dma_wait3A_464, %dma_wait3A_465] : memref<2x448x16xf32, #tpu.memory_space<vmem>> -> memref<1x56x16xf32, #tpu.memory_space<vmem>>
      %dma_wait3A_467 = tpu.memref_squeeze %dma_wait3A_466 : memref<1x56x16xf32, #tpu.memory_space<vmem>> -> memref<56x16xf32, #tpu.memory_space<vmem>>
      %dma_wait3A_468 = arith.constant 0 : i32
      %dma_wait3A_469 = arith.constant 0 : i32
      %dma_wait3A_470 = tpu.memref_slice %arg9[%dma_wait3A_468, %dma_wait3A_469] : memref<100000x16xf32, #tpu.memory_space<hbm>> -> memref<56x16xf32, #tpu.memory_space<hbm>>
      tpu.wait_dma2 semaphore(%arg21 : memref<!tpu.dma_semaphore, #tpu.memory_space<semaphore_mem>>) src(%dma_wait3A_470 : memref<56x16xf32, #tpu.memory_space<hbm>>) dst(%dma_wait3A_467 : memref<56x16xf32, #tpu.memory_space<vmem>>)
      %dma_wait3A_471 = arith.constant 224 : i32
      %dma_wait3A_472 = arith.constant 0 : i32
      %dma_wait3A_473 = tpu.memref_slice %arg17[%rem3A_164, %dma_wait3A_471, %dma_wait3A_472] : memref<2x448x64xf32, #tpu.memory_space<vmem>> -> memref<1x56x64xf32, #tpu.memory_space<vmem>>
      %dma_wait3A_474 = tpu.memref_squeeze %dma_wait3A_473 : memref<1x56x64xf32, #tpu.memory_space<vmem>> -> memref<56x64xf32, #tpu.memory_space<vmem>>
      %dma_wait3A_475 = arith.constant 0 : i32
      %dma_wait3A_476 = arith.constant 0 : i32
      %dma_wait3A_477 = tpu.memref_slice %arg7[%dma_wait3A_475, %dma_wait3A_476] : memref<100000x64xf32, #tpu.memory_space<hbm>> -> memref<56x64xf32, #tpu.memory_space<hbm>>
      %dma_wait3A_478 = arith.constant 224 : i32
      %dma_wait3A_479 = arith.constant 0 : i32
      %dma_wait3A_480 = tpu.memref_slice %arg17[%rem3A_164, %dma_wait3A_478, %dma_wait3A_479] : memref<2x448x64xf32, #tpu.memory_space<vmem>> -> memref<1x56x64xf32, #tpu.memory_space<vmem>>
      %dma_wait3A_481 = tpu.memref_squeeze %dma_wait3A_480 : memref<1x56x64xf32, #tpu.memory_space<vmem>> -> memref<56x64xf32, #tpu.memory_space<vmem>>
      %dma_wait3A_482 = arith.constant 0 : i32
      %dma_wait3A_483 = arith.constant 0 : i32
      %dma_wait3A_484 = tpu.memref_slice %arg7[%dma_wait3A_482, %dma_wait3A_483] : memref<100000x64xf32, #tpu.memory_space<hbm>> -> memref<56x64xf32, #tpu.memory_space<hbm>>
      tpu.wait_dma2 semaphore(%arg20 : memref<!tpu.dma_semaphore, #tpu.memory_space<semaphore_mem>>) src(%dma_wait3A_484 : memref<56x64xf32, #tpu.memory_space<hbm>>) dst(%dma_wait3A_481 : memref<56x64xf32, #tpu.memory_space<vmem>>)
      %dma_wait3A_485 = arith.constant 224 : i32
      %dma_wait3A_486 = arith.constant 0 : i32
      %dma_wait3A_487 = tpu.memref_slice %arg18[%rem3A_164, %dma_wait3A_485, %dma_wait3A_486] : memref<2x448x16xf32, #tpu.memory_space<vmem>> -> memref<1x56x16xf32, #tpu.memory_space<vmem>>
      %dma_wait3A_488 = tpu.memref_squeeze %dma_wait3A_487 : memref<1x56x16xf32, #tpu.memory_space<vmem>> -> memref<56x16xf32, #tpu.memory_space<vmem>>
      %dma_wait3A_489 = arith.constant 0 : i32
      %dma_wait3A_490 = arith.constant 0 : i32
      %dma_wait3A_491 = tpu.memref_slice %arg9[%dma_wait3A_489, %dma_wait3A_490] : memref<100000x16xf32, #tpu.memory_space<hbm>> -> memref<56x16xf32, #tpu.memory_space<hbm>>
      %dma_wait3A_492 = arith.constant 224 : i32
      %dma_wait3A_493 = arith.constant 0 : i32
      %dma_wait3A_494 = tpu.memref_slice %arg18[%rem3A_164, %dma_wait3A_492, %dma_wait3A_493] : memref<2x448x16xf32, #tpu.memory_space<vmem>> -> memref<1x56x16xf32, #tpu.memory_space<vmem>>
      %dma_wait3A_495 = tpu.memref_squeeze %dma_wait3A_494 : memref<1x56x16xf32, #tpu.memory_space<vmem>> -> memref<56x16xf32, #tpu.memory_space<vmem>>
      %dma_wait3A_496 = arith.constant 0 : i32
      %dma_wait3A_497 = arith.constant 0 : i32
      %dma_wait3A_498 = tpu.memref_slice %arg9[%dma_wait3A_496, %dma_wait3A_497] : memref<100000x16xf32, #tpu.memory_space<hbm>> -> memref<56x16xf32, #tpu.memory_space<hbm>>
      tpu.wait_dma2 semaphore(%arg21 : memref<!tpu.dma_semaphore, #tpu.memory_space<semaphore_mem>>) src(%dma_wait3A_498 : memref<56x16xf32, #tpu.memory_space<hbm>>) dst(%dma_wait3A_495 : memref<56x16xf32, #tpu.memory_space<vmem>>)
      %dma_wait3A_499 = arith.constant 280 : i32
      %dma_wait3A_500 = arith.constant 0 : i32
      %dma_wait3A_501 = tpu.memref_slice %arg17[%rem3A_164, %dma_wait3A_499, %dma_wait3A_500] : memref<2x448x64xf32, #tpu.memory_space<vmem>> -> memref<1x56x64xf32, #tpu.memory_space<vmem>>
      %dma_wait3A_502 = tpu.memref_squeeze %dma_wait3A_501 : memref<1x56x64xf32, #tpu.memory_space<vmem>> -> memref<56x64xf32, #tpu.memory_space<vmem>>
      %dma_wait3A_503 = arith.constant 0 : i32
      %dma_wait3A_504 = arith.constant 0 : i32
      %dma_wait3A_505 = tpu.memref_slice %arg7[%dma_wait3A_503, %dma_wait3A_504] : memref<100000x64xf32, #tpu.memory_space<hbm>> -> memref<56x64xf32, #tpu.memory_space<hbm>>
      %dma_wait3A_506 = arith.constant 280 : i32
      %dma_wait3A_507 = arith.constant 0 : i32
      %dma_wait3A_508 = tpu.memref_slice %arg17[%rem3A_164, %dma_wait3A_506, %dma_wait3A_507] : memref<2x448x64xf32, #tpu.memory_space<vmem>> -> memref<1x56x64xf32, #tpu.memory_space<vmem>>
      %dma_wait3A_509 = tpu.memref_squeeze %dma_wait3A_508 : memref<1x56x64xf32, #tpu.memory_space<vmem>> -> memref<56x64xf32, #tpu.memory_space<vmem>>
      %dma_wait3A_510 = arith.constant 0 : i32
      %dma_wait3A_511 = arith.constant 0 : i32
      %dma_wait3A_512 = tpu.memref_slice %arg7[%dma_wait3A_510, %dma_wait3A_511] : memref<100000x64xf32, #tpu.memory_space<hbm>> -> memref<56x64xf32, #tpu.memory_space<hbm>>
      tpu.wait_dma2 semaphore(%arg20 : memref<!tpu.dma_semaphore, #tpu.memory_space<semaphore_mem>>) src(%dma_wait3A_512 : memref<56x64xf32, #tpu.memory_space<hbm>>) dst(%dma_wait3A_509 : memref<56x64xf32, #tpu.memory_space<vmem>>)
      %dma_wait3A_513 = arith.constant 280 : i32
      %dma_wait3A_514 = arith.constant 0 : i32
      %dma_wait3A_515 = tpu.memref_slice %arg18[%rem3A_164, %dma_wait3A_513, %dma_wait3A_514] : memref<2x448x16xf32, #tpu.memory_space<vmem>> -> memref<1x56x16xf32, #tpu.memory_space<vmem>>
      %dma_wait3A_516 = tpu.memref_squeeze %dma_wait3A_515 : memref<1x56x16xf32, #tpu.memory_space<vmem>> -> memref<56x16xf32, #tpu.memory_space<vmem>>
      %dma_wait3A_517 = arith.constant 0 : i32
      %dma_wait3A_518 = arith.constant 0 : i32
      %dma_wait3A_519 = tpu.memref_slice %arg9[%dma_wait3A_517, %dma_wait3A_518] : memref<100000x16xf32, #tpu.memory_space<hbm>> -> memref<56x16xf32, #tpu.memory_space<hbm>>
      %dma_wait3A_520 = arith.constant 280 : i32
      %dma_wait3A_521 = arith.constant 0 : i32
      %dma_wait3A_522 = tpu.memref_slice %arg18[%rem3A_164, %dma_wait3A_520, %dma_wait3A_521] : memref<2x448x16xf32, #tpu.memory_space<vmem>> -> memref<1x56x16xf32, #tpu.memory_space<vmem>>
      %dma_wait3A_523 = tpu.memref_squeeze %dma_wait3A_522 : memref<1x56x16xf32, #tpu.memory_space<vmem>> -> memref<56x16xf32, #tpu.memory_space<vmem>>
      %dma_wait3A_524 = arith.constant 0 : i32
      %dma_wait3A_525 = arith.constant 0 : i32
      %dma_wait3A_526 = tpu.memref_slice %arg9[%dma_wait3A_524, %dma_wait3A_525] : memref<100000x16xf32, #tpu.memory_space<hbm>> -> memref<56x16xf32, #tpu.memory_space<hbm>>
      tpu.wait_dma2 semaphore(%arg21 : memref<!tpu.dma_semaphore, #tpu.memory_space<semaphore_mem>>) src(%dma_wait3A_526 : memref<56x16xf32, #tpu.memory_space<hbm>>) dst(%dma_wait3A_523 : memref<56x16xf32, #tpu.memory_space<vmem>>)
      %dma_wait3A_527 = arith.constant 336 : i32
      %dma_wait3A_528 = arith.constant 0 : i32
      %dma_wait3A_529 = tpu.memref_slice %arg17[%rem3A_164, %dma_wait3A_527, %dma_wait3A_528] : memref<2x448x64xf32, #tpu.memory_space<vmem>> -> memref<1x56x64xf32, #tpu.memory_space<vmem>>
      %dma_wait3A_530 = tpu.memref_squeeze %dma_wait3A_529 : memref<1x56x64xf32, #tpu.memory_space<vmem>> -> memref<56x64xf32, #tpu.memory_space<vmem>>
      %dma_wait3A_531 = arith.constant 0 : i32
      %dma_wait3A_532 = arith.constant 0 : i32
      %dma_wait3A_533 = tpu.memref_slice %arg7[%dma_wait3A_531, %dma_wait3A_532] : memref<100000x64xf32, #tpu.memory_space<hbm>> -> memref<56x64xf32, #tpu.memory_space<hbm>>
      %dma_wait3A_534 = arith.constant 336 : i32
      %dma_wait3A_535 = arith.constant 0 : i32
      %dma_wait3A_536 = tpu.memref_slice %arg17[%rem3A_164, %dma_wait3A_534, %dma_wait3A_535] : memref<2x448x64xf32, #tpu.memory_space<vmem>> -> memref<1x56x64xf32, #tpu.memory_space<vmem>>
      %dma_wait3A_537 = tpu.memref_squeeze %dma_wait3A_536 : memref<1x56x64xf32, #tpu.memory_space<vmem>> -> memref<56x64xf32, #tpu.memory_space<vmem>>
      %dma_wait3A_538 = arith.constant 0 : i32
      %dma_wait3A_539 = arith.constant 0 : i32
      %dma_wait3A_540 = tpu.memref_slice %arg7[%dma_wait3A_538, %dma_wait3A_539] : memref<100000x64xf32, #tpu.memory_space<hbm>> -> memref<56x64xf32, #tpu.memory_space<hbm>>
      tpu.wait_dma2 semaphore(%arg20 : memref<!tpu.dma_semaphore, #tpu.memory_space<semaphore_mem>>) src(%dma_wait3A_540 : memref<56x64xf32, #tpu.memory_space<hbm>>) dst(%dma_wait3A_537 : memref<56x64xf32, #tpu.memory_space<vmem>>)
      %dma_wait3A_541 = arith.constant 336 : i32
      %dma_wait3A_542 = arith.constant 0 : i32
      %dma_wait3A_543 = tpu.memref_slice %arg18[%rem3A_164, %dma_wait3A_541, %dma_wait3A_542] : memref<2x448x16xf32, #tpu.memory_space<vmem>> -> memref<1x56x16xf32, #tpu.memory_space<vmem>>
      %dma_wait3A_544 = tpu.memref_squeeze %dma_wait3A_543 : memref<1x56x16xf32, #tpu.memory_space<vmem>> -> memref<56x16xf32, #tpu.memory_space<vmem>>
      %dma_wait3A_545 = arith.constant 0 : i32
      %dma_wait3A_546 = arith.constant 0 : i32
      %dma_wait3A_547 = tpu.memref_slice %arg9[%dma_wait3A_545, %dma_wait3A_546] : memref<100000x16xf32, #tpu.memory_space<hbm>> -> memref<56x16xf32, #tpu.memory_space<hbm>>
      %dma_wait3A_548 = arith.constant 336 : i32
      %dma_wait3A_549 = arith.constant 0 : i32
      %dma_wait3A_550 = tpu.memref_slice %arg18[%rem3A_164, %dma_wait3A_548, %dma_wait3A_549] : memref<2x448x16xf32, #tpu.memory_space<vmem>> -> memref<1x56x16xf32, #tpu.memory_space<vmem>>
      %dma_wait3A_551 = tpu.memref_squeeze %dma_wait3A_550 : memref<1x56x16xf32, #tpu.memory_space<vmem>> -> memref<56x16xf32, #tpu.memory_space<vmem>>
      %dma_wait3A_552 = arith.constant 0 : i32
      %dma_wait3A_553 = arith.constant 0 : i32
      %dma_wait3A_554 = tpu.memref_slice %arg9[%dma_wait3A_552, %dma_wait3A_553] : memref<100000x16xf32, #tpu.memory_space<hbm>> -> memref<56x16xf32, #tpu.memory_space<hbm>>
      tpu.wait_dma2 semaphore(%arg21 : memref<!tpu.dma_semaphore, #tpu.memory_space<semaphore_mem>>) src(%dma_wait3A_554 : memref<56x16xf32, #tpu.memory_space<hbm>>) dst(%dma_wait3A_551 : memref<56x16xf32, #tpu.memory_space<vmem>>)
      %dma_wait3A_555 = arith.constant 392 : i32
      %dma_wait3A_556 = arith.constant 0 : i32
      %dma_wait3A_557 = tpu.memref_slice %arg17[%rem3A_164, %dma_wait3A_555, %dma_wait3A_556] : memref<2x448x64xf32, #tpu.memory_space<vmem>> -> memref<1x56x64xf32, #tpu.memory_space<vmem>>
      %dma_wait3A_558 = tpu.memref_squeeze %dma_wait3A_557 : memref<1x56x64xf32, #tpu.memory_space<vmem>> -> memref<56x64xf32, #tpu.memory_space<vmem>>
      %dma_wait3A_559 = arith.constant 0 : i32
      %dma_wait3A_560 = arith.constant 0 : i32
      %dma_wait3A_561 = tpu.memref_slice %arg7[%dma_wait3A_559, %dma_wait3A_560] : memref<100000x64xf32, #tpu.memory_space<hbm>> -> memref<56x64xf32, #tpu.memory_space<hbm>>
      %dma_wait3A_562 = arith.constant 392 : i32
      %dma_wait3A_563 = arith.constant 0 : i32
      %dma_wait3A_564 = tpu.memref_slice %arg17[%rem3A_164, %dma_wait3A_562, %dma_wait3A_563] : memref<2x448x64xf32, #tpu.memory_space<vmem>> -> memref<1x56x64xf32, #tpu.memory_space<vmem>>
      %dma_wait3A_565 = tpu.memref_squeeze %dma_wait3A_564 : memref<1x56x64xf32, #tpu.memory_space<vmem>> -> memref<56x64xf32, #tpu.memory_space<vmem>>
      %dma_wait3A_566 = arith.constant 0 : i32
      %dma_wait3A_567 = arith.constant 0 : i32
      %dma_wait3A_568 = tpu.memref_slice %arg7[%dma_wait3A_566, %dma_wait3A_567] : memref<100000x64xf32, #tpu.memory_space<hbm>> -> memref<56x64xf32, #tpu.memory_space<hbm>>
      tpu.wait_dma2 semaphore(%arg20 : memref<!tpu.dma_semaphore, #tpu.memory_space<semaphore_mem>>) src(%dma_wait3A_568 : memref<56x64xf32, #tpu.memory_space<hbm>>) dst(%dma_wait3A_565 : memref<56x64xf32, #tpu.memory_space<vmem>>)
      %dma_wait3A_569 = arith.constant 392 : i32
      %dma_wait3A_570 = arith.constant 0 : i32
      %dma_wait3A_571 = tpu.memref_slice %arg18[%rem3A_164, %dma_wait3A_569, %dma_wait3A_570] : memref<2x448x16xf32, #tpu.memory_space<vmem>> -> memref<1x56x16xf32, #tpu.memory_space<vmem>>
      %dma_wait3A_572 = tpu.memref_squeeze %dma_wait3A_571 : memref<1x56x16xf32, #tpu.memory_space<vmem>> -> memref<56x16xf32, #tpu.memory_space<vmem>>
      %dma_wait3A_573 = arith.constant 0 : i32
      %dma_wait3A_574 = arith.constant 0 : i32
      %dma_wait3A_575 = tpu.memref_slice %arg9[%dma_wait3A_573, %dma_wait3A_574] : memref<100000x16xf32, #tpu.memory_space<hbm>> -> memref<56x16xf32, #tpu.memory_space<hbm>>
      %dma_wait3A_576 = arith.constant 392 : i32
      %dma_wait3A_577 = arith.constant 0 : i32
      %dma_wait3A_578 = tpu.memref_slice %arg18[%rem3A_164, %dma_wait3A_576, %dma_wait3A_577] : memref<2x448x16xf32, #tpu.memory_space<vmem>> -> memref<1x56x16xf32, #tpu.memory_space<vmem>>
      %dma_wait3A_579 = tpu.memref_squeeze %dma_wait3A_578 : memref<1x56x16xf32, #tpu.memory_space<vmem>> -> memref<56x16xf32, #tpu.memory_space<vmem>>
      %dma_wait3A_580 = arith.constant 0 : i32
      %dma_wait3A_581 = arith.constant 0 : i32
      %dma_wait3A_582 = tpu.memref_slice %arg9[%dma_wait3A_580, %dma_wait3A_581] : memref<100000x16xf32, #tpu.memory_space<hbm>> -> memref<56x16xf32, #tpu.memory_space<hbm>>
      tpu.wait_dma2 semaphore(%arg21 : memref<!tpu.dma_semaphore, #tpu.memory_space<semaphore_mem>>) src(%dma_wait3A_582 : memref<56x16xf32, #tpu.memory_space<hbm>>) dst(%dma_wait3A_579 : memref<56x16xf32, #tpu.memory_space<vmem>>)
      %mul3A_583 = arith.constant 8 : i32
      %mul3A_584 = arith.muli %add3A_163, %mul3A_583 : i32
      %add3A_585 = arith.addi %mul3A_2, %mul3A_584 : i32
      %mul3A_586 = arith.constant 56 : i32
      %mul3A_587 = arith.muli %add3A_585, %mul3A_586 : i32
      %dma_start3A_588 = arith.constant 0 : i32
      %dma_start3A_589 = arith.constant 0 : i32
      %dma_start3A_590 = tpu.memref_slice %arg17[%rem3A_164, %dma_start3A_588, %dma_start3A_589] : memref<2x448x64xf32, #tpu.memory_space<vmem>> -> memref<1x448x64xf32, #tpu.memory_space<vmem>>
      %dma_start3A_591 = tpu.memref_squeeze %dma_start3A_590 : memref<1x448x64xf32, #tpu.memory_space<vmem>> -> memref<448x64xf32, #tpu.memory_space<vmem>>
      %dma_start3A_592 = arith.constant 0 : i32
      %dma_start3A_593 = tpu.memref_slice %arg12[%mul3A_587, %dma_start3A_592] : memref<229376x64xf32, #tpu.memory_space<hbm>> -> memref<448x64xf32, #tpu.memory_space<hbm>>
      %dma_start3A_594 = arith.constant 0 : i32
      %dma_start3A_595 = tpu.memref_slice %arg12[%mul3A_587, %dma_start3A_594] : memref<229376x64xf32, #tpu.memory_space<hbm>> -> memref<448x64xf32, #tpu.memory_space<hbm>>
      %dma_start3A_596 = arith.constant 0 : i32
      %dma_start3A_597 = arith.constant 0 : i32
      %dma_start3A_598 = tpu.memref_slice %arg17[%rem3A_164, %dma_start3A_596, %dma_start3A_597] : memref<2x448x64xf32, #tpu.memory_space<vmem>> -> memref<1x448x64xf32, #tpu.memory_space<vmem>>
      %dma_start3A_599 = tpu.memref_squeeze %dma_start3A_598 : memref<1x448x64xf32, #tpu.memory_space<vmem>> -> memref<448x64xf32, #tpu.memory_space<vmem>>
      tpu.enqueue_dma source(%dma_start3A_599 : memref<448x64xf32, #tpu.memory_space<vmem>>) target(%dma_start3A_595 : memref<448x64xf32, #tpu.memory_space<hbm>>) target_semaphore(%arg22 : memref<!tpu.dma_semaphore, #tpu.memory_space<semaphore_mem>>)
      %dma_start3A_600 = arith.constant 0 : i32
      %dma_start3A_601 = arith.constant 0 : i32
      %dma_start3A_602 = tpu.memref_slice %arg18[%rem3A_164, %dma_start3A_600, %dma_start3A_601] : memref<2x448x16xf32, #tpu.memory_space<vmem>> -> memref<1x448x16xf32, #tpu.memory_space<vmem>>
      %dma_start3A_603 = tpu.memref_squeeze %dma_start3A_602 : memref<1x448x16xf32, #tpu.memory_space<vmem>> -> memref<448x16xf32, #tpu.memory_space<vmem>>
      %dma_start3A_604 = arith.constant 0 : i32
      %dma_start3A_605 = tpu.memref_slice %arg13[%mul3A_587, %dma_start3A_604] : memref<229376x16xf32, #tpu.memory_space<hbm>> -> memref<448x16xf32, #tpu.memory_space<hbm>>
      %dma_start3A_606 = arith.constant 0 : i32
      %dma_start3A_607 = tpu.memref_slice %arg13[%mul3A_587, %dma_start3A_606] : memref<229376x16xf32, #tpu.memory_space<hbm>> -> memref<448x16xf32, #tpu.memory_space<hbm>>
      %dma_start3A_608 = arith.constant 0 : i32
      %dma_start3A_609 = arith.constant 0 : i32
      %dma_start3A_610 = tpu.memref_slice %arg18[%rem3A_164, %dma_start3A_608, %dma_start3A_609] : memref<2x448x16xf32, #tpu.memory_space<vmem>> -> memref<1x448x16xf32, #tpu.memory_space<vmem>>
      %dma_start3A_611 = tpu.memref_squeeze %dma_start3A_610 : memref<1x448x16xf32, #tpu.memory_space<vmem>> -> memref<448x16xf32, #tpu.memory_space<vmem>>
      tpu.enqueue_dma source(%dma_start3A_611 : memref<448x16xf32, #tpu.memory_space<vmem>>) target(%dma_start3A_607 : memref<448x16xf32, #tpu.memory_space<hbm>>) target_semaphore(%arg22 : memref<!tpu.dma_semaphore, #tpu.memory_space<semaphore_mem>>)
    }
    %scan3A_98 = arith.constant 16 : i32
    %dma_wait3A_99 = arith.constant 0 : i32
    %dma_wait3A_100 = arith.constant 0 : i32
    %dma_wait3A_101 = arith.constant 0 : i32
    %dma_wait3A_102 = tpu.memref_slice %arg17[%dma_wait3A_99, %dma_wait3A_100, %dma_wait3A_101] : memref<2x448x64xf32, #tpu.memory_space<vmem>> -> memref<1x448x64xf32, #tpu.memory_space<vmem>>
    %dma_wait3A_103 = tpu.memref_squeeze %dma_wait3A_102 : memref<1x448x64xf32, #tpu.memory_space<vmem>> -> memref<448x64xf32, #tpu.memory_space<vmem>>
    %dma_wait3A_104 = arith.constant 0 : i32
    %dma_wait3A_105 = arith.constant 0 : i32
    %dma_wait3A_106 = tpu.memref_slice %arg12[%dma_wait3A_104, %dma_wait3A_105] : memref<229376x64xf32, #tpu.memory_space<hbm>> -> memref<448x64xf32, #tpu.memory_space<hbm>>
    %dma_wait3A_107 = arith.constant 0 : i32
    %dma_wait3A_108 = arith.constant 0 : i32
    %dma_wait3A_109 = tpu.memref_slice %arg12[%dma_wait3A_107, %dma_wait3A_108] : memref<229376x64xf32, #tpu.memory_space<hbm>> -> memref<448x64xf32, #tpu.memory_space<hbm>>
    %dma_wait3A_110 = arith.constant 0 : i32
    %dma_wait3A_111 = arith.constant 0 : i32
    %dma_wait3A_112 = tpu.memref_slice %arg17[%dma_wait3A_99, %dma_wait3A_110, %dma_wait3A_111] : memref<2x448x64xf32, #tpu.memory_space<vmem>> -> memref<1x448x64xf32, #tpu.memory_space<vmem>>
    %dma_wait3A_113 = tpu.memref_squeeze %dma_wait3A_112 : memref<1x448x64xf32, #tpu.memory_space<vmem>> -> memref<448x64xf32, #tpu.memory_space<vmem>>
    tpu.wait_dma2 semaphore(%arg22 : memref<!tpu.dma_semaphore, #tpu.memory_space<semaphore_mem>>) src(%dma_wait3A_113 : memref<448x64xf32, #tpu.memory_space<vmem>>) dst(%dma_wait3A_109 : memref<448x64xf32, #tpu.memory_space<hbm>>)
    %dma_wait3A_114 = arith.constant 0 : i32
    %dma_wait3A_115 = arith.constant 0 : i32
    %dma_wait3A_116 = arith.constant 0 : i32
    %dma_wait3A_117 = tpu.memref_slice %arg18[%dma_wait3A_114, %dma_wait3A_115, %dma_wait3A_116] : memref<2x448x16xf32, #tpu.memory_space<vmem>> -> memref<1x448x16xf32, #tpu.memory_space<vmem>>
    %dma_wait3A_118 = tpu.memref_squeeze %dma_wait3A_117 : memref<1x448x16xf32, #tpu.memory_space<vmem>> -> memref<448x16xf32, #tpu.memory_space<vmem>>
    %dma_wait3A_119 = arith.constant 0 : i32
    %dma_wait3A_120 = arith.constant 0 : i32
    %dma_wait3A_121 = tpu.memref_slice %arg13[%dma_wait3A_119, %dma_wait3A_120] : memref<229376x16xf32, #tpu.memory_space<hbm>> -> memref<448x16xf32, #tpu.memory_space<hbm>>
    %dma_wait3A_122 = arith.constant 0 : i32
    %dma_wait3A_123 = arith.constant 0 : i32
    %dma_wait3A_124 = tpu.memref_slice %arg13[%dma_wait3A_122, %dma_wait3A_123] : memref<229376x16xf32, #tpu.memory_space<hbm>> -> memref<448x16xf32, #tpu.memory_space<hbm>>
    %dma_wait3A_125 = arith.constant 0 : i32
    %dma_wait3A_126 = arith.constant 0 : i32
    %dma_wait3A_127 = tpu.memref_slice %arg18[%dma_wait3A_114, %dma_wait3A_125, %dma_wait3A_126] : memref<2x448x16xf32, #tpu.memory_space<vmem>> -> memref<1x448x16xf32, #tpu.memory_space<vmem>>
    %dma_wait3A_128 = tpu.memref_squeeze %dma_wait3A_127 : memref<1x448x16xf32, #tpu.memory_space<vmem>> -> memref<448x16xf32, #tpu.memory_space<vmem>>
    tpu.wait_dma2 semaphore(%arg22 : memref<!tpu.dma_semaphore, #tpu.memory_space<semaphore_mem>>) src(%dma_wait3A_128 : memref<448x16xf32, #tpu.memory_space<vmem>>) dst(%dma_wait3A_124 : memref<448x16xf32, #tpu.memory_space<hbm>>)
    %dma_wait3A_129 = arith.constant 1 : i32
    %dma_wait3A_130 = arith.constant 0 : i32
    %dma_wait3A_131 = arith.constant 0 : i32
    %dma_wait3A_132 = tpu.memref_slice %arg17[%dma_wait3A_129, %dma_wait3A_130, %dma_wait3A_131] : memref<2x448x64xf32, #tpu.memory_space<vmem>> -> memref<1x448x64xf32, #tpu.memory_space<vmem>>
    %dma_wait3A_133 = tpu.memref_squeeze %dma_wait3A_132 : memref<1x448x64xf32, #tpu.memory_space<vmem>> -> memref<448x64xf32, #tpu.memory_space<vmem>>
    %dma_wait3A_134 = arith.constant 0 : i32
    %dma_wait3A_135 = arith.constant 0 : i32
    %dma_wait3A_136 = tpu.memref_slice %arg12[%dma_wait3A_134, %dma_wait3A_135] : memref<229376x64xf32, #tpu.memory_space<hbm>> -> memref<448x64xf32, #tpu.memory_space<hbm>>
    %dma_wait3A_137 = arith.constant 0 : i32
    %dma_wait3A_138 = arith.constant 0 : i32
    %dma_wait3A_139 = tpu.memref_slice %arg12[%dma_wait3A_137, %dma_wait3A_138] : memref<229376x64xf32, #tpu.memory_space<hbm>> -> memref<448x64xf32, #tpu.memory_space<hbm>>
    %dma_wait3A_140 = arith.constant 0 : i32
    %dma_wait3A_141 = arith.constant 0 : i32
    %dma_wait3A_142 = tpu.memref_slice %arg17[%dma_wait3A_129, %dma_wait3A_140, %dma_wait3A_141] : memref<2x448x64xf32, #tpu.memory_space<vmem>> -> memref<1x448x64xf32, #tpu.memory_space<vmem>>
    %dma_wait3A_143 = tpu.memref_squeeze %dma_wait3A_142 : memref<1x448x64xf32, #tpu.memory_space<vmem>> -> memref<448x64xf32, #tpu.memory_space<vmem>>
    tpu.wait_dma2 semaphore(%arg22 : memref<!tpu.dma_semaphore, #tpu.memory_space<semaphore_mem>>) src(%dma_wait3A_143 : memref<448x64xf32, #tpu.memory_space<vmem>>) dst(%dma_wait3A_139 : memref<448x64xf32, #tpu.memory_space<hbm>>)
    %dma_wait3A_144 = arith.constant 1 : i32
    %dma_wait3A_145 = arith.constant 0 : i32
    %dma_wait3A_146 = arith.constant 0 : i32
    %dma_wait3A_147 = tpu.memref_slice %arg18[%dma_wait3A_144, %dma_wait3A_145, %dma_wait3A_146] : memref<2x448x16xf32, #tpu.memory_space<vmem>> -> memref<1x448x16xf32, #tpu.memory_space<vmem>>
    %dma_wait3A_148 = tpu.memref_squeeze %dma_wait3A_147 : memref<1x448x16xf32, #tpu.memory_space<vmem>> -> memref<448x16xf32, #tpu.memory_space<vmem>>
    %dma_wait3A_149 = arith.constant 0 : i32
    %dma_wait3A_150 = arith.constant 0 : i32
    %dma_wait3A_151 = tpu.memref_slice %arg13[%dma_wait3A_149, %dma_wait3A_150] : memref<229376x16xf32, #tpu.memory_space<hbm>> -> memref<448x16xf32, #tpu.memory_space<hbm>>
    %dma_wait3A_152 = arith.constant 0 : i32
    %dma_wait3A_153 = arith.constant 0 : i32
    %dma_wait3A_154 = tpu.memref_slice %arg13[%dma_wait3A_152, %dma_wait3A_153] : memref<229376x16xf32, #tpu.memory_space<hbm>> -> memref<448x16xf32, #tpu.memory_space<hbm>>
    %dma_wait3A_155 = arith.constant 0 : i32
    %dma_wait3A_156 = arith.constant 0 : i32
    %dma_wait3A_157 = tpu.memref_slice %arg18[%dma_wait3A_144, %dma_wait3A_155, %dma_wait3A_156] : memref<2x448x16xf32, #tpu.memory_space<vmem>> -> memref<1x448x16xf32, #tpu.memory_space<vmem>>
    %dma_wait3A_158 = tpu.memref_squeeze %dma_wait3A_157 : memref<1x448x16xf32, #tpu.memory_space<vmem>> -> memref<448x16xf32, #tpu.memory_space<vmem>>
    tpu.wait_dma2 semaphore(%arg22 : memref<!tpu.dma_semaphore, #tpu.memory_space<semaphore_mem>>) src(%dma_wait3A_158 : memref<448x16xf32, #tpu.memory_space<vmem>>) dst(%dma_wait3A_154 : memref<448x16xf32, #tpu.memory_space<hbm>>)
    return
  }
}

module attributes {stable_mosaic.version = 14 : i64} {
  func.func @_mlp_body(%arg0: i32, %arg1: memref<1792x128xf32, #tpu.memory_space<vmem>>, %arg2: memref<3584x16xf32, #tpu.memory_space<vmem>>, %arg3: memref<1792x128xf32, #tpu.memory_space<vmem>>, %arg4: memref<3584x16xf32, #tpu.memory_space<vmem>>, %arg5: memref<32x16xf32, #tpu.memory_space<vmem>>, %arg6: memref<1x16xf32, #tpu.memory_space<vmem>>, %arg7: memref<16x8xf32, #tpu.memory_space<vmem>>, %arg8: memref<1x8xf32, #tpu.memory_space<vmem>>, %arg9: memref<8x1xf32, #tpu.memory_space<vmem>>, %arg10: memref<1x1xf32, #tpu.memory_space<vmem>>, %arg11: memref<1x1x64xf32, #tpu.memory_space<vmem>>) attributes {dimension_semantics = [#tpu.dimension_semantics<arbitrary>], iteration_bounds = array<i64: 64>, scalar_prefetch = 0 : i64, scratch_operands = 0 : i64, tpu.core_type = #tpu.core_type<tc>, window_params = [{transform_indices = @transform_0, window_bounds = array<i64: 1792, 128>}, {transform_indices = @transform_1, window_bounds = array<i64: 3584, 16>}, {transform_indices = @transform_2, window_bounds = array<i64: 1792, 128>}, {transform_indices = @transform_3, window_bounds = array<i64: 3584, 16>}, {pipeline_mode = #tpu.pipeline_mode<synchronous>, transform_indices = @transform_4, window_bounds = array<i64: 32, 16>}, {pipeline_mode = #tpu.pipeline_mode<synchronous>, transform_indices = @transform_5, window_bounds = array<i64: 1, 16>}, {pipeline_mode = #tpu.pipeline_mode<synchronous>, transform_indices = @transform_6, window_bounds = array<i64: 16, 8>}, {pipeline_mode = #tpu.pipeline_mode<synchronous>, transform_indices = @transform_7, window_bounds = array<i64: 1, 8>}, {pipeline_mode = #tpu.pipeline_mode<synchronous>, transform_indices = @transform_8, window_bounds = array<i64: 8, 1>}, {pipeline_mode = #tpu.pipeline_mode<synchronous>, transform_indices = @transform_9, window_bounds = array<i64: 1, 1>}, {transform_indices = @transform_10, window_bounds = array<i64: 1, 1, 64>}]} {
    %get3A = arith.constant 0 : index
    %get3A_0 = arith.constant 0 : index
    %get3A_1 = vector.load %arg5[%get3A, %get3A_0] : memref<32x16xf32, #tpu.memory_space<vmem>>, vector<32x16xf32>
    %get3A_2 = arith.constant 0 : index
    %get3A_3 = arith.constant 0 : index
    %get3A_4 = vector.load %arg2[%get3A_2, %get3A_3] : memref<3584x16xf32, #tpu.memory_space<vmem>>, vector<3584x16xf32>
    %slice3A = vector.extract_strided_slice %get3A_1 {offsets = [0, 0], sizes = [16, 16], strides = [1, 1]} : vector<32x16xf32> to vector<16x16xf32>
    %dot_general3A = arith.constant dense<0.000000e+00> : vector<3584x16xf32>
    %dot_general3A_5 = tpu.matmul %get3A_4, %slice3A, %dot_general3A {dimension_numbers = #tpu.dot_dimension_numbers<[1], [0], [0], [1], [0, 0, 1, 1], [], []>, transpose_lhs_hint = false} : vector<3584x16xf32>, vector<16x16xf32>, vector<3584x16xf32> -> vector<3584x16xf32>
    %get3A_6 = arith.constant 0 : index
    %get3A_7 = arith.constant 0 : index
    %get3A_8 = vector.load %arg4[%get3A_6, %get3A_7] : memref<3584x16xf32, #tpu.memory_space<vmem>>, vector<3584x16xf32>
    %slice3A_9 = vector.extract_strided_slice %get3A_1 {offsets = [16, 0], sizes = [16, 16], strides = [1, 1]} : vector<32x16xf32> to vector<16x16xf32>
    %dot_general3A_10 = arith.constant dense<0.000000e+00> : vector<3584x16xf32>
    %dot_general3A_11 = tpu.matmul %get3A_8, %slice3A_9, %dot_general3A_10 {dimension_numbers = #tpu.dot_dimension_numbers<[1], [0], [0], [1], [0, 0, 1, 1], [], []>, transpose_lhs_hint = false} : vector<3584x16xf32>, vector<16x16xf32>, vector<3584x16xf32> -> vector<3584x16xf32>
    %get3A_12 = arith.constant 0 : index
    %get3A_13 = arith.constant 0 : index
    %get3A_14 = vector.load %arg1[%get3A_12, %get3A_13] : memref<1792x128xf32, #tpu.memory_space<vmem>>, vector<1792x128xf32>
    %get3A_15 = arith.constant 0 : index
    %get3A_16 = arith.constant 0 : index
    %get3A_17 = vector.load %arg3[%get3A_15, %get3A_16] : memref<1792x128xf32, #tpu.memory_space<vmem>>, vector<1792x128xf32>
    %slice3A_18 = vector.extract_strided_slice %get3A_14 {offsets = [0, 0], sizes = [28, 128], strides = [1, 1]} : vector<1792x128xf32> to vector<28x128xf32>
    %slice3A_19 = vector.extract_strided_slice %get3A_17 {offsets = [0, 0], sizes = [28, 128], strides = [1, 1]} : vector<1792x128xf32> to vector<28x128xf32>
    %slice3A_20 = vector.extract_strided_slice %dot_general3A_5 {offsets = [0, 0], sizes = [56, 16], strides = [1, 1]} : vector<3584x16xf32> to vector<56x16xf32>
    %slice3A_21 = vector.extract_strided_slice %dot_general3A_11 {offsets = [0, 0], sizes = [56, 16], strides = [1, 1]} : vector<3584x16xf32> to vector<56x16xf32>
    %slice3A_22 = vector.extract_strided_slice %slice3A_18 {offsets = [0, 0], sizes = [28, 56], strides = [1, 1]} : vector<28x128xf32> to vector<28x56xf32>
    %dot_general3A_23 = arith.constant dense<0.000000e+00> : vector<28x16xf32>
    %dot_general3A_24 = tpu.matmul %slice3A_22, %slice3A_20, %dot_general3A_23 {dimension_numbers = #tpu.dot_dimension_numbers<[1], [0], [0], [1], [0, 0, 1, 1], [], []>, transpose_lhs_hint = false} : vector<28x56xf32>, vector<56x16xf32>, vector<28x16xf32> -> vector<28x16xf32>
    %slice3A_25 = vector.extract_strided_slice %slice3A_19 {offsets = [0, 0], sizes = [28, 56], strides = [1, 1]} : vector<28x128xf32> to vector<28x56xf32>
    %dot_general3A_26 = arith.constant dense<0.000000e+00> : vector<28x16xf32>
    %dot_general3A_27 = tpu.matmul %slice3A_25, %slice3A_21, %dot_general3A_26 {dimension_numbers = #tpu.dot_dimension_numbers<[1], [0], [0], [1], [0, 0, 1, 1], [], []>, transpose_lhs_hint = false} : vector<28x56xf32>, vector<56x16xf32>, vector<28x16xf32> -> vector<28x16xf32>
    %add3A = arith.addf %dot_general3A_24, %dot_general3A_27 : vector<28x16xf32>
    %slice3A_28 = vector.extract_strided_slice %slice3A_18 {offsets = [0, 64], sizes = [28, 56], strides = [1, 1]} : vector<28x128xf32> to vector<28x56xf32>
    %dot_general3A_29 = arith.constant dense<0.000000e+00> : vector<28x16xf32>
    %dot_general3A_30 = tpu.matmul %slice3A_28, %slice3A_20, %dot_general3A_29 {dimension_numbers = #tpu.dot_dimension_numbers<[1], [0], [0], [1], [0, 0, 1, 1], [], []>, transpose_lhs_hint = false} : vector<28x56xf32>, vector<56x16xf32>, vector<28x16xf32> -> vector<28x16xf32>
    %slice3A_31 = vector.extract_strided_slice %slice3A_19 {offsets = [0, 64], sizes = [28, 56], strides = [1, 1]} : vector<28x128xf32> to vector<28x56xf32>
    %dot_general3A_32 = arith.constant dense<0.000000e+00> : vector<28x16xf32>
    %dot_general3A_33 = tpu.matmul %slice3A_31, %slice3A_21, %dot_general3A_32 {dimension_numbers = #tpu.dot_dimension_numbers<[1], [0], [0], [1], [0, 0, 1, 1], [], []>, transpose_lhs_hint = false} : vector<28x56xf32>, vector<56x16xf32>, vector<28x16xf32> -> vector<28x16xf32>
    %add3A_34 = arith.addf %dot_general3A_30, %dot_general3A_33 : vector<28x16xf32>
    %slice3A_35 = vector.extract_strided_slice %get3A_14 {offsets = [28, 0], sizes = [28, 128], strides = [1, 1]} : vector<1792x128xf32> to vector<28x128xf32>
    %slice3A_36 = vector.extract_strided_slice %get3A_17 {offsets = [28, 0], sizes = [28, 128], strides = [1, 1]} : vector<1792x128xf32> to vector<28x128xf32>
    %slice3A_37 = vector.extract_strided_slice %dot_general3A_5 {offsets = [56, 0], sizes = [56, 16], strides = [1, 1]} : vector<3584x16xf32> to vector<56x16xf32>
    %slice3A_38 = vector.extract_strided_slice %dot_general3A_11 {offsets = [56, 0], sizes = [56, 16], strides = [1, 1]} : vector<3584x16xf32> to vector<56x16xf32>
    %slice3A_39 = vector.extract_strided_slice %slice3A_35 {offsets = [0, 0], sizes = [28, 56], strides = [1, 1]} : vector<28x128xf32> to vector<28x56xf32>
    %dot_general3A_40 = arith.constant dense<0.000000e+00> : vector<28x16xf32>
    %dot_general3A_41 = tpu.matmul %slice3A_39, %slice3A_37, %dot_general3A_40 {dimension_numbers = #tpu.dot_dimension_numbers<[1], [0], [0], [1], [0, 0, 1, 1], [], []>, transpose_lhs_hint = false} : vector<28x56xf32>, vector<56x16xf32>, vector<28x16xf32> -> vector<28x16xf32>
    %slice3A_42 = vector.extract_strided_slice %slice3A_36 {offsets = [0, 0], sizes = [28, 56], strides = [1, 1]} : vector<28x128xf32> to vector<28x56xf32>
    %dot_general3A_43 = arith.constant dense<0.000000e+00> : vector<28x16xf32>
    %dot_general3A_44 = tpu.matmul %slice3A_42, %slice3A_38, %dot_general3A_43 {dimension_numbers = #tpu.dot_dimension_numbers<[1], [0], [0], [1], [0, 0, 1, 1], [], []>, transpose_lhs_hint = false} : vector<28x56xf32>, vector<56x16xf32>, vector<28x16xf32> -> vector<28x16xf32>
    %add3A_45 = arith.addf %dot_general3A_41, %dot_general3A_44 : vector<28x16xf32>
    %slice3A_46 = vector.extract_strided_slice %slice3A_35 {offsets = [0, 64], sizes = [28, 56], strides = [1, 1]} : vector<28x128xf32> to vector<28x56xf32>
    %dot_general3A_47 = arith.constant dense<0.000000e+00> : vector<28x16xf32>
    %dot_general3A_48 = tpu.matmul %slice3A_46, %slice3A_37, %dot_general3A_47 {dimension_numbers = #tpu.dot_dimension_numbers<[1], [0], [0], [1], [0, 0, 1, 1], [], []>, transpose_lhs_hint = false} : vector<28x56xf32>, vector<56x16xf32>, vector<28x16xf32> -> vector<28x16xf32>
    %slice3A_49 = vector.extract_strided_slice %slice3A_36 {offsets = [0, 64], sizes = [28, 56], strides = [1, 1]} : vector<28x128xf32> to vector<28x56xf32>
    %dot_general3A_50 = arith.constant dense<0.000000e+00> : vector<28x16xf32>
    %dot_general3A_51 = tpu.matmul %slice3A_49, %slice3A_38, %dot_general3A_50 {dimension_numbers = #tpu.dot_dimension_numbers<[1], [0], [0], [1], [0, 0, 1, 1], [], []>, transpose_lhs_hint = false} : vector<28x56xf32>, vector<56x16xf32>, vector<28x16xf32> -> vector<28x16xf32>
    %add3A_52 = arith.addf %dot_general3A_48, %dot_general3A_51 : vector<28x16xf32>
    %slice3A_53 = vector.extract_strided_slice %get3A_14 {offsets = [56, 0], sizes = [28, 128], strides = [1, 1]} : vector<1792x128xf32> to vector<28x128xf32>
    %slice3A_54 = vector.extract_strided_slice %get3A_17 {offsets = [56, 0], sizes = [28, 128], strides = [1, 1]} : vector<1792x128xf32> to vector<28x128xf32>
    %slice3A_55 = vector.extract_strided_slice %dot_general3A_5 {offsets = [112, 0], sizes = [56, 16], strides = [1, 1]} : vector<3584x16xf32> to vector<56x16xf32>
    %slice3A_56 = vector.extract_strided_slice %dot_general3A_11 {offsets = [112, 0], sizes = [56, 16], strides = [1, 1]} : vector<3584x16xf32> to vector<56x16xf32>
    %slice3A_57 = vector.extract_strided_slice %slice3A_53 {offsets = [0, 0], sizes = [28, 56], strides = [1, 1]} : vector<28x128xf32> to vector<28x56xf32>
    %dot_general3A_58 = arith.constant dense<0.000000e+00> : vector<28x16xf32>
    %dot_general3A_59 = tpu.matmul %slice3A_57, %slice3A_55, %dot_general3A_58 {dimension_numbers = #tpu.dot_dimension_numbers<[1], [0], [0], [1], [0, 0, 1, 1], [], []>, transpose_lhs_hint = false} : vector<28x56xf32>, vector<56x16xf32>, vector<28x16xf32> -> vector<28x16xf32>
    %slice3A_60 = vector.extract_strided_slice %slice3A_54 {offsets = [0, 0], sizes = [28, 56], strides = [1, 1]} : vector<28x128xf32> to vector<28x56xf32>
    %dot_general3A_61 = arith.constant dense<0.000000e+00> : vector<28x16xf32>
    %dot_general3A_62 = tpu.matmul %slice3A_60, %slice3A_56, %dot_general3A_61 {dimension_numbers = #tpu.dot_dimension_numbers<[1], [0], [0], [1], [0, 0, 1, 1], [], []>, transpose_lhs_hint = false} : vector<28x56xf32>, vector<56x16xf32>, vector<28x16xf32> -> vector<28x16xf32>
    %add3A_63 = arith.addf %dot_general3A_59, %dot_general3A_62 : vector<28x16xf32>
    %slice3A_64 = vector.extract_strided_slice %slice3A_53 {offsets = [0, 64], sizes = [28, 56], strides = [1, 1]} : vector<28x128xf32> to vector<28x56xf32>
    %dot_general3A_65 = arith.constant dense<0.000000e+00> : vector<28x16xf32>
    %dot_general3A_66 = tpu.matmul %slice3A_64, %slice3A_55, %dot_general3A_65 {dimension_numbers = #tpu.dot_dimension_numbers<[1], [0], [0], [1], [0, 0, 1, 1], [], []>, transpose_lhs_hint = false} : vector<28x56xf32>, vector<56x16xf32>, vector<28x16xf32> -> vector<28x16xf32>
    %slice3A_67 = vector.extract_strided_slice %slice3A_54 {offsets = [0, 64], sizes = [28, 56], strides = [1, 1]} : vector<28x128xf32> to vector<28x56xf32>
    %dot_general3A_68 = arith.constant dense<0.000000e+00> : vector<28x16xf32>
    %dot_general3A_69 = tpu.matmul %slice3A_67, %slice3A_56, %dot_general3A_68 {dimension_numbers = #tpu.dot_dimension_numbers<[1], [0], [0], [1], [0, 0, 1, 1], [], []>, transpose_lhs_hint = false} : vector<28x56xf32>, vector<56x16xf32>, vector<28x16xf32> -> vector<28x16xf32>
    %add3A_70 = arith.addf %dot_general3A_66, %dot_general3A_69 : vector<28x16xf32>
    %slice3A_71 = vector.extract_strided_slice %get3A_14 {offsets = [84, 0], sizes = [28, 128], strides = [1, 1]} : vector<1792x128xf32> to vector<28x128xf32>
    %slice3A_72 = vector.extract_strided_slice %get3A_17 {offsets = [84, 0], sizes = [28, 128], strides = [1, 1]} : vector<1792x128xf32> to vector<28x128xf32>
    %slice3A_73 = vector.extract_strided_slice %dot_general3A_5 {offsets = [168, 0], sizes = [56, 16], strides = [1, 1]} : vector<3584x16xf32> to vector<56x16xf32>
    %slice3A_74 = vector.extract_strided_slice %dot_general3A_11 {offsets = [168, 0], sizes = [56, 16], strides = [1, 1]} : vector<3584x16xf32> to vector<56x16xf32>
    %slice3A_75 = vector.extract_strided_slice %slice3A_71 {offsets = [0, 0], sizes = [28, 56], strides = [1, 1]} : vector<28x128xf32> to vector<28x56xf32>
    %dot_general3A_76 = arith.constant dense<0.000000e+00> : vector<28x16xf32>
    %dot_general3A_77 = tpu.matmul %slice3A_75, %slice3A_73, %dot_general3A_76 {dimension_numbers = #tpu.dot_dimension_numbers<[1], [0], [0], [1], [0, 0, 1, 1], [], []>, transpose_lhs_hint = false} : vector<28x56xf32>, vector<56x16xf32>, vector<28x16xf32> -> vector<28x16xf32>
    %slice3A_78 = vector.extract_strided_slice %slice3A_72 {offsets = [0, 0], sizes = [28, 56], strides = [1, 1]} : vector<28x128xf32> to vector<28x56xf32>
    %dot_general3A_79 = arith.constant dense<0.000000e+00> : vector<28x16xf32>
    %dot_general3A_80 = tpu.matmul %slice3A_78, %slice3A_74, %dot_general3A_79 {dimension_numbers = #tpu.dot_dimension_numbers<[1], [0], [0], [1], [0, 0, 1, 1], [], []>, transpose_lhs_hint = false} : vector<28x56xf32>, vector<56x16xf32>, vector<28x16xf32> -> vector<28x16xf32>
    %add3A_81 = arith.addf %dot_general3A_77, %dot_general3A_80 : vector<28x16xf32>
    %slice3A_82 = vector.extract_strided_slice %slice3A_71 {offsets = [0, 64], sizes = [28, 56], strides = [1, 1]} : vector<28x128xf32> to vector<28x56xf32>
    %dot_general3A_83 = arith.constant dense<0.000000e+00> : vector<28x16xf32>
    %dot_general3A_84 = tpu.matmul %slice3A_82, %slice3A_73, %dot_general3A_83 {dimension_numbers = #tpu.dot_dimension_numbers<[1], [0], [0], [1], [0, 0, 1, 1], [], []>, transpose_lhs_hint = false} : vector<28x56xf32>, vector<56x16xf32>, vector<28x16xf32> -> vector<28x16xf32>
    %slice3A_85 = vector.extract_strided_slice %slice3A_72 {offsets = [0, 64], sizes = [28, 56], strides = [1, 1]} : vector<28x128xf32> to vector<28x56xf32>
    %dot_general3A_86 = arith.constant dense<0.000000e+00> : vector<28x16xf32>
    %dot_general3A_87 = tpu.matmul %slice3A_85, %slice3A_74, %dot_general3A_86 {dimension_numbers = #tpu.dot_dimension_numbers<[1], [0], [0], [1], [0, 0, 1, 1], [], []>, transpose_lhs_hint = false} : vector<28x56xf32>, vector<56x16xf32>, vector<28x16xf32> -> vector<28x16xf32>
    %add3A_88 = arith.addf %dot_general3A_84, %dot_general3A_87 : vector<28x16xf32>
    %slice3A_89 = vector.extract_strided_slice %get3A_14 {offsets = [112, 0], sizes = [28, 128], strides = [1, 1]} : vector<1792x128xf32> to vector<28x128xf32>
    %slice3A_90 = vector.extract_strided_slice %get3A_17 {offsets = [112, 0], sizes = [28, 128], strides = [1, 1]} : vector<1792x128xf32> to vector<28x128xf32>
    %slice3A_91 = vector.extract_strided_slice %dot_general3A_5 {offsets = [224, 0], sizes = [56, 16], strides = [1, 1]} : vector<3584x16xf32> to vector<56x16xf32>
    %slice3A_92 = vector.extract_strided_slice %dot_general3A_11 {offsets = [224, 0], sizes = [56, 16], strides = [1, 1]} : vector<3584x16xf32> to vector<56x16xf32>
    %slice3A_93 = vector.extract_strided_slice %slice3A_89 {offsets = [0, 0], sizes = [28, 56], strides = [1, 1]} : vector<28x128xf32> to vector<28x56xf32>
    %dot_general3A_94 = arith.constant dense<0.000000e+00> : vector<28x16xf32>
    %dot_general3A_95 = tpu.matmul %slice3A_93, %slice3A_91, %dot_general3A_94 {dimension_numbers = #tpu.dot_dimension_numbers<[1], [0], [0], [1], [0, 0, 1, 1], [], []>, transpose_lhs_hint = false} : vector<28x56xf32>, vector<56x16xf32>, vector<28x16xf32> -> vector<28x16xf32>
    %slice3A_96 = vector.extract_strided_slice %slice3A_90 {offsets = [0, 0], sizes = [28, 56], strides = [1, 1]} : vector<28x128xf32> to vector<28x56xf32>
    %dot_general3A_97 = arith.constant dense<0.000000e+00> : vector<28x16xf32>
    %dot_general3A_98 = tpu.matmul %slice3A_96, %slice3A_92, %dot_general3A_97 {dimension_numbers = #tpu.dot_dimension_numbers<[1], [0], [0], [1], [0, 0, 1, 1], [], []>, transpose_lhs_hint = false} : vector<28x56xf32>, vector<56x16xf32>, vector<28x16xf32> -> vector<28x16xf32>
    %add3A_99 = arith.addf %dot_general3A_95, %dot_general3A_98 : vector<28x16xf32>
    %slice3A_100 = vector.extract_strided_slice %slice3A_89 {offsets = [0, 64], sizes = [28, 56], strides = [1, 1]} : vector<28x128xf32> to vector<28x56xf32>
    %dot_general3A_101 = arith.constant dense<0.000000e+00> : vector<28x16xf32>
    %dot_general3A_102 = tpu.matmul %slice3A_100, %slice3A_91, %dot_general3A_101 {dimension_numbers = #tpu.dot_dimension_numbers<[1], [0], [0], [1], [0, 0, 1, 1], [], []>, transpose_lhs_hint = false} : vector<28x56xf32>, vector<56x16xf32>, vector<28x16xf32> -> vector<28x16xf32>
    %slice3A_103 = vector.extract_strided_slice %slice3A_90 {offsets = [0, 64], sizes = [28, 56], strides = [1, 1]} : vector<28x128xf32> to vector<28x56xf32>
    %dot_general3A_104 = arith.constant dense<0.000000e+00> : vector<28x16xf32>
    %dot_general3A_105 = tpu.matmul %slice3A_103, %slice3A_92, %dot_general3A_104 {dimension_numbers = #tpu.dot_dimension_numbers<[1], [0], [0], [1], [0, 0, 1, 1], [], []>, transpose_lhs_hint = false} : vector<28x56xf32>, vector<56x16xf32>, vector<28x16xf32> -> vector<28x16xf32>
    %add3A_106 = arith.addf %dot_general3A_102, %dot_general3A_105 : vector<28x16xf32>
    %slice3A_107 = vector.extract_strided_slice %get3A_14 {offsets = [140, 0], sizes = [28, 128], strides = [1, 1]} : vector<1792x128xf32> to vector<28x128xf32>
    %slice3A_108 = vector.extract_strided_slice %get3A_17 {offsets = [140, 0], sizes = [28, 128], strides = [1, 1]} : vector<1792x128xf32> to vector<28x128xf32>
    %slice3A_109 = vector.extract_strided_slice %dot_general3A_5 {offsets = [280, 0], sizes = [56, 16], strides = [1, 1]} : vector<3584x16xf32> to vector<56x16xf32>
    %slice3A_110 = vector.extract_strided_slice %dot_general3A_11 {offsets = [280, 0], sizes = [56, 16], strides = [1, 1]} : vector<3584x16xf32> to vector<56x16xf32>
    %slice3A_111 = vector.extract_strided_slice %slice3A_107 {offsets = [0, 0], sizes = [28, 56], strides = [1, 1]} : vector<28x128xf32> to vector<28x56xf32>
    %dot_general3A_112 = arith.constant dense<0.000000e+00> : vector<28x16xf32>
    %dot_general3A_113 = tpu.matmul %slice3A_111, %slice3A_109, %dot_general3A_112 {dimension_numbers = #tpu.dot_dimension_numbers<[1], [0], [0], [1], [0, 0, 1, 1], [], []>, transpose_lhs_hint = false} : vector<28x56xf32>, vector<56x16xf32>, vector<28x16xf32> -> vector<28x16xf32>
    %slice3A_114 = vector.extract_strided_slice %slice3A_108 {offsets = [0, 0], sizes = [28, 56], strides = [1, 1]} : vector<28x128xf32> to vector<28x56xf32>
    %dot_general3A_115 = arith.constant dense<0.000000e+00> : vector<28x16xf32>
    %dot_general3A_116 = tpu.matmul %slice3A_114, %slice3A_110, %dot_general3A_115 {dimension_numbers = #tpu.dot_dimension_numbers<[1], [0], [0], [1], [0, 0, 1, 1], [], []>, transpose_lhs_hint = false} : vector<28x56xf32>, vector<56x16xf32>, vector<28x16xf32> -> vector<28x16xf32>
    %add3A_117 = arith.addf %dot_general3A_113, %dot_general3A_116 : vector<28x16xf32>
    %slice3A_118 = vector.extract_strided_slice %slice3A_107 {offsets = [0, 64], sizes = [28, 56], strides = [1, 1]} : vector<28x128xf32> to vector<28x56xf32>
    %dot_general3A_119 = arith.constant dense<0.000000e+00> : vector<28x16xf32>
    %dot_general3A_120 = tpu.matmul %slice3A_118, %slice3A_109, %dot_general3A_119 {dimension_numbers = #tpu.dot_dimension_numbers<[1], [0], [0], [1], [0, 0, 1, 1], [], []>, transpose_lhs_hint = false} : vector<28x56xf32>, vector<56x16xf32>, vector<28x16xf32> -> vector<28x16xf32>
    %slice3A_121 = vector.extract_strided_slice %slice3A_108 {offsets = [0, 64], sizes = [28, 56], strides = [1, 1]} : vector<28x128xf32> to vector<28x56xf32>
    %dot_general3A_122 = arith.constant dense<0.000000e+00> : vector<28x16xf32>
    %dot_general3A_123 = tpu.matmul %slice3A_121, %slice3A_110, %dot_general3A_122 {dimension_numbers = #tpu.dot_dimension_numbers<[1], [0], [0], [1], [0, 0, 1, 1], [], []>, transpose_lhs_hint = false} : vector<28x56xf32>, vector<56x16xf32>, vector<28x16xf32> -> vector<28x16xf32>
    %add3A_124 = arith.addf %dot_general3A_120, %dot_general3A_123 : vector<28x16xf32>
    %slice3A_125 = vector.extract_strided_slice %get3A_14 {offsets = [168, 0], sizes = [28, 128], strides = [1, 1]} : vector<1792x128xf32> to vector<28x128xf32>
    %slice3A_126 = vector.extract_strided_slice %get3A_17 {offsets = [168, 0], sizes = [28, 128], strides = [1, 1]} : vector<1792x128xf32> to vector<28x128xf32>
    %slice3A_127 = vector.extract_strided_slice %dot_general3A_5 {offsets = [336, 0], sizes = [56, 16], strides = [1, 1]} : vector<3584x16xf32> to vector<56x16xf32>
    %slice3A_128 = vector.extract_strided_slice %dot_general3A_11 {offsets = [336, 0], sizes = [56, 16], strides = [1, 1]} : vector<3584x16xf32> to vector<56x16xf32>
    %slice3A_129 = vector.extract_strided_slice %slice3A_125 {offsets = [0, 0], sizes = [28, 56], strides = [1, 1]} : vector<28x128xf32> to vector<28x56xf32>
    %dot_general3A_130 = arith.constant dense<0.000000e+00> : vector<28x16xf32>
    %dot_general3A_131 = tpu.matmul %slice3A_129, %slice3A_127, %dot_general3A_130 {dimension_numbers = #tpu.dot_dimension_numbers<[1], [0], [0], [1], [0, 0, 1, 1], [], []>, transpose_lhs_hint = false} : vector<28x56xf32>, vector<56x16xf32>, vector<28x16xf32> -> vector<28x16xf32>
    %slice3A_132 = vector.extract_strided_slice %slice3A_126 {offsets = [0, 0], sizes = [28, 56], strides = [1, 1]} : vector<28x128xf32> to vector<28x56xf32>
    %dot_general3A_133 = arith.constant dense<0.000000e+00> : vector<28x16xf32>
    %dot_general3A_134 = tpu.matmul %slice3A_132, %slice3A_128, %dot_general3A_133 {dimension_numbers = #tpu.dot_dimension_numbers<[1], [0], [0], [1], [0, 0, 1, 1], [], []>, transpose_lhs_hint = false} : vector<28x56xf32>, vector<56x16xf32>, vector<28x16xf32> -> vector<28x16xf32>
    %add3A_135 = arith.addf %dot_general3A_131, %dot_general3A_134 : vector<28x16xf32>
    %slice3A_136 = vector.extract_strided_slice %slice3A_125 {offsets = [0, 64], sizes = [28, 56], strides = [1, 1]} : vector<28x128xf32> to vector<28x56xf32>
    %dot_general3A_137 = arith.constant dense<0.000000e+00> : vector<28x16xf32>
    %dot_general3A_138 = tpu.matmul %slice3A_136, %slice3A_127, %dot_general3A_137 {dimension_numbers = #tpu.dot_dimension_numbers<[1], [0], [0], [1], [0, 0, 1, 1], [], []>, transpose_lhs_hint = false} : vector<28x56xf32>, vector<56x16xf32>, vector<28x16xf32> -> vector<28x16xf32>
    %slice3A_139 = vector.extract_strided_slice %slice3A_126 {offsets = [0, 64], sizes = [28, 56], strides = [1, 1]} : vector<28x128xf32> to vector<28x56xf32>
    %dot_general3A_140 = arith.constant dense<0.000000e+00> : vector<28x16xf32>
    %dot_general3A_141 = tpu.matmul %slice3A_139, %slice3A_128, %dot_general3A_140 {dimension_numbers = #tpu.dot_dimension_numbers<[1], [0], [0], [1], [0, 0, 1, 1], [], []>, transpose_lhs_hint = false} : vector<28x56xf32>, vector<56x16xf32>, vector<28x16xf32> -> vector<28x16xf32>
    %add3A_142 = arith.addf %dot_general3A_138, %dot_general3A_141 : vector<28x16xf32>
    %slice3A_143 = vector.extract_strided_slice %get3A_14 {offsets = [196, 0], sizes = [28, 128], strides = [1, 1]} : vector<1792x128xf32> to vector<28x128xf32>
    %slice3A_144 = vector.extract_strided_slice %get3A_17 {offsets = [196, 0], sizes = [28, 128], strides = [1, 1]} : vector<1792x128xf32> to vector<28x128xf32>
    %slice3A_145 = vector.extract_strided_slice %dot_general3A_5 {offsets = [392, 0], sizes = [56, 16], strides = [1, 1]} : vector<3584x16xf32> to vector<56x16xf32>
    %slice3A_146 = vector.extract_strided_slice %dot_general3A_11 {offsets = [392, 0], sizes = [56, 16], strides = [1, 1]} : vector<3584x16xf32> to vector<56x16xf32>
    %slice3A_147 = vector.extract_strided_slice %slice3A_143 {offsets = [0, 0], sizes = [28, 56], strides = [1, 1]} : vector<28x128xf32> to vector<28x56xf32>
    %dot_general3A_148 = arith.constant dense<0.000000e+00> : vector<28x16xf32>
    %dot_general3A_149 = tpu.matmul %slice3A_147, %slice3A_145, %dot_general3A_148 {dimension_numbers = #tpu.dot_dimension_numbers<[1], [0], [0], [1], [0, 0, 1, 1], [], []>, transpose_lhs_hint = false} : vector<28x56xf32>, vector<56x16xf32>, vector<28x16xf32> -> vector<28x16xf32>
    %slice3A_150 = vector.extract_strided_slice %slice3A_144 {offsets = [0, 0], sizes = [28, 56], strides = [1, 1]} : vector<28x128xf32> to vector<28x56xf32>
    %dot_general3A_151 = arith.constant dense<0.000000e+00> : vector<28x16xf32>
    %dot_general3A_152 = tpu.matmul %slice3A_150, %slice3A_146, %dot_general3A_151 {dimension_numbers = #tpu.dot_dimension_numbers<[1], [0], [0], [1], [0, 0, 1, 1], [], []>, transpose_lhs_hint = false} : vector<28x56xf32>, vector<56x16xf32>, vector<28x16xf32> -> vector<28x16xf32>
    %add3A_153 = arith.addf %dot_general3A_149, %dot_general3A_152 : vector<28x16xf32>
    %slice3A_154 = vector.extract_strided_slice %slice3A_143 {offsets = [0, 64], sizes = [28, 56], strides = [1, 1]} : vector<28x128xf32> to vector<28x56xf32>
    %dot_general3A_155 = arith.constant dense<0.000000e+00> : vector<28x16xf32>
    %dot_general3A_156 = tpu.matmul %slice3A_154, %slice3A_145, %dot_general3A_155 {dimension_numbers = #tpu.dot_dimension_numbers<[1], [0], [0], [1], [0, 0, 1, 1], [], []>, transpose_lhs_hint = false} : vector<28x56xf32>, vector<56x16xf32>, vector<28x16xf32> -> vector<28x16xf32>
    %slice3A_157 = vector.extract_strided_slice %slice3A_144 {offsets = [0, 64], sizes = [28, 56], strides = [1, 1]} : vector<28x128xf32> to vector<28x56xf32>
    %dot_general3A_158 = arith.constant dense<0.000000e+00> : vector<28x16xf32>
    %dot_general3A_159 = tpu.matmul %slice3A_157, %slice3A_146, %dot_general3A_158 {dimension_numbers = #tpu.dot_dimension_numbers<[1], [0], [0], [1], [0, 0, 1, 1], [], []>, transpose_lhs_hint = false} : vector<28x56xf32>, vector<56x16xf32>, vector<28x16xf32> -> vector<28x16xf32>
    %add3A_160 = arith.addf %dot_general3A_156, %dot_general3A_159 : vector<28x16xf32>
    %slice3A_161 = vector.extract_strided_slice %get3A_14 {offsets = [224, 0], sizes = [28, 128], strides = [1, 1]} : vector<1792x128xf32> to vector<28x128xf32>
    %slice3A_162 = vector.extract_strided_slice %get3A_17 {offsets = [224, 0], sizes = [28, 128], strides = [1, 1]} : vector<1792x128xf32> to vector<28x128xf32>
    %slice3A_163 = vector.extract_strided_slice %dot_general3A_5 {offsets = [448, 0], sizes = [56, 16], strides = [1, 1]} : vector<3584x16xf32> to vector<56x16xf32>
    %slice3A_164 = vector.extract_strided_slice %dot_general3A_11 {offsets = [448, 0], sizes = [56, 16], strides = [1, 1]} : vector<3584x16xf32> to vector<56x16xf32>
    %slice3A_165 = vector.extract_strided_slice %slice3A_161 {offsets = [0, 0], sizes = [28, 56], strides = [1, 1]} : vector<28x128xf32> to vector<28x56xf32>
    %dot_general3A_166 = arith.constant dense<0.000000e+00> : vector<28x16xf32>
    %dot_general3A_167 = tpu.matmul %slice3A_165, %slice3A_163, %dot_general3A_166 {dimension_numbers = #tpu.dot_dimension_numbers<[1], [0], [0], [1], [0, 0, 1, 1], [], []>, transpose_lhs_hint = false} : vector<28x56xf32>, vector<56x16xf32>, vector<28x16xf32> -> vector<28x16xf32>
    %slice3A_168 = vector.extract_strided_slice %slice3A_162 {offsets = [0, 0], sizes = [28, 56], strides = [1, 1]} : vector<28x128xf32> to vector<28x56xf32>
    %dot_general3A_169 = arith.constant dense<0.000000e+00> : vector<28x16xf32>
    %dot_general3A_170 = tpu.matmul %slice3A_168, %slice3A_164, %dot_general3A_169 {dimension_numbers = #tpu.dot_dimension_numbers<[1], [0], [0], [1], [0, 0, 1, 1], [], []>, transpose_lhs_hint = false} : vector<28x56xf32>, vector<56x16xf32>, vector<28x16xf32> -> vector<28x16xf32>
    %add3A_171 = arith.addf %dot_general3A_167, %dot_general3A_170 : vector<28x16xf32>
    %slice3A_172 = vector.extract_strided_slice %slice3A_161 {offsets = [0, 64], sizes = [28, 56], strides = [1, 1]} : vector<28x128xf32> to vector<28x56xf32>
    %dot_general3A_173 = arith.constant dense<0.000000e+00> : vector<28x16xf32>
    %dot_general3A_174 = tpu.matmul %slice3A_172, %slice3A_163, %dot_general3A_173 {dimension_numbers = #tpu.dot_dimension_numbers<[1], [0], [0], [1], [0, 0, 1, 1], [], []>, transpose_lhs_hint = false} : vector<28x56xf32>, vector<56x16xf32>, vector<28x16xf32> -> vector<28x16xf32>
    %slice3A_175 = vector.extract_strided_slice %slice3A_162 {offsets = [0, 64], sizes = [28, 56], strides = [1, 1]} : vector<28x128xf32> to vector<28x56xf32>
    %dot_general3A_176 = arith.constant dense<0.000000e+00> : vector<28x16xf32>
    %dot_general3A_177 = tpu.matmul %slice3A_175, %slice3A_164, %dot_general3A_176 {dimension_numbers = #tpu.dot_dimension_numbers<[1], [0], [0], [1], [0, 0, 1, 1], [], []>, transpose_lhs_hint = false} : vector<28x56xf32>, vector<56x16xf32>, vector<28x16xf32> -> vector<28x16xf32>
    %add3A_178 = arith.addf %dot_general3A_174, %dot_general3A_177 : vector<28x16xf32>
    %slice3A_179 = vector.extract_strided_slice %get3A_14 {offsets = [252, 0], sizes = [28, 128], strides = [1, 1]} : vector<1792x128xf32> to vector<28x128xf32>
    %slice3A_180 = vector.extract_strided_slice %get3A_17 {offsets = [252, 0], sizes = [28, 128], strides = [1, 1]} : vector<1792x128xf32> to vector<28x128xf32>
    %slice3A_181 = vector.extract_strided_slice %dot_general3A_5 {offsets = [504, 0], sizes = [56, 16], strides = [1, 1]} : vector<3584x16xf32> to vector<56x16xf32>
    %slice3A_182 = vector.extract_strided_slice %dot_general3A_11 {offsets = [504, 0], sizes = [56, 16], strides = [1, 1]} : vector<3584x16xf32> to vector<56x16xf32>
    %slice3A_183 = vector.extract_strided_slice %slice3A_179 {offsets = [0, 0], sizes = [28, 56], strides = [1, 1]} : vector<28x128xf32> to vector<28x56xf32>
    %dot_general3A_184 = arith.constant dense<0.000000e+00> : vector<28x16xf32>
    %dot_general3A_185 = tpu.matmul %slice3A_183, %slice3A_181, %dot_general3A_184 {dimension_numbers = #tpu.dot_dimension_numbers<[1], [0], [0], [1], [0, 0, 1, 1], [], []>, transpose_lhs_hint = false} : vector<28x56xf32>, vector<56x16xf32>, vector<28x16xf32> -> vector<28x16xf32>
    %slice3A_186 = vector.extract_strided_slice %slice3A_180 {offsets = [0, 0], sizes = [28, 56], strides = [1, 1]} : vector<28x128xf32> to vector<28x56xf32>
    %dot_general3A_187 = arith.constant dense<0.000000e+00> : vector<28x16xf32>
    %dot_general3A_188 = tpu.matmul %slice3A_186, %slice3A_182, %dot_general3A_187 {dimension_numbers = #tpu.dot_dimension_numbers<[1], [0], [0], [1], [0, 0, 1, 1], [], []>, transpose_lhs_hint = false} : vector<28x56xf32>, vector<56x16xf32>, vector<28x16xf32> -> vector<28x16xf32>
    %add3A_189 = arith.addf %dot_general3A_185, %dot_general3A_188 : vector<28x16xf32>
    %slice3A_190 = vector.extract_strided_slice %slice3A_179 {offsets = [0, 64], sizes = [28, 56], strides = [1, 1]} : vector<28x128xf32> to vector<28x56xf32>
    %dot_general3A_191 = arith.constant dense<0.000000e+00> : vector<28x16xf32>
    %dot_general3A_192 = tpu.matmul %slice3A_190, %slice3A_181, %dot_general3A_191 {dimension_numbers = #tpu.dot_dimension_numbers<[1], [0], [0], [1], [0, 0, 1, 1], [], []>, transpose_lhs_hint = false} : vector<28x56xf32>, vector<56x16xf32>, vector<28x16xf32> -> vector<28x16xf32>
    %slice3A_193 = vector.extract_strided_slice %slice3A_180 {offsets = [0, 64], sizes = [28, 56], strides = [1, 1]} : vector<28x128xf32> to vector<28x56xf32>
    %dot_general3A_194 = arith.constant dense<0.000000e+00> : vector<28x16xf32>
    %dot_general3A_195 = tpu.matmul %slice3A_193, %slice3A_182, %dot_general3A_194 {dimension_numbers = #tpu.dot_dimension_numbers<[1], [0], [0], [1], [0, 0, 1, 1], [], []>, transpose_lhs_hint = false} : vector<28x56xf32>, vector<56x16xf32>, vector<28x16xf32> -> vector<28x16xf32>
    %add3A_196 = arith.addf %dot_general3A_192, %dot_general3A_195 : vector<28x16xf32>
    %slice3A_197 = vector.extract_strided_slice %get3A_14 {offsets = [280, 0], sizes = [28, 128], strides = [1, 1]} : vector<1792x128xf32> to vector<28x128xf32>
    %slice3A_198 = vector.extract_strided_slice %get3A_17 {offsets = [280, 0], sizes = [28, 128], strides = [1, 1]} : vector<1792x128xf32> to vector<28x128xf32>
    %slice3A_199 = vector.extract_strided_slice %dot_general3A_5 {offsets = [560, 0], sizes = [56, 16], strides = [1, 1]} : vector<3584x16xf32> to vector<56x16xf32>
    %slice3A_200 = vector.extract_strided_slice %dot_general3A_11 {offsets = [560, 0], sizes = [56, 16], strides = [1, 1]} : vector<3584x16xf32> to vector<56x16xf32>
    %slice3A_201 = vector.extract_strided_slice %slice3A_197 {offsets = [0, 0], sizes = [28, 56], strides = [1, 1]} : vector<28x128xf32> to vector<28x56xf32>
    %dot_general3A_202 = arith.constant dense<0.000000e+00> : vector<28x16xf32>
    %dot_general3A_203 = tpu.matmul %slice3A_201, %slice3A_199, %dot_general3A_202 {dimension_numbers = #tpu.dot_dimension_numbers<[1], [0], [0], [1], [0, 0, 1, 1], [], []>, transpose_lhs_hint = false} : vector<28x56xf32>, vector<56x16xf32>, vector<28x16xf32> -> vector<28x16xf32>
    %slice3A_204 = vector.extract_strided_slice %slice3A_198 {offsets = [0, 0], sizes = [28, 56], strides = [1, 1]} : vector<28x128xf32> to vector<28x56xf32>
    %dot_general3A_205 = arith.constant dense<0.000000e+00> : vector<28x16xf32>
    %dot_general3A_206 = tpu.matmul %slice3A_204, %slice3A_200, %dot_general3A_205 {dimension_numbers = #tpu.dot_dimension_numbers<[1], [0], [0], [1], [0, 0, 1, 1], [], []>, transpose_lhs_hint = false} : vector<28x56xf32>, vector<56x16xf32>, vector<28x16xf32> -> vector<28x16xf32>
    %add3A_207 = arith.addf %dot_general3A_203, %dot_general3A_206 : vector<28x16xf32>
    %slice3A_208 = vector.extract_strided_slice %slice3A_197 {offsets = [0, 64], sizes = [28, 56], strides = [1, 1]} : vector<28x128xf32> to vector<28x56xf32>
    %dot_general3A_209 = arith.constant dense<0.000000e+00> : vector<28x16xf32>
    %dot_general3A_210 = tpu.matmul %slice3A_208, %slice3A_199, %dot_general3A_209 {dimension_numbers = #tpu.dot_dimension_numbers<[1], [0], [0], [1], [0, 0, 1, 1], [], []>, transpose_lhs_hint = false} : vector<28x56xf32>, vector<56x16xf32>, vector<28x16xf32> -> vector<28x16xf32>
    %slice3A_211 = vector.extract_strided_slice %slice3A_198 {offsets = [0, 64], sizes = [28, 56], strides = [1, 1]} : vector<28x128xf32> to vector<28x56xf32>
    %dot_general3A_212 = arith.constant dense<0.000000e+00> : vector<28x16xf32>
    %dot_general3A_213 = tpu.matmul %slice3A_211, %slice3A_200, %dot_general3A_212 {dimension_numbers = #tpu.dot_dimension_numbers<[1], [0], [0], [1], [0, 0, 1, 1], [], []>, transpose_lhs_hint = false} : vector<28x56xf32>, vector<56x16xf32>, vector<28x16xf32> -> vector<28x16xf32>
    %add3A_214 = arith.addf %dot_general3A_210, %dot_general3A_213 : vector<28x16xf32>
    %slice3A_215 = vector.extract_strided_slice %get3A_14 {offsets = [308, 0], sizes = [28, 128], strides = [1, 1]} : vector<1792x128xf32> to vector<28x128xf32>
    %slice3A_216 = vector.extract_strided_slice %get3A_17 {offsets = [308, 0], sizes = [28, 128], strides = [1, 1]} : vector<1792x128xf32> to vector<28x128xf32>
    %slice3A_217 = vector.extract_strided_slice %dot_general3A_5 {offsets = [616, 0], sizes = [56, 16], strides = [1, 1]} : vector<3584x16xf32> to vector<56x16xf32>
    %slice3A_218 = vector.extract_strided_slice %dot_general3A_11 {offsets = [616, 0], sizes = [56, 16], strides = [1, 1]} : vector<3584x16xf32> to vector<56x16xf32>
    %slice3A_219 = vector.extract_strided_slice %slice3A_215 {offsets = [0, 0], sizes = [28, 56], strides = [1, 1]} : vector<28x128xf32> to vector<28x56xf32>
    %dot_general3A_220 = arith.constant dense<0.000000e+00> : vector<28x16xf32>
    %dot_general3A_221 = tpu.matmul %slice3A_219, %slice3A_217, %dot_general3A_220 {dimension_numbers = #tpu.dot_dimension_numbers<[1], [0], [0], [1], [0, 0, 1, 1], [], []>, transpose_lhs_hint = false} : vector<28x56xf32>, vector<56x16xf32>, vector<28x16xf32> -> vector<28x16xf32>
    %slice3A_222 = vector.extract_strided_slice %slice3A_216 {offsets = [0, 0], sizes = [28, 56], strides = [1, 1]} : vector<28x128xf32> to vector<28x56xf32>
    %dot_general3A_223 = arith.constant dense<0.000000e+00> : vector<28x16xf32>
    %dot_general3A_224 = tpu.matmul %slice3A_222, %slice3A_218, %dot_general3A_223 {dimension_numbers = #tpu.dot_dimension_numbers<[1], [0], [0], [1], [0, 0, 1, 1], [], []>, transpose_lhs_hint = false} : vector<28x56xf32>, vector<56x16xf32>, vector<28x16xf32> -> vector<28x16xf32>
    %add3A_225 = arith.addf %dot_general3A_221, %dot_general3A_224 : vector<28x16xf32>
    %slice3A_226 = vector.extract_strided_slice %slice3A_215 {offsets = [0, 64], sizes = [28, 56], strides = [1, 1]} : vector<28x128xf32> to vector<28x56xf32>
    %dot_general3A_227 = arith.constant dense<0.000000e+00> : vector<28x16xf32>
    %dot_general3A_228 = tpu.matmul %slice3A_226, %slice3A_217, %dot_general3A_227 {dimension_numbers = #tpu.dot_dimension_numbers<[1], [0], [0], [1], [0, 0, 1, 1], [], []>, transpose_lhs_hint = false} : vector<28x56xf32>, vector<56x16xf32>, vector<28x16xf32> -> vector<28x16xf32>
    %slice3A_229 = vector.extract_strided_slice %slice3A_216 {offsets = [0, 64], sizes = [28, 56], strides = [1, 1]} : vector<28x128xf32> to vector<28x56xf32>
    %dot_general3A_230 = arith.constant dense<0.000000e+00> : vector<28x16xf32>
    %dot_general3A_231 = tpu.matmul %slice3A_229, %slice3A_218, %dot_general3A_230 {dimension_numbers = #tpu.dot_dimension_numbers<[1], [0], [0], [1], [0, 0, 1, 1], [], []>, transpose_lhs_hint = false} : vector<28x56xf32>, vector<56x16xf32>, vector<28x16xf32> -> vector<28x16xf32>
    %add3A_232 = arith.addf %dot_general3A_228, %dot_general3A_231 : vector<28x16xf32>
    %slice3A_233 = vector.extract_strided_slice %get3A_14 {offsets = [336, 0], sizes = [28, 128], strides = [1, 1]} : vector<1792x128xf32> to vector<28x128xf32>
    %slice3A_234 = vector.extract_strided_slice %get3A_17 {offsets = [336, 0], sizes = [28, 128], strides = [1, 1]} : vector<1792x128xf32> to vector<28x128xf32>
    %slice3A_235 = vector.extract_strided_slice %dot_general3A_5 {offsets = [672, 0], sizes = [56, 16], strides = [1, 1]} : vector<3584x16xf32> to vector<56x16xf32>
    %slice3A_236 = vector.extract_strided_slice %dot_general3A_11 {offsets = [672, 0], sizes = [56, 16], strides = [1, 1]} : vector<3584x16xf32> to vector<56x16xf32>
    %slice3A_237 = vector.extract_strided_slice %slice3A_233 {offsets = [0, 0], sizes = [28, 56], strides = [1, 1]} : vector<28x128xf32> to vector<28x56xf32>
    %dot_general3A_238 = arith.constant dense<0.000000e+00> : vector<28x16xf32>
    %dot_general3A_239 = tpu.matmul %slice3A_237, %slice3A_235, %dot_general3A_238 {dimension_numbers = #tpu.dot_dimension_numbers<[1], [0], [0], [1], [0, 0, 1, 1], [], []>, transpose_lhs_hint = false} : vector<28x56xf32>, vector<56x16xf32>, vector<28x16xf32> -> vector<28x16xf32>
    %slice3A_240 = vector.extract_strided_slice %slice3A_234 {offsets = [0, 0], sizes = [28, 56], strides = [1, 1]} : vector<28x128xf32> to vector<28x56xf32>
    %dot_general3A_241 = arith.constant dense<0.000000e+00> : vector<28x16xf32>
    %dot_general3A_242 = tpu.matmul %slice3A_240, %slice3A_236, %dot_general3A_241 {dimension_numbers = #tpu.dot_dimension_numbers<[1], [0], [0], [1], [0, 0, 1, 1], [], []>, transpose_lhs_hint = false} : vector<28x56xf32>, vector<56x16xf32>, vector<28x16xf32> -> vector<28x16xf32>
    %add3A_243 = arith.addf %dot_general3A_239, %dot_general3A_242 : vector<28x16xf32>
    %slice3A_244 = vector.extract_strided_slice %slice3A_233 {offsets = [0, 64], sizes = [28, 56], strides = [1, 1]} : vector<28x128xf32> to vector<28x56xf32>
    %dot_general3A_245 = arith.constant dense<0.000000e+00> : vector<28x16xf32>
    %dot_general3A_246 = tpu.matmul %slice3A_244, %slice3A_235, %dot_general3A_245 {dimension_numbers = #tpu.dot_dimension_numbers<[1], [0], [0], [1], [0, 0, 1, 1], [], []>, transpose_lhs_hint = false} : vector<28x56xf32>, vector<56x16xf32>, vector<28x16xf32> -> vector<28x16xf32>
    %slice3A_247 = vector.extract_strided_slice %slice3A_234 {offsets = [0, 64], sizes = [28, 56], strides = [1, 1]} : vector<28x128xf32> to vector<28x56xf32>
    %dot_general3A_248 = arith.constant dense<0.000000e+00> : vector<28x16xf32>
    %dot_general3A_249 = tpu.matmul %slice3A_247, %slice3A_236, %dot_general3A_248 {dimension_numbers = #tpu.dot_dimension_numbers<[1], [0], [0], [1], [0, 0, 1, 1], [], []>, transpose_lhs_hint = false} : vector<28x56xf32>, vector<56x16xf32>, vector<28x16xf32> -> vector<28x16xf32>
    %add3A_250 = arith.addf %dot_general3A_246, %dot_general3A_249 : vector<28x16xf32>
    %slice3A_251 = vector.extract_strided_slice %get3A_14 {offsets = [364, 0], sizes = [28, 128], strides = [1, 1]} : vector<1792x128xf32> to vector<28x128xf32>
    %slice3A_252 = vector.extract_strided_slice %get3A_17 {offsets = [364, 0], sizes = [28, 128], strides = [1, 1]} : vector<1792x128xf32> to vector<28x128xf32>
    %slice3A_253 = vector.extract_strided_slice %dot_general3A_5 {offsets = [728, 0], sizes = [56, 16], strides = [1, 1]} : vector<3584x16xf32> to vector<56x16xf32>
    %slice3A_254 = vector.extract_strided_slice %dot_general3A_11 {offsets = [728, 0], sizes = [56, 16], strides = [1, 1]} : vector<3584x16xf32> to vector<56x16xf32>
    %slice3A_255 = vector.extract_strided_slice %slice3A_251 {offsets = [0, 0], sizes = [28, 56], strides = [1, 1]} : vector<28x128xf32> to vector<28x56xf32>
    %dot_general3A_256 = arith.constant dense<0.000000e+00> : vector<28x16xf32>
    %dot_general3A_257 = tpu.matmul %slice3A_255, %slice3A_253, %dot_general3A_256 {dimension_numbers = #tpu.dot_dimension_numbers<[1], [0], [0], [1], [0, 0, 1, 1], [], []>, transpose_lhs_hint = false} : vector<28x56xf32>, vector<56x16xf32>, vector<28x16xf32> -> vector<28x16xf32>
    %slice3A_258 = vector.extract_strided_slice %slice3A_252 {offsets = [0, 0], sizes = [28, 56], strides = [1, 1]} : vector<28x128xf32> to vector<28x56xf32>
    %dot_general3A_259 = arith.constant dense<0.000000e+00> : vector<28x16xf32>
    %dot_general3A_260 = tpu.matmul %slice3A_258, %slice3A_254, %dot_general3A_259 {dimension_numbers = #tpu.dot_dimension_numbers<[1], [0], [0], [1], [0, 0, 1, 1], [], []>, transpose_lhs_hint = false} : vector<28x56xf32>, vector<56x16xf32>, vector<28x16xf32> -> vector<28x16xf32>
    %add3A_261 = arith.addf %dot_general3A_257, %dot_general3A_260 : vector<28x16xf32>
    %slice3A_262 = vector.extract_strided_slice %slice3A_251 {offsets = [0, 64], sizes = [28, 56], strides = [1, 1]} : vector<28x128xf32> to vector<28x56xf32>
    %dot_general3A_263 = arith.constant dense<0.000000e+00> : vector<28x16xf32>
    %dot_general3A_264 = tpu.matmul %slice3A_262, %slice3A_253, %dot_general3A_263 {dimension_numbers = #tpu.dot_dimension_numbers<[1], [0], [0], [1], [0, 0, 1, 1], [], []>, transpose_lhs_hint = false} : vector<28x56xf32>, vector<56x16xf32>, vector<28x16xf32> -> vector<28x16xf32>
    %slice3A_265 = vector.extract_strided_slice %slice3A_252 {offsets = [0, 64], sizes = [28, 56], strides = [1, 1]} : vector<28x128xf32> to vector<28x56xf32>
    %dot_general3A_266 = arith.constant dense<0.000000e+00> : vector<28x16xf32>
    %dot_general3A_267 = tpu.matmul %slice3A_265, %slice3A_254, %dot_general3A_266 {dimension_numbers = #tpu.dot_dimension_numbers<[1], [0], [0], [1], [0, 0, 1, 1], [], []>, transpose_lhs_hint = false} : vector<28x56xf32>, vector<56x16xf32>, vector<28x16xf32> -> vector<28x16xf32>
    %add3A_268 = arith.addf %dot_general3A_264, %dot_general3A_267 : vector<28x16xf32>
    %slice3A_269 = vector.extract_strided_slice %get3A_14 {offsets = [392, 0], sizes = [28, 128], strides = [1, 1]} : vector<1792x128xf32> to vector<28x128xf32>
    %slice3A_270 = vector.extract_strided_slice %get3A_17 {offsets = [392, 0], sizes = [28, 128], strides = [1, 1]} : vector<1792x128xf32> to vector<28x128xf32>
    %slice3A_271 = vector.extract_strided_slice %dot_general3A_5 {offsets = [784, 0], sizes = [56, 16], strides = [1, 1]} : vector<3584x16xf32> to vector<56x16xf32>
    %slice3A_272 = vector.extract_strided_slice %dot_general3A_11 {offsets = [784, 0], sizes = [56, 16], strides = [1, 1]} : vector<3584x16xf32> to vector<56x16xf32>
    %slice3A_273 = vector.extract_strided_slice %slice3A_269 {offsets = [0, 0], sizes = [28, 56], strides = [1, 1]} : vector<28x128xf32> to vector<28x56xf32>
    %dot_general3A_274 = arith.constant dense<0.000000e+00> : vector<28x16xf32>
    %dot_general3A_275 = tpu.matmul %slice3A_273, %slice3A_271, %dot_general3A_274 {dimension_numbers = #tpu.dot_dimension_numbers<[1], [0], [0], [1], [0, 0, 1, 1], [], []>, transpose_lhs_hint = false} : vector<28x56xf32>, vector<56x16xf32>, vector<28x16xf32> -> vector<28x16xf32>
    %slice3A_276 = vector.extract_strided_slice %slice3A_270 {offsets = [0, 0], sizes = [28, 56], strides = [1, 1]} : vector<28x128xf32> to vector<28x56xf32>
    %dot_general3A_277 = arith.constant dense<0.000000e+00> : vector<28x16xf32>
    %dot_general3A_278 = tpu.matmul %slice3A_276, %slice3A_272, %dot_general3A_277 {dimension_numbers = #tpu.dot_dimension_numbers<[1], [0], [0], [1], [0, 0, 1, 1], [], []>, transpose_lhs_hint = false} : vector<28x56xf32>, vector<56x16xf32>, vector<28x16xf32> -> vector<28x16xf32>
    %add3A_279 = arith.addf %dot_general3A_275, %dot_general3A_278 : vector<28x16xf32>
    %slice3A_280 = vector.extract_strided_slice %slice3A_269 {offsets = [0, 64], sizes = [28, 56], strides = [1, 1]} : vector<28x128xf32> to vector<28x56xf32>
    %dot_general3A_281 = arith.constant dense<0.000000e+00> : vector<28x16xf32>
    %dot_general3A_282 = tpu.matmul %slice3A_280, %slice3A_271, %dot_general3A_281 {dimension_numbers = #tpu.dot_dimension_numbers<[1], [0], [0], [1], [0, 0, 1, 1], [], []>, transpose_lhs_hint = false} : vector<28x56xf32>, vector<56x16xf32>, vector<28x16xf32> -> vector<28x16xf32>
    %slice3A_283 = vector.extract_strided_slice %slice3A_270 {offsets = [0, 64], sizes = [28, 56], strides = [1, 1]} : vector<28x128xf32> to vector<28x56xf32>
    %dot_general3A_284 = arith.constant dense<0.000000e+00> : vector<28x16xf32>
    %dot_general3A_285 = tpu.matmul %slice3A_283, %slice3A_272, %dot_general3A_284 {dimension_numbers = #tpu.dot_dimension_numbers<[1], [0], [0], [1], [0, 0, 1, 1], [], []>, transpose_lhs_hint = false} : vector<28x56xf32>, vector<56x16xf32>, vector<28x16xf32> -> vector<28x16xf32>
    %add3A_286 = arith.addf %dot_general3A_282, %dot_general3A_285 : vector<28x16xf32>
    %slice3A_287 = vector.extract_strided_slice %get3A_14 {offsets = [420, 0], sizes = [28, 128], strides = [1, 1]} : vector<1792x128xf32> to vector<28x128xf32>
    %slice3A_288 = vector.extract_strided_slice %get3A_17 {offsets = [420, 0], sizes = [28, 128], strides = [1, 1]} : vector<1792x128xf32> to vector<28x128xf32>
    %slice3A_289 = vector.extract_strided_slice %dot_general3A_5 {offsets = [840, 0], sizes = [56, 16], strides = [1, 1]} : vector<3584x16xf32> to vector<56x16xf32>
    %slice3A_290 = vector.extract_strided_slice %dot_general3A_11 {offsets = [840, 0], sizes = [56, 16], strides = [1, 1]} : vector<3584x16xf32> to vector<56x16xf32>
    %slice3A_291 = vector.extract_strided_slice %slice3A_287 {offsets = [0, 0], sizes = [28, 56], strides = [1, 1]} : vector<28x128xf32> to vector<28x56xf32>
    %dot_general3A_292 = arith.constant dense<0.000000e+00> : vector<28x16xf32>
    %dot_general3A_293 = tpu.matmul %slice3A_291, %slice3A_289, %dot_general3A_292 {dimension_numbers = #tpu.dot_dimension_numbers<[1], [0], [0], [1], [0, 0, 1, 1], [], []>, transpose_lhs_hint = false} : vector<28x56xf32>, vector<56x16xf32>, vector<28x16xf32> -> vector<28x16xf32>
    %slice3A_294 = vector.extract_strided_slice %slice3A_288 {offsets = [0, 0], sizes = [28, 56], strides = [1, 1]} : vector<28x128xf32> to vector<28x56xf32>
    %dot_general3A_295 = arith.constant dense<0.000000e+00> : vector<28x16xf32>
    %dot_general3A_296 = tpu.matmul %slice3A_294, %slice3A_290, %dot_general3A_295 {dimension_numbers = #tpu.dot_dimension_numbers<[1], [0], [0], [1], [0, 0, 1, 1], [], []>, transpose_lhs_hint = false} : vector<28x56xf32>, vector<56x16xf32>, vector<28x16xf32> -> vector<28x16xf32>
    %add3A_297 = arith.addf %dot_general3A_293, %dot_general3A_296 : vector<28x16xf32>
    %slice3A_298 = vector.extract_strided_slice %slice3A_287 {offsets = [0, 64], sizes = [28, 56], strides = [1, 1]} : vector<28x128xf32> to vector<28x56xf32>
    %dot_general3A_299 = arith.constant dense<0.000000e+00> : vector<28x16xf32>
    %dot_general3A_300 = tpu.matmul %slice3A_298, %slice3A_289, %dot_general3A_299 {dimension_numbers = #tpu.dot_dimension_numbers<[1], [0], [0], [1], [0, 0, 1, 1], [], []>, transpose_lhs_hint = false} : vector<28x56xf32>, vector<56x16xf32>, vector<28x16xf32> -> vector<28x16xf32>
    %slice3A_301 = vector.extract_strided_slice %slice3A_288 {offsets = [0, 64], sizes = [28, 56], strides = [1, 1]} : vector<28x128xf32> to vector<28x56xf32>
    %dot_general3A_302 = arith.constant dense<0.000000e+00> : vector<28x16xf32>
    %dot_general3A_303 = tpu.matmul %slice3A_301, %slice3A_290, %dot_general3A_302 {dimension_numbers = #tpu.dot_dimension_numbers<[1], [0], [0], [1], [0, 0, 1, 1], [], []>, transpose_lhs_hint = false} : vector<28x56xf32>, vector<56x16xf32>, vector<28x16xf32> -> vector<28x16xf32>
    %add3A_304 = arith.addf %dot_general3A_300, %dot_general3A_303 : vector<28x16xf32>
    %slice3A_305 = vector.extract_strided_slice %get3A_14 {offsets = [448, 0], sizes = [28, 128], strides = [1, 1]} : vector<1792x128xf32> to vector<28x128xf32>
    %slice3A_306 = vector.extract_strided_slice %get3A_17 {offsets = [448, 0], sizes = [28, 128], strides = [1, 1]} : vector<1792x128xf32> to vector<28x128xf32>
    %slice3A_307 = vector.extract_strided_slice %dot_general3A_5 {offsets = [896, 0], sizes = [56, 16], strides = [1, 1]} : vector<3584x16xf32> to vector<56x16xf32>
    %slice3A_308 = vector.extract_strided_slice %dot_general3A_11 {offsets = [896, 0], sizes = [56, 16], strides = [1, 1]} : vector<3584x16xf32> to vector<56x16xf32>
    %slice3A_309 = vector.extract_strided_slice %slice3A_305 {offsets = [0, 0], sizes = [28, 56], strides = [1, 1]} : vector<28x128xf32> to vector<28x56xf32>
    %dot_general3A_310 = arith.constant dense<0.000000e+00> : vector<28x16xf32>
    %dot_general3A_311 = tpu.matmul %slice3A_309, %slice3A_307, %dot_general3A_310 {dimension_numbers = #tpu.dot_dimension_numbers<[1], [0], [0], [1], [0, 0, 1, 1], [], []>, transpose_lhs_hint = false} : vector<28x56xf32>, vector<56x16xf32>, vector<28x16xf32> -> vector<28x16xf32>
    %slice3A_312 = vector.extract_strided_slice %slice3A_306 {offsets = [0, 0], sizes = [28, 56], strides = [1, 1]} : vector<28x128xf32> to vector<28x56xf32>
    %dot_general3A_313 = arith.constant dense<0.000000e+00> : vector<28x16xf32>
    %dot_general3A_314 = tpu.matmul %slice3A_312, %slice3A_308, %dot_general3A_313 {dimension_numbers = #tpu.dot_dimension_numbers<[1], [0], [0], [1], [0, 0, 1, 1], [], []>, transpose_lhs_hint = false} : vector<28x56xf32>, vector<56x16xf32>, vector<28x16xf32> -> vector<28x16xf32>
    %add3A_315 = arith.addf %dot_general3A_311, %dot_general3A_314 : vector<28x16xf32>
    %slice3A_316 = vector.extract_strided_slice %slice3A_305 {offsets = [0, 64], sizes = [28, 56], strides = [1, 1]} : vector<28x128xf32> to vector<28x56xf32>
    %dot_general3A_317 = arith.constant dense<0.000000e+00> : vector<28x16xf32>
    %dot_general3A_318 = tpu.matmul %slice3A_316, %slice3A_307, %dot_general3A_317 {dimension_numbers = #tpu.dot_dimension_numbers<[1], [0], [0], [1], [0, 0, 1, 1], [], []>, transpose_lhs_hint = false} : vector<28x56xf32>, vector<56x16xf32>, vector<28x16xf32> -> vector<28x16xf32>
    %slice3A_319 = vector.extract_strided_slice %slice3A_306 {offsets = [0, 64], sizes = [28, 56], strides = [1, 1]} : vector<28x128xf32> to vector<28x56xf32>
    %dot_general3A_320 = arith.constant dense<0.000000e+00> : vector<28x16xf32>
    %dot_general3A_321 = tpu.matmul %slice3A_319, %slice3A_308, %dot_general3A_320 {dimension_numbers = #tpu.dot_dimension_numbers<[1], [0], [0], [1], [0, 0, 1, 1], [], []>, transpose_lhs_hint = false} : vector<28x56xf32>, vector<56x16xf32>, vector<28x16xf32> -> vector<28x16xf32>
    %add3A_322 = arith.addf %dot_general3A_318, %dot_general3A_321 : vector<28x16xf32>
    %slice3A_323 = vector.extract_strided_slice %get3A_14 {offsets = [476, 0], sizes = [28, 128], strides = [1, 1]} : vector<1792x128xf32> to vector<28x128xf32>
    %slice3A_324 = vector.extract_strided_slice %get3A_17 {offsets = [476, 0], sizes = [28, 128], strides = [1, 1]} : vector<1792x128xf32> to vector<28x128xf32>
    %slice3A_325 = vector.extract_strided_slice %dot_general3A_5 {offsets = [952, 0], sizes = [56, 16], strides = [1, 1]} : vector<3584x16xf32> to vector<56x16xf32>
    %slice3A_326 = vector.extract_strided_slice %dot_general3A_11 {offsets = [952, 0], sizes = [56, 16], strides = [1, 1]} : vector<3584x16xf32> to vector<56x16xf32>
    %slice3A_327 = vector.extract_strided_slice %slice3A_323 {offsets = [0, 0], sizes = [28, 56], strides = [1, 1]} : vector<28x128xf32> to vector<28x56xf32>
    %dot_general3A_328 = arith.constant dense<0.000000e+00> : vector<28x16xf32>
    %dot_general3A_329 = tpu.matmul %slice3A_327, %slice3A_325, %dot_general3A_328 {dimension_numbers = #tpu.dot_dimension_numbers<[1], [0], [0], [1], [0, 0, 1, 1], [], []>, transpose_lhs_hint = false} : vector<28x56xf32>, vector<56x16xf32>, vector<28x16xf32> -> vector<28x16xf32>
    %slice3A_330 = vector.extract_strided_slice %slice3A_324 {offsets = [0, 0], sizes = [28, 56], strides = [1, 1]} : vector<28x128xf32> to vector<28x56xf32>
    %dot_general3A_331 = arith.constant dense<0.000000e+00> : vector<28x16xf32>
    %dot_general3A_332 = tpu.matmul %slice3A_330, %slice3A_326, %dot_general3A_331 {dimension_numbers = #tpu.dot_dimension_numbers<[1], [0], [0], [1], [0, 0, 1, 1], [], []>, transpose_lhs_hint = false} : vector<28x56xf32>, vector<56x16xf32>, vector<28x16xf32> -> vector<28x16xf32>
    %add3A_333 = arith.addf %dot_general3A_329, %dot_general3A_332 : vector<28x16xf32>
    %slice3A_334 = vector.extract_strided_slice %slice3A_323 {offsets = [0, 64], sizes = [28, 56], strides = [1, 1]} : vector<28x128xf32> to vector<28x56xf32>
    %dot_general3A_335 = arith.constant dense<0.000000e+00> : vector<28x16xf32>
    %dot_general3A_336 = tpu.matmul %slice3A_334, %slice3A_325, %dot_general3A_335 {dimension_numbers = #tpu.dot_dimension_numbers<[1], [0], [0], [1], [0, 0, 1, 1], [], []>, transpose_lhs_hint = false} : vector<28x56xf32>, vector<56x16xf32>, vector<28x16xf32> -> vector<28x16xf32>
    %slice3A_337 = vector.extract_strided_slice %slice3A_324 {offsets = [0, 64], sizes = [28, 56], strides = [1, 1]} : vector<28x128xf32> to vector<28x56xf32>
    %dot_general3A_338 = arith.constant dense<0.000000e+00> : vector<28x16xf32>
    %dot_general3A_339 = tpu.matmul %slice3A_337, %slice3A_326, %dot_general3A_338 {dimension_numbers = #tpu.dot_dimension_numbers<[1], [0], [0], [1], [0, 0, 1, 1], [], []>, transpose_lhs_hint = false} : vector<28x56xf32>, vector<56x16xf32>, vector<28x16xf32> -> vector<28x16xf32>
    %add3A_340 = arith.addf %dot_general3A_336, %dot_general3A_339 : vector<28x16xf32>
    %slice3A_341 = vector.extract_strided_slice %get3A_14 {offsets = [504, 0], sizes = [28, 128], strides = [1, 1]} : vector<1792x128xf32> to vector<28x128xf32>
    %slice3A_342 = vector.extract_strided_slice %get3A_17 {offsets = [504, 0], sizes = [28, 128], strides = [1, 1]} : vector<1792x128xf32> to vector<28x128xf32>
    %slice3A_343 = vector.extract_strided_slice %dot_general3A_5 {offsets = [1008, 0], sizes = [56, 16], strides = [1, 1]} : vector<3584x16xf32> to vector<56x16xf32>
    %slice3A_344 = vector.extract_strided_slice %dot_general3A_11 {offsets = [1008, 0], sizes = [56, 16], strides = [1, 1]} : vector<3584x16xf32> to vector<56x16xf32>
    %slice3A_345 = vector.extract_strided_slice %slice3A_341 {offsets = [0, 0], sizes = [28, 56], strides = [1, 1]} : vector<28x128xf32> to vector<28x56xf32>
    %dot_general3A_346 = arith.constant dense<0.000000e+00> : vector<28x16xf32>
    %dot_general3A_347 = tpu.matmul %slice3A_345, %slice3A_343, %dot_general3A_346 {dimension_numbers = #tpu.dot_dimension_numbers<[1], [0], [0], [1], [0, 0, 1, 1], [], []>, transpose_lhs_hint = false} : vector<28x56xf32>, vector<56x16xf32>, vector<28x16xf32> -> vector<28x16xf32>
    %slice3A_348 = vector.extract_strided_slice %slice3A_342 {offsets = [0, 0], sizes = [28, 56], strides = [1, 1]} : vector<28x128xf32> to vector<28x56xf32>
    %dot_general3A_349 = arith.constant dense<0.000000e+00> : vector<28x16xf32>
    %dot_general3A_350 = tpu.matmul %slice3A_348, %slice3A_344, %dot_general3A_349 {dimension_numbers = #tpu.dot_dimension_numbers<[1], [0], [0], [1], [0, 0, 1, 1], [], []>, transpose_lhs_hint = false} : vector<28x56xf32>, vector<56x16xf32>, vector<28x16xf32> -> vector<28x16xf32>
    %add3A_351 = arith.addf %dot_general3A_347, %dot_general3A_350 : vector<28x16xf32>
    %slice3A_352 = vector.extract_strided_slice %slice3A_341 {offsets = [0, 64], sizes = [28, 56], strides = [1, 1]} : vector<28x128xf32> to vector<28x56xf32>
    %dot_general3A_353 = arith.constant dense<0.000000e+00> : vector<28x16xf32>
    %dot_general3A_354 = tpu.matmul %slice3A_352, %slice3A_343, %dot_general3A_353 {dimension_numbers = #tpu.dot_dimension_numbers<[1], [0], [0], [1], [0, 0, 1, 1], [], []>, transpose_lhs_hint = false} : vector<28x56xf32>, vector<56x16xf32>, vector<28x16xf32> -> vector<28x16xf32>
    %slice3A_355 = vector.extract_strided_slice %slice3A_342 {offsets = [0, 64], sizes = [28, 56], strides = [1, 1]} : vector<28x128xf32> to vector<28x56xf32>
    %dot_general3A_356 = arith.constant dense<0.000000e+00> : vector<28x16xf32>
    %dot_general3A_357 = tpu.matmul %slice3A_355, %slice3A_344, %dot_general3A_356 {dimension_numbers = #tpu.dot_dimension_numbers<[1], [0], [0], [1], [0, 0, 1, 1], [], []>, transpose_lhs_hint = false} : vector<28x56xf32>, vector<56x16xf32>, vector<28x16xf32> -> vector<28x16xf32>
    %add3A_358 = arith.addf %dot_general3A_354, %dot_general3A_357 : vector<28x16xf32>
    %slice3A_359 = vector.extract_strided_slice %get3A_14 {offsets = [532, 0], sizes = [28, 128], strides = [1, 1]} : vector<1792x128xf32> to vector<28x128xf32>
    %slice3A_360 = vector.extract_strided_slice %get3A_17 {offsets = [532, 0], sizes = [28, 128], strides = [1, 1]} : vector<1792x128xf32> to vector<28x128xf32>
    %slice3A_361 = vector.extract_strided_slice %dot_general3A_5 {offsets = [1064, 0], sizes = [56, 16], strides = [1, 1]} : vector<3584x16xf32> to vector<56x16xf32>
    %slice3A_362 = vector.extract_strided_slice %dot_general3A_11 {offsets = [1064, 0], sizes = [56, 16], strides = [1, 1]} : vector<3584x16xf32> to vector<56x16xf32>
    %slice3A_363 = vector.extract_strided_slice %slice3A_359 {offsets = [0, 0], sizes = [28, 56], strides = [1, 1]} : vector<28x128xf32> to vector<28x56xf32>
    %dot_general3A_364 = arith.constant dense<0.000000e+00> : vector<28x16xf32>
    %dot_general3A_365 = tpu.matmul %slice3A_363, %slice3A_361, %dot_general3A_364 {dimension_numbers = #tpu.dot_dimension_numbers<[1], [0], [0], [1], [0, 0, 1, 1], [], []>, transpose_lhs_hint = false} : vector<28x56xf32>, vector<56x16xf32>, vector<28x16xf32> -> vector<28x16xf32>
    %slice3A_366 = vector.extract_strided_slice %slice3A_360 {offsets = [0, 0], sizes = [28, 56], strides = [1, 1]} : vector<28x128xf32> to vector<28x56xf32>
    %dot_general3A_367 = arith.constant dense<0.000000e+00> : vector<28x16xf32>
    %dot_general3A_368 = tpu.matmul %slice3A_366, %slice3A_362, %dot_general3A_367 {dimension_numbers = #tpu.dot_dimension_numbers<[1], [0], [0], [1], [0, 0, 1, 1], [], []>, transpose_lhs_hint = false} : vector<28x56xf32>, vector<56x16xf32>, vector<28x16xf32> -> vector<28x16xf32>
    %add3A_369 = arith.addf %dot_general3A_365, %dot_general3A_368 : vector<28x16xf32>
    %slice3A_370 = vector.extract_strided_slice %slice3A_359 {offsets = [0, 64], sizes = [28, 56], strides = [1, 1]} : vector<28x128xf32> to vector<28x56xf32>
    %dot_general3A_371 = arith.constant dense<0.000000e+00> : vector<28x16xf32>
    %dot_general3A_372 = tpu.matmul %slice3A_370, %slice3A_361, %dot_general3A_371 {dimension_numbers = #tpu.dot_dimension_numbers<[1], [0], [0], [1], [0, 0, 1, 1], [], []>, transpose_lhs_hint = false} : vector<28x56xf32>, vector<56x16xf32>, vector<28x16xf32> -> vector<28x16xf32>
    %slice3A_373 = vector.extract_strided_slice %slice3A_360 {offsets = [0, 64], sizes = [28, 56], strides = [1, 1]} : vector<28x128xf32> to vector<28x56xf32>
    %dot_general3A_374 = arith.constant dense<0.000000e+00> : vector<28x16xf32>
    %dot_general3A_375 = tpu.matmul %slice3A_373, %slice3A_362, %dot_general3A_374 {dimension_numbers = #tpu.dot_dimension_numbers<[1], [0], [0], [1], [0, 0, 1, 1], [], []>, transpose_lhs_hint = false} : vector<28x56xf32>, vector<56x16xf32>, vector<28x16xf32> -> vector<28x16xf32>
    %add3A_376 = arith.addf %dot_general3A_372, %dot_general3A_375 : vector<28x16xf32>
    %slice3A_377 = vector.extract_strided_slice %get3A_14 {offsets = [560, 0], sizes = [28, 128], strides = [1, 1]} : vector<1792x128xf32> to vector<28x128xf32>
    %slice3A_378 = vector.extract_strided_slice %get3A_17 {offsets = [560, 0], sizes = [28, 128], strides = [1, 1]} : vector<1792x128xf32> to vector<28x128xf32>
    %slice3A_379 = vector.extract_strided_slice %dot_general3A_5 {offsets = [1120, 0], sizes = [56, 16], strides = [1, 1]} : vector<3584x16xf32> to vector<56x16xf32>
    %slice3A_380 = vector.extract_strided_slice %dot_general3A_11 {offsets = [1120, 0], sizes = [56, 16], strides = [1, 1]} : vector<3584x16xf32> to vector<56x16xf32>
    %slice3A_381 = vector.extract_strided_slice %slice3A_377 {offsets = [0, 0], sizes = [28, 56], strides = [1, 1]} : vector<28x128xf32> to vector<28x56xf32>
    %dot_general3A_382 = arith.constant dense<0.000000e+00> : vector<28x16xf32>
    %dot_general3A_383 = tpu.matmul %slice3A_381, %slice3A_379, %dot_general3A_382 {dimension_numbers = #tpu.dot_dimension_numbers<[1], [0], [0], [1], [0, 0, 1, 1], [], []>, transpose_lhs_hint = false} : vector<28x56xf32>, vector<56x16xf32>, vector<28x16xf32> -> vector<28x16xf32>
    %slice3A_384 = vector.extract_strided_slice %slice3A_378 {offsets = [0, 0], sizes = [28, 56], strides = [1, 1]} : vector<28x128xf32> to vector<28x56xf32>
    %dot_general3A_385 = arith.constant dense<0.000000e+00> : vector<28x16xf32>
    %dot_general3A_386 = tpu.matmul %slice3A_384, %slice3A_380, %dot_general3A_385 {dimension_numbers = #tpu.dot_dimension_numbers<[1], [0], [0], [1], [0, 0, 1, 1], [], []>, transpose_lhs_hint = false} : vector<28x56xf32>, vector<56x16xf32>, vector<28x16xf32> -> vector<28x16xf32>
    %add3A_387 = arith.addf %dot_general3A_383, %dot_general3A_386 : vector<28x16xf32>
    %slice3A_388 = vector.extract_strided_slice %slice3A_377 {offsets = [0, 64], sizes = [28, 56], strides = [1, 1]} : vector<28x128xf32> to vector<28x56xf32>
    %dot_general3A_389 = arith.constant dense<0.000000e+00> : vector<28x16xf32>
    %dot_general3A_390 = tpu.matmul %slice3A_388, %slice3A_379, %dot_general3A_389 {dimension_numbers = #tpu.dot_dimension_numbers<[1], [0], [0], [1], [0, 0, 1, 1], [], []>, transpose_lhs_hint = false} : vector<28x56xf32>, vector<56x16xf32>, vector<28x16xf32> -> vector<28x16xf32>
    %slice3A_391 = vector.extract_strided_slice %slice3A_378 {offsets = [0, 64], sizes = [28, 56], strides = [1, 1]} : vector<28x128xf32> to vector<28x56xf32>
    %dot_general3A_392 = arith.constant dense<0.000000e+00> : vector<28x16xf32>
    %dot_general3A_393 = tpu.matmul %slice3A_391, %slice3A_380, %dot_general3A_392 {dimension_numbers = #tpu.dot_dimension_numbers<[1], [0], [0], [1], [0, 0, 1, 1], [], []>, transpose_lhs_hint = false} : vector<28x56xf32>, vector<56x16xf32>, vector<28x16xf32> -> vector<28x16xf32>
    %add3A_394 = arith.addf %dot_general3A_390, %dot_general3A_393 : vector<28x16xf32>
    %slice3A_395 = vector.extract_strided_slice %get3A_14 {offsets = [588, 0], sizes = [28, 128], strides = [1, 1]} : vector<1792x128xf32> to vector<28x128xf32>
    %slice3A_396 = vector.extract_strided_slice %get3A_17 {offsets = [588, 0], sizes = [28, 128], strides = [1, 1]} : vector<1792x128xf32> to vector<28x128xf32>
    %slice3A_397 = vector.extract_strided_slice %dot_general3A_5 {offsets = [1176, 0], sizes = [56, 16], strides = [1, 1]} : vector<3584x16xf32> to vector<56x16xf32>
    %slice3A_398 = vector.extract_strided_slice %dot_general3A_11 {offsets = [1176, 0], sizes = [56, 16], strides = [1, 1]} : vector<3584x16xf32> to vector<56x16xf32>
    %slice3A_399 = vector.extract_strided_slice %slice3A_395 {offsets = [0, 0], sizes = [28, 56], strides = [1, 1]} : vector<28x128xf32> to vector<28x56xf32>
    %dot_general3A_400 = arith.constant dense<0.000000e+00> : vector<28x16xf32>
    %dot_general3A_401 = tpu.matmul %slice3A_399, %slice3A_397, %dot_general3A_400 {dimension_numbers = #tpu.dot_dimension_numbers<[1], [0], [0], [1], [0, 0, 1, 1], [], []>, transpose_lhs_hint = false} : vector<28x56xf32>, vector<56x16xf32>, vector<28x16xf32> -> vector<28x16xf32>
    %slice3A_402 = vector.extract_strided_slice %slice3A_396 {offsets = [0, 0], sizes = [28, 56], strides = [1, 1]} : vector<28x128xf32> to vector<28x56xf32>
    %dot_general3A_403 = arith.constant dense<0.000000e+00> : vector<28x16xf32>
    %dot_general3A_404 = tpu.matmul %slice3A_402, %slice3A_398, %dot_general3A_403 {dimension_numbers = #tpu.dot_dimension_numbers<[1], [0], [0], [1], [0, 0, 1, 1], [], []>, transpose_lhs_hint = false} : vector<28x56xf32>, vector<56x16xf32>, vector<28x16xf32> -> vector<28x16xf32>
    %add3A_405 = arith.addf %dot_general3A_401, %dot_general3A_404 : vector<28x16xf32>
    %slice3A_406 = vector.extract_strided_slice %slice3A_395 {offsets = [0, 64], sizes = [28, 56], strides = [1, 1]} : vector<28x128xf32> to vector<28x56xf32>
    %dot_general3A_407 = arith.constant dense<0.000000e+00> : vector<28x16xf32>
    %dot_general3A_408 = tpu.matmul %slice3A_406, %slice3A_397, %dot_general3A_407 {dimension_numbers = #tpu.dot_dimension_numbers<[1], [0], [0], [1], [0, 0, 1, 1], [], []>, transpose_lhs_hint = false} : vector<28x56xf32>, vector<56x16xf32>, vector<28x16xf32> -> vector<28x16xf32>
    %slice3A_409 = vector.extract_strided_slice %slice3A_396 {offsets = [0, 64], sizes = [28, 56], strides = [1, 1]} : vector<28x128xf32> to vector<28x56xf32>
    %dot_general3A_410 = arith.constant dense<0.000000e+00> : vector<28x16xf32>
    %dot_general3A_411 = tpu.matmul %slice3A_409, %slice3A_398, %dot_general3A_410 {dimension_numbers = #tpu.dot_dimension_numbers<[1], [0], [0], [1], [0, 0, 1, 1], [], []>, transpose_lhs_hint = false} : vector<28x56xf32>, vector<56x16xf32>, vector<28x16xf32> -> vector<28x16xf32>
    %add3A_412 = arith.addf %dot_general3A_408, %dot_general3A_411 : vector<28x16xf32>
    %slice3A_413 = vector.extract_strided_slice %get3A_14 {offsets = [616, 0], sizes = [28, 128], strides = [1, 1]} : vector<1792x128xf32> to vector<28x128xf32>
    %slice3A_414 = vector.extract_strided_slice %get3A_17 {offsets = [616, 0], sizes = [28, 128], strides = [1, 1]} : vector<1792x128xf32> to vector<28x128xf32>
    %slice3A_415 = vector.extract_strided_slice %dot_general3A_5 {offsets = [1232, 0], sizes = [56, 16], strides = [1, 1]} : vector<3584x16xf32> to vector<56x16xf32>
    %slice3A_416 = vector.extract_strided_slice %dot_general3A_11 {offsets = [1232, 0], sizes = [56, 16], strides = [1, 1]} : vector<3584x16xf32> to vector<56x16xf32>
    %slice3A_417 = vector.extract_strided_slice %slice3A_413 {offsets = [0, 0], sizes = [28, 56], strides = [1, 1]} : vector<28x128xf32> to vector<28x56xf32>
    %dot_general3A_418 = arith.constant dense<0.000000e+00> : vector<28x16xf32>
    %dot_general3A_419 = tpu.matmul %slice3A_417, %slice3A_415, %dot_general3A_418 {dimension_numbers = #tpu.dot_dimension_numbers<[1], [0], [0], [1], [0, 0, 1, 1], [], []>, transpose_lhs_hint = false} : vector<28x56xf32>, vector<56x16xf32>, vector<28x16xf32> -> vector<28x16xf32>
    %slice3A_420 = vector.extract_strided_slice %slice3A_414 {offsets = [0, 0], sizes = [28, 56], strides = [1, 1]} : vector<28x128xf32> to vector<28x56xf32>
    %dot_general3A_421 = arith.constant dense<0.000000e+00> : vector<28x16xf32>
    %dot_general3A_422 = tpu.matmul %slice3A_420, %slice3A_416, %dot_general3A_421 {dimension_numbers = #tpu.dot_dimension_numbers<[1], [0], [0], [1], [0, 0, 1, 1], [], []>, transpose_lhs_hint = false} : vector<28x56xf32>, vector<56x16xf32>, vector<28x16xf32> -> vector<28x16xf32>
    %add3A_423 = arith.addf %dot_general3A_419, %dot_general3A_422 : vector<28x16xf32>
    %slice3A_424 = vector.extract_strided_slice %slice3A_413 {offsets = [0, 64], sizes = [28, 56], strides = [1, 1]} : vector<28x128xf32> to vector<28x56xf32>
    %dot_general3A_425 = arith.constant dense<0.000000e+00> : vector<28x16xf32>
    %dot_general3A_426 = tpu.matmul %slice3A_424, %slice3A_415, %dot_general3A_425 {dimension_numbers = #tpu.dot_dimension_numbers<[1], [0], [0], [1], [0, 0, 1, 1], [], []>, transpose_lhs_hint = false} : vector<28x56xf32>, vector<56x16xf32>, vector<28x16xf32> -> vector<28x16xf32>
    %slice3A_427 = vector.extract_strided_slice %slice3A_414 {offsets = [0, 64], sizes = [28, 56], strides = [1, 1]} : vector<28x128xf32> to vector<28x56xf32>
    %dot_general3A_428 = arith.constant dense<0.000000e+00> : vector<28x16xf32>
    %dot_general3A_429 = tpu.matmul %slice3A_427, %slice3A_416, %dot_general3A_428 {dimension_numbers = #tpu.dot_dimension_numbers<[1], [0], [0], [1], [0, 0, 1, 1], [], []>, transpose_lhs_hint = false} : vector<28x56xf32>, vector<56x16xf32>, vector<28x16xf32> -> vector<28x16xf32>
    %add3A_430 = arith.addf %dot_general3A_426, %dot_general3A_429 : vector<28x16xf32>
    %slice3A_431 = vector.extract_strided_slice %get3A_14 {offsets = [644, 0], sizes = [28, 128], strides = [1, 1]} : vector<1792x128xf32> to vector<28x128xf32>
    %slice3A_432 = vector.extract_strided_slice %get3A_17 {offsets = [644, 0], sizes = [28, 128], strides = [1, 1]} : vector<1792x128xf32> to vector<28x128xf32>
    %slice3A_433 = vector.extract_strided_slice %dot_general3A_5 {offsets = [1288, 0], sizes = [56, 16], strides = [1, 1]} : vector<3584x16xf32> to vector<56x16xf32>
    %slice3A_434 = vector.extract_strided_slice %dot_general3A_11 {offsets = [1288, 0], sizes = [56, 16], strides = [1, 1]} : vector<3584x16xf32> to vector<56x16xf32>
    %slice3A_435 = vector.extract_strided_slice %slice3A_431 {offsets = [0, 0], sizes = [28, 56], strides = [1, 1]} : vector<28x128xf32> to vector<28x56xf32>
    %dot_general3A_436 = arith.constant dense<0.000000e+00> : vector<28x16xf32>
    %dot_general3A_437 = tpu.matmul %slice3A_435, %slice3A_433, %dot_general3A_436 {dimension_numbers = #tpu.dot_dimension_numbers<[1], [0], [0], [1], [0, 0, 1, 1], [], []>, transpose_lhs_hint = false} : vector<28x56xf32>, vector<56x16xf32>, vector<28x16xf32> -> vector<28x16xf32>
    %slice3A_438 = vector.extract_strided_slice %slice3A_432 {offsets = [0, 0], sizes = [28, 56], strides = [1, 1]} : vector<28x128xf32> to vector<28x56xf32>
    %dot_general3A_439 = arith.constant dense<0.000000e+00> : vector<28x16xf32>
    %dot_general3A_440 = tpu.matmul %slice3A_438, %slice3A_434, %dot_general3A_439 {dimension_numbers = #tpu.dot_dimension_numbers<[1], [0], [0], [1], [0, 0, 1, 1], [], []>, transpose_lhs_hint = false} : vector<28x56xf32>, vector<56x16xf32>, vector<28x16xf32> -> vector<28x16xf32>
    %add3A_441 = arith.addf %dot_general3A_437, %dot_general3A_440 : vector<28x16xf32>
    %slice3A_442 = vector.extract_strided_slice %slice3A_431 {offsets = [0, 64], sizes = [28, 56], strides = [1, 1]} : vector<28x128xf32> to vector<28x56xf32>
    %dot_general3A_443 = arith.constant dense<0.000000e+00> : vector<28x16xf32>
    %dot_general3A_444 = tpu.matmul %slice3A_442, %slice3A_433, %dot_general3A_443 {dimension_numbers = #tpu.dot_dimension_numbers<[1], [0], [0], [1], [0, 0, 1, 1], [], []>, transpose_lhs_hint = false} : vector<28x56xf32>, vector<56x16xf32>, vector<28x16xf32> -> vector<28x16xf32>
    %slice3A_445 = vector.extract_strided_slice %slice3A_432 {offsets = [0, 64], sizes = [28, 56], strides = [1, 1]} : vector<28x128xf32> to vector<28x56xf32>
    %dot_general3A_446 = arith.constant dense<0.000000e+00> : vector<28x16xf32>
    %dot_general3A_447 = tpu.matmul %slice3A_445, %slice3A_434, %dot_general3A_446 {dimension_numbers = #tpu.dot_dimension_numbers<[1], [0], [0], [1], [0, 0, 1, 1], [], []>, transpose_lhs_hint = false} : vector<28x56xf32>, vector<56x16xf32>, vector<28x16xf32> -> vector<28x16xf32>
    %add3A_448 = arith.addf %dot_general3A_444, %dot_general3A_447 : vector<28x16xf32>
    %slice3A_449 = vector.extract_strided_slice %get3A_14 {offsets = [672, 0], sizes = [28, 128], strides = [1, 1]} : vector<1792x128xf32> to vector<28x128xf32>
    %slice3A_450 = vector.extract_strided_slice %get3A_17 {offsets = [672, 0], sizes = [28, 128], strides = [1, 1]} : vector<1792x128xf32> to vector<28x128xf32>
    %slice3A_451 = vector.extract_strided_slice %dot_general3A_5 {offsets = [1344, 0], sizes = [56, 16], strides = [1, 1]} : vector<3584x16xf32> to vector<56x16xf32>
    %slice3A_452 = vector.extract_strided_slice %dot_general3A_11 {offsets = [1344, 0], sizes = [56, 16], strides = [1, 1]} : vector<3584x16xf32> to vector<56x16xf32>
    %slice3A_453 = vector.extract_strided_slice %slice3A_449 {offsets = [0, 0], sizes = [28, 56], strides = [1, 1]} : vector<28x128xf32> to vector<28x56xf32>
    %dot_general3A_454 = arith.constant dense<0.000000e+00> : vector<28x16xf32>
    %dot_general3A_455 = tpu.matmul %slice3A_453, %slice3A_451, %dot_general3A_454 {dimension_numbers = #tpu.dot_dimension_numbers<[1], [0], [0], [1], [0, 0, 1, 1], [], []>, transpose_lhs_hint = false} : vector<28x56xf32>, vector<56x16xf32>, vector<28x16xf32> -> vector<28x16xf32>
    %slice3A_456 = vector.extract_strided_slice %slice3A_450 {offsets = [0, 0], sizes = [28, 56], strides = [1, 1]} : vector<28x128xf32> to vector<28x56xf32>
    %dot_general3A_457 = arith.constant dense<0.000000e+00> : vector<28x16xf32>
    %dot_general3A_458 = tpu.matmul %slice3A_456, %slice3A_452, %dot_general3A_457 {dimension_numbers = #tpu.dot_dimension_numbers<[1], [0], [0], [1], [0, 0, 1, 1], [], []>, transpose_lhs_hint = false} : vector<28x56xf32>, vector<56x16xf32>, vector<28x16xf32> -> vector<28x16xf32>
    %add3A_459 = arith.addf %dot_general3A_455, %dot_general3A_458 : vector<28x16xf32>
    %slice3A_460 = vector.extract_strided_slice %slice3A_449 {offsets = [0, 64], sizes = [28, 56], strides = [1, 1]} : vector<28x128xf32> to vector<28x56xf32>
    %dot_general3A_461 = arith.constant dense<0.000000e+00> : vector<28x16xf32>
    %dot_general3A_462 = tpu.matmul %slice3A_460, %slice3A_451, %dot_general3A_461 {dimension_numbers = #tpu.dot_dimension_numbers<[1], [0], [0], [1], [0, 0, 1, 1], [], []>, transpose_lhs_hint = false} : vector<28x56xf32>, vector<56x16xf32>, vector<28x16xf32> -> vector<28x16xf32>
    %slice3A_463 = vector.extract_strided_slice %slice3A_450 {offsets = [0, 64], sizes = [28, 56], strides = [1, 1]} : vector<28x128xf32> to vector<28x56xf32>
    %dot_general3A_464 = arith.constant dense<0.000000e+00> : vector<28x16xf32>
    %dot_general3A_465 = tpu.matmul %slice3A_463, %slice3A_452, %dot_general3A_464 {dimension_numbers = #tpu.dot_dimension_numbers<[1], [0], [0], [1], [0, 0, 1, 1], [], []>, transpose_lhs_hint = false} : vector<28x56xf32>, vector<56x16xf32>, vector<28x16xf32> -> vector<28x16xf32>
    %add3A_466 = arith.addf %dot_general3A_462, %dot_general3A_465 : vector<28x16xf32>
    %slice3A_467 = vector.extract_strided_slice %get3A_14 {offsets = [700, 0], sizes = [28, 128], strides = [1, 1]} : vector<1792x128xf32> to vector<28x128xf32>
    %slice3A_468 = vector.extract_strided_slice %get3A_17 {offsets = [700, 0], sizes = [28, 128], strides = [1, 1]} : vector<1792x128xf32> to vector<28x128xf32>
    %slice3A_469 = vector.extract_strided_slice %dot_general3A_5 {offsets = [1400, 0], sizes = [56, 16], strides = [1, 1]} : vector<3584x16xf32> to vector<56x16xf32>
    %slice3A_470 = vector.extract_strided_slice %dot_general3A_11 {offsets = [1400, 0], sizes = [56, 16], strides = [1, 1]} : vector<3584x16xf32> to vector<56x16xf32>
    %slice3A_471 = vector.extract_strided_slice %slice3A_467 {offsets = [0, 0], sizes = [28, 56], strides = [1, 1]} : vector<28x128xf32> to vector<28x56xf32>
    %dot_general3A_472 = arith.constant dense<0.000000e+00> : vector<28x16xf32>
    %dot_general3A_473 = tpu.matmul %slice3A_471, %slice3A_469, %dot_general3A_472 {dimension_numbers = #tpu.dot_dimension_numbers<[1], [0], [0], [1], [0, 0, 1, 1], [], []>, transpose_lhs_hint = false} : vector<28x56xf32>, vector<56x16xf32>, vector<28x16xf32> -> vector<28x16xf32>
    %slice3A_474 = vector.extract_strided_slice %slice3A_468 {offsets = [0, 0], sizes = [28, 56], strides = [1, 1]} : vector<28x128xf32> to vector<28x56xf32>
    %dot_general3A_475 = arith.constant dense<0.000000e+00> : vector<28x16xf32>
    %dot_general3A_476 = tpu.matmul %slice3A_474, %slice3A_470, %dot_general3A_475 {dimension_numbers = #tpu.dot_dimension_numbers<[1], [0], [0], [1], [0, 0, 1, 1], [], []>, transpose_lhs_hint = false} : vector<28x56xf32>, vector<56x16xf32>, vector<28x16xf32> -> vector<28x16xf32>
    %add3A_477 = arith.addf %dot_general3A_473, %dot_general3A_476 : vector<28x16xf32>
    %slice3A_478 = vector.extract_strided_slice %slice3A_467 {offsets = [0, 64], sizes = [28, 56], strides = [1, 1]} : vector<28x128xf32> to vector<28x56xf32>
    %dot_general3A_479 = arith.constant dense<0.000000e+00> : vector<28x16xf32>
    %dot_general3A_480 = tpu.matmul %slice3A_478, %slice3A_469, %dot_general3A_479 {dimension_numbers = #tpu.dot_dimension_numbers<[1], [0], [0], [1], [0, 0, 1, 1], [], []>, transpose_lhs_hint = false} : vector<28x56xf32>, vector<56x16xf32>, vector<28x16xf32> -> vector<28x16xf32>
    %slice3A_481 = vector.extract_strided_slice %slice3A_468 {offsets = [0, 64], sizes = [28, 56], strides = [1, 1]} : vector<28x128xf32> to vector<28x56xf32>
    %dot_general3A_482 = arith.constant dense<0.000000e+00> : vector<28x16xf32>
    %dot_general3A_483 = tpu.matmul %slice3A_481, %slice3A_470, %dot_general3A_482 {dimension_numbers = #tpu.dot_dimension_numbers<[1], [0], [0], [1], [0, 0, 1, 1], [], []>, transpose_lhs_hint = false} : vector<28x56xf32>, vector<56x16xf32>, vector<28x16xf32> -> vector<28x16xf32>
    %add3A_484 = arith.addf %dot_general3A_480, %dot_general3A_483 : vector<28x16xf32>
    %slice3A_485 = vector.extract_strided_slice %get3A_14 {offsets = [728, 0], sizes = [28, 128], strides = [1, 1]} : vector<1792x128xf32> to vector<28x128xf32>
    %slice3A_486 = vector.extract_strided_slice %get3A_17 {offsets = [728, 0], sizes = [28, 128], strides = [1, 1]} : vector<1792x128xf32> to vector<28x128xf32>
    %slice3A_487 = vector.extract_strided_slice %dot_general3A_5 {offsets = [1456, 0], sizes = [56, 16], strides = [1, 1]} : vector<3584x16xf32> to vector<56x16xf32>
    %slice3A_488 = vector.extract_strided_slice %dot_general3A_11 {offsets = [1456, 0], sizes = [56, 16], strides = [1, 1]} : vector<3584x16xf32> to vector<56x16xf32>
    %slice3A_489 = vector.extract_strided_slice %slice3A_485 {offsets = [0, 0], sizes = [28, 56], strides = [1, 1]} : vector<28x128xf32> to vector<28x56xf32>
    %dot_general3A_490 = arith.constant dense<0.000000e+00> : vector<28x16xf32>
    %dot_general3A_491 = tpu.matmul %slice3A_489, %slice3A_487, %dot_general3A_490 {dimension_numbers = #tpu.dot_dimension_numbers<[1], [0], [0], [1], [0, 0, 1, 1], [], []>, transpose_lhs_hint = false} : vector<28x56xf32>, vector<56x16xf32>, vector<28x16xf32> -> vector<28x16xf32>
    %slice3A_492 = vector.extract_strided_slice %slice3A_486 {offsets = [0, 0], sizes = [28, 56], strides = [1, 1]} : vector<28x128xf32> to vector<28x56xf32>
    %dot_general3A_493 = arith.constant dense<0.000000e+00> : vector<28x16xf32>
    %dot_general3A_494 = tpu.matmul %slice3A_492, %slice3A_488, %dot_general3A_493 {dimension_numbers = #tpu.dot_dimension_numbers<[1], [0], [0], [1], [0, 0, 1, 1], [], []>, transpose_lhs_hint = false} : vector<28x56xf32>, vector<56x16xf32>, vector<28x16xf32> -> vector<28x16xf32>
    %add3A_495 = arith.addf %dot_general3A_491, %dot_general3A_494 : vector<28x16xf32>
    %slice3A_496 = vector.extract_strided_slice %slice3A_485 {offsets = [0, 64], sizes = [28, 56], strides = [1, 1]} : vector<28x128xf32> to vector<28x56xf32>
    %dot_general3A_497 = arith.constant dense<0.000000e+00> : vector<28x16xf32>
    %dot_general3A_498 = tpu.matmul %slice3A_496, %slice3A_487, %dot_general3A_497 {dimension_numbers = #tpu.dot_dimension_numbers<[1], [0], [0], [1], [0, 0, 1, 1], [], []>, transpose_lhs_hint = false} : vector<28x56xf32>, vector<56x16xf32>, vector<28x16xf32> -> vector<28x16xf32>
    %slice3A_499 = vector.extract_strided_slice %slice3A_486 {offsets = [0, 64], sizes = [28, 56], strides = [1, 1]} : vector<28x128xf32> to vector<28x56xf32>
    %dot_general3A_500 = arith.constant dense<0.000000e+00> : vector<28x16xf32>
    %dot_general3A_501 = tpu.matmul %slice3A_499, %slice3A_488, %dot_general3A_500 {dimension_numbers = #tpu.dot_dimension_numbers<[1], [0], [0], [1], [0, 0, 1, 1], [], []>, transpose_lhs_hint = false} : vector<28x56xf32>, vector<56x16xf32>, vector<28x16xf32> -> vector<28x16xf32>
    %add3A_502 = arith.addf %dot_general3A_498, %dot_general3A_501 : vector<28x16xf32>
    %slice3A_503 = vector.extract_strided_slice %get3A_14 {offsets = [756, 0], sizes = [28, 128], strides = [1, 1]} : vector<1792x128xf32> to vector<28x128xf32>
    %slice3A_504 = vector.extract_strided_slice %get3A_17 {offsets = [756, 0], sizes = [28, 128], strides = [1, 1]} : vector<1792x128xf32> to vector<28x128xf32>
    %slice3A_505 = vector.extract_strided_slice %dot_general3A_5 {offsets = [1512, 0], sizes = [56, 16], strides = [1, 1]} : vector<3584x16xf32> to vector<56x16xf32>
    %slice3A_506 = vector.extract_strided_slice %dot_general3A_11 {offsets = [1512, 0], sizes = [56, 16], strides = [1, 1]} : vector<3584x16xf32> to vector<56x16xf32>
    %slice3A_507 = vector.extract_strided_slice %slice3A_503 {offsets = [0, 0], sizes = [28, 56], strides = [1, 1]} : vector<28x128xf32> to vector<28x56xf32>
    %dot_general3A_508 = arith.constant dense<0.000000e+00> : vector<28x16xf32>
    %dot_general3A_509 = tpu.matmul %slice3A_507, %slice3A_505, %dot_general3A_508 {dimension_numbers = #tpu.dot_dimension_numbers<[1], [0], [0], [1], [0, 0, 1, 1], [], []>, transpose_lhs_hint = false} : vector<28x56xf32>, vector<56x16xf32>, vector<28x16xf32> -> vector<28x16xf32>
    %slice3A_510 = vector.extract_strided_slice %slice3A_504 {offsets = [0, 0], sizes = [28, 56], strides = [1, 1]} : vector<28x128xf32> to vector<28x56xf32>
    %dot_general3A_511 = arith.constant dense<0.000000e+00> : vector<28x16xf32>
    %dot_general3A_512 = tpu.matmul %slice3A_510, %slice3A_506, %dot_general3A_511 {dimension_numbers = #tpu.dot_dimension_numbers<[1], [0], [0], [1], [0, 0, 1, 1], [], []>, transpose_lhs_hint = false} : vector<28x56xf32>, vector<56x16xf32>, vector<28x16xf32> -> vector<28x16xf32>
    %add3A_513 = arith.addf %dot_general3A_509, %dot_general3A_512 : vector<28x16xf32>
    %slice3A_514 = vector.extract_strided_slice %slice3A_503 {offsets = [0, 64], sizes = [28, 56], strides = [1, 1]} : vector<28x128xf32> to vector<28x56xf32>
    %dot_general3A_515 = arith.constant dense<0.000000e+00> : vector<28x16xf32>
    %dot_general3A_516 = tpu.matmul %slice3A_514, %slice3A_505, %dot_general3A_515 {dimension_numbers = #tpu.dot_dimension_numbers<[1], [0], [0], [1], [0, 0, 1, 1], [], []>, transpose_lhs_hint = false} : vector<28x56xf32>, vector<56x16xf32>, vector<28x16xf32> -> vector<28x16xf32>
    %slice3A_517 = vector.extract_strided_slice %slice3A_504 {offsets = [0, 64], sizes = [28, 56], strides = [1, 1]} : vector<28x128xf32> to vector<28x56xf32>
    %dot_general3A_518 = arith.constant dense<0.000000e+00> : vector<28x16xf32>
    %dot_general3A_519 = tpu.matmul %slice3A_517, %slice3A_506, %dot_general3A_518 {dimension_numbers = #tpu.dot_dimension_numbers<[1], [0], [0], [1], [0, 0, 1, 1], [], []>, transpose_lhs_hint = false} : vector<28x56xf32>, vector<56x16xf32>, vector<28x16xf32> -> vector<28x16xf32>
    %add3A_520 = arith.addf %dot_general3A_516, %dot_general3A_519 : vector<28x16xf32>
    %slice3A_521 = vector.extract_strided_slice %get3A_14 {offsets = [784, 0], sizes = [28, 128], strides = [1, 1]} : vector<1792x128xf32> to vector<28x128xf32>
    %slice3A_522 = vector.extract_strided_slice %get3A_17 {offsets = [784, 0], sizes = [28, 128], strides = [1, 1]} : vector<1792x128xf32> to vector<28x128xf32>
    %slice3A_523 = vector.extract_strided_slice %dot_general3A_5 {offsets = [1568, 0], sizes = [56, 16], strides = [1, 1]} : vector<3584x16xf32> to vector<56x16xf32>
    %slice3A_524 = vector.extract_strided_slice %dot_general3A_11 {offsets = [1568, 0], sizes = [56, 16], strides = [1, 1]} : vector<3584x16xf32> to vector<56x16xf32>
    %slice3A_525 = vector.extract_strided_slice %slice3A_521 {offsets = [0, 0], sizes = [28, 56], strides = [1, 1]} : vector<28x128xf32> to vector<28x56xf32>
    %dot_general3A_526 = arith.constant dense<0.000000e+00> : vector<28x16xf32>
    %dot_general3A_527 = tpu.matmul %slice3A_525, %slice3A_523, %dot_general3A_526 {dimension_numbers = #tpu.dot_dimension_numbers<[1], [0], [0], [1], [0, 0, 1, 1], [], []>, transpose_lhs_hint = false} : vector<28x56xf32>, vector<56x16xf32>, vector<28x16xf32> -> vector<28x16xf32>
    %slice3A_528 = vector.extract_strided_slice %slice3A_522 {offsets = [0, 0], sizes = [28, 56], strides = [1, 1]} : vector<28x128xf32> to vector<28x56xf32>
    %dot_general3A_529 = arith.constant dense<0.000000e+00> : vector<28x16xf32>
    %dot_general3A_530 = tpu.matmul %slice3A_528, %slice3A_524, %dot_general3A_529 {dimension_numbers = #tpu.dot_dimension_numbers<[1], [0], [0], [1], [0, 0, 1, 1], [], []>, transpose_lhs_hint = false} : vector<28x56xf32>, vector<56x16xf32>, vector<28x16xf32> -> vector<28x16xf32>
    %add3A_531 = arith.addf %dot_general3A_527, %dot_general3A_530 : vector<28x16xf32>
    %slice3A_532 = vector.extract_strided_slice %slice3A_521 {offsets = [0, 64], sizes = [28, 56], strides = [1, 1]} : vector<28x128xf32> to vector<28x56xf32>
    %dot_general3A_533 = arith.constant dense<0.000000e+00> : vector<28x16xf32>
    %dot_general3A_534 = tpu.matmul %slice3A_532, %slice3A_523, %dot_general3A_533 {dimension_numbers = #tpu.dot_dimension_numbers<[1], [0], [0], [1], [0, 0, 1, 1], [], []>, transpose_lhs_hint = false} : vector<28x56xf32>, vector<56x16xf32>, vector<28x16xf32> -> vector<28x16xf32>
    %slice3A_535 = vector.extract_strided_slice %slice3A_522 {offsets = [0, 64], sizes = [28, 56], strides = [1, 1]} : vector<28x128xf32> to vector<28x56xf32>
    %dot_general3A_536 = arith.constant dense<0.000000e+00> : vector<28x16xf32>
    %dot_general3A_537 = tpu.matmul %slice3A_535, %slice3A_524, %dot_general3A_536 {dimension_numbers = #tpu.dot_dimension_numbers<[1], [0], [0], [1], [0, 0, 1, 1], [], []>, transpose_lhs_hint = false} : vector<28x56xf32>, vector<56x16xf32>, vector<28x16xf32> -> vector<28x16xf32>
    %add3A_538 = arith.addf %dot_general3A_534, %dot_general3A_537 : vector<28x16xf32>
    %slice3A_539 = vector.extract_strided_slice %get3A_14 {offsets = [812, 0], sizes = [28, 128], strides = [1, 1]} : vector<1792x128xf32> to vector<28x128xf32>
    %slice3A_540 = vector.extract_strided_slice %get3A_17 {offsets = [812, 0], sizes = [28, 128], strides = [1, 1]} : vector<1792x128xf32> to vector<28x128xf32>
    %slice3A_541 = vector.extract_strided_slice %dot_general3A_5 {offsets = [1624, 0], sizes = [56, 16], strides = [1, 1]} : vector<3584x16xf32> to vector<56x16xf32>
    %slice3A_542 = vector.extract_strided_slice %dot_general3A_11 {offsets = [1624, 0], sizes = [56, 16], strides = [1, 1]} : vector<3584x16xf32> to vector<56x16xf32>
    %slice3A_543 = vector.extract_strided_slice %slice3A_539 {offsets = [0, 0], sizes = [28, 56], strides = [1, 1]} : vector<28x128xf32> to vector<28x56xf32>
    %dot_general3A_544 = arith.constant dense<0.000000e+00> : vector<28x16xf32>
    %dot_general3A_545 = tpu.matmul %slice3A_543, %slice3A_541, %dot_general3A_544 {dimension_numbers = #tpu.dot_dimension_numbers<[1], [0], [0], [1], [0, 0, 1, 1], [], []>, transpose_lhs_hint = false} : vector<28x56xf32>, vector<56x16xf32>, vector<28x16xf32> -> vector<28x16xf32>
    %slice3A_546 = vector.extract_strided_slice %slice3A_540 {offsets = [0, 0], sizes = [28, 56], strides = [1, 1]} : vector<28x128xf32> to vector<28x56xf32>
    %dot_general3A_547 = arith.constant dense<0.000000e+00> : vector<28x16xf32>
    %dot_general3A_548 = tpu.matmul %slice3A_546, %slice3A_542, %dot_general3A_547 {dimension_numbers = #tpu.dot_dimension_numbers<[1], [0], [0], [1], [0, 0, 1, 1], [], []>, transpose_lhs_hint = false} : vector<28x56xf32>, vector<56x16xf32>, vector<28x16xf32> -> vector<28x16xf32>
    %add3A_549 = arith.addf %dot_general3A_545, %dot_general3A_548 : vector<28x16xf32>
    %slice3A_550 = vector.extract_strided_slice %slice3A_539 {offsets = [0, 64], sizes = [28, 56], strides = [1, 1]} : vector<28x128xf32> to vector<28x56xf32>
    %dot_general3A_551 = arith.constant dense<0.000000e+00> : vector<28x16xf32>
    %dot_general3A_552 = tpu.matmul %slice3A_550, %slice3A_541, %dot_general3A_551 {dimension_numbers = #tpu.dot_dimension_numbers<[1], [0], [0], [1], [0, 0, 1, 1], [], []>, transpose_lhs_hint = false} : vector<28x56xf32>, vector<56x16xf32>, vector<28x16xf32> -> vector<28x16xf32>
    %slice3A_553 = vector.extract_strided_slice %slice3A_540 {offsets = [0, 64], sizes = [28, 56], strides = [1, 1]} : vector<28x128xf32> to vector<28x56xf32>
    %dot_general3A_554 = arith.constant dense<0.000000e+00> : vector<28x16xf32>
    %dot_general3A_555 = tpu.matmul %slice3A_553, %slice3A_542, %dot_general3A_554 {dimension_numbers = #tpu.dot_dimension_numbers<[1], [0], [0], [1], [0, 0, 1, 1], [], []>, transpose_lhs_hint = false} : vector<28x56xf32>, vector<56x16xf32>, vector<28x16xf32> -> vector<28x16xf32>
    %add3A_556 = arith.addf %dot_general3A_552, %dot_general3A_555 : vector<28x16xf32>
    %slice3A_557 = vector.extract_strided_slice %get3A_14 {offsets = [840, 0], sizes = [28, 128], strides = [1, 1]} : vector<1792x128xf32> to vector<28x128xf32>
    %slice3A_558 = vector.extract_strided_slice %get3A_17 {offsets = [840, 0], sizes = [28, 128], strides = [1, 1]} : vector<1792x128xf32> to vector<28x128xf32>
    %slice3A_559 = vector.extract_strided_slice %dot_general3A_5 {offsets = [1680, 0], sizes = [56, 16], strides = [1, 1]} : vector<3584x16xf32> to vector<56x16xf32>
    %slice3A_560 = vector.extract_strided_slice %dot_general3A_11 {offsets = [1680, 0], sizes = [56, 16], strides = [1, 1]} : vector<3584x16xf32> to vector<56x16xf32>
    %slice3A_561 = vector.extract_strided_slice %slice3A_557 {offsets = [0, 0], sizes = [28, 56], strides = [1, 1]} : vector<28x128xf32> to vector<28x56xf32>
    %dot_general3A_562 = arith.constant dense<0.000000e+00> : vector<28x16xf32>
    %dot_general3A_563 = tpu.matmul %slice3A_561, %slice3A_559, %dot_general3A_562 {dimension_numbers = #tpu.dot_dimension_numbers<[1], [0], [0], [1], [0, 0, 1, 1], [], []>, transpose_lhs_hint = false} : vector<28x56xf32>, vector<56x16xf32>, vector<28x16xf32> -> vector<28x16xf32>
    %slice3A_564 = vector.extract_strided_slice %slice3A_558 {offsets = [0, 0], sizes = [28, 56], strides = [1, 1]} : vector<28x128xf32> to vector<28x56xf32>
    %dot_general3A_565 = arith.constant dense<0.000000e+00> : vector<28x16xf32>
    %dot_general3A_566 = tpu.matmul %slice3A_564, %slice3A_560, %dot_general3A_565 {dimension_numbers = #tpu.dot_dimension_numbers<[1], [0], [0], [1], [0, 0, 1, 1], [], []>, transpose_lhs_hint = false} : vector<28x56xf32>, vector<56x16xf32>, vector<28x16xf32> -> vector<28x16xf32>
    %add3A_567 = arith.addf %dot_general3A_563, %dot_general3A_566 : vector<28x16xf32>
    %slice3A_568 = vector.extract_strided_slice %slice3A_557 {offsets = [0, 64], sizes = [28, 56], strides = [1, 1]} : vector<28x128xf32> to vector<28x56xf32>
    %dot_general3A_569 = arith.constant dense<0.000000e+00> : vector<28x16xf32>
    %dot_general3A_570 = tpu.matmul %slice3A_568, %slice3A_559, %dot_general3A_569 {dimension_numbers = #tpu.dot_dimension_numbers<[1], [0], [0], [1], [0, 0, 1, 1], [], []>, transpose_lhs_hint = false} : vector<28x56xf32>, vector<56x16xf32>, vector<28x16xf32> -> vector<28x16xf32>
    %slice3A_571 = vector.extract_strided_slice %slice3A_558 {offsets = [0, 64], sizes = [28, 56], strides = [1, 1]} : vector<28x128xf32> to vector<28x56xf32>
    %dot_general3A_572 = arith.constant dense<0.000000e+00> : vector<28x16xf32>
    %dot_general3A_573 = tpu.matmul %slice3A_571, %slice3A_560, %dot_general3A_572 {dimension_numbers = #tpu.dot_dimension_numbers<[1], [0], [0], [1], [0, 0, 1, 1], [], []>, transpose_lhs_hint = false} : vector<28x56xf32>, vector<56x16xf32>, vector<28x16xf32> -> vector<28x16xf32>
    %add3A_574 = arith.addf %dot_general3A_570, %dot_general3A_573 : vector<28x16xf32>
    %slice3A_575 = vector.extract_strided_slice %get3A_14 {offsets = [868, 0], sizes = [28, 128], strides = [1, 1]} : vector<1792x128xf32> to vector<28x128xf32>
    %slice3A_576 = vector.extract_strided_slice %get3A_17 {offsets = [868, 0], sizes = [28, 128], strides = [1, 1]} : vector<1792x128xf32> to vector<28x128xf32>
    %slice3A_577 = vector.extract_strided_slice %dot_general3A_5 {offsets = [1736, 0], sizes = [56, 16], strides = [1, 1]} : vector<3584x16xf32> to vector<56x16xf32>
    %slice3A_578 = vector.extract_strided_slice %dot_general3A_11 {offsets = [1736, 0], sizes = [56, 16], strides = [1, 1]} : vector<3584x16xf32> to vector<56x16xf32>
    %slice3A_579 = vector.extract_strided_slice %slice3A_575 {offsets = [0, 0], sizes = [28, 56], strides = [1, 1]} : vector<28x128xf32> to vector<28x56xf32>
    %dot_general3A_580 = arith.constant dense<0.000000e+00> : vector<28x16xf32>
    %dot_general3A_581 = tpu.matmul %slice3A_579, %slice3A_577, %dot_general3A_580 {dimension_numbers = #tpu.dot_dimension_numbers<[1], [0], [0], [1], [0, 0, 1, 1], [], []>, transpose_lhs_hint = false} : vector<28x56xf32>, vector<56x16xf32>, vector<28x16xf32> -> vector<28x16xf32>
    %slice3A_582 = vector.extract_strided_slice %slice3A_576 {offsets = [0, 0], sizes = [28, 56], strides = [1, 1]} : vector<28x128xf32> to vector<28x56xf32>
    %dot_general3A_583 = arith.constant dense<0.000000e+00> : vector<28x16xf32>
    %dot_general3A_584 = tpu.matmul %slice3A_582, %slice3A_578, %dot_general3A_583 {dimension_numbers = #tpu.dot_dimension_numbers<[1], [0], [0], [1], [0, 0, 1, 1], [], []>, transpose_lhs_hint = false} : vector<28x56xf32>, vector<56x16xf32>, vector<28x16xf32> -> vector<28x16xf32>
    %add3A_585 = arith.addf %dot_general3A_581, %dot_general3A_584 : vector<28x16xf32>
    %slice3A_586 = vector.extract_strided_slice %slice3A_575 {offsets = [0, 64], sizes = [28, 56], strides = [1, 1]} : vector<28x128xf32> to vector<28x56xf32>
    %dot_general3A_587 = arith.constant dense<0.000000e+00> : vector<28x16xf32>
    %dot_general3A_588 = tpu.matmul %slice3A_586, %slice3A_577, %dot_general3A_587 {dimension_numbers = #tpu.dot_dimension_numbers<[1], [0], [0], [1], [0, 0, 1, 1], [], []>, transpose_lhs_hint = false} : vector<28x56xf32>, vector<56x16xf32>, vector<28x16xf32> -> vector<28x16xf32>
    %slice3A_589 = vector.extract_strided_slice %slice3A_576 {offsets = [0, 64], sizes = [28, 56], strides = [1, 1]} : vector<28x128xf32> to vector<28x56xf32>
    %dot_general3A_590 = arith.constant dense<0.000000e+00> : vector<28x16xf32>
    %dot_general3A_591 = tpu.matmul %slice3A_589, %slice3A_578, %dot_general3A_590 {dimension_numbers = #tpu.dot_dimension_numbers<[1], [0], [0], [1], [0, 0, 1, 1], [], []>, transpose_lhs_hint = false} : vector<28x56xf32>, vector<56x16xf32>, vector<28x16xf32> -> vector<28x16xf32>
    %add3A_592 = arith.addf %dot_general3A_588, %dot_general3A_591 : vector<28x16xf32>
    %slice3A_593 = vector.extract_strided_slice %get3A_14 {offsets = [896, 0], sizes = [28, 128], strides = [1, 1]} : vector<1792x128xf32> to vector<28x128xf32>
    %slice3A_594 = vector.extract_strided_slice %get3A_17 {offsets = [896, 0], sizes = [28, 128], strides = [1, 1]} : vector<1792x128xf32> to vector<28x128xf32>
    %slice3A_595 = vector.extract_strided_slice %dot_general3A_5 {offsets = [1792, 0], sizes = [56, 16], strides = [1, 1]} : vector<3584x16xf32> to vector<56x16xf32>
    %slice3A_596 = vector.extract_strided_slice %dot_general3A_11 {offsets = [1792, 0], sizes = [56, 16], strides = [1, 1]} : vector<3584x16xf32> to vector<56x16xf32>
    %slice3A_597 = vector.extract_strided_slice %slice3A_593 {offsets = [0, 0], sizes = [28, 56], strides = [1, 1]} : vector<28x128xf32> to vector<28x56xf32>
    %dot_general3A_598 = arith.constant dense<0.000000e+00> : vector<28x16xf32>
    %dot_general3A_599 = tpu.matmul %slice3A_597, %slice3A_595, %dot_general3A_598 {dimension_numbers = #tpu.dot_dimension_numbers<[1], [0], [0], [1], [0, 0, 1, 1], [], []>, transpose_lhs_hint = false} : vector<28x56xf32>, vector<56x16xf32>, vector<28x16xf32> -> vector<28x16xf32>
    %slice3A_600 = vector.extract_strided_slice %slice3A_594 {offsets = [0, 0], sizes = [28, 56], strides = [1, 1]} : vector<28x128xf32> to vector<28x56xf32>
    %dot_general3A_601 = arith.constant dense<0.000000e+00> : vector<28x16xf32>
    %dot_general3A_602 = tpu.matmul %slice3A_600, %slice3A_596, %dot_general3A_601 {dimension_numbers = #tpu.dot_dimension_numbers<[1], [0], [0], [1], [0, 0, 1, 1], [], []>, transpose_lhs_hint = false} : vector<28x56xf32>, vector<56x16xf32>, vector<28x16xf32> -> vector<28x16xf32>
    %add3A_603 = arith.addf %dot_general3A_599, %dot_general3A_602 : vector<28x16xf32>
    %slice3A_604 = vector.extract_strided_slice %slice3A_593 {offsets = [0, 64], sizes = [28, 56], strides = [1, 1]} : vector<28x128xf32> to vector<28x56xf32>
    %dot_general3A_605 = arith.constant dense<0.000000e+00> : vector<28x16xf32>
    %dot_general3A_606 = tpu.matmul %slice3A_604, %slice3A_595, %dot_general3A_605 {dimension_numbers = #tpu.dot_dimension_numbers<[1], [0], [0], [1], [0, 0, 1, 1], [], []>, transpose_lhs_hint = false} : vector<28x56xf32>, vector<56x16xf32>, vector<28x16xf32> -> vector<28x16xf32>
    %slice3A_607 = vector.extract_strided_slice %slice3A_594 {offsets = [0, 64], sizes = [28, 56], strides = [1, 1]} : vector<28x128xf32> to vector<28x56xf32>
    %dot_general3A_608 = arith.constant dense<0.000000e+00> : vector<28x16xf32>
    %dot_general3A_609 = tpu.matmul %slice3A_607, %slice3A_596, %dot_general3A_608 {dimension_numbers = #tpu.dot_dimension_numbers<[1], [0], [0], [1], [0, 0, 1, 1], [], []>, transpose_lhs_hint = false} : vector<28x56xf32>, vector<56x16xf32>, vector<28x16xf32> -> vector<28x16xf32>
    %add3A_610 = arith.addf %dot_general3A_606, %dot_general3A_609 : vector<28x16xf32>
    %slice3A_611 = vector.extract_strided_slice %get3A_14 {offsets = [924, 0], sizes = [28, 128], strides = [1, 1]} : vector<1792x128xf32> to vector<28x128xf32>
    %slice3A_612 = vector.extract_strided_slice %get3A_17 {offsets = [924, 0], sizes = [28, 128], strides = [1, 1]} : vector<1792x128xf32> to vector<28x128xf32>
    %slice3A_613 = vector.extract_strided_slice %dot_general3A_5 {offsets = [1848, 0], sizes = [56, 16], strides = [1, 1]} : vector<3584x16xf32> to vector<56x16xf32>
    %slice3A_614 = vector.extract_strided_slice %dot_general3A_11 {offsets = [1848, 0], sizes = [56, 16], strides = [1, 1]} : vector<3584x16xf32> to vector<56x16xf32>
    %slice3A_615 = vector.extract_strided_slice %slice3A_611 {offsets = [0, 0], sizes = [28, 56], strides = [1, 1]} : vector<28x128xf32> to vector<28x56xf32>
    %dot_general3A_616 = arith.constant dense<0.000000e+00> : vector<28x16xf32>
    %dot_general3A_617 = tpu.matmul %slice3A_615, %slice3A_613, %dot_general3A_616 {dimension_numbers = #tpu.dot_dimension_numbers<[1], [0], [0], [1], [0, 0, 1, 1], [], []>, transpose_lhs_hint = false} : vector<28x56xf32>, vector<56x16xf32>, vector<28x16xf32> -> vector<28x16xf32>
    %slice3A_618 = vector.extract_strided_slice %slice3A_612 {offsets = [0, 0], sizes = [28, 56], strides = [1, 1]} : vector<28x128xf32> to vector<28x56xf32>
    %dot_general3A_619 = arith.constant dense<0.000000e+00> : vector<28x16xf32>
    %dot_general3A_620 = tpu.matmul %slice3A_618, %slice3A_614, %dot_general3A_619 {dimension_numbers = #tpu.dot_dimension_numbers<[1], [0], [0], [1], [0, 0, 1, 1], [], []>, transpose_lhs_hint = false} : vector<28x56xf32>, vector<56x16xf32>, vector<28x16xf32> -> vector<28x16xf32>
    %add3A_621 = arith.addf %dot_general3A_617, %dot_general3A_620 : vector<28x16xf32>
    %slice3A_622 = vector.extract_strided_slice %slice3A_611 {offsets = [0, 64], sizes = [28, 56], strides = [1, 1]} : vector<28x128xf32> to vector<28x56xf32>
    %dot_general3A_623 = arith.constant dense<0.000000e+00> : vector<28x16xf32>
    %dot_general3A_624 = tpu.matmul %slice3A_622, %slice3A_613, %dot_general3A_623 {dimension_numbers = #tpu.dot_dimension_numbers<[1], [0], [0], [1], [0, 0, 1, 1], [], []>, transpose_lhs_hint = false} : vector<28x56xf32>, vector<56x16xf32>, vector<28x16xf32> -> vector<28x16xf32>
    %slice3A_625 = vector.extract_strided_slice %slice3A_612 {offsets = [0, 64], sizes = [28, 56], strides = [1, 1]} : vector<28x128xf32> to vector<28x56xf32>
    %dot_general3A_626 = arith.constant dense<0.000000e+00> : vector<28x16xf32>
    %dot_general3A_627 = tpu.matmul %slice3A_625, %slice3A_614, %dot_general3A_626 {dimension_numbers = #tpu.dot_dimension_numbers<[1], [0], [0], [1], [0, 0, 1, 1], [], []>, transpose_lhs_hint = false} : vector<28x56xf32>, vector<56x16xf32>, vector<28x16xf32> -> vector<28x16xf32>
    %add3A_628 = arith.addf %dot_general3A_624, %dot_general3A_627 : vector<28x16xf32>
    %slice3A_629 = vector.extract_strided_slice %get3A_14 {offsets = [952, 0], sizes = [28, 128], strides = [1, 1]} : vector<1792x128xf32> to vector<28x128xf32>
    %slice3A_630 = vector.extract_strided_slice %get3A_17 {offsets = [952, 0], sizes = [28, 128], strides = [1, 1]} : vector<1792x128xf32> to vector<28x128xf32>
    %slice3A_631 = vector.extract_strided_slice %dot_general3A_5 {offsets = [1904, 0], sizes = [56, 16], strides = [1, 1]} : vector<3584x16xf32> to vector<56x16xf32>
    %slice3A_632 = vector.extract_strided_slice %dot_general3A_11 {offsets = [1904, 0], sizes = [56, 16], strides = [1, 1]} : vector<3584x16xf32> to vector<56x16xf32>
    %slice3A_633 = vector.extract_strided_slice %slice3A_629 {offsets = [0, 0], sizes = [28, 56], strides = [1, 1]} : vector<28x128xf32> to vector<28x56xf32>
    %dot_general3A_634 = arith.constant dense<0.000000e+00> : vector<28x16xf32>
    %dot_general3A_635 = tpu.matmul %slice3A_633, %slice3A_631, %dot_general3A_634 {dimension_numbers = #tpu.dot_dimension_numbers<[1], [0], [0], [1], [0, 0, 1, 1], [], []>, transpose_lhs_hint = false} : vector<28x56xf32>, vector<56x16xf32>, vector<28x16xf32> -> vector<28x16xf32>
    %slice3A_636 = vector.extract_strided_slice %slice3A_630 {offsets = [0, 0], sizes = [28, 56], strides = [1, 1]} : vector<28x128xf32> to vector<28x56xf32>
    %dot_general3A_637 = arith.constant dense<0.000000e+00> : vector<28x16xf32>
    %dot_general3A_638 = tpu.matmul %slice3A_636, %slice3A_632, %dot_general3A_637 {dimension_numbers = #tpu.dot_dimension_numbers<[1], [0], [0], [1], [0, 0, 1, 1], [], []>, transpose_lhs_hint = false} : vector<28x56xf32>, vector<56x16xf32>, vector<28x16xf32> -> vector<28x16xf32>
    %add3A_639 = arith.addf %dot_general3A_635, %dot_general3A_638 : vector<28x16xf32>
    %slice3A_640 = vector.extract_strided_slice %slice3A_629 {offsets = [0, 64], sizes = [28, 56], strides = [1, 1]} : vector<28x128xf32> to vector<28x56xf32>
    %dot_general3A_641 = arith.constant dense<0.000000e+00> : vector<28x16xf32>
    %dot_general3A_642 = tpu.matmul %slice3A_640, %slice3A_631, %dot_general3A_641 {dimension_numbers = #tpu.dot_dimension_numbers<[1], [0], [0], [1], [0, 0, 1, 1], [], []>, transpose_lhs_hint = false} : vector<28x56xf32>, vector<56x16xf32>, vector<28x16xf32> -> vector<28x16xf32>
    %slice3A_643 = vector.extract_strided_slice %slice3A_630 {offsets = [0, 64], sizes = [28, 56], strides = [1, 1]} : vector<28x128xf32> to vector<28x56xf32>
    %dot_general3A_644 = arith.constant dense<0.000000e+00> : vector<28x16xf32>
    %dot_general3A_645 = tpu.matmul %slice3A_643, %slice3A_632, %dot_general3A_644 {dimension_numbers = #tpu.dot_dimension_numbers<[1], [0], [0], [1], [0, 0, 1, 1], [], []>, transpose_lhs_hint = false} : vector<28x56xf32>, vector<56x16xf32>, vector<28x16xf32> -> vector<28x16xf32>
    %add3A_646 = arith.addf %dot_general3A_642, %dot_general3A_645 : vector<28x16xf32>
    %slice3A_647 = vector.extract_strided_slice %get3A_14 {offsets = [980, 0], sizes = [28, 128], strides = [1, 1]} : vector<1792x128xf32> to vector<28x128xf32>
    %slice3A_648 = vector.extract_strided_slice %get3A_17 {offsets = [980, 0], sizes = [28, 128], strides = [1, 1]} : vector<1792x128xf32> to vector<28x128xf32>
    %slice3A_649 = vector.extract_strided_slice %dot_general3A_5 {offsets = [1960, 0], sizes = [56, 16], strides = [1, 1]} : vector<3584x16xf32> to vector<56x16xf32>
    %slice3A_650 = vector.extract_strided_slice %dot_general3A_11 {offsets = [1960, 0], sizes = [56, 16], strides = [1, 1]} : vector<3584x16xf32> to vector<56x16xf32>
    %slice3A_651 = vector.extract_strided_slice %slice3A_647 {offsets = [0, 0], sizes = [28, 56], strides = [1, 1]} : vector<28x128xf32> to vector<28x56xf32>
    %dot_general3A_652 = arith.constant dense<0.000000e+00> : vector<28x16xf32>
    %dot_general3A_653 = tpu.matmul %slice3A_651, %slice3A_649, %dot_general3A_652 {dimension_numbers = #tpu.dot_dimension_numbers<[1], [0], [0], [1], [0, 0, 1, 1], [], []>, transpose_lhs_hint = false} : vector<28x56xf32>, vector<56x16xf32>, vector<28x16xf32> -> vector<28x16xf32>
    %slice3A_654 = vector.extract_strided_slice %slice3A_648 {offsets = [0, 0], sizes = [28, 56], strides = [1, 1]} : vector<28x128xf32> to vector<28x56xf32>
    %dot_general3A_655 = arith.constant dense<0.000000e+00> : vector<28x16xf32>
    %dot_general3A_656 = tpu.matmul %slice3A_654, %slice3A_650, %dot_general3A_655 {dimension_numbers = #tpu.dot_dimension_numbers<[1], [0], [0], [1], [0, 0, 1, 1], [], []>, transpose_lhs_hint = false} : vector<28x56xf32>, vector<56x16xf32>, vector<28x16xf32> -> vector<28x16xf32>
    %add3A_657 = arith.addf %dot_general3A_653, %dot_general3A_656 : vector<28x16xf32>
    %slice3A_658 = vector.extract_strided_slice %slice3A_647 {offsets = [0, 64], sizes = [28, 56], strides = [1, 1]} : vector<28x128xf32> to vector<28x56xf32>
    %dot_general3A_659 = arith.constant dense<0.000000e+00> : vector<28x16xf32>
    %dot_general3A_660 = tpu.matmul %slice3A_658, %slice3A_649, %dot_general3A_659 {dimension_numbers = #tpu.dot_dimension_numbers<[1], [0], [0], [1], [0, 0, 1, 1], [], []>, transpose_lhs_hint = false} : vector<28x56xf32>, vector<56x16xf32>, vector<28x16xf32> -> vector<28x16xf32>
    %slice3A_661 = vector.extract_strided_slice %slice3A_648 {offsets = [0, 64], sizes = [28, 56], strides = [1, 1]} : vector<28x128xf32> to vector<28x56xf32>
    %dot_general3A_662 = arith.constant dense<0.000000e+00> : vector<28x16xf32>
    %dot_general3A_663 = tpu.matmul %slice3A_661, %slice3A_650, %dot_general3A_662 {dimension_numbers = #tpu.dot_dimension_numbers<[1], [0], [0], [1], [0, 0, 1, 1], [], []>, transpose_lhs_hint = false} : vector<28x56xf32>, vector<56x16xf32>, vector<28x16xf32> -> vector<28x16xf32>
    %add3A_664 = arith.addf %dot_general3A_660, %dot_general3A_663 : vector<28x16xf32>
    %slice3A_665 = vector.extract_strided_slice %get3A_14 {offsets = [1008, 0], sizes = [28, 128], strides = [1, 1]} : vector<1792x128xf32> to vector<28x128xf32>
    %slice3A_666 = vector.extract_strided_slice %get3A_17 {offsets = [1008, 0], sizes = [28, 128], strides = [1, 1]} : vector<1792x128xf32> to vector<28x128xf32>
    %slice3A_667 = vector.extract_strided_slice %dot_general3A_5 {offsets = [2016, 0], sizes = [56, 16], strides = [1, 1]} : vector<3584x16xf32> to vector<56x16xf32>
    %slice3A_668 = vector.extract_strided_slice %dot_general3A_11 {offsets = [2016, 0], sizes = [56, 16], strides = [1, 1]} : vector<3584x16xf32> to vector<56x16xf32>
    %slice3A_669 = vector.extract_strided_slice %slice3A_665 {offsets = [0, 0], sizes = [28, 56], strides = [1, 1]} : vector<28x128xf32> to vector<28x56xf32>
    %dot_general3A_670 = arith.constant dense<0.000000e+00> : vector<28x16xf32>
    %dot_general3A_671 = tpu.matmul %slice3A_669, %slice3A_667, %dot_general3A_670 {dimension_numbers = #tpu.dot_dimension_numbers<[1], [0], [0], [1], [0, 0, 1, 1], [], []>, transpose_lhs_hint = false} : vector<28x56xf32>, vector<56x16xf32>, vector<28x16xf32> -> vector<28x16xf32>
    %slice3A_672 = vector.extract_strided_slice %slice3A_666 {offsets = [0, 0], sizes = [28, 56], strides = [1, 1]} : vector<28x128xf32> to vector<28x56xf32>
    %dot_general3A_673 = arith.constant dense<0.000000e+00> : vector<28x16xf32>
    %dot_general3A_674 = tpu.matmul %slice3A_672, %slice3A_668, %dot_general3A_673 {dimension_numbers = #tpu.dot_dimension_numbers<[1], [0], [0], [1], [0, 0, 1, 1], [], []>, transpose_lhs_hint = false} : vector<28x56xf32>, vector<56x16xf32>, vector<28x16xf32> -> vector<28x16xf32>
    %add3A_675 = arith.addf %dot_general3A_671, %dot_general3A_674 : vector<28x16xf32>
    %slice3A_676 = vector.extract_strided_slice %slice3A_665 {offsets = [0, 64], sizes = [28, 56], strides = [1, 1]} : vector<28x128xf32> to vector<28x56xf32>
    %dot_general3A_677 = arith.constant dense<0.000000e+00> : vector<28x16xf32>
    %dot_general3A_678 = tpu.matmul %slice3A_676, %slice3A_667, %dot_general3A_677 {dimension_numbers = #tpu.dot_dimension_numbers<[1], [0], [0], [1], [0, 0, 1, 1], [], []>, transpose_lhs_hint = false} : vector<28x56xf32>, vector<56x16xf32>, vector<28x16xf32> -> vector<28x16xf32>
    %slice3A_679 = vector.extract_strided_slice %slice3A_666 {offsets = [0, 64], sizes = [28, 56], strides = [1, 1]} : vector<28x128xf32> to vector<28x56xf32>
    %dot_general3A_680 = arith.constant dense<0.000000e+00> : vector<28x16xf32>
    %dot_general3A_681 = tpu.matmul %slice3A_679, %slice3A_668, %dot_general3A_680 {dimension_numbers = #tpu.dot_dimension_numbers<[1], [0], [0], [1], [0, 0, 1, 1], [], []>, transpose_lhs_hint = false} : vector<28x56xf32>, vector<56x16xf32>, vector<28x16xf32> -> vector<28x16xf32>
    %add3A_682 = arith.addf %dot_general3A_678, %dot_general3A_681 : vector<28x16xf32>
    %slice3A_683 = vector.extract_strided_slice %get3A_14 {offsets = [1036, 0], sizes = [28, 128], strides = [1, 1]} : vector<1792x128xf32> to vector<28x128xf32>
    %slice3A_684 = vector.extract_strided_slice %get3A_17 {offsets = [1036, 0], sizes = [28, 128], strides = [1, 1]} : vector<1792x128xf32> to vector<28x128xf32>
    %slice3A_685 = vector.extract_strided_slice %dot_general3A_5 {offsets = [2072, 0], sizes = [56, 16], strides = [1, 1]} : vector<3584x16xf32> to vector<56x16xf32>
    %slice3A_686 = vector.extract_strided_slice %dot_general3A_11 {offsets = [2072, 0], sizes = [56, 16], strides = [1, 1]} : vector<3584x16xf32> to vector<56x16xf32>
    %slice3A_687 = vector.extract_strided_slice %slice3A_683 {offsets = [0, 0], sizes = [28, 56], strides = [1, 1]} : vector<28x128xf32> to vector<28x56xf32>
    %dot_general3A_688 = arith.constant dense<0.000000e+00> : vector<28x16xf32>
    %dot_general3A_689 = tpu.matmul %slice3A_687, %slice3A_685, %dot_general3A_688 {dimension_numbers = #tpu.dot_dimension_numbers<[1], [0], [0], [1], [0, 0, 1, 1], [], []>, transpose_lhs_hint = false} : vector<28x56xf32>, vector<56x16xf32>, vector<28x16xf32> -> vector<28x16xf32>
    %slice3A_690 = vector.extract_strided_slice %slice3A_684 {offsets = [0, 0], sizes = [28, 56], strides = [1, 1]} : vector<28x128xf32> to vector<28x56xf32>
    %dot_general3A_691 = arith.constant dense<0.000000e+00> : vector<28x16xf32>
    %dot_general3A_692 = tpu.matmul %slice3A_690, %slice3A_686, %dot_general3A_691 {dimension_numbers = #tpu.dot_dimension_numbers<[1], [0], [0], [1], [0, 0, 1, 1], [], []>, transpose_lhs_hint = false} : vector<28x56xf32>, vector<56x16xf32>, vector<28x16xf32> -> vector<28x16xf32>
    %add3A_693 = arith.addf %dot_general3A_689, %dot_general3A_692 : vector<28x16xf32>
    %slice3A_694 = vector.extract_strided_slice %slice3A_683 {offsets = [0, 64], sizes = [28, 56], strides = [1, 1]} : vector<28x128xf32> to vector<28x56xf32>
    %dot_general3A_695 = arith.constant dense<0.000000e+00> : vector<28x16xf32>
    %dot_general3A_696 = tpu.matmul %slice3A_694, %slice3A_685, %dot_general3A_695 {dimension_numbers = #tpu.dot_dimension_numbers<[1], [0], [0], [1], [0, 0, 1, 1], [], []>, transpose_lhs_hint = false} : vector<28x56xf32>, vector<56x16xf32>, vector<28x16xf32> -> vector<28x16xf32>
    %slice3A_697 = vector.extract_strided_slice %slice3A_684 {offsets = [0, 64], sizes = [28, 56], strides = [1, 1]} : vector<28x128xf32> to vector<28x56xf32>
    %dot_general3A_698 = arith.constant dense<0.000000e+00> : vector<28x16xf32>
    %dot_general3A_699 = tpu.matmul %slice3A_697, %slice3A_686, %dot_general3A_698 {dimension_numbers = #tpu.dot_dimension_numbers<[1], [0], [0], [1], [0, 0, 1, 1], [], []>, transpose_lhs_hint = false} : vector<28x56xf32>, vector<56x16xf32>, vector<28x16xf32> -> vector<28x16xf32>
    %add3A_700 = arith.addf %dot_general3A_696, %dot_general3A_699 : vector<28x16xf32>
    %slice3A_701 = vector.extract_strided_slice %get3A_14 {offsets = [1064, 0], sizes = [28, 128], strides = [1, 1]} : vector<1792x128xf32> to vector<28x128xf32>
    %slice3A_702 = vector.extract_strided_slice %get3A_17 {offsets = [1064, 0], sizes = [28, 128], strides = [1, 1]} : vector<1792x128xf32> to vector<28x128xf32>
    %slice3A_703 = vector.extract_strided_slice %dot_general3A_5 {offsets = [2128, 0], sizes = [56, 16], strides = [1, 1]} : vector<3584x16xf32> to vector<56x16xf32>
    %slice3A_704 = vector.extract_strided_slice %dot_general3A_11 {offsets = [2128, 0], sizes = [56, 16], strides = [1, 1]} : vector<3584x16xf32> to vector<56x16xf32>
    %slice3A_705 = vector.extract_strided_slice %slice3A_701 {offsets = [0, 0], sizes = [28, 56], strides = [1, 1]} : vector<28x128xf32> to vector<28x56xf32>
    %dot_general3A_706 = arith.constant dense<0.000000e+00> : vector<28x16xf32>
    %dot_general3A_707 = tpu.matmul %slice3A_705, %slice3A_703, %dot_general3A_706 {dimension_numbers = #tpu.dot_dimension_numbers<[1], [0], [0], [1], [0, 0, 1, 1], [], []>, transpose_lhs_hint = false} : vector<28x56xf32>, vector<56x16xf32>, vector<28x16xf32> -> vector<28x16xf32>
    %slice3A_708 = vector.extract_strided_slice %slice3A_702 {offsets = [0, 0], sizes = [28, 56], strides = [1, 1]} : vector<28x128xf32> to vector<28x56xf32>
    %dot_general3A_709 = arith.constant dense<0.000000e+00> : vector<28x16xf32>
    %dot_general3A_710 = tpu.matmul %slice3A_708, %slice3A_704, %dot_general3A_709 {dimension_numbers = #tpu.dot_dimension_numbers<[1], [0], [0], [1], [0, 0, 1, 1], [], []>, transpose_lhs_hint = false} : vector<28x56xf32>, vector<56x16xf32>, vector<28x16xf32> -> vector<28x16xf32>
    %add3A_711 = arith.addf %dot_general3A_707, %dot_general3A_710 : vector<28x16xf32>
    %slice3A_712 = vector.extract_strided_slice %slice3A_701 {offsets = [0, 64], sizes = [28, 56], strides = [1, 1]} : vector<28x128xf32> to vector<28x56xf32>
    %dot_general3A_713 = arith.constant dense<0.000000e+00> : vector<28x16xf32>
    %dot_general3A_714 = tpu.matmul %slice3A_712, %slice3A_703, %dot_general3A_713 {dimension_numbers = #tpu.dot_dimension_numbers<[1], [0], [0], [1], [0, 0, 1, 1], [], []>, transpose_lhs_hint = false} : vector<28x56xf32>, vector<56x16xf32>, vector<28x16xf32> -> vector<28x16xf32>
    %slice3A_715 = vector.extract_strided_slice %slice3A_702 {offsets = [0, 64], sizes = [28, 56], strides = [1, 1]} : vector<28x128xf32> to vector<28x56xf32>
    %dot_general3A_716 = arith.constant dense<0.000000e+00> : vector<28x16xf32>
    %dot_general3A_717 = tpu.matmul %slice3A_715, %slice3A_704, %dot_general3A_716 {dimension_numbers = #tpu.dot_dimension_numbers<[1], [0], [0], [1], [0, 0, 1, 1], [], []>, transpose_lhs_hint = false} : vector<28x56xf32>, vector<56x16xf32>, vector<28x16xf32> -> vector<28x16xf32>
    %add3A_718 = arith.addf %dot_general3A_714, %dot_general3A_717 : vector<28x16xf32>
    %slice3A_719 = vector.extract_strided_slice %get3A_14 {offsets = [1092, 0], sizes = [28, 128], strides = [1, 1]} : vector<1792x128xf32> to vector<28x128xf32>
    %slice3A_720 = vector.extract_strided_slice %get3A_17 {offsets = [1092, 0], sizes = [28, 128], strides = [1, 1]} : vector<1792x128xf32> to vector<28x128xf32>
    %slice3A_721 = vector.extract_strided_slice %dot_general3A_5 {offsets = [2184, 0], sizes = [56, 16], strides = [1, 1]} : vector<3584x16xf32> to vector<56x16xf32>
    %slice3A_722 = vector.extract_strided_slice %dot_general3A_11 {offsets = [2184, 0], sizes = [56, 16], strides = [1, 1]} : vector<3584x16xf32> to vector<56x16xf32>
    %slice3A_723 = vector.extract_strided_slice %slice3A_719 {offsets = [0, 0], sizes = [28, 56], strides = [1, 1]} : vector<28x128xf32> to vector<28x56xf32>
    %dot_general3A_724 = arith.constant dense<0.000000e+00> : vector<28x16xf32>
    %dot_general3A_725 = tpu.matmul %slice3A_723, %slice3A_721, %dot_general3A_724 {dimension_numbers = #tpu.dot_dimension_numbers<[1], [0], [0], [1], [0, 0, 1, 1], [], []>, transpose_lhs_hint = false} : vector<28x56xf32>, vector<56x16xf32>, vector<28x16xf32> -> vector<28x16xf32>
    %slice3A_726 = vector.extract_strided_slice %slice3A_720 {offsets = [0, 0], sizes = [28, 56], strides = [1, 1]} : vector<28x128xf32> to vector<28x56xf32>
    %dot_general3A_727 = arith.constant dense<0.000000e+00> : vector<28x16xf32>
    %dot_general3A_728 = tpu.matmul %slice3A_726, %slice3A_722, %dot_general3A_727 {dimension_numbers = #tpu.dot_dimension_numbers<[1], [0], [0], [1], [0, 0, 1, 1], [], []>, transpose_lhs_hint = false} : vector<28x56xf32>, vector<56x16xf32>, vector<28x16xf32> -> vector<28x16xf32>
    %add3A_729 = arith.addf %dot_general3A_725, %dot_general3A_728 : vector<28x16xf32>
    %slice3A_730 = vector.extract_strided_slice %slice3A_719 {offsets = [0, 64], sizes = [28, 56], strides = [1, 1]} : vector<28x128xf32> to vector<28x56xf32>
    %dot_general3A_731 = arith.constant dense<0.000000e+00> : vector<28x16xf32>
    %dot_general3A_732 = tpu.matmul %slice3A_730, %slice3A_721, %dot_general3A_731 {dimension_numbers = #tpu.dot_dimension_numbers<[1], [0], [0], [1], [0, 0, 1, 1], [], []>, transpose_lhs_hint = false} : vector<28x56xf32>, vector<56x16xf32>, vector<28x16xf32> -> vector<28x16xf32>
    %slice3A_733 = vector.extract_strided_slice %slice3A_720 {offsets = [0, 64], sizes = [28, 56], strides = [1, 1]} : vector<28x128xf32> to vector<28x56xf32>
    %dot_general3A_734 = arith.constant dense<0.000000e+00> : vector<28x16xf32>
    %dot_general3A_735 = tpu.matmul %slice3A_733, %slice3A_722, %dot_general3A_734 {dimension_numbers = #tpu.dot_dimension_numbers<[1], [0], [0], [1], [0, 0, 1, 1], [], []>, transpose_lhs_hint = false} : vector<28x56xf32>, vector<56x16xf32>, vector<28x16xf32> -> vector<28x16xf32>
    %add3A_736 = arith.addf %dot_general3A_732, %dot_general3A_735 : vector<28x16xf32>
    %slice3A_737 = vector.extract_strided_slice %get3A_14 {offsets = [1120, 0], sizes = [28, 128], strides = [1, 1]} : vector<1792x128xf32> to vector<28x128xf32>
    %slice3A_738 = vector.extract_strided_slice %get3A_17 {offsets = [1120, 0], sizes = [28, 128], strides = [1, 1]} : vector<1792x128xf32> to vector<28x128xf32>
    %slice3A_739 = vector.extract_strided_slice %dot_general3A_5 {offsets = [2240, 0], sizes = [56, 16], strides = [1, 1]} : vector<3584x16xf32> to vector<56x16xf32>
    %slice3A_740 = vector.extract_strided_slice %dot_general3A_11 {offsets = [2240, 0], sizes = [56, 16], strides = [1, 1]} : vector<3584x16xf32> to vector<56x16xf32>
    %slice3A_741 = vector.extract_strided_slice %slice3A_737 {offsets = [0, 0], sizes = [28, 56], strides = [1, 1]} : vector<28x128xf32> to vector<28x56xf32>
    %dot_general3A_742 = arith.constant dense<0.000000e+00> : vector<28x16xf32>
    %dot_general3A_743 = tpu.matmul %slice3A_741, %slice3A_739, %dot_general3A_742 {dimension_numbers = #tpu.dot_dimension_numbers<[1], [0], [0], [1], [0, 0, 1, 1], [], []>, transpose_lhs_hint = false} : vector<28x56xf32>, vector<56x16xf32>, vector<28x16xf32> -> vector<28x16xf32>
    %slice3A_744 = vector.extract_strided_slice %slice3A_738 {offsets = [0, 0], sizes = [28, 56], strides = [1, 1]} : vector<28x128xf32> to vector<28x56xf32>
    %dot_general3A_745 = arith.constant dense<0.000000e+00> : vector<28x16xf32>
    %dot_general3A_746 = tpu.matmul %slice3A_744, %slice3A_740, %dot_general3A_745 {dimension_numbers = #tpu.dot_dimension_numbers<[1], [0], [0], [1], [0, 0, 1, 1], [], []>, transpose_lhs_hint = false} : vector<28x56xf32>, vector<56x16xf32>, vector<28x16xf32> -> vector<28x16xf32>
    %add3A_747 = arith.addf %dot_general3A_743, %dot_general3A_746 : vector<28x16xf32>
    %slice3A_748 = vector.extract_strided_slice %slice3A_737 {offsets = [0, 64], sizes = [28, 56], strides = [1, 1]} : vector<28x128xf32> to vector<28x56xf32>
    %dot_general3A_749 = arith.constant dense<0.000000e+00> : vector<28x16xf32>
    %dot_general3A_750 = tpu.matmul %slice3A_748, %slice3A_739, %dot_general3A_749 {dimension_numbers = #tpu.dot_dimension_numbers<[1], [0], [0], [1], [0, 0, 1, 1], [], []>, transpose_lhs_hint = false} : vector<28x56xf32>, vector<56x16xf32>, vector<28x16xf32> -> vector<28x16xf32>
    %slice3A_751 = vector.extract_strided_slice %slice3A_738 {offsets = [0, 64], sizes = [28, 56], strides = [1, 1]} : vector<28x128xf32> to vector<28x56xf32>
    %dot_general3A_752 = arith.constant dense<0.000000e+00> : vector<28x16xf32>
    %dot_general3A_753 = tpu.matmul %slice3A_751, %slice3A_740, %dot_general3A_752 {dimension_numbers = #tpu.dot_dimension_numbers<[1], [0], [0], [1], [0, 0, 1, 1], [], []>, transpose_lhs_hint = false} : vector<28x56xf32>, vector<56x16xf32>, vector<28x16xf32> -> vector<28x16xf32>
    %add3A_754 = arith.addf %dot_general3A_750, %dot_general3A_753 : vector<28x16xf32>
    %slice3A_755 = vector.extract_strided_slice %get3A_14 {offsets = [1148, 0], sizes = [28, 128], strides = [1, 1]} : vector<1792x128xf32> to vector<28x128xf32>
    %slice3A_756 = vector.extract_strided_slice %get3A_17 {offsets = [1148, 0], sizes = [28, 128], strides = [1, 1]} : vector<1792x128xf32> to vector<28x128xf32>
    %slice3A_757 = vector.extract_strided_slice %dot_general3A_5 {offsets = [2296, 0], sizes = [56, 16], strides = [1, 1]} : vector<3584x16xf32> to vector<56x16xf32>
    %slice3A_758 = vector.extract_strided_slice %dot_general3A_11 {offsets = [2296, 0], sizes = [56, 16], strides = [1, 1]} : vector<3584x16xf32> to vector<56x16xf32>
    %slice3A_759 = vector.extract_strided_slice %slice3A_755 {offsets = [0, 0], sizes = [28, 56], strides = [1, 1]} : vector<28x128xf32> to vector<28x56xf32>
    %dot_general3A_760 = arith.constant dense<0.000000e+00> : vector<28x16xf32>
    %dot_general3A_761 = tpu.matmul %slice3A_759, %slice3A_757, %dot_general3A_760 {dimension_numbers = #tpu.dot_dimension_numbers<[1], [0], [0], [1], [0, 0, 1, 1], [], []>, transpose_lhs_hint = false} : vector<28x56xf32>, vector<56x16xf32>, vector<28x16xf32> -> vector<28x16xf32>
    %slice3A_762 = vector.extract_strided_slice %slice3A_756 {offsets = [0, 0], sizes = [28, 56], strides = [1, 1]} : vector<28x128xf32> to vector<28x56xf32>
    %dot_general3A_763 = arith.constant dense<0.000000e+00> : vector<28x16xf32>
    %dot_general3A_764 = tpu.matmul %slice3A_762, %slice3A_758, %dot_general3A_763 {dimension_numbers = #tpu.dot_dimension_numbers<[1], [0], [0], [1], [0, 0, 1, 1], [], []>, transpose_lhs_hint = false} : vector<28x56xf32>, vector<56x16xf32>, vector<28x16xf32> -> vector<28x16xf32>
    %add3A_765 = arith.addf %dot_general3A_761, %dot_general3A_764 : vector<28x16xf32>
    %slice3A_766 = vector.extract_strided_slice %slice3A_755 {offsets = [0, 64], sizes = [28, 56], strides = [1, 1]} : vector<28x128xf32> to vector<28x56xf32>
    %dot_general3A_767 = arith.constant dense<0.000000e+00> : vector<28x16xf32>
    %dot_general3A_768 = tpu.matmul %slice3A_766, %slice3A_757, %dot_general3A_767 {dimension_numbers = #tpu.dot_dimension_numbers<[1], [0], [0], [1], [0, 0, 1, 1], [], []>, transpose_lhs_hint = false} : vector<28x56xf32>, vector<56x16xf32>, vector<28x16xf32> -> vector<28x16xf32>
    %slice3A_769 = vector.extract_strided_slice %slice3A_756 {offsets = [0, 64], sizes = [28, 56], strides = [1, 1]} : vector<28x128xf32> to vector<28x56xf32>
    %dot_general3A_770 = arith.constant dense<0.000000e+00> : vector<28x16xf32>
    %dot_general3A_771 = tpu.matmul %slice3A_769, %slice3A_758, %dot_general3A_770 {dimension_numbers = #tpu.dot_dimension_numbers<[1], [0], [0], [1], [0, 0, 1, 1], [], []>, transpose_lhs_hint = false} : vector<28x56xf32>, vector<56x16xf32>, vector<28x16xf32> -> vector<28x16xf32>
    %add3A_772 = arith.addf %dot_general3A_768, %dot_general3A_771 : vector<28x16xf32>
    %slice3A_773 = vector.extract_strided_slice %get3A_14 {offsets = [1176, 0], sizes = [28, 128], strides = [1, 1]} : vector<1792x128xf32> to vector<28x128xf32>
    %slice3A_774 = vector.extract_strided_slice %get3A_17 {offsets = [1176, 0], sizes = [28, 128], strides = [1, 1]} : vector<1792x128xf32> to vector<28x128xf32>
    %slice3A_775 = vector.extract_strided_slice %dot_general3A_5 {offsets = [2352, 0], sizes = [56, 16], strides = [1, 1]} : vector<3584x16xf32> to vector<56x16xf32>
    %slice3A_776 = vector.extract_strided_slice %dot_general3A_11 {offsets = [2352, 0], sizes = [56, 16], strides = [1, 1]} : vector<3584x16xf32> to vector<56x16xf32>
    %slice3A_777 = vector.extract_strided_slice %slice3A_773 {offsets = [0, 0], sizes = [28, 56], strides = [1, 1]} : vector<28x128xf32> to vector<28x56xf32>
    %dot_general3A_778 = arith.constant dense<0.000000e+00> : vector<28x16xf32>
    %dot_general3A_779 = tpu.matmul %slice3A_777, %slice3A_775, %dot_general3A_778 {dimension_numbers = #tpu.dot_dimension_numbers<[1], [0], [0], [1], [0, 0, 1, 1], [], []>, transpose_lhs_hint = false} : vector<28x56xf32>, vector<56x16xf32>, vector<28x16xf32> -> vector<28x16xf32>
    %slice3A_780 = vector.extract_strided_slice %slice3A_774 {offsets = [0, 0], sizes = [28, 56], strides = [1, 1]} : vector<28x128xf32> to vector<28x56xf32>
    %dot_general3A_781 = arith.constant dense<0.000000e+00> : vector<28x16xf32>
    %dot_general3A_782 = tpu.matmul %slice3A_780, %slice3A_776, %dot_general3A_781 {dimension_numbers = #tpu.dot_dimension_numbers<[1], [0], [0], [1], [0, 0, 1, 1], [], []>, transpose_lhs_hint = false} : vector<28x56xf32>, vector<56x16xf32>, vector<28x16xf32> -> vector<28x16xf32>
    %add3A_783 = arith.addf %dot_general3A_779, %dot_general3A_782 : vector<28x16xf32>
    %slice3A_784 = vector.extract_strided_slice %slice3A_773 {offsets = [0, 64], sizes = [28, 56], strides = [1, 1]} : vector<28x128xf32> to vector<28x56xf32>
    %dot_general3A_785 = arith.constant dense<0.000000e+00> : vector<28x16xf32>
    %dot_general3A_786 = tpu.matmul %slice3A_784, %slice3A_775, %dot_general3A_785 {dimension_numbers = #tpu.dot_dimension_numbers<[1], [0], [0], [1], [0, 0, 1, 1], [], []>, transpose_lhs_hint = false} : vector<28x56xf32>, vector<56x16xf32>, vector<28x16xf32> -> vector<28x16xf32>
    %slice3A_787 = vector.extract_strided_slice %slice3A_774 {offsets = [0, 64], sizes = [28, 56], strides = [1, 1]} : vector<28x128xf32> to vector<28x56xf32>
    %dot_general3A_788 = arith.constant dense<0.000000e+00> : vector<28x16xf32>
    %dot_general3A_789 = tpu.matmul %slice3A_787, %slice3A_776, %dot_general3A_788 {dimension_numbers = #tpu.dot_dimension_numbers<[1], [0], [0], [1], [0, 0, 1, 1], [], []>, transpose_lhs_hint = false} : vector<28x56xf32>, vector<56x16xf32>, vector<28x16xf32> -> vector<28x16xf32>
    %add3A_790 = arith.addf %dot_general3A_786, %dot_general3A_789 : vector<28x16xf32>
    %slice3A_791 = vector.extract_strided_slice %get3A_14 {offsets = [1204, 0], sizes = [28, 128], strides = [1, 1]} : vector<1792x128xf32> to vector<28x128xf32>
    %slice3A_792 = vector.extract_strided_slice %get3A_17 {offsets = [1204, 0], sizes = [28, 128], strides = [1, 1]} : vector<1792x128xf32> to vector<28x128xf32>
    %slice3A_793 = vector.extract_strided_slice %dot_general3A_5 {offsets = [2408, 0], sizes = [56, 16], strides = [1, 1]} : vector<3584x16xf32> to vector<56x16xf32>
    %slice3A_794 = vector.extract_strided_slice %dot_general3A_11 {offsets = [2408, 0], sizes = [56, 16], strides = [1, 1]} : vector<3584x16xf32> to vector<56x16xf32>
    %slice3A_795 = vector.extract_strided_slice %slice3A_791 {offsets = [0, 0], sizes = [28, 56], strides = [1, 1]} : vector<28x128xf32> to vector<28x56xf32>
    %dot_general3A_796 = arith.constant dense<0.000000e+00> : vector<28x16xf32>
    %dot_general3A_797 = tpu.matmul %slice3A_795, %slice3A_793, %dot_general3A_796 {dimension_numbers = #tpu.dot_dimension_numbers<[1], [0], [0], [1], [0, 0, 1, 1], [], []>, transpose_lhs_hint = false} : vector<28x56xf32>, vector<56x16xf32>, vector<28x16xf32> -> vector<28x16xf32>
    %slice3A_798 = vector.extract_strided_slice %slice3A_792 {offsets = [0, 0], sizes = [28, 56], strides = [1, 1]} : vector<28x128xf32> to vector<28x56xf32>
    %dot_general3A_799 = arith.constant dense<0.000000e+00> : vector<28x16xf32>
    %dot_general3A_800 = tpu.matmul %slice3A_798, %slice3A_794, %dot_general3A_799 {dimension_numbers = #tpu.dot_dimension_numbers<[1], [0], [0], [1], [0, 0, 1, 1], [], []>, transpose_lhs_hint = false} : vector<28x56xf32>, vector<56x16xf32>, vector<28x16xf32> -> vector<28x16xf32>
    %add3A_801 = arith.addf %dot_general3A_797, %dot_general3A_800 : vector<28x16xf32>
    %slice3A_802 = vector.extract_strided_slice %slice3A_791 {offsets = [0, 64], sizes = [28, 56], strides = [1, 1]} : vector<28x128xf32> to vector<28x56xf32>
    %dot_general3A_803 = arith.constant dense<0.000000e+00> : vector<28x16xf32>
    %dot_general3A_804 = tpu.matmul %slice3A_802, %slice3A_793, %dot_general3A_803 {dimension_numbers = #tpu.dot_dimension_numbers<[1], [0], [0], [1], [0, 0, 1, 1], [], []>, transpose_lhs_hint = false} : vector<28x56xf32>, vector<56x16xf32>, vector<28x16xf32> -> vector<28x16xf32>
    %slice3A_805 = vector.extract_strided_slice %slice3A_792 {offsets = [0, 64], sizes = [28, 56], strides = [1, 1]} : vector<28x128xf32> to vector<28x56xf32>
    %dot_general3A_806 = arith.constant dense<0.000000e+00> : vector<28x16xf32>
    %dot_general3A_807 = tpu.matmul %slice3A_805, %slice3A_794, %dot_general3A_806 {dimension_numbers = #tpu.dot_dimension_numbers<[1], [0], [0], [1], [0, 0, 1, 1], [], []>, transpose_lhs_hint = false} : vector<28x56xf32>, vector<56x16xf32>, vector<28x16xf32> -> vector<28x16xf32>
    %add3A_808 = arith.addf %dot_general3A_804, %dot_general3A_807 : vector<28x16xf32>
    %slice3A_809 = vector.extract_strided_slice %get3A_14 {offsets = [1232, 0], sizes = [28, 128], strides = [1, 1]} : vector<1792x128xf32> to vector<28x128xf32>
    %slice3A_810 = vector.extract_strided_slice %get3A_17 {offsets = [1232, 0], sizes = [28, 128], strides = [1, 1]} : vector<1792x128xf32> to vector<28x128xf32>
    %slice3A_811 = vector.extract_strided_slice %dot_general3A_5 {offsets = [2464, 0], sizes = [56, 16], strides = [1, 1]} : vector<3584x16xf32> to vector<56x16xf32>
    %slice3A_812 = vector.extract_strided_slice %dot_general3A_11 {offsets = [2464, 0], sizes = [56, 16], strides = [1, 1]} : vector<3584x16xf32> to vector<56x16xf32>
    %slice3A_813 = vector.extract_strided_slice %slice3A_809 {offsets = [0, 0], sizes = [28, 56], strides = [1, 1]} : vector<28x128xf32> to vector<28x56xf32>
    %dot_general3A_814 = arith.constant dense<0.000000e+00> : vector<28x16xf32>
    %dot_general3A_815 = tpu.matmul %slice3A_813, %slice3A_811, %dot_general3A_814 {dimension_numbers = #tpu.dot_dimension_numbers<[1], [0], [0], [1], [0, 0, 1, 1], [], []>, transpose_lhs_hint = false} : vector<28x56xf32>, vector<56x16xf32>, vector<28x16xf32> -> vector<28x16xf32>
    %slice3A_816 = vector.extract_strided_slice %slice3A_810 {offsets = [0, 0], sizes = [28, 56], strides = [1, 1]} : vector<28x128xf32> to vector<28x56xf32>
    %dot_general3A_817 = arith.constant dense<0.000000e+00> : vector<28x16xf32>
    %dot_general3A_818 = tpu.matmul %slice3A_816, %slice3A_812, %dot_general3A_817 {dimension_numbers = #tpu.dot_dimension_numbers<[1], [0], [0], [1], [0, 0, 1, 1], [], []>, transpose_lhs_hint = false} : vector<28x56xf32>, vector<56x16xf32>, vector<28x16xf32> -> vector<28x16xf32>
    %add3A_819 = arith.addf %dot_general3A_815, %dot_general3A_818 : vector<28x16xf32>
    %slice3A_820 = vector.extract_strided_slice %slice3A_809 {offsets = [0, 64], sizes = [28, 56], strides = [1, 1]} : vector<28x128xf32> to vector<28x56xf32>
    %dot_general3A_821 = arith.constant dense<0.000000e+00> : vector<28x16xf32>
    %dot_general3A_822 = tpu.matmul %slice3A_820, %slice3A_811, %dot_general3A_821 {dimension_numbers = #tpu.dot_dimension_numbers<[1], [0], [0], [1], [0, 0, 1, 1], [], []>, transpose_lhs_hint = false} : vector<28x56xf32>, vector<56x16xf32>, vector<28x16xf32> -> vector<28x16xf32>
    %slice3A_823 = vector.extract_strided_slice %slice3A_810 {offsets = [0, 64], sizes = [28, 56], strides = [1, 1]} : vector<28x128xf32> to vector<28x56xf32>
    %dot_general3A_824 = arith.constant dense<0.000000e+00> : vector<28x16xf32>
    %dot_general3A_825 = tpu.matmul %slice3A_823, %slice3A_812, %dot_general3A_824 {dimension_numbers = #tpu.dot_dimension_numbers<[1], [0], [0], [1], [0, 0, 1, 1], [], []>, transpose_lhs_hint = false} : vector<28x56xf32>, vector<56x16xf32>, vector<28x16xf32> -> vector<28x16xf32>
    %add3A_826 = arith.addf %dot_general3A_822, %dot_general3A_825 : vector<28x16xf32>
    %slice3A_827 = vector.extract_strided_slice %get3A_14 {offsets = [1260, 0], sizes = [28, 128], strides = [1, 1]} : vector<1792x128xf32> to vector<28x128xf32>
    %slice3A_828 = vector.extract_strided_slice %get3A_17 {offsets = [1260, 0], sizes = [28, 128], strides = [1, 1]} : vector<1792x128xf32> to vector<28x128xf32>
    %slice3A_829 = vector.extract_strided_slice %dot_general3A_5 {offsets = [2520, 0], sizes = [56, 16], strides = [1, 1]} : vector<3584x16xf32> to vector<56x16xf32>
    %slice3A_830 = vector.extract_strided_slice %dot_general3A_11 {offsets = [2520, 0], sizes = [56, 16], strides = [1, 1]} : vector<3584x16xf32> to vector<56x16xf32>
    %slice3A_831 = vector.extract_strided_slice %slice3A_827 {offsets = [0, 0], sizes = [28, 56], strides = [1, 1]} : vector<28x128xf32> to vector<28x56xf32>
    %dot_general3A_832 = arith.constant dense<0.000000e+00> : vector<28x16xf32>
    %dot_general3A_833 = tpu.matmul %slice3A_831, %slice3A_829, %dot_general3A_832 {dimension_numbers = #tpu.dot_dimension_numbers<[1], [0], [0], [1], [0, 0, 1, 1], [], []>, transpose_lhs_hint = false} : vector<28x56xf32>, vector<56x16xf32>, vector<28x16xf32> -> vector<28x16xf32>
    %slice3A_834 = vector.extract_strided_slice %slice3A_828 {offsets = [0, 0], sizes = [28, 56], strides = [1, 1]} : vector<28x128xf32> to vector<28x56xf32>
    %dot_general3A_835 = arith.constant dense<0.000000e+00> : vector<28x16xf32>
    %dot_general3A_836 = tpu.matmul %slice3A_834, %slice3A_830, %dot_general3A_835 {dimension_numbers = #tpu.dot_dimension_numbers<[1], [0], [0], [1], [0, 0, 1, 1], [], []>, transpose_lhs_hint = false} : vector<28x56xf32>, vector<56x16xf32>, vector<28x16xf32> -> vector<28x16xf32>
    %add3A_837 = arith.addf %dot_general3A_833, %dot_general3A_836 : vector<28x16xf32>
    %slice3A_838 = vector.extract_strided_slice %slice3A_827 {offsets = [0, 64], sizes = [28, 56], strides = [1, 1]} : vector<28x128xf32> to vector<28x56xf32>
    %dot_general3A_839 = arith.constant dense<0.000000e+00> : vector<28x16xf32>
    %dot_general3A_840 = tpu.matmul %slice3A_838, %slice3A_829, %dot_general3A_839 {dimension_numbers = #tpu.dot_dimension_numbers<[1], [0], [0], [1], [0, 0, 1, 1], [], []>, transpose_lhs_hint = false} : vector<28x56xf32>, vector<56x16xf32>, vector<28x16xf32> -> vector<28x16xf32>
    %slice3A_841 = vector.extract_strided_slice %slice3A_828 {offsets = [0, 64], sizes = [28, 56], strides = [1, 1]} : vector<28x128xf32> to vector<28x56xf32>
    %dot_general3A_842 = arith.constant dense<0.000000e+00> : vector<28x16xf32>
    %dot_general3A_843 = tpu.matmul %slice3A_841, %slice3A_830, %dot_general3A_842 {dimension_numbers = #tpu.dot_dimension_numbers<[1], [0], [0], [1], [0, 0, 1, 1], [], []>, transpose_lhs_hint = false} : vector<28x56xf32>, vector<56x16xf32>, vector<28x16xf32> -> vector<28x16xf32>
    %add3A_844 = arith.addf %dot_general3A_840, %dot_general3A_843 : vector<28x16xf32>
    %slice3A_845 = vector.extract_strided_slice %get3A_14 {offsets = [1288, 0], sizes = [28, 128], strides = [1, 1]} : vector<1792x128xf32> to vector<28x128xf32>
    %slice3A_846 = vector.extract_strided_slice %get3A_17 {offsets = [1288, 0], sizes = [28, 128], strides = [1, 1]} : vector<1792x128xf32> to vector<28x128xf32>
    %slice3A_847 = vector.extract_strided_slice %dot_general3A_5 {offsets = [2576, 0], sizes = [56, 16], strides = [1, 1]} : vector<3584x16xf32> to vector<56x16xf32>
    %slice3A_848 = vector.extract_strided_slice %dot_general3A_11 {offsets = [2576, 0], sizes = [56, 16], strides = [1, 1]} : vector<3584x16xf32> to vector<56x16xf32>
    %slice3A_849 = vector.extract_strided_slice %slice3A_845 {offsets = [0, 0], sizes = [28, 56], strides = [1, 1]} : vector<28x128xf32> to vector<28x56xf32>
    %dot_general3A_850 = arith.constant dense<0.000000e+00> : vector<28x16xf32>
    %dot_general3A_851 = tpu.matmul %slice3A_849, %slice3A_847, %dot_general3A_850 {dimension_numbers = #tpu.dot_dimension_numbers<[1], [0], [0], [1], [0, 0, 1, 1], [], []>, transpose_lhs_hint = false} : vector<28x56xf32>, vector<56x16xf32>, vector<28x16xf32> -> vector<28x16xf32>
    %slice3A_852 = vector.extract_strided_slice %slice3A_846 {offsets = [0, 0], sizes = [28, 56], strides = [1, 1]} : vector<28x128xf32> to vector<28x56xf32>
    %dot_general3A_853 = arith.constant dense<0.000000e+00> : vector<28x16xf32>
    %dot_general3A_854 = tpu.matmul %slice3A_852, %slice3A_848, %dot_general3A_853 {dimension_numbers = #tpu.dot_dimension_numbers<[1], [0], [0], [1], [0, 0, 1, 1], [], []>, transpose_lhs_hint = false} : vector<28x56xf32>, vector<56x16xf32>, vector<28x16xf32> -> vector<28x16xf32>
    %add3A_855 = arith.addf %dot_general3A_851, %dot_general3A_854 : vector<28x16xf32>
    %slice3A_856 = vector.extract_strided_slice %slice3A_845 {offsets = [0, 64], sizes = [28, 56], strides = [1, 1]} : vector<28x128xf32> to vector<28x56xf32>
    %dot_general3A_857 = arith.constant dense<0.000000e+00> : vector<28x16xf32>
    %dot_general3A_858 = tpu.matmul %slice3A_856, %slice3A_847, %dot_general3A_857 {dimension_numbers = #tpu.dot_dimension_numbers<[1], [0], [0], [1], [0, 0, 1, 1], [], []>, transpose_lhs_hint = false} : vector<28x56xf32>, vector<56x16xf32>, vector<28x16xf32> -> vector<28x16xf32>
    %slice3A_859 = vector.extract_strided_slice %slice3A_846 {offsets = [0, 64], sizes = [28, 56], strides = [1, 1]} : vector<28x128xf32> to vector<28x56xf32>
    %dot_general3A_860 = arith.constant dense<0.000000e+00> : vector<28x16xf32>
    %dot_general3A_861 = tpu.matmul %slice3A_859, %slice3A_848, %dot_general3A_860 {dimension_numbers = #tpu.dot_dimension_numbers<[1], [0], [0], [1], [0, 0, 1, 1], [], []>, transpose_lhs_hint = false} : vector<28x56xf32>, vector<56x16xf32>, vector<28x16xf32> -> vector<28x16xf32>
    %add3A_862 = arith.addf %dot_general3A_858, %dot_general3A_861 : vector<28x16xf32>
    %slice3A_863 = vector.extract_strided_slice %get3A_14 {offsets = [1316, 0], sizes = [28, 128], strides = [1, 1]} : vector<1792x128xf32> to vector<28x128xf32>
    %slice3A_864 = vector.extract_strided_slice %get3A_17 {offsets = [1316, 0], sizes = [28, 128], strides = [1, 1]} : vector<1792x128xf32> to vector<28x128xf32>
    %slice3A_865 = vector.extract_strided_slice %dot_general3A_5 {offsets = [2632, 0], sizes = [56, 16], strides = [1, 1]} : vector<3584x16xf32> to vector<56x16xf32>
    %slice3A_866 = vector.extract_strided_slice %dot_general3A_11 {offsets = [2632, 0], sizes = [56, 16], strides = [1, 1]} : vector<3584x16xf32> to vector<56x16xf32>
    %slice3A_867 = vector.extract_strided_slice %slice3A_863 {offsets = [0, 0], sizes = [28, 56], strides = [1, 1]} : vector<28x128xf32> to vector<28x56xf32>
    %dot_general3A_868 = arith.constant dense<0.000000e+00> : vector<28x16xf32>
    %dot_general3A_869 = tpu.matmul %slice3A_867, %slice3A_865, %dot_general3A_868 {dimension_numbers = #tpu.dot_dimension_numbers<[1], [0], [0], [1], [0, 0, 1, 1], [], []>, transpose_lhs_hint = false} : vector<28x56xf32>, vector<56x16xf32>, vector<28x16xf32> -> vector<28x16xf32>
    %slice3A_870 = vector.extract_strided_slice %slice3A_864 {offsets = [0, 0], sizes = [28, 56], strides = [1, 1]} : vector<28x128xf32> to vector<28x56xf32>
    %dot_general3A_871 = arith.constant dense<0.000000e+00> : vector<28x16xf32>
    %dot_general3A_872 = tpu.matmul %slice3A_870, %slice3A_866, %dot_general3A_871 {dimension_numbers = #tpu.dot_dimension_numbers<[1], [0], [0], [1], [0, 0, 1, 1], [], []>, transpose_lhs_hint = false} : vector<28x56xf32>, vector<56x16xf32>, vector<28x16xf32> -> vector<28x16xf32>
    %add3A_873 = arith.addf %dot_general3A_869, %dot_general3A_872 : vector<28x16xf32>
    %slice3A_874 = vector.extract_strided_slice %slice3A_863 {offsets = [0, 64], sizes = [28, 56], strides = [1, 1]} : vector<28x128xf32> to vector<28x56xf32>
    %dot_general3A_875 = arith.constant dense<0.000000e+00> : vector<28x16xf32>
    %dot_general3A_876 = tpu.matmul %slice3A_874, %slice3A_865, %dot_general3A_875 {dimension_numbers = #tpu.dot_dimension_numbers<[1], [0], [0], [1], [0, 0, 1, 1], [], []>, transpose_lhs_hint = false} : vector<28x56xf32>, vector<56x16xf32>, vector<28x16xf32> -> vector<28x16xf32>
    %slice3A_877 = vector.extract_strided_slice %slice3A_864 {offsets = [0, 64], sizes = [28, 56], strides = [1, 1]} : vector<28x128xf32> to vector<28x56xf32>
    %dot_general3A_878 = arith.constant dense<0.000000e+00> : vector<28x16xf32>
    %dot_general3A_879 = tpu.matmul %slice3A_877, %slice3A_866, %dot_general3A_878 {dimension_numbers = #tpu.dot_dimension_numbers<[1], [0], [0], [1], [0, 0, 1, 1], [], []>, transpose_lhs_hint = false} : vector<28x56xf32>, vector<56x16xf32>, vector<28x16xf32> -> vector<28x16xf32>
    %add3A_880 = arith.addf %dot_general3A_876, %dot_general3A_879 : vector<28x16xf32>
    %slice3A_881 = vector.extract_strided_slice %get3A_14 {offsets = [1344, 0], sizes = [28, 128], strides = [1, 1]} : vector<1792x128xf32> to vector<28x128xf32>
    %slice3A_882 = vector.extract_strided_slice %get3A_17 {offsets = [1344, 0], sizes = [28, 128], strides = [1, 1]} : vector<1792x128xf32> to vector<28x128xf32>
    %slice3A_883 = vector.extract_strided_slice %dot_general3A_5 {offsets = [2688, 0], sizes = [56, 16], strides = [1, 1]} : vector<3584x16xf32> to vector<56x16xf32>
    %slice3A_884 = vector.extract_strided_slice %dot_general3A_11 {offsets = [2688, 0], sizes = [56, 16], strides = [1, 1]} : vector<3584x16xf32> to vector<56x16xf32>
    %slice3A_885 = vector.extract_strided_slice %slice3A_881 {offsets = [0, 0], sizes = [28, 56], strides = [1, 1]} : vector<28x128xf32> to vector<28x56xf32>
    %dot_general3A_886 = arith.constant dense<0.000000e+00> : vector<28x16xf32>
    %dot_general3A_887 = tpu.matmul %slice3A_885, %slice3A_883, %dot_general3A_886 {dimension_numbers = #tpu.dot_dimension_numbers<[1], [0], [0], [1], [0, 0, 1, 1], [], []>, transpose_lhs_hint = false} : vector<28x56xf32>, vector<56x16xf32>, vector<28x16xf32> -> vector<28x16xf32>
    %slice3A_888 = vector.extract_strided_slice %slice3A_882 {offsets = [0, 0], sizes = [28, 56], strides = [1, 1]} : vector<28x128xf32> to vector<28x56xf32>
    %dot_general3A_889 = arith.constant dense<0.000000e+00> : vector<28x16xf32>
    %dot_general3A_890 = tpu.matmul %slice3A_888, %slice3A_884, %dot_general3A_889 {dimension_numbers = #tpu.dot_dimension_numbers<[1], [0], [0], [1], [0, 0, 1, 1], [], []>, transpose_lhs_hint = false} : vector<28x56xf32>, vector<56x16xf32>, vector<28x16xf32> -> vector<28x16xf32>
    %add3A_891 = arith.addf %dot_general3A_887, %dot_general3A_890 : vector<28x16xf32>
    %slice3A_892 = vector.extract_strided_slice %slice3A_881 {offsets = [0, 64], sizes = [28, 56], strides = [1, 1]} : vector<28x128xf32> to vector<28x56xf32>
    %dot_general3A_893 = arith.constant dense<0.000000e+00> : vector<28x16xf32>
    %dot_general3A_894 = tpu.matmul %slice3A_892, %slice3A_883, %dot_general3A_893 {dimension_numbers = #tpu.dot_dimension_numbers<[1], [0], [0], [1], [0, 0, 1, 1], [], []>, transpose_lhs_hint = false} : vector<28x56xf32>, vector<56x16xf32>, vector<28x16xf32> -> vector<28x16xf32>
    %slice3A_895 = vector.extract_strided_slice %slice3A_882 {offsets = [0, 64], sizes = [28, 56], strides = [1, 1]} : vector<28x128xf32> to vector<28x56xf32>
    %dot_general3A_896 = arith.constant dense<0.000000e+00> : vector<28x16xf32>
    %dot_general3A_897 = tpu.matmul %slice3A_895, %slice3A_884, %dot_general3A_896 {dimension_numbers = #tpu.dot_dimension_numbers<[1], [0], [0], [1], [0, 0, 1, 1], [], []>, transpose_lhs_hint = false} : vector<28x56xf32>, vector<56x16xf32>, vector<28x16xf32> -> vector<28x16xf32>
    %add3A_898 = arith.addf %dot_general3A_894, %dot_general3A_897 : vector<28x16xf32>
    %slice3A_899 = vector.extract_strided_slice %get3A_14 {offsets = [1372, 0], sizes = [28, 128], strides = [1, 1]} : vector<1792x128xf32> to vector<28x128xf32>
    %slice3A_900 = vector.extract_strided_slice %get3A_17 {offsets = [1372, 0], sizes = [28, 128], strides = [1, 1]} : vector<1792x128xf32> to vector<28x128xf32>
    %slice3A_901 = vector.extract_strided_slice %dot_general3A_5 {offsets = [2744, 0], sizes = [56, 16], strides = [1, 1]} : vector<3584x16xf32> to vector<56x16xf32>
    %slice3A_902 = vector.extract_strided_slice %dot_general3A_11 {offsets = [2744, 0], sizes = [56, 16], strides = [1, 1]} : vector<3584x16xf32> to vector<56x16xf32>
    %slice3A_903 = vector.extract_strided_slice %slice3A_899 {offsets = [0, 0], sizes = [28, 56], strides = [1, 1]} : vector<28x128xf32> to vector<28x56xf32>
    %dot_general3A_904 = arith.constant dense<0.000000e+00> : vector<28x16xf32>
    %dot_general3A_905 = tpu.matmul %slice3A_903, %slice3A_901, %dot_general3A_904 {dimension_numbers = #tpu.dot_dimension_numbers<[1], [0], [0], [1], [0, 0, 1, 1], [], []>, transpose_lhs_hint = false} : vector<28x56xf32>, vector<56x16xf32>, vector<28x16xf32> -> vector<28x16xf32>
    %slice3A_906 = vector.extract_strided_slice %slice3A_900 {offsets = [0, 0], sizes = [28, 56], strides = [1, 1]} : vector<28x128xf32> to vector<28x56xf32>
    %dot_general3A_907 = arith.constant dense<0.000000e+00> : vector<28x16xf32>
    %dot_general3A_908 = tpu.matmul %slice3A_906, %slice3A_902, %dot_general3A_907 {dimension_numbers = #tpu.dot_dimension_numbers<[1], [0], [0], [1], [0, 0, 1, 1], [], []>, transpose_lhs_hint = false} : vector<28x56xf32>, vector<56x16xf32>, vector<28x16xf32> -> vector<28x16xf32>
    %add3A_909 = arith.addf %dot_general3A_905, %dot_general3A_908 : vector<28x16xf32>
    %slice3A_910 = vector.extract_strided_slice %slice3A_899 {offsets = [0, 64], sizes = [28, 56], strides = [1, 1]} : vector<28x128xf32> to vector<28x56xf32>
    %dot_general3A_911 = arith.constant dense<0.000000e+00> : vector<28x16xf32>
    %dot_general3A_912 = tpu.matmul %slice3A_910, %slice3A_901, %dot_general3A_911 {dimension_numbers = #tpu.dot_dimension_numbers<[1], [0], [0], [1], [0, 0, 1, 1], [], []>, transpose_lhs_hint = false} : vector<28x56xf32>, vector<56x16xf32>, vector<28x16xf32> -> vector<28x16xf32>
    %slice3A_913 = vector.extract_strided_slice %slice3A_900 {offsets = [0, 64], sizes = [28, 56], strides = [1, 1]} : vector<28x128xf32> to vector<28x56xf32>
    %dot_general3A_914 = arith.constant dense<0.000000e+00> : vector<28x16xf32>
    %dot_general3A_915 = tpu.matmul %slice3A_913, %slice3A_902, %dot_general3A_914 {dimension_numbers = #tpu.dot_dimension_numbers<[1], [0], [0], [1], [0, 0, 1, 1], [], []>, transpose_lhs_hint = false} : vector<28x56xf32>, vector<56x16xf32>, vector<28x16xf32> -> vector<28x16xf32>
    %add3A_916 = arith.addf %dot_general3A_912, %dot_general3A_915 : vector<28x16xf32>
    %slice3A_917 = vector.extract_strided_slice %get3A_14 {offsets = [1400, 0], sizes = [28, 128], strides = [1, 1]} : vector<1792x128xf32> to vector<28x128xf32>
    %slice3A_918 = vector.extract_strided_slice %get3A_17 {offsets = [1400, 0], sizes = [28, 128], strides = [1, 1]} : vector<1792x128xf32> to vector<28x128xf32>
    %slice3A_919 = vector.extract_strided_slice %dot_general3A_5 {offsets = [2800, 0], sizes = [56, 16], strides = [1, 1]} : vector<3584x16xf32> to vector<56x16xf32>
    %slice3A_920 = vector.extract_strided_slice %dot_general3A_11 {offsets = [2800, 0], sizes = [56, 16], strides = [1, 1]} : vector<3584x16xf32> to vector<56x16xf32>
    %slice3A_921 = vector.extract_strided_slice %slice3A_917 {offsets = [0, 0], sizes = [28, 56], strides = [1, 1]} : vector<28x128xf32> to vector<28x56xf32>
    %dot_general3A_922 = arith.constant dense<0.000000e+00> : vector<28x16xf32>
    %dot_general3A_923 = tpu.matmul %slice3A_921, %slice3A_919, %dot_general3A_922 {dimension_numbers = #tpu.dot_dimension_numbers<[1], [0], [0], [1], [0, 0, 1, 1], [], []>, transpose_lhs_hint = false} : vector<28x56xf32>, vector<56x16xf32>, vector<28x16xf32> -> vector<28x16xf32>
    %slice3A_924 = vector.extract_strided_slice %slice3A_918 {offsets = [0, 0], sizes = [28, 56], strides = [1, 1]} : vector<28x128xf32> to vector<28x56xf32>
    %dot_general3A_925 = arith.constant dense<0.000000e+00> : vector<28x16xf32>
    %dot_general3A_926 = tpu.matmul %slice3A_924, %slice3A_920, %dot_general3A_925 {dimension_numbers = #tpu.dot_dimension_numbers<[1], [0], [0], [1], [0, 0, 1, 1], [], []>, transpose_lhs_hint = false} : vector<28x56xf32>, vector<56x16xf32>, vector<28x16xf32> -> vector<28x16xf32>
    %add3A_927 = arith.addf %dot_general3A_923, %dot_general3A_926 : vector<28x16xf32>
    %slice3A_928 = vector.extract_strided_slice %slice3A_917 {offsets = [0, 64], sizes = [28, 56], strides = [1, 1]} : vector<28x128xf32> to vector<28x56xf32>
    %dot_general3A_929 = arith.constant dense<0.000000e+00> : vector<28x16xf32>
    %dot_general3A_930 = tpu.matmul %slice3A_928, %slice3A_919, %dot_general3A_929 {dimension_numbers = #tpu.dot_dimension_numbers<[1], [0], [0], [1], [0, 0, 1, 1], [], []>, transpose_lhs_hint = false} : vector<28x56xf32>, vector<56x16xf32>, vector<28x16xf32> -> vector<28x16xf32>
    %slice3A_931 = vector.extract_strided_slice %slice3A_918 {offsets = [0, 64], sizes = [28, 56], strides = [1, 1]} : vector<28x128xf32> to vector<28x56xf32>
    %dot_general3A_932 = arith.constant dense<0.000000e+00> : vector<28x16xf32>
    %dot_general3A_933 = tpu.matmul %slice3A_931, %slice3A_920, %dot_general3A_932 {dimension_numbers = #tpu.dot_dimension_numbers<[1], [0], [0], [1], [0, 0, 1, 1], [], []>, transpose_lhs_hint = false} : vector<28x56xf32>, vector<56x16xf32>, vector<28x16xf32> -> vector<28x16xf32>
    %add3A_934 = arith.addf %dot_general3A_930, %dot_general3A_933 : vector<28x16xf32>
    %slice3A_935 = vector.extract_strided_slice %get3A_14 {offsets = [1428, 0], sizes = [28, 128], strides = [1, 1]} : vector<1792x128xf32> to vector<28x128xf32>
    %slice3A_936 = vector.extract_strided_slice %get3A_17 {offsets = [1428, 0], sizes = [28, 128], strides = [1, 1]} : vector<1792x128xf32> to vector<28x128xf32>
    %slice3A_937 = vector.extract_strided_slice %dot_general3A_5 {offsets = [2856, 0], sizes = [56, 16], strides = [1, 1]} : vector<3584x16xf32> to vector<56x16xf32>
    %slice3A_938 = vector.extract_strided_slice %dot_general3A_11 {offsets = [2856, 0], sizes = [56, 16], strides = [1, 1]} : vector<3584x16xf32> to vector<56x16xf32>
    %slice3A_939 = vector.extract_strided_slice %slice3A_935 {offsets = [0, 0], sizes = [28, 56], strides = [1, 1]} : vector<28x128xf32> to vector<28x56xf32>
    %dot_general3A_940 = arith.constant dense<0.000000e+00> : vector<28x16xf32>
    %dot_general3A_941 = tpu.matmul %slice3A_939, %slice3A_937, %dot_general3A_940 {dimension_numbers = #tpu.dot_dimension_numbers<[1], [0], [0], [1], [0, 0, 1, 1], [], []>, transpose_lhs_hint = false} : vector<28x56xf32>, vector<56x16xf32>, vector<28x16xf32> -> vector<28x16xf32>
    %slice3A_942 = vector.extract_strided_slice %slice3A_936 {offsets = [0, 0], sizes = [28, 56], strides = [1, 1]} : vector<28x128xf32> to vector<28x56xf32>
    %dot_general3A_943 = arith.constant dense<0.000000e+00> : vector<28x16xf32>
    %dot_general3A_944 = tpu.matmul %slice3A_942, %slice3A_938, %dot_general3A_943 {dimension_numbers = #tpu.dot_dimension_numbers<[1], [0], [0], [1], [0, 0, 1, 1], [], []>, transpose_lhs_hint = false} : vector<28x56xf32>, vector<56x16xf32>, vector<28x16xf32> -> vector<28x16xf32>
    %add3A_945 = arith.addf %dot_general3A_941, %dot_general3A_944 : vector<28x16xf32>
    %slice3A_946 = vector.extract_strided_slice %slice3A_935 {offsets = [0, 64], sizes = [28, 56], strides = [1, 1]} : vector<28x128xf32> to vector<28x56xf32>
    %dot_general3A_947 = arith.constant dense<0.000000e+00> : vector<28x16xf32>
    %dot_general3A_948 = tpu.matmul %slice3A_946, %slice3A_937, %dot_general3A_947 {dimension_numbers = #tpu.dot_dimension_numbers<[1], [0], [0], [1], [0, 0, 1, 1], [], []>, transpose_lhs_hint = false} : vector<28x56xf32>, vector<56x16xf32>, vector<28x16xf32> -> vector<28x16xf32>
    %slice3A_949 = vector.extract_strided_slice %slice3A_936 {offsets = [0, 64], sizes = [28, 56], strides = [1, 1]} : vector<28x128xf32> to vector<28x56xf32>
    %dot_general3A_950 = arith.constant dense<0.000000e+00> : vector<28x16xf32>
    %dot_general3A_951 = tpu.matmul %slice3A_949, %slice3A_938, %dot_general3A_950 {dimension_numbers = #tpu.dot_dimension_numbers<[1], [0], [0], [1], [0, 0, 1, 1], [], []>, transpose_lhs_hint = false} : vector<28x56xf32>, vector<56x16xf32>, vector<28x16xf32> -> vector<28x16xf32>
    %add3A_952 = arith.addf %dot_general3A_948, %dot_general3A_951 : vector<28x16xf32>
    %slice3A_953 = vector.extract_strided_slice %get3A_14 {offsets = [1456, 0], sizes = [28, 128], strides = [1, 1]} : vector<1792x128xf32> to vector<28x128xf32>
    %slice3A_954 = vector.extract_strided_slice %get3A_17 {offsets = [1456, 0], sizes = [28, 128], strides = [1, 1]} : vector<1792x128xf32> to vector<28x128xf32>
    %slice3A_955 = vector.extract_strided_slice %dot_general3A_5 {offsets = [2912, 0], sizes = [56, 16], strides = [1, 1]} : vector<3584x16xf32> to vector<56x16xf32>
    %slice3A_956 = vector.extract_strided_slice %dot_general3A_11 {offsets = [2912, 0], sizes = [56, 16], strides = [1, 1]} : vector<3584x16xf32> to vector<56x16xf32>
    %slice3A_957 = vector.extract_strided_slice %slice3A_953 {offsets = [0, 0], sizes = [28, 56], strides = [1, 1]} : vector<28x128xf32> to vector<28x56xf32>
    %dot_general3A_958 = arith.constant dense<0.000000e+00> : vector<28x16xf32>
    %dot_general3A_959 = tpu.matmul %slice3A_957, %slice3A_955, %dot_general3A_958 {dimension_numbers = #tpu.dot_dimension_numbers<[1], [0], [0], [1], [0, 0, 1, 1], [], []>, transpose_lhs_hint = false} : vector<28x56xf32>, vector<56x16xf32>, vector<28x16xf32> -> vector<28x16xf32>
    %slice3A_960 = vector.extract_strided_slice %slice3A_954 {offsets = [0, 0], sizes = [28, 56], strides = [1, 1]} : vector<28x128xf32> to vector<28x56xf32>
    %dot_general3A_961 = arith.constant dense<0.000000e+00> : vector<28x16xf32>
    %dot_general3A_962 = tpu.matmul %slice3A_960, %slice3A_956, %dot_general3A_961 {dimension_numbers = #tpu.dot_dimension_numbers<[1], [0], [0], [1], [0, 0, 1, 1], [], []>, transpose_lhs_hint = false} : vector<28x56xf32>, vector<56x16xf32>, vector<28x16xf32> -> vector<28x16xf32>
    %add3A_963 = arith.addf %dot_general3A_959, %dot_general3A_962 : vector<28x16xf32>
    %slice3A_964 = vector.extract_strided_slice %slice3A_953 {offsets = [0, 64], sizes = [28, 56], strides = [1, 1]} : vector<28x128xf32> to vector<28x56xf32>
    %dot_general3A_965 = arith.constant dense<0.000000e+00> : vector<28x16xf32>
    %dot_general3A_966 = tpu.matmul %slice3A_964, %slice3A_955, %dot_general3A_965 {dimension_numbers = #tpu.dot_dimension_numbers<[1], [0], [0], [1], [0, 0, 1, 1], [], []>, transpose_lhs_hint = false} : vector<28x56xf32>, vector<56x16xf32>, vector<28x16xf32> -> vector<28x16xf32>
    %slice3A_967 = vector.extract_strided_slice %slice3A_954 {offsets = [0, 64], sizes = [28, 56], strides = [1, 1]} : vector<28x128xf32> to vector<28x56xf32>
    %dot_general3A_968 = arith.constant dense<0.000000e+00> : vector<28x16xf32>
    %dot_general3A_969 = tpu.matmul %slice3A_967, %slice3A_956, %dot_general3A_968 {dimension_numbers = #tpu.dot_dimension_numbers<[1], [0], [0], [1], [0, 0, 1, 1], [], []>, transpose_lhs_hint = false} : vector<28x56xf32>, vector<56x16xf32>, vector<28x16xf32> -> vector<28x16xf32>
    %add3A_970 = arith.addf %dot_general3A_966, %dot_general3A_969 : vector<28x16xf32>
    %slice3A_971 = vector.extract_strided_slice %get3A_14 {offsets = [1484, 0], sizes = [28, 128], strides = [1, 1]} : vector<1792x128xf32> to vector<28x128xf32>
    %slice3A_972 = vector.extract_strided_slice %get3A_17 {offsets = [1484, 0], sizes = [28, 128], strides = [1, 1]} : vector<1792x128xf32> to vector<28x128xf32>
    %slice3A_973 = vector.extract_strided_slice %dot_general3A_5 {offsets = [2968, 0], sizes = [56, 16], strides = [1, 1]} : vector<3584x16xf32> to vector<56x16xf32>
    %slice3A_974 = vector.extract_strided_slice %dot_general3A_11 {offsets = [2968, 0], sizes = [56, 16], strides = [1, 1]} : vector<3584x16xf32> to vector<56x16xf32>
    %slice3A_975 = vector.extract_strided_slice %slice3A_971 {offsets = [0, 0], sizes = [28, 56], strides = [1, 1]} : vector<28x128xf32> to vector<28x56xf32>
    %dot_general3A_976 = arith.constant dense<0.000000e+00> : vector<28x16xf32>
    %dot_general3A_977 = tpu.matmul %slice3A_975, %slice3A_973, %dot_general3A_976 {dimension_numbers = #tpu.dot_dimension_numbers<[1], [0], [0], [1], [0, 0, 1, 1], [], []>, transpose_lhs_hint = false} : vector<28x56xf32>, vector<56x16xf32>, vector<28x16xf32> -> vector<28x16xf32>
    %slice3A_978 = vector.extract_strided_slice %slice3A_972 {offsets = [0, 0], sizes = [28, 56], strides = [1, 1]} : vector<28x128xf32> to vector<28x56xf32>
    %dot_general3A_979 = arith.constant dense<0.000000e+00> : vector<28x16xf32>
    %dot_general3A_980 = tpu.matmul %slice3A_978, %slice3A_974, %dot_general3A_979 {dimension_numbers = #tpu.dot_dimension_numbers<[1], [0], [0], [1], [0, 0, 1, 1], [], []>, transpose_lhs_hint = false} : vector<28x56xf32>, vector<56x16xf32>, vector<28x16xf32> -> vector<28x16xf32>
    %add3A_981 = arith.addf %dot_general3A_977, %dot_general3A_980 : vector<28x16xf32>
    %slice3A_982 = vector.extract_strided_slice %slice3A_971 {offsets = [0, 64], sizes = [28, 56], strides = [1, 1]} : vector<28x128xf32> to vector<28x56xf32>
    %dot_general3A_983 = arith.constant dense<0.000000e+00> : vector<28x16xf32>
    %dot_general3A_984 = tpu.matmul %slice3A_982, %slice3A_973, %dot_general3A_983 {dimension_numbers = #tpu.dot_dimension_numbers<[1], [0], [0], [1], [0, 0, 1, 1], [], []>, transpose_lhs_hint = false} : vector<28x56xf32>, vector<56x16xf32>, vector<28x16xf32> -> vector<28x16xf32>
    %slice3A_985 = vector.extract_strided_slice %slice3A_972 {offsets = [0, 64], sizes = [28, 56], strides = [1, 1]} : vector<28x128xf32> to vector<28x56xf32>
    %dot_general3A_986 = arith.constant dense<0.000000e+00> : vector<28x16xf32>
    %dot_general3A_987 = tpu.matmul %slice3A_985, %slice3A_974, %dot_general3A_986 {dimension_numbers = #tpu.dot_dimension_numbers<[1], [0], [0], [1], [0, 0, 1, 1], [], []>, transpose_lhs_hint = false} : vector<28x56xf32>, vector<56x16xf32>, vector<28x16xf32> -> vector<28x16xf32>
    %add3A_988 = arith.addf %dot_general3A_984, %dot_general3A_987 : vector<28x16xf32>
    %slice3A_989 = vector.extract_strided_slice %get3A_14 {offsets = [1512, 0], sizes = [28, 128], strides = [1, 1]} : vector<1792x128xf32> to vector<28x128xf32>
    %slice3A_990 = vector.extract_strided_slice %get3A_17 {offsets = [1512, 0], sizes = [28, 128], strides = [1, 1]} : vector<1792x128xf32> to vector<28x128xf32>
    %slice3A_991 = vector.extract_strided_slice %dot_general3A_5 {offsets = [3024, 0], sizes = [56, 16], strides = [1, 1]} : vector<3584x16xf32> to vector<56x16xf32>
    %slice3A_992 = vector.extract_strided_slice %dot_general3A_11 {offsets = [3024, 0], sizes = [56, 16], strides = [1, 1]} : vector<3584x16xf32> to vector<56x16xf32>
    %slice3A_993 = vector.extract_strided_slice %slice3A_989 {offsets = [0, 0], sizes = [28, 56], strides = [1, 1]} : vector<28x128xf32> to vector<28x56xf32>
    %dot_general3A_994 = arith.constant dense<0.000000e+00> : vector<28x16xf32>
    %dot_general3A_995 = tpu.matmul %slice3A_993, %slice3A_991, %dot_general3A_994 {dimension_numbers = #tpu.dot_dimension_numbers<[1], [0], [0], [1], [0, 0, 1, 1], [], []>, transpose_lhs_hint = false} : vector<28x56xf32>, vector<56x16xf32>, vector<28x16xf32> -> vector<28x16xf32>
    %slice3A_996 = vector.extract_strided_slice %slice3A_990 {offsets = [0, 0], sizes = [28, 56], strides = [1, 1]} : vector<28x128xf32> to vector<28x56xf32>
    %dot_general3A_997 = arith.constant dense<0.000000e+00> : vector<28x16xf32>
    %dot_general3A_998 = tpu.matmul %slice3A_996, %slice3A_992, %dot_general3A_997 {dimension_numbers = #tpu.dot_dimension_numbers<[1], [0], [0], [1], [0, 0, 1, 1], [], []>, transpose_lhs_hint = false} : vector<28x56xf32>, vector<56x16xf32>, vector<28x16xf32> -> vector<28x16xf32>
    %add3A_999 = arith.addf %dot_general3A_995, %dot_general3A_998 : vector<28x16xf32>
    %slice3A_1000 = vector.extract_strided_slice %slice3A_989 {offsets = [0, 64], sizes = [28, 56], strides = [1, 1]} : vector<28x128xf32> to vector<28x56xf32>
    %dot_general3A_1001 = arith.constant dense<0.000000e+00> : vector<28x16xf32>
    %dot_general3A_1002 = tpu.matmul %slice3A_1000, %slice3A_991, %dot_general3A_1001 {dimension_numbers = #tpu.dot_dimension_numbers<[1], [0], [0], [1], [0, 0, 1, 1], [], []>, transpose_lhs_hint = false} : vector<28x56xf32>, vector<56x16xf32>, vector<28x16xf32> -> vector<28x16xf32>
    %slice3A_1003 = vector.extract_strided_slice %slice3A_990 {offsets = [0, 64], sizes = [28, 56], strides = [1, 1]} : vector<28x128xf32> to vector<28x56xf32>
    %dot_general3A_1004 = arith.constant dense<0.000000e+00> : vector<28x16xf32>
    %dot_general3A_1005 = tpu.matmul %slice3A_1003, %slice3A_992, %dot_general3A_1004 {dimension_numbers = #tpu.dot_dimension_numbers<[1], [0], [0], [1], [0, 0, 1, 1], [], []>, transpose_lhs_hint = false} : vector<28x56xf32>, vector<56x16xf32>, vector<28x16xf32> -> vector<28x16xf32>
    %add3A_1006 = arith.addf %dot_general3A_1002, %dot_general3A_1005 : vector<28x16xf32>
    %slice3A_1007 = vector.extract_strided_slice %get3A_14 {offsets = [1540, 0], sizes = [28, 128], strides = [1, 1]} : vector<1792x128xf32> to vector<28x128xf32>
    %slice3A_1008 = vector.extract_strided_slice %get3A_17 {offsets = [1540, 0], sizes = [28, 128], strides = [1, 1]} : vector<1792x128xf32> to vector<28x128xf32>
    %slice3A_1009 = vector.extract_strided_slice %dot_general3A_5 {offsets = [3080, 0], sizes = [56, 16], strides = [1, 1]} : vector<3584x16xf32> to vector<56x16xf32>
    %slice3A_1010 = vector.extract_strided_slice %dot_general3A_11 {offsets = [3080, 0], sizes = [56, 16], strides = [1, 1]} : vector<3584x16xf32> to vector<56x16xf32>
    %slice3A_1011 = vector.extract_strided_slice %slice3A_1007 {offsets = [0, 0], sizes = [28, 56], strides = [1, 1]} : vector<28x128xf32> to vector<28x56xf32>
    %dot_general3A_1012 = arith.constant dense<0.000000e+00> : vector<28x16xf32>
    %dot_general3A_1013 = tpu.matmul %slice3A_1011, %slice3A_1009, %dot_general3A_1012 {dimension_numbers = #tpu.dot_dimension_numbers<[1], [0], [0], [1], [0, 0, 1, 1], [], []>, transpose_lhs_hint = false} : vector<28x56xf32>, vector<56x16xf32>, vector<28x16xf32> -> vector<28x16xf32>
    %slice3A_1014 = vector.extract_strided_slice %slice3A_1008 {offsets = [0, 0], sizes = [28, 56], strides = [1, 1]} : vector<28x128xf32> to vector<28x56xf32>
    %dot_general3A_1015 = arith.constant dense<0.000000e+00> : vector<28x16xf32>
    %dot_general3A_1016 = tpu.matmul %slice3A_1014, %slice3A_1010, %dot_general3A_1015 {dimension_numbers = #tpu.dot_dimension_numbers<[1], [0], [0], [1], [0, 0, 1, 1], [], []>, transpose_lhs_hint = false} : vector<28x56xf32>, vector<56x16xf32>, vector<28x16xf32> -> vector<28x16xf32>
    %add3A_1017 = arith.addf %dot_general3A_1013, %dot_general3A_1016 : vector<28x16xf32>
    %slice3A_1018 = vector.extract_strided_slice %slice3A_1007 {offsets = [0, 64], sizes = [28, 56], strides = [1, 1]} : vector<28x128xf32> to vector<28x56xf32>
    %dot_general3A_1019 = arith.constant dense<0.000000e+00> : vector<28x16xf32>
    %dot_general3A_1020 = tpu.matmul %slice3A_1018, %slice3A_1009, %dot_general3A_1019 {dimension_numbers = #tpu.dot_dimension_numbers<[1], [0], [0], [1], [0, 0, 1, 1], [], []>, transpose_lhs_hint = false} : vector<28x56xf32>, vector<56x16xf32>, vector<28x16xf32> -> vector<28x16xf32>
    %slice3A_1021 = vector.extract_strided_slice %slice3A_1008 {offsets = [0, 64], sizes = [28, 56], strides = [1, 1]} : vector<28x128xf32> to vector<28x56xf32>
    %dot_general3A_1022 = arith.constant dense<0.000000e+00> : vector<28x16xf32>
    %dot_general3A_1023 = tpu.matmul %slice3A_1021, %slice3A_1010, %dot_general3A_1022 {dimension_numbers = #tpu.dot_dimension_numbers<[1], [0], [0], [1], [0, 0, 1, 1], [], []>, transpose_lhs_hint = false} : vector<28x56xf32>, vector<56x16xf32>, vector<28x16xf32> -> vector<28x16xf32>
    %add3A_1024 = arith.addf %dot_general3A_1020, %dot_general3A_1023 : vector<28x16xf32>
    %slice3A_1025 = vector.extract_strided_slice %get3A_14 {offsets = [1568, 0], sizes = [28, 128], strides = [1, 1]} : vector<1792x128xf32> to vector<28x128xf32>
    %slice3A_1026 = vector.extract_strided_slice %get3A_17 {offsets = [1568, 0], sizes = [28, 128], strides = [1, 1]} : vector<1792x128xf32> to vector<28x128xf32>
    %slice3A_1027 = vector.extract_strided_slice %dot_general3A_5 {offsets = [3136, 0], sizes = [56, 16], strides = [1, 1]} : vector<3584x16xf32> to vector<56x16xf32>
    %slice3A_1028 = vector.extract_strided_slice %dot_general3A_11 {offsets = [3136, 0], sizes = [56, 16], strides = [1, 1]} : vector<3584x16xf32> to vector<56x16xf32>
    %slice3A_1029 = vector.extract_strided_slice %slice3A_1025 {offsets = [0, 0], sizes = [28, 56], strides = [1, 1]} : vector<28x128xf32> to vector<28x56xf32>
    %dot_general3A_1030 = arith.constant dense<0.000000e+00> : vector<28x16xf32>
    %dot_general3A_1031 = tpu.matmul %slice3A_1029, %slice3A_1027, %dot_general3A_1030 {dimension_numbers = #tpu.dot_dimension_numbers<[1], [0], [0], [1], [0, 0, 1, 1], [], []>, transpose_lhs_hint = false} : vector<28x56xf32>, vector<56x16xf32>, vector<28x16xf32> -> vector<28x16xf32>
    %slice3A_1032 = vector.extract_strided_slice %slice3A_1026 {offsets = [0, 0], sizes = [28, 56], strides = [1, 1]} : vector<28x128xf32> to vector<28x56xf32>
    %dot_general3A_1033 = arith.constant dense<0.000000e+00> : vector<28x16xf32>
    %dot_general3A_1034 = tpu.matmul %slice3A_1032, %slice3A_1028, %dot_general3A_1033 {dimension_numbers = #tpu.dot_dimension_numbers<[1], [0], [0], [1], [0, 0, 1, 1], [], []>, transpose_lhs_hint = false} : vector<28x56xf32>, vector<56x16xf32>, vector<28x16xf32> -> vector<28x16xf32>
    %add3A_1035 = arith.addf %dot_general3A_1031, %dot_general3A_1034 : vector<28x16xf32>
    %slice3A_1036 = vector.extract_strided_slice %slice3A_1025 {offsets = [0, 64], sizes = [28, 56], strides = [1, 1]} : vector<28x128xf32> to vector<28x56xf32>
    %dot_general3A_1037 = arith.constant dense<0.000000e+00> : vector<28x16xf32>
    %dot_general3A_1038 = tpu.matmul %slice3A_1036, %slice3A_1027, %dot_general3A_1037 {dimension_numbers = #tpu.dot_dimension_numbers<[1], [0], [0], [1], [0, 0, 1, 1], [], []>, transpose_lhs_hint = false} : vector<28x56xf32>, vector<56x16xf32>, vector<28x16xf32> -> vector<28x16xf32>
    %slice3A_1039 = vector.extract_strided_slice %slice3A_1026 {offsets = [0, 64], sizes = [28, 56], strides = [1, 1]} : vector<28x128xf32> to vector<28x56xf32>
    %dot_general3A_1040 = arith.constant dense<0.000000e+00> : vector<28x16xf32>
    %dot_general3A_1041 = tpu.matmul %slice3A_1039, %slice3A_1028, %dot_general3A_1040 {dimension_numbers = #tpu.dot_dimension_numbers<[1], [0], [0], [1], [0, 0, 1, 1], [], []>, transpose_lhs_hint = false} : vector<28x56xf32>, vector<56x16xf32>, vector<28x16xf32> -> vector<28x16xf32>
    %add3A_1042 = arith.addf %dot_general3A_1038, %dot_general3A_1041 : vector<28x16xf32>
    %slice3A_1043 = vector.extract_strided_slice %get3A_14 {offsets = [1596, 0], sizes = [28, 128], strides = [1, 1]} : vector<1792x128xf32> to vector<28x128xf32>
    %slice3A_1044 = vector.extract_strided_slice %get3A_17 {offsets = [1596, 0], sizes = [28, 128], strides = [1, 1]} : vector<1792x128xf32> to vector<28x128xf32>
    %slice3A_1045 = vector.extract_strided_slice %dot_general3A_5 {offsets = [3192, 0], sizes = [56, 16], strides = [1, 1]} : vector<3584x16xf32> to vector<56x16xf32>
    %slice3A_1046 = vector.extract_strided_slice %dot_general3A_11 {offsets = [3192, 0], sizes = [56, 16], strides = [1, 1]} : vector<3584x16xf32> to vector<56x16xf32>
    %slice3A_1047 = vector.extract_strided_slice %slice3A_1043 {offsets = [0, 0], sizes = [28, 56], strides = [1, 1]} : vector<28x128xf32> to vector<28x56xf32>
    %dot_general3A_1048 = arith.constant dense<0.000000e+00> : vector<28x16xf32>
    %dot_general3A_1049 = tpu.matmul %slice3A_1047, %slice3A_1045, %dot_general3A_1048 {dimension_numbers = #tpu.dot_dimension_numbers<[1], [0], [0], [1], [0, 0, 1, 1], [], []>, transpose_lhs_hint = false} : vector<28x56xf32>, vector<56x16xf32>, vector<28x16xf32> -> vector<28x16xf32>
    %slice3A_1050 = vector.extract_strided_slice %slice3A_1044 {offsets = [0, 0], sizes = [28, 56], strides = [1, 1]} : vector<28x128xf32> to vector<28x56xf32>
    %dot_general3A_1051 = arith.constant dense<0.000000e+00> : vector<28x16xf32>
    %dot_general3A_1052 = tpu.matmul %slice3A_1050, %slice3A_1046, %dot_general3A_1051 {dimension_numbers = #tpu.dot_dimension_numbers<[1], [0], [0], [1], [0, 0, 1, 1], [], []>, transpose_lhs_hint = false} : vector<28x56xf32>, vector<56x16xf32>, vector<28x16xf32> -> vector<28x16xf32>
    %add3A_1053 = arith.addf %dot_general3A_1049, %dot_general3A_1052 : vector<28x16xf32>
    %slice3A_1054 = vector.extract_strided_slice %slice3A_1043 {offsets = [0, 64], sizes = [28, 56], strides = [1, 1]} : vector<28x128xf32> to vector<28x56xf32>
    %dot_general3A_1055 = arith.constant dense<0.000000e+00> : vector<28x16xf32>
    %dot_general3A_1056 = tpu.matmul %slice3A_1054, %slice3A_1045, %dot_general3A_1055 {dimension_numbers = #tpu.dot_dimension_numbers<[1], [0], [0], [1], [0, 0, 1, 1], [], []>, transpose_lhs_hint = false} : vector<28x56xf32>, vector<56x16xf32>, vector<28x16xf32> -> vector<28x16xf32>
    %slice3A_1057 = vector.extract_strided_slice %slice3A_1044 {offsets = [0, 64], sizes = [28, 56], strides = [1, 1]} : vector<28x128xf32> to vector<28x56xf32>
    %dot_general3A_1058 = arith.constant dense<0.000000e+00> : vector<28x16xf32>
    %dot_general3A_1059 = tpu.matmul %slice3A_1057, %slice3A_1046, %dot_general3A_1058 {dimension_numbers = #tpu.dot_dimension_numbers<[1], [0], [0], [1], [0, 0, 1, 1], [], []>, transpose_lhs_hint = false} : vector<28x56xf32>, vector<56x16xf32>, vector<28x16xf32> -> vector<28x16xf32>
    %add3A_1060 = arith.addf %dot_general3A_1056, %dot_general3A_1059 : vector<28x16xf32>
    %slice3A_1061 = vector.extract_strided_slice %get3A_14 {offsets = [1624, 0], sizes = [28, 128], strides = [1, 1]} : vector<1792x128xf32> to vector<28x128xf32>
    %slice3A_1062 = vector.extract_strided_slice %get3A_17 {offsets = [1624, 0], sizes = [28, 128], strides = [1, 1]} : vector<1792x128xf32> to vector<28x128xf32>
    %slice3A_1063 = vector.extract_strided_slice %dot_general3A_5 {offsets = [3248, 0], sizes = [56, 16], strides = [1, 1]} : vector<3584x16xf32> to vector<56x16xf32>
    %slice3A_1064 = vector.extract_strided_slice %dot_general3A_11 {offsets = [3248, 0], sizes = [56, 16], strides = [1, 1]} : vector<3584x16xf32> to vector<56x16xf32>
    %slice3A_1065 = vector.extract_strided_slice %slice3A_1061 {offsets = [0, 0], sizes = [28, 56], strides = [1, 1]} : vector<28x128xf32> to vector<28x56xf32>
    %dot_general3A_1066 = arith.constant dense<0.000000e+00> : vector<28x16xf32>
    %dot_general3A_1067 = tpu.matmul %slice3A_1065, %slice3A_1063, %dot_general3A_1066 {dimension_numbers = #tpu.dot_dimension_numbers<[1], [0], [0], [1], [0, 0, 1, 1], [], []>, transpose_lhs_hint = false} : vector<28x56xf32>, vector<56x16xf32>, vector<28x16xf32> -> vector<28x16xf32>
    %slice3A_1068 = vector.extract_strided_slice %slice3A_1062 {offsets = [0, 0], sizes = [28, 56], strides = [1, 1]} : vector<28x128xf32> to vector<28x56xf32>
    %dot_general3A_1069 = arith.constant dense<0.000000e+00> : vector<28x16xf32>
    %dot_general3A_1070 = tpu.matmul %slice3A_1068, %slice3A_1064, %dot_general3A_1069 {dimension_numbers = #tpu.dot_dimension_numbers<[1], [0], [0], [1], [0, 0, 1, 1], [], []>, transpose_lhs_hint = false} : vector<28x56xf32>, vector<56x16xf32>, vector<28x16xf32> -> vector<28x16xf32>
    %add3A_1071 = arith.addf %dot_general3A_1067, %dot_general3A_1070 : vector<28x16xf32>
    %slice3A_1072 = vector.extract_strided_slice %slice3A_1061 {offsets = [0, 64], sizes = [28, 56], strides = [1, 1]} : vector<28x128xf32> to vector<28x56xf32>
    %dot_general3A_1073 = arith.constant dense<0.000000e+00> : vector<28x16xf32>
    %dot_general3A_1074 = tpu.matmul %slice3A_1072, %slice3A_1063, %dot_general3A_1073 {dimension_numbers = #tpu.dot_dimension_numbers<[1], [0], [0], [1], [0, 0, 1, 1], [], []>, transpose_lhs_hint = false} : vector<28x56xf32>, vector<56x16xf32>, vector<28x16xf32> -> vector<28x16xf32>
    %slice3A_1075 = vector.extract_strided_slice %slice3A_1062 {offsets = [0, 64], sizes = [28, 56], strides = [1, 1]} : vector<28x128xf32> to vector<28x56xf32>
    %dot_general3A_1076 = arith.constant dense<0.000000e+00> : vector<28x16xf32>
    %dot_general3A_1077 = tpu.matmul %slice3A_1075, %slice3A_1064, %dot_general3A_1076 {dimension_numbers = #tpu.dot_dimension_numbers<[1], [0], [0], [1], [0, 0, 1, 1], [], []>, transpose_lhs_hint = false} : vector<28x56xf32>, vector<56x16xf32>, vector<28x16xf32> -> vector<28x16xf32>
    %add3A_1078 = arith.addf %dot_general3A_1074, %dot_general3A_1077 : vector<28x16xf32>
    %slice3A_1079 = vector.extract_strided_slice %get3A_14 {offsets = [1652, 0], sizes = [28, 128], strides = [1, 1]} : vector<1792x128xf32> to vector<28x128xf32>
    %slice3A_1080 = vector.extract_strided_slice %get3A_17 {offsets = [1652, 0], sizes = [28, 128], strides = [1, 1]} : vector<1792x128xf32> to vector<28x128xf32>
    %slice3A_1081 = vector.extract_strided_slice %dot_general3A_5 {offsets = [3304, 0], sizes = [56, 16], strides = [1, 1]} : vector<3584x16xf32> to vector<56x16xf32>
    %slice3A_1082 = vector.extract_strided_slice %dot_general3A_11 {offsets = [3304, 0], sizes = [56, 16], strides = [1, 1]} : vector<3584x16xf32> to vector<56x16xf32>
    %slice3A_1083 = vector.extract_strided_slice %slice3A_1079 {offsets = [0, 0], sizes = [28, 56], strides = [1, 1]} : vector<28x128xf32> to vector<28x56xf32>
    %dot_general3A_1084 = arith.constant dense<0.000000e+00> : vector<28x16xf32>
    %dot_general3A_1085 = tpu.matmul %slice3A_1083, %slice3A_1081, %dot_general3A_1084 {dimension_numbers = #tpu.dot_dimension_numbers<[1], [0], [0], [1], [0, 0, 1, 1], [], []>, transpose_lhs_hint = false} : vector<28x56xf32>, vector<56x16xf32>, vector<28x16xf32> -> vector<28x16xf32>
    %slice3A_1086 = vector.extract_strided_slice %slice3A_1080 {offsets = [0, 0], sizes = [28, 56], strides = [1, 1]} : vector<28x128xf32> to vector<28x56xf32>
    %dot_general3A_1087 = arith.constant dense<0.000000e+00> : vector<28x16xf32>
    %dot_general3A_1088 = tpu.matmul %slice3A_1086, %slice3A_1082, %dot_general3A_1087 {dimension_numbers = #tpu.dot_dimension_numbers<[1], [0], [0], [1], [0, 0, 1, 1], [], []>, transpose_lhs_hint = false} : vector<28x56xf32>, vector<56x16xf32>, vector<28x16xf32> -> vector<28x16xf32>
    %add3A_1089 = arith.addf %dot_general3A_1085, %dot_general3A_1088 : vector<28x16xf32>
    %slice3A_1090 = vector.extract_strided_slice %slice3A_1079 {offsets = [0, 64], sizes = [28, 56], strides = [1, 1]} : vector<28x128xf32> to vector<28x56xf32>
    %dot_general3A_1091 = arith.constant dense<0.000000e+00> : vector<28x16xf32>
    %dot_general3A_1092 = tpu.matmul %slice3A_1090, %slice3A_1081, %dot_general3A_1091 {dimension_numbers = #tpu.dot_dimension_numbers<[1], [0], [0], [1], [0, 0, 1, 1], [], []>, transpose_lhs_hint = false} : vector<28x56xf32>, vector<56x16xf32>, vector<28x16xf32> -> vector<28x16xf32>
    %slice3A_1093 = vector.extract_strided_slice %slice3A_1080 {offsets = [0, 64], sizes = [28, 56], strides = [1, 1]} : vector<28x128xf32> to vector<28x56xf32>
    %dot_general3A_1094 = arith.constant dense<0.000000e+00> : vector<28x16xf32>
    %dot_general3A_1095 = tpu.matmul %slice3A_1093, %slice3A_1082, %dot_general3A_1094 {dimension_numbers = #tpu.dot_dimension_numbers<[1], [0], [0], [1], [0, 0, 1, 1], [], []>, transpose_lhs_hint = false} : vector<28x56xf32>, vector<56x16xf32>, vector<28x16xf32> -> vector<28x16xf32>
    %add3A_1096 = arith.addf %dot_general3A_1092, %dot_general3A_1095 : vector<28x16xf32>
    %slice3A_1097 = vector.extract_strided_slice %get3A_14 {offsets = [1680, 0], sizes = [28, 128], strides = [1, 1]} : vector<1792x128xf32> to vector<28x128xf32>
    %slice3A_1098 = vector.extract_strided_slice %get3A_17 {offsets = [1680, 0], sizes = [28, 128], strides = [1, 1]} : vector<1792x128xf32> to vector<28x128xf32>
    %slice3A_1099 = vector.extract_strided_slice %dot_general3A_5 {offsets = [3360, 0], sizes = [56, 16], strides = [1, 1]} : vector<3584x16xf32> to vector<56x16xf32>
    %slice3A_1100 = vector.extract_strided_slice %dot_general3A_11 {offsets = [3360, 0], sizes = [56, 16], strides = [1, 1]} : vector<3584x16xf32> to vector<56x16xf32>
    %slice3A_1101 = vector.extract_strided_slice %slice3A_1097 {offsets = [0, 0], sizes = [28, 56], strides = [1, 1]} : vector<28x128xf32> to vector<28x56xf32>
    %dot_general3A_1102 = arith.constant dense<0.000000e+00> : vector<28x16xf32>
    %dot_general3A_1103 = tpu.matmul %slice3A_1101, %slice3A_1099, %dot_general3A_1102 {dimension_numbers = #tpu.dot_dimension_numbers<[1], [0], [0], [1], [0, 0, 1, 1], [], []>, transpose_lhs_hint = false} : vector<28x56xf32>, vector<56x16xf32>, vector<28x16xf32> -> vector<28x16xf32>
    %slice3A_1104 = vector.extract_strided_slice %slice3A_1098 {offsets = [0, 0], sizes = [28, 56], strides = [1, 1]} : vector<28x128xf32> to vector<28x56xf32>
    %dot_general3A_1105 = arith.constant dense<0.000000e+00> : vector<28x16xf32>
    %dot_general3A_1106 = tpu.matmul %slice3A_1104, %slice3A_1100, %dot_general3A_1105 {dimension_numbers = #tpu.dot_dimension_numbers<[1], [0], [0], [1], [0, 0, 1, 1], [], []>, transpose_lhs_hint = false} : vector<28x56xf32>, vector<56x16xf32>, vector<28x16xf32> -> vector<28x16xf32>
    %add3A_1107 = arith.addf %dot_general3A_1103, %dot_general3A_1106 : vector<28x16xf32>
    %slice3A_1108 = vector.extract_strided_slice %slice3A_1097 {offsets = [0, 64], sizes = [28, 56], strides = [1, 1]} : vector<28x128xf32> to vector<28x56xf32>
    %dot_general3A_1109 = arith.constant dense<0.000000e+00> : vector<28x16xf32>
    %dot_general3A_1110 = tpu.matmul %slice3A_1108, %slice3A_1099, %dot_general3A_1109 {dimension_numbers = #tpu.dot_dimension_numbers<[1], [0], [0], [1], [0, 0, 1, 1], [], []>, transpose_lhs_hint = false} : vector<28x56xf32>, vector<56x16xf32>, vector<28x16xf32> -> vector<28x16xf32>
    %slice3A_1111 = vector.extract_strided_slice %slice3A_1098 {offsets = [0, 64], sizes = [28, 56], strides = [1, 1]} : vector<28x128xf32> to vector<28x56xf32>
    %dot_general3A_1112 = arith.constant dense<0.000000e+00> : vector<28x16xf32>
    %dot_general3A_1113 = tpu.matmul %slice3A_1111, %slice3A_1100, %dot_general3A_1112 {dimension_numbers = #tpu.dot_dimension_numbers<[1], [0], [0], [1], [0, 0, 1, 1], [], []>, transpose_lhs_hint = false} : vector<28x56xf32>, vector<56x16xf32>, vector<28x16xf32> -> vector<28x16xf32>
    %add3A_1114 = arith.addf %dot_general3A_1110, %dot_general3A_1113 : vector<28x16xf32>
    %slice3A_1115 = vector.extract_strided_slice %get3A_14 {offsets = [1708, 0], sizes = [28, 128], strides = [1, 1]} : vector<1792x128xf32> to vector<28x128xf32>
    %slice3A_1116 = vector.extract_strided_slice %get3A_17 {offsets = [1708, 0], sizes = [28, 128], strides = [1, 1]} : vector<1792x128xf32> to vector<28x128xf32>
    %slice3A_1117 = vector.extract_strided_slice %dot_general3A_5 {offsets = [3416, 0], sizes = [56, 16], strides = [1, 1]} : vector<3584x16xf32> to vector<56x16xf32>
    %slice3A_1118 = vector.extract_strided_slice %dot_general3A_11 {offsets = [3416, 0], sizes = [56, 16], strides = [1, 1]} : vector<3584x16xf32> to vector<56x16xf32>
    %slice3A_1119 = vector.extract_strided_slice %slice3A_1115 {offsets = [0, 0], sizes = [28, 56], strides = [1, 1]} : vector<28x128xf32> to vector<28x56xf32>
    %dot_general3A_1120 = arith.constant dense<0.000000e+00> : vector<28x16xf32>
    %dot_general3A_1121 = tpu.matmul %slice3A_1119, %slice3A_1117, %dot_general3A_1120 {dimension_numbers = #tpu.dot_dimension_numbers<[1], [0], [0], [1], [0, 0, 1, 1], [], []>, transpose_lhs_hint = false} : vector<28x56xf32>, vector<56x16xf32>, vector<28x16xf32> -> vector<28x16xf32>
    %slice3A_1122 = vector.extract_strided_slice %slice3A_1116 {offsets = [0, 0], sizes = [28, 56], strides = [1, 1]} : vector<28x128xf32> to vector<28x56xf32>
    %dot_general3A_1123 = arith.constant dense<0.000000e+00> : vector<28x16xf32>
    %dot_general3A_1124 = tpu.matmul %slice3A_1122, %slice3A_1118, %dot_general3A_1123 {dimension_numbers = #tpu.dot_dimension_numbers<[1], [0], [0], [1], [0, 0, 1, 1], [], []>, transpose_lhs_hint = false} : vector<28x56xf32>, vector<56x16xf32>, vector<28x16xf32> -> vector<28x16xf32>
    %add3A_1125 = arith.addf %dot_general3A_1121, %dot_general3A_1124 : vector<28x16xf32>
    %slice3A_1126 = vector.extract_strided_slice %slice3A_1115 {offsets = [0, 64], sizes = [28, 56], strides = [1, 1]} : vector<28x128xf32> to vector<28x56xf32>
    %dot_general3A_1127 = arith.constant dense<0.000000e+00> : vector<28x16xf32>
    %dot_general3A_1128 = tpu.matmul %slice3A_1126, %slice3A_1117, %dot_general3A_1127 {dimension_numbers = #tpu.dot_dimension_numbers<[1], [0], [0], [1], [0, 0, 1, 1], [], []>, transpose_lhs_hint = false} : vector<28x56xf32>, vector<56x16xf32>, vector<28x16xf32> -> vector<28x16xf32>
    %slice3A_1129 = vector.extract_strided_slice %slice3A_1116 {offsets = [0, 64], sizes = [28, 56], strides = [1, 1]} : vector<28x128xf32> to vector<28x56xf32>
    %dot_general3A_1130 = arith.constant dense<0.000000e+00> : vector<28x16xf32>
    %dot_general3A_1131 = tpu.matmul %slice3A_1129, %slice3A_1118, %dot_general3A_1130 {dimension_numbers = #tpu.dot_dimension_numbers<[1], [0], [0], [1], [0, 0, 1, 1], [], []>, transpose_lhs_hint = false} : vector<28x56xf32>, vector<56x16xf32>, vector<28x16xf32> -> vector<28x16xf32>
    %add3A_1132 = arith.addf %dot_general3A_1128, %dot_general3A_1131 : vector<28x16xf32>
    %slice3A_1133 = vector.extract_strided_slice %get3A_14 {offsets = [1736, 0], sizes = [28, 128], strides = [1, 1]} : vector<1792x128xf32> to vector<28x128xf32>
    %slice3A_1134 = vector.extract_strided_slice %get3A_17 {offsets = [1736, 0], sizes = [28, 128], strides = [1, 1]} : vector<1792x128xf32> to vector<28x128xf32>
    %slice3A_1135 = vector.extract_strided_slice %dot_general3A_5 {offsets = [3472, 0], sizes = [56, 16], strides = [1, 1]} : vector<3584x16xf32> to vector<56x16xf32>
    %slice3A_1136 = vector.extract_strided_slice %dot_general3A_11 {offsets = [3472, 0], sizes = [56, 16], strides = [1, 1]} : vector<3584x16xf32> to vector<56x16xf32>
    %slice3A_1137 = vector.extract_strided_slice %slice3A_1133 {offsets = [0, 0], sizes = [28, 56], strides = [1, 1]} : vector<28x128xf32> to vector<28x56xf32>
    %dot_general3A_1138 = arith.constant dense<0.000000e+00> : vector<28x16xf32>
    %dot_general3A_1139 = tpu.matmul %slice3A_1137, %slice3A_1135, %dot_general3A_1138 {dimension_numbers = #tpu.dot_dimension_numbers<[1], [0], [0], [1], [0, 0, 1, 1], [], []>, transpose_lhs_hint = false} : vector<28x56xf32>, vector<56x16xf32>, vector<28x16xf32> -> vector<28x16xf32>
    %slice3A_1140 = vector.extract_strided_slice %slice3A_1134 {offsets = [0, 0], sizes = [28, 56], strides = [1, 1]} : vector<28x128xf32> to vector<28x56xf32>
    %dot_general3A_1141 = arith.constant dense<0.000000e+00> : vector<28x16xf32>
    %dot_general3A_1142 = tpu.matmul %slice3A_1140, %slice3A_1136, %dot_general3A_1141 {dimension_numbers = #tpu.dot_dimension_numbers<[1], [0], [0], [1], [0, 0, 1, 1], [], []>, transpose_lhs_hint = false} : vector<28x56xf32>, vector<56x16xf32>, vector<28x16xf32> -> vector<28x16xf32>
    %add3A_1143 = arith.addf %dot_general3A_1139, %dot_general3A_1142 : vector<28x16xf32>
    %slice3A_1144 = vector.extract_strided_slice %slice3A_1133 {offsets = [0, 64], sizes = [28, 56], strides = [1, 1]} : vector<28x128xf32> to vector<28x56xf32>
    %dot_general3A_1145 = arith.constant dense<0.000000e+00> : vector<28x16xf32>
    %dot_general3A_1146 = tpu.matmul %slice3A_1144, %slice3A_1135, %dot_general3A_1145 {dimension_numbers = #tpu.dot_dimension_numbers<[1], [0], [0], [1], [0, 0, 1, 1], [], []>, transpose_lhs_hint = false} : vector<28x56xf32>, vector<56x16xf32>, vector<28x16xf32> -> vector<28x16xf32>
    %slice3A_1147 = vector.extract_strided_slice %slice3A_1134 {offsets = [0, 64], sizes = [28, 56], strides = [1, 1]} : vector<28x128xf32> to vector<28x56xf32>
    %dot_general3A_1148 = arith.constant dense<0.000000e+00> : vector<28x16xf32>
    %dot_general3A_1149 = tpu.matmul %slice3A_1147, %slice3A_1136, %dot_general3A_1148 {dimension_numbers = #tpu.dot_dimension_numbers<[1], [0], [0], [1], [0, 0, 1, 1], [], []>, transpose_lhs_hint = false} : vector<28x56xf32>, vector<56x16xf32>, vector<28x16xf32> -> vector<28x16xf32>
    %add3A_1150 = arith.addf %dot_general3A_1146, %dot_general3A_1149 : vector<28x16xf32>
    %slice3A_1151 = vector.extract_strided_slice %get3A_14 {offsets = [1764, 0], sizes = [28, 128], strides = [1, 1]} : vector<1792x128xf32> to vector<28x128xf32>
    %slice3A_1152 = vector.extract_strided_slice %get3A_17 {offsets = [1764, 0], sizes = [28, 128], strides = [1, 1]} : vector<1792x128xf32> to vector<28x128xf32>
    %slice3A_1153 = vector.extract_strided_slice %dot_general3A_5 {offsets = [3528, 0], sizes = [56, 16], strides = [1, 1]} : vector<3584x16xf32> to vector<56x16xf32>
    %slice3A_1154 = vector.extract_strided_slice %dot_general3A_11 {offsets = [3528, 0], sizes = [56, 16], strides = [1, 1]} : vector<3584x16xf32> to vector<56x16xf32>
    %slice3A_1155 = vector.extract_strided_slice %slice3A_1151 {offsets = [0, 0], sizes = [28, 56], strides = [1, 1]} : vector<28x128xf32> to vector<28x56xf32>
    %dot_general3A_1156 = arith.constant dense<0.000000e+00> : vector<28x16xf32>
    %dot_general3A_1157 = tpu.matmul %slice3A_1155, %slice3A_1153, %dot_general3A_1156 {dimension_numbers = #tpu.dot_dimension_numbers<[1], [0], [0], [1], [0, 0, 1, 1], [], []>, transpose_lhs_hint = false} : vector<28x56xf32>, vector<56x16xf32>, vector<28x16xf32> -> vector<28x16xf32>
    %slice3A_1158 = vector.extract_strided_slice %slice3A_1152 {offsets = [0, 0], sizes = [28, 56], strides = [1, 1]} : vector<28x128xf32> to vector<28x56xf32>
    %dot_general3A_1159 = arith.constant dense<0.000000e+00> : vector<28x16xf32>
    %dot_general3A_1160 = tpu.matmul %slice3A_1158, %slice3A_1154, %dot_general3A_1159 {dimension_numbers = #tpu.dot_dimension_numbers<[1], [0], [0], [1], [0, 0, 1, 1], [], []>, transpose_lhs_hint = false} : vector<28x56xf32>, vector<56x16xf32>, vector<28x16xf32> -> vector<28x16xf32>
    %add3A_1161 = arith.addf %dot_general3A_1157, %dot_general3A_1160 : vector<28x16xf32>
    %slice3A_1162 = vector.extract_strided_slice %slice3A_1151 {offsets = [0, 64], sizes = [28, 56], strides = [1, 1]} : vector<28x128xf32> to vector<28x56xf32>
    %dot_general3A_1163 = arith.constant dense<0.000000e+00> : vector<28x16xf32>
    %dot_general3A_1164 = tpu.matmul %slice3A_1162, %slice3A_1153, %dot_general3A_1163 {dimension_numbers = #tpu.dot_dimension_numbers<[1], [0], [0], [1], [0, 0, 1, 1], [], []>, transpose_lhs_hint = false} : vector<28x56xf32>, vector<56x16xf32>, vector<28x16xf32> -> vector<28x16xf32>
    %slice3A_1165 = vector.extract_strided_slice %slice3A_1152 {offsets = [0, 64], sizes = [28, 56], strides = [1, 1]} : vector<28x128xf32> to vector<28x56xf32>
    %dot_general3A_1166 = arith.constant dense<0.000000e+00> : vector<28x16xf32>
    %dot_general3A_1167 = tpu.matmul %slice3A_1165, %slice3A_1154, %dot_general3A_1166 {dimension_numbers = #tpu.dot_dimension_numbers<[1], [0], [0], [1], [0, 0, 1, 1], [], []>, transpose_lhs_hint = false} : vector<28x56xf32>, vector<56x16xf32>, vector<28x16xf32> -> vector<28x16xf32>
    %add3A_1168 = arith.addf %dot_general3A_1164, %dot_general3A_1167 : vector<28x16xf32>
    %concatenate3A = tpu.concatenate %add3A, %add3A_45, %add3A_63, %add3A_81, %add3A_99, %add3A_117, %add3A_135, %add3A_153, %add3A_171, %add3A_189, %add3A_207, %add3A_225, %add3A_243, %add3A_261, %add3A_279, %add3A_297, %add3A_315, %add3A_333, %add3A_351, %add3A_369, %add3A_387, %add3A_405, %add3A_423, %add3A_441, %add3A_459, %add3A_477, %add3A_495, %add3A_513, %add3A_531, %add3A_549, %add3A_567, %add3A_585, %add3A_603, %add3A_621, %add3A_639, %add3A_657, %add3A_675, %add3A_693, %add3A_711, %add3A_729, %add3A_747, %add3A_765, %add3A_783, %add3A_801, %add3A_819, %add3A_837, %add3A_855, %add3A_873, %add3A_891, %add3A_909, %add3A_927, %add3A_945, %add3A_963, %add3A_981, %add3A_999, %add3A_1017, %add3A_1035, %add3A_1053, %add3A_1071, %add3A_1089, %add3A_1107, %add3A_1125, %add3A_1143, %add3A_1161, %add3A_34, %add3A_52, %add3A_70, %add3A_88, %add3A_106, %add3A_124, %add3A_142, %add3A_160, %add3A_178, %add3A_196, %add3A_214, %add3A_232, %add3A_250, %add3A_268, %add3A_286, %add3A_304, %add3A_322, %add3A_340, %add3A_358, %add3A_376, %add3A_394, %add3A_412, %add3A_430, %add3A_448, %add3A_466, %add3A_484, %add3A_502, %add3A_520, %add3A_538, %add3A_556, %add3A_574, %add3A_592, %add3A_610, %add3A_628, %add3A_646, %add3A_664, %add3A_682, %add3A_700, %add3A_718, %add3A_736, %add3A_754, %add3A_772, %add3A_790, %add3A_808, %add3A_826, %add3A_844, %add3A_862, %add3A_880, %add3A_898, %add3A_916, %add3A_934, %add3A_952, %add3A_970, %add3A_988, %add3A_1006, %add3A_1024, %add3A_1042, %add3A_1060, %add3A_1078, %add3A_1096, %add3A_1114, %add3A_1132, %add3A_1150, %add3A_1168 in 0 : vector<28x16xf32>, vector<28x16xf32>, vector<28x16xf32>, vector<28x16xf32>, vector<28x16xf32>, vector<28x16xf32>, vector<28x16xf32>, vector<28x16xf32>, vector<28x16xf32>, vector<28x16xf32>, vector<28x16xf32>, vector<28x16xf32>, vector<28x16xf32>, vector<28x16xf32>, vector<28x16xf32>, vector<28x16xf32>, vector<28x16xf32>, vector<28x16xf32>, vector<28x16xf32>, vector<28x16xf32>, vector<28x16xf32>, vector<28x16xf32>, vector<28x16xf32>, vector<28x16xf32>, vector<28x16xf32>, vector<28x16xf32>, vector<28x16xf32>, vector<28x16xf32>, vector<28x16xf32>, vector<28x16xf32>, vector<28x16xf32>, vector<28x16xf32>, vector<28x16xf32>, vector<28x16xf32>, vector<28x16xf32>, vector<28x16xf32>, vector<28x16xf32>, vector<28x16xf32>, vector<28x16xf32>, vector<28x16xf32>, vector<28x16xf32>, vector<28x16xf32>, vector<28x16xf32>, vector<28x16xf32>, vector<28x16xf32>, vector<28x16xf32>, vector<28x16xf32>, vector<28x16xf32>, vector<28x16xf32>, vector<28x16xf32>, vector<28x16xf32>, vector<28x16xf32>, vector<28x16xf32>, vector<28x16xf32>, vector<28x16xf32>, vector<28x16xf32>, vector<28x16xf32>, vector<28x16xf32>, vector<28x16xf32>, vector<28x16xf32>, vector<28x16xf32>, vector<28x16xf32>, vector<28x16xf32>, vector<28x16xf32>, vector<28x16xf32>, vector<28x16xf32>, vector<28x16xf32>, vector<28x16xf32>, vector<28x16xf32>, vector<28x16xf32>, vector<28x16xf32>, vector<28x16xf32>, vector<28x16xf32>, vector<28x16xf32>, vector<28x16xf32>, vector<28x16xf32>, vector<28x16xf32>, vector<28x16xf32>, vector<28x16xf32>, vector<28x16xf32>, vector<28x16xf32>, vector<28x16xf32>, vector<28x16xf32>, vector<28x16xf32>, vector<28x16xf32>, vector<28x16xf32>, vector<28x16xf32>, vector<28x16xf32>, vector<28x16xf32>, vector<28x16xf32>, vector<28x16xf32>, vector<28x16xf32>, vector<28x16xf32>, vector<28x16xf32>, vector<28x16xf32>, vector<28x16xf32>, vector<28x16xf32>, vector<28x16xf32>, vector<28x16xf32>, vector<28x16xf32>, vector<28x16xf32>, vector<28x16xf32>, vector<28x16xf32>, vector<28x16xf32>, vector<28x16xf32>, vector<28x16xf32>, vector<28x16xf32>, vector<28x16xf32>, vector<28x16xf32>, vector<28x16xf32>, vector<28x16xf32>, vector<28x16xf32>, vector<28x16xf32>, vector<28x16xf32>, vector<28x16xf32>, vector<28x16xf32>, vector<28x16xf32>, vector<28x16xf32>, vector<28x16xf32>, vector<28x16xf32>, vector<28x16xf32>, vector<28x16xf32>, vector<28x16xf32>, vector<28x16xf32>, vector<28x16xf32>, vector<28x16xf32>, vector<28x16xf32>, vector<28x16xf32> -> vector<3584x16xf32>
    %get3A_1169 = arith.constant 0 : index
    %get3A_1170 = arith.constant 0 : index
    %get3A_1171 = vector.load %arg6[%get3A_1169, %get3A_1170] : memref<1x16xf32, #tpu.memory_space<vmem>>, vector<1x16xf32>
    %add3A_1172 = vector.broadcast %get3A_1171 : vector<1x16xf32> to vector<3584x16xf32>
    %add3A_1173 = arith.addf %concatenate3A, %add3A_1172 : vector<3584x16xf32>
    %max3A = arith.constant 0.000000e+00 : f32
    %max3A_1174 = vector.broadcast %max3A : f32 to vector<3584x16xf32>
    %max3A_1175 = arith.maximumf %add3A_1173, %max3A_1174 : vector<3584x16xf32>
    %get3A_1176 = arith.constant 0 : index
    %get3A_1177 = arith.constant 0 : index
    %get3A_1178 = vector.load %arg7[%get3A_1176, %get3A_1177] : memref<16x8xf32, #tpu.memory_space<vmem>>, vector<16x8xf32>
    %dot_general3A_1179 = arith.constant dense<0.000000e+00> : vector<3584x8xf32>
    %dot_general3A_1180 = tpu.matmul %max3A_1175, %get3A_1178, %dot_general3A_1179 {dimension_numbers = #tpu.dot_dimension_numbers<[1], [0], [0], [1], [0, 0, 1, 1], [], []>, transpose_lhs_hint = false} : vector<3584x16xf32>, vector<16x8xf32>, vector<3584x8xf32> -> vector<3584x8xf32>
    %get3A_1181 = arith.constant 0 : index
    %get3A_1182 = arith.constant 0 : index
    %get3A_1183 = vector.load %arg8[%get3A_1181, %get3A_1182] : memref<1x8xf32, #tpu.memory_space<vmem>>, vector<1x8xf32>
    %add3A_1184 = vector.broadcast %get3A_1183 : vector<1x8xf32> to vector<3584x8xf32>
    %add3A_1185 = arith.addf %dot_general3A_1180, %add3A_1184 : vector<3584x8xf32>
    %max3A_1186 = arith.constant 0.000000e+00 : f32
    %max3A_1187 = vector.broadcast %max3A_1186 : f32 to vector<3584x8xf32>
    %max3A_1188 = arith.maximumf %add3A_1185, %max3A_1187 : vector<3584x8xf32>
    %get3A_1189 = arith.constant 0 : index
    %get3A_1190 = arith.constant 0 : index
    %get3A_1191 = vector.load %arg9[%get3A_1189, %get3A_1190] : memref<8x1xf32, #tpu.memory_space<vmem>>, vector<8x1xf32>
    %dot_general3A_1192 = arith.constant dense<0.000000e+00> : vector<3584x1xf32>
    %dot_general3A_1193 = tpu.matmul %max3A_1188, %get3A_1191, %dot_general3A_1192 {dimension_numbers = #tpu.dot_dimension_numbers<[1], [0], [0], [1], [0, 0, 1, 1], [], []>, transpose_lhs_hint = false} : vector<3584x8xf32>, vector<8x1xf32>, vector<3584x1xf32> -> vector<3584x1xf32>
    %get3A_1194 = arith.constant 0 : index
    %get3A_1195 = arith.constant 0 : index
    %get3A_1196 = vector.load %arg10[%get3A_1194, %get3A_1195] : memref<1x1xf32, #tpu.memory_space<vmem>>, vector<1x1xf32>
    %add3A_1197 = vector.broadcast %get3A_1196 : vector<1x1xf32> to vector<3584x1xf32>
    %add3A_1198 = arith.addf %dot_general3A_1193, %add3A_1197 : vector<3584x1xf32>
    %logistic3A = arith.negf %add3A_1198 : vector<3584x1xf32>
    %logistic3A_1199 = math.exp %logistic3A : vector<3584x1xf32>
    %logistic3A_1200 = arith.constant 1.000000e+00 : f32
    %logistic3A_1201 = vector.broadcast %logistic3A_1200 : f32 to vector<3584x1xf32>
    %logistic3A_1202 = arith.addf %logistic3A_1201, %logistic3A_1199 : vector<3584x1xf32>
    %logistic3A_1203 = arith.divf %logistic3A_1201, %logistic3A_1202 : vector<3584x1xf32>
    %iota3A = tpu.iota {dimensions = array<i32: 0>} : vector<3584x64xi32>
    %iota3A_1204 = tpu.iota {dimensions = array<i32: 1>} : vector<3584x64xi32>
    %jit3A = arith.constant 1792 : i32
    %eq3A = arith.constant 0 : i32
    %eq3A_1205 = arith.cmpi eq, %jit3A, %eq3A : i32
    %jit3A_1206 = arith.constant 1 : i32
    %select_n3A = arith.select %eq3A_1205, %jit3A_1206, %jit3A : i32
    %rem3A = vector.broadcast %select_n3A : i32 to vector<3584x64xi32>
    %rem3A_1207 = arith.remsi %iota3A, %rem3A : vector<3584x64xi32>
    %ne3A = arith.constant 0 : i32
    %ne3A_1208 = vector.broadcast %ne3A : i32 to vector<3584x64xi32>
    %ne3A_1209 = arith.cmpi ne, %rem3A_1207, %ne3A_1208 : vector<3584x64xi32>
    %lt3A = arith.constant 0 : i32
    %lt3A_1210 = vector.broadcast %lt3A : i32 to vector<3584x64xi32>
    %lt3A_1211 = arith.cmpi slt, %rem3A_1207, %lt3A_1210 : vector<3584x64xi32>
    %lt3A_1212 = arith.constant 0 : i32
    %lt3A_1213 = arith.cmpi slt, %select_n3A, %lt3A_1212 : i32
    %ne3A_1214 = vector.broadcast %lt3A_1213 : i1 to vector<3584x64xi1>
    %ne3A_1215 = vector.broadcast %ne3A_1214 : vector<3584x64xi1> to vector<3584x64xi1>
    %ne3A_1216 = arith.xori %lt3A_1211, %ne3A_1215 : vector<3584x64xi1>
    %and3A = arith.andi %ne3A_1216, %ne3A_1209 : vector<3584x64xi1>
    %add3A_1217 = vector.broadcast %select_n3A : i32 to vector<3584x64xi32>
    %add3A_1218 = arith.addi %rem3A_1207, %add3A_1217 : vector<3584x64xi32>
    %select_n3A_1219 = arith.select %and3A, %add3A_1218, %rem3A_1207 : vector<3584x64xi1>, vector<3584x64xi32>
    %jit3A_1220 = arith.constant 28 : i32
    %div3A = vector.broadcast %jit3A_1220 : i32 to vector<3584x64xi32>
    %div3A_1221 = arith.divsi %select_n3A_1219, %div3A : vector<3584x64xi32>
    %sign3A = arith.constant 0 : i32
    %sign3A_1222 = vector.broadcast %sign3A : i32 to vector<3584x64xi32>
    %sign3A_1223 = arith.cmpi sgt, %select_n3A_1219, %sign3A_1222 : vector<3584x64xi32>
    %sign3A_1224 = arith.extui %sign3A_1223 : vector<3584x64xi1> to vector<3584x64xi32>
    %sign3A_1225 = arith.constant 0 : i32
    %sign3A_1226 = vector.broadcast %sign3A_1225 : i32 to vector<3584x64xi32>
    %sign3A_1227 = arith.cmpi slt, %select_n3A_1219, %sign3A_1226 : vector<3584x64xi32>
    %sign3A_1228 = arith.extui %sign3A_1227 : vector<3584x64xi1> to vector<3584x64xi32>
    %sign3A_1229 = arith.subi %sign3A_1224, %sign3A_1228 : vector<3584x64xi32>
    %sign3A_1230 = arith.constant 0 : i32
    %sign3A_1231 = arith.cmpi sgt, %jit3A_1220, %sign3A_1230 : i32
    %sign3A_1232 = arith.extui %sign3A_1231 : i1 to i32
    %sign3A_1233 = arith.constant 0 : i32
    %sign3A_1234 = arith.cmpi slt, %jit3A_1220, %sign3A_1233 : i32
    %sign3A_1235 = arith.extui %sign3A_1234 : i1 to i32
    %sign3A_1236 = arith.subi %sign3A_1232, %sign3A_1235 : i32
    %ne3A_1237 = vector.broadcast %sign3A_1236 : i32 to vector<3584x64xi32>
    %ne3A_1238 = arith.cmpi ne, %sign3A_1229, %ne3A_1237 : vector<3584x64xi32>
    %rem3A_1239 = vector.broadcast %jit3A_1220 : i32 to vector<3584x64xi32>
    %rem3A_1240 = arith.remsi %select_n3A_1219, %rem3A_1239 : vector<3584x64xi32>
    %ne3A_1241 = arith.constant 0 : i32
    %ne3A_1242 = vector.broadcast %ne3A_1241 : i32 to vector<3584x64xi32>
    %ne3A_1243 = arith.cmpi ne, %rem3A_1240, %ne3A_1242 : vector<3584x64xi32>
    %and3A_1244 = arith.andi %ne3A_1238, %ne3A_1243 : vector<3584x64xi1>
    %sub3A = arith.constant 1 : i32
    %sub3A_1245 = vector.broadcast %sub3A : i32 to vector<3584x64xi32>
    %sub3A_1246 = arith.subi %div3A_1221, %sub3A_1245 : vector<3584x64xi32>
    %select_n3A_1247 = arith.select %and3A_1244, %sub3A_1246, %div3A_1221 : vector<3584x64xi1>, vector<3584x64xi32>
    %eq3A_1248 = arith.cmpi eq, %select_n3A_1247, %iota3A_1204 : vector<3584x64xi32>
    %jit3A_1249 = arith.constant 28 : i32
    %eq3A_1250 = arith.constant 0 : i32
    %eq3A_1251 = arith.cmpi eq, %jit3A_1249, %eq3A_1250 : i32
    %jit3A_1252 = arith.constant 1 : i32
    %select_n3A_1253 = arith.select %eq3A_1251, %jit3A_1252, %jit3A_1249 : i32
    %rem3A_1254 = vector.broadcast %select_n3A_1253 : i32 to vector<3584x64xi32>
    %rem3A_1255 = arith.remsi %select_n3A_1219, %rem3A_1254 : vector<3584x64xi32>
    %ne3A_1256 = arith.constant 0 : i32
    %ne3A_1257 = vector.broadcast %ne3A_1256 : i32 to vector<3584x64xi32>
    %ne3A_1258 = arith.cmpi ne, %rem3A_1255, %ne3A_1257 : vector<3584x64xi32>
    %lt3A_1259 = arith.constant 0 : i32
    %lt3A_1260 = vector.broadcast %lt3A_1259 : i32 to vector<3584x64xi32>
    %lt3A_1261 = arith.cmpi slt, %rem3A_1255, %lt3A_1260 : vector<3584x64xi32>
    %lt3A_1262 = arith.constant 0 : i32
    %lt3A_1263 = arith.cmpi slt, %select_n3A_1253, %lt3A_1262 : i32
    %ne3A_1264 = vector.broadcast %lt3A_1263 : i1 to vector<3584x64xi1>
    %ne3A_1265 = vector.broadcast %ne3A_1264 : vector<3584x64xi1> to vector<3584x64xi1>
    %ne3A_1266 = arith.xori %lt3A_1261, %ne3A_1265 : vector<3584x64xi1>
    %and3A_1267 = arith.andi %ne3A_1266, %ne3A_1258 : vector<3584x64xi1>
    %add3A_1268 = vector.broadcast %select_n3A_1253 : i32 to vector<3584x64xi32>
    %add3A_1269 = arith.addi %rem3A_1255, %add3A_1268 : vector<3584x64xi32>
    %select_n3A_1270 = arith.select %and3A_1267, %add3A_1269, %rem3A_1255 : vector<3584x64xi1>, vector<3584x64xi32>
    %lt3A_1271 = arith.constant 25 : i32
    %lt3A_1272 = vector.broadcast %lt3A_1271 : i32 to vector<3584x64xi32>
    %lt3A_1273 = arith.cmpi slt, %select_n3A_1270, %lt3A_1272 : vector<3584x64xi32>
    %and3A_1274 = arith.andi %eq3A_1248, %lt3A_1273 : vector<3584x64xi1>
    %convert_element_type3A = arith.extui %and3A_1274 : vector<3584x64xi1> to vector<3584x64xi32>
    %convert_element_type3A_1275 = arith.sitofp %convert_element_type3A : vector<3584x64xi32> to vector<3584x64xf32>
    %mul3A = vector.broadcast %logistic3A_1203 : vector<3584x1xf32> to vector<3584x64xf32>
    %mul3A_1276 = arith.mulf %mul3A, %convert_element_type3A_1275 : vector<3584x64xf32>
    %reduce_sum3A = arith.constant dense<0.000000e+00> : vector<64xf32>
    %reduce_sum3A_1277 = vector.multi_reduction <add>, %mul3A_1276, %reduce_sum3A [0] : vector<3584x64xf32> to vector<64xf32>
    %mul3A_1278 = arith.constant 2.000000e-02 : f32
    %mul3A_1279 = vector.broadcast %mul3A_1278 : f32 to vector<64xf32>
    %mul3A_1280 = arith.mulf %reduce_sum3A_1277, %mul3A_1279 : vector<64xf32>
    %swap3A = arith.constant 0 : index
    %swap3A_1281 = arith.constant 0 : index
    %swap3A_1282 = arith.constant 0 : index
    %swap3A_1283 = vector.load %arg11[%swap3A, %swap3A_1281, %swap3A_1282] : memref<1x1x64xf32, #tpu.memory_space<vmem>>, vector<1x1x64xf32>
    %swap3A_1284 = vector.shape_cast %swap3A_1283 : vector<1x1x64xf32> to vector<64xf32>
    %swap3A_1285 = vector.shape_cast %mul3A_1280 : vector<64xf32> to vector<1x1x64xf32>
    tpu.vector_store %arg11[%swap3A, %swap3A_1281, %swap3A_1282], %swap3A_1285 {strides = array<i32>} : memref<1x1x64xf32, #tpu.memory_space<vmem>>, vector<1x1x64xf32>,
    return
  }
  func.func @transform_0(%arg0: i32) -> (i32, i32) {
    %c0_i32 = arith.constant 0 : i32
    %c0_i32_0 = arith.constant 0 : i32
    return %arg0, %c0_i32 : i32, i32
  }
  func.func @transform_1(%arg0: i32) -> (i32, i32) {
    %c0_i32 = arith.constant 0 : i32
    %c0_i32_0 = arith.constant 0 : i32
    return %arg0, %c0_i32 : i32, i32
  }
  func.func @transform_2(%arg0: i32) -> (i32, i32) {
    %c0_i32 = arith.constant 0 : i32
    %c0_i32_0 = arith.constant 0 : i32
    return %arg0, %c0_i32 : i32, i32
  }
  func.func @transform_3(%arg0: i32) -> (i32, i32) {
    %c0_i32 = arith.constant 0 : i32
    %c0_i32_0 = arith.constant 0 : i32
    return %arg0, %c0_i32 : i32, i32
  }
  func.func @transform_4(%arg0: i32) -> (i32, i32) {
    %c0_i32 = arith.constant 0 : i32
    %c0_i32_0 = arith.constant 0 : i32
    %c0_i32_1 = arith.constant 0 : i32
    return %c0_i32, %c0_i32_0 : i32, i32
  }
  func.func @transform_5(%arg0: i32) -> (i32, i32) {
    %c0_i32 = arith.constant 0 : i32
    %c0_i32_0 = arith.constant 0 : i32
    %c0_i32_1 = arith.constant 0 : i32
    return %c0_i32, %c0_i32_0 : i32, i32
  }
  func.func @transform_6(%arg0: i32) -> (i32, i32) {
    %c0_i32 = arith.constant 0 : i32
    %c0_i32_0 = arith.constant 0 : i32
    %c0_i32_1 = arith.constant 0 : i32
    return %c0_i32, %c0_i32_0 : i32, i32
  }
  func.func @transform_7(%arg0: i32) -> (i32, i32) {
    %c0_i32 = arith.constant 0 : i32
    %c0_i32_0 = arith.constant 0 : i32
    %c0_i32_1 = arith.constant 0 : i32
    return %c0_i32, %c0_i32_0 : i32, i32
  }
  func.func @transform_8(%arg0: i32) -> (i32, i32) {
    %c0_i32 = arith.constant 0 : i32
    %c0_i32_0 = arith.constant 0 : i32
    %c0_i32_1 = arith.constant 0 : i32
    return %c0_i32, %c0_i32_0 : i32, i32
  }
  func.func @transform_9(%arg0: i32) -> (i32, i32) {
    %c0_i32 = arith.constant 0 : i32
    %c0_i32_0 = arith.constant 0 : i32
    %c0_i32_1 = arith.constant 0 : i32
    return %c0_i32, %c0_i32_0 : i32, i32
  }
  func.func @transform_10(%arg0: i32) -> (i32, i32, i32) {
    %c0_i32 = arith.constant 0 : i32
    %c0_i32_0 = arith.constant 0 : i32
    %c0_i32_1 = arith.constant 0 : i32
    return %arg0, %c0_i32, %c0_i32_0 : i32, i32, i32
  }
}

</mosaic_0001>

<sc_bundles>
// kernel: kernel.4.cloned.1.call-start
scs
__scs_entry_jumppad:
0x0: {  	(pc) =	sbr.rel $0x88, $3  }
0x1: {  	(tag) =	ssettag $0x0;
	lr =	simm.s32 $0x1  }
0x2: {  	[smem:$0x3F93] =	sst lr;
	_ =	strace $0xD0000000  }
0x3: {  	_ = 	snop  }
0x4: {  	_ = 	snop  }
0x5: {  	_ = 	snop  }
0x6: {  	_ = 	snop  }
0x7: {  	_ = 	snop  }
__scs_overlays_trampoline_lowered:
0x8: {  	[smem:$0x3FA2] =	sst s0  }
0x9: {  	[smem:$0x3FA3] =	sst s1  }
0xa: {  	[smem:$0x3FA4] =	sst s2  }
0xb: {  	[smem:$0x3FA5] =	sst s3  }
0xc: {  	[smem:$0x3FA6] =	sst s4  }
0xd: {  	[smem:$0x3FA7] =	sst s5  }
0xe: {  	[smem:$0x3FA8] =	sst s6  }
0xf: {  	[smem:$0x3FA9] =	sst s7  }
0x10: {  	[smem:$0x3FAA] =	sst s8  }
0x11: {  	[smem:$0x3FAB] =	sst s9;
	s0 =	simm.s32 @!p0 $0x0  }
0x12: {  	s1 =	sld [smem:$0x3F91];
	s0 =	simm.s32 @p0 $0x1  }
0x13: {  	[smem:$0x3FAC] =	sst s0;
	s0 =	simm.s32 @!p1 $0x0  }
0x14: {  	s2 =	sld [smem:$0x3F90];
	s0 =	simm.s32 @p1 $0x1  }
0x15: {  	[smem:$0x3FAD] =	sst s0;
	s0 =	simm.s32 @!p2 $0x0  }
0x16: {  	s3 =	sld [smem:$0x3FDB];
	s0 =	simm.s32 @p2 $0x1  }
0x17: {  	s4 =	simm.s32 $0x1BF5;
	[smem:$0x3FAF] =	sst s0  }
0x18: {  	s0 =	sld [smem:$0x3F92];
	_ =	swait.ge [sflag:s4], $0x0  }
0x19: {  	s7 =	sld [smem:$0x3F93]  }
0x1a: {  	s8 =	sadd.s32 $0xFFFFE003, lr  }
0x1b: {  	s9 =	sadd.s32 $0xFFFFFEF7, lr;
	s5 =	simm.s32 $0xFFFFFFFF;
	p2 =	slt.u32 s8, $0xFFFFF086  }
0x1c: {  	p1 =	slt.u32 s9, $0xF7A;
	s5 =	simm.s32 @!p2 $0x0  }
0x1d: {  	s5 =	simm.s32 @p1 $0x1;
	p0 =	seq.s32 s7, s2  }
0x1e: {  	s7 =	smul.u32 @!p0 $0xF7A, s2;
	p2 =	seq.s32 @!p0 s5, $0x0  }
0x1f: {  	s9 =	smul.u32 $0xF7A, s1;
	s8 =	simm.s32 @!p0 $0x1BF5;
	p2 =	por !p2, p0  }
0x20: {  	[sflag:s8] =	ssyncset.s32 @!p0 $0xFFFFF086;
	s6 =	sadd.s32 @!p0 s3, s7;
	s7 =	simm.s32 @!p0 $0x108  }
0x21: {  	s3 =	sadd.s32 s3, s9;
	s6 =	sadd.s32 @!p0 $0x88, s6;
	s7 =	simm.s32 @p2 $0x1082  }
0x22: {  	[simem:s7], [sflag:s8] =	dma.local @!p0 [hbm:s6], $0xF7A  }
0x23: {  	s9 =	sor.u32 $0xD0000000, s2;
	s6 =	simm.s32 $0x108;
	_ =	swait.ge @!p0 [sflag:s8], $0x0  }
0x24: {  	s3 =	sadd.s32 $0x88, s3;
	s6 =	simm.s32 @!p1 $0x1082;
	[sflag:s4] =	ssyncset.s32 $0xFFFFF086  }
0x25: {  	[simem:s6], [sflag:s4] =	dma.local [hbm:s3], $0xF7A  }
0x26: {  	[smem:$0x3F93] =	sst s1;
	(tag) =	ssettag s2;
	_ =	strace s9  }
0x27: {  	s1 =	sld [smem:$0x3FA3]  }
0x28: {  	s2 =	sld [smem:$0x3FA4]  }
0x29: {  	s4 =	sld [smem:$0x3FA6]  }
0x2a: {  	p0 =	seq.s32 s5, $0x0;
	s5 =	sld [smem:$0x3FA7]  }
0x2b: {  	s6 =	sld [smem:$0x3FA8]  }
0x2c: {  	s7 =	sld [smem:$0x3FA9]  }
0x2d: {  	s3 =	simm.s32 $0x108;
	s8 =	sld [smem:$0x3FAA]  }
0x2e: {  	s3 =	simm.s32 @!p0 $0x1082;
	s9 =	sld [smem:$0x3FAB]  }
0x2f: {  	lr =	sadd.s32 s0, s3;
	s0 =	sld [smem:$0x3FA2]  }
0x30: {  	s3 =	sld [smem:$0x3FA5]  }
0x31: {  	[smem:$0x3FAE] =	sst s10  }
0x32: {  	s10 =	sld [smem:$0x3FAC];
	_ =	sdelay $0x3  }
0x33: {  	p0 =	seq.s32 s10, $0x1;
	s10 =	sld [smem:$0x3FAE];
	_ =	sdelay $0x3  }
0x34: {  	[smem:$0x3FAE] =	sst s10  }
0x35: {  	s10 =	sld [smem:$0x3FAD];
	_ =	sdelay $0x3  }
0x36: {  	p1 =	seq.s32 s10, $0x1;
	s10 =	sld [smem:$0x3FAE];
	_ =	sdelay $0x3  }
0x37: {  	[smem:$0x3FAE] =	sst s10  }
0x38: {  	s10 =	sld [smem:$0x3FAF]  }
0x39: {  	_ = 	snop;
	(pc) =	sbr.ind lr, $3  }
0x3a: {  	_ = 	snop  }
0x3b: {  	_ = 	snop  }
0x3c: {  	p2 =	seq.s32 s10, $0x1;
	s10 =	sld [smem:$0x3FAE]  }
0x3d: {  	_ =	shalt  }
0x3e: {  	_ =	shalt  }
0x3f: {  	_ =	shalt  }
0x40: {  	_ =	shalt  }
0x41: {  	_ =	shalt  }
0x42: {  	_ =	shalt  }
0x43: {  	_ =	shalt  }
0x44: {  	_ =	shalt  }
0x45: {  	_ =	shalt  }
0x46: {  	_ =	shalt  }
0x47: {  	_ =	shalt  }
0x48: {  	_ =	shalt  }
0x49: {  	_ =	shalt  }
0x4a: {  	_ =	shalt  }
0x4b: {  	_ =	shalt  }
0x4c: {  	_ =	shalt  }
0x4d: {  	_ =	shalt  }
0x4e: {  	_ =	shalt  }
0x4f: {  	_ =	shalt  }
0x50: {  	_ =	shalt  }
0x51: {  	_ =	shalt  }
0x52: {  	_ =	shalt  }
0x53: {  	_ =	shalt  }
0x54: {  	_ =	shalt  }
0x55: {  	_ =	shalt  }
0x56: {  	_ =	shalt  }
0x57: {  	_ =	shalt  }
0x58: {  	_ =	shalt  }
0x59: {  	_ =	shalt  }
0x5a: {  	_ =	shalt  }
0x5b: {  	_ =	shalt  }
0x5c: {  	_ =	shalt  }
0x5d: {  	_ =	shalt  }
0x5e: {  	_ =	shalt  }
0x5f: {  	_ =	shalt  }
0x60: {  	_ =	shalt  }
0x61: {  	_ =	shalt  }
0x62: {  	_ =	shalt  }
0x63: {  	_ =	shalt  }
0x64: {  	_ =	shalt  }
0x65: {  	_ =	shalt  }
0x66: {  	_ =	shalt  }
0x67: {  	_ =	shalt  }
0x68: {  	_ =	shalt  }
0x69: {  	_ =	shalt  }
0x6a: {  	_ =	shalt  }
0x6b: {  	_ =	shalt  }
0x6c: {  	_ =	shalt  }
0x6d: {  	_ =	shalt  }
0x6e: {  	_ =	shalt  }
0x6f: {  	_ =	shalt  }
0x70: {  	_ =	shalt  }
0x71: {  	_ =	shalt  }
0x72: {  	_ =	shalt  }
0x73: {  	_ =	shalt  }
0x74: {  	_ =	shalt  }
0x75: {  	_ =	shalt  }
0x76: {  	_ =	shalt  }
0x77: {  	_ =	shalt  }
0x78: {  	_ =	shalt  }
0x79: {  	_ =	shalt  }
0x7a: {  	_ =	shalt  }
0x7b: {  	_ =	shalt  }
0x7c: {  	_ =	shalt  }
0x7d: {  	_ =	shalt  }
0x7e: {  	_ =	shalt  }
0x7f: {  	_ =	shalt  }
0x80: {  	_ =	shalt  }
0x81: {  	_ =	shalt  }
0x82: {  	_ =	shalt  }
0x83: {  	_ =	shalt  }
0x84: {  	_ =	shalt  }
0x85: {  	_ =	shalt  }
0x86: {  	_ =	shalt  }
0x87: {  	_ =	shalt  }
.Lfunc_end0:
.L_simem_size_0:
called_computation_lowered:
.L_overlay_start_0:
0x88: {  	s2 =	sld [smem:$0x3FD9]  }
0x89: {  	s3 =	sld [smem:$0x3FFE];
	_ =	sdelay $0x1  }
0x8a: {  	s1 =	srdreg.scid  }
0x8b: {  	s0 =	sand.u32 $0x1, s1  }
0x8c: {  	s17 =	sshll.u32 s0, $0xA;
	s2 =	sadd.s32 s3, s2  }
0x8d: {  	s2 =	sadd.s32 s2, s17  }
0x8e: {  	[smem:$0x3FBA] =	sst s2  }
0x8f: {  	_ = 	snop  }
0x90: {  	s2 =	sld [smem:$0x3FC9]  }
0x91: {  	s18 =	sld [smem:$0x3FC8];
	(tm) =	ssettm $0x1  }
0x92: {  	s4 =	sld [smem:$0x3FFB];
	_ =	sdelay $0x3  }
0x93: {  	_ =	strace s4  }
0x94: {  	s4 =	sld [smem:$0x3FFC];
	_ =	sdelay $0x3  }
0x95: {  	_ =	strace s4  }
0x96: {  	s4 =	sld [smem:$0x3FFD];
	_ =	sdelay $0x3  }
0x97: {  	_ =	strace s4  }
0x98: {  	_ =	strace $0x8FFFFFFF  }
0x99: {  	s19 =	sld [smem:$0x3FDB];
	_ =	sdelay $0x1  }
0x9a: {  	s5 =	simm.s32 $_scs_section_size  }
0x9b: {  	s6 =	simm.s32 $_size__tile_overlayer_lowered;
	s7 =	simm.s32 $_tile_overlayer_lowered  }
0x9c: {  	s22 =	simm.s32 $0x1BFF;
	s21 =	sshll.u32 s7, $0x1;
	s4 =	sadd.s32 s5, s19  }
0x9d: {  	s8 =	simm.s32 $0x0;
	s20 =	sshll.u32 s6, $0x1;
	s6 =	sadd.s32 s21, s4  }
0x9e: {  	[timem:s8], [sflag:s22] =	dma.local [hbm:s6], s20  }
0x9f: {  	_ =	swait.ge [sflag:s22], s20  }
0xa0: {  	s5 =	ssub.s32 $0x0, s20;
	[sflag:s22] =	ssyncset.done $0x0  }
0xa1: {  	[sflag:s22] =	ssyncadd.s32 s5;
	_ =	sdelay $0x1  }
0xa2: {  	s23 =	simm.s32 $0x1B8B  }
0xa3: {  	_ =	swait.ge [sflag:s23], $0x1  }
0xa4: {  	[sflag:s23] =	ssyncset.done $0x0  }
0xa5: {  	s25 =	simm.s32 $0x1B8E;
	s24 =	sld [smem:$0x3FFE];
	[sflag:s23] =	ssyncadd.s32 $0xFFFFFFFF  }
0xa6: {  	s26 =	simm.s32 $execute0_lowered;
	[smem:$0x3FD2] =	sst s25  }
0xa7: {  	s6 =	sshll.u32 s26, $0x1;
	_ =	strace $0x80000046;
	[dreg:$0x1] =	wrdreg $0xFFFFFFFF  }
0xa8: {  	s28 =	simm.s32 $_size_execute0_lowered;
	s4 =	sadd.s32 s4, s6;
	[dreg:$0x0] =	wrdreg $0x0  }
0xa9: {  	s6 =	sshll.u32 s28, $0x1;
	[dreg:$0x2] =	wrdreg s4  }
0xaa: {  	[dreg:$0x3] =	wrdreg s6  }
0xab: {  	[dreg:$0x4] =	wrdreg $0xC0  }
0xac: {  	_ =	task [dreg:s8], $0x5FFFF  }
0xad: {  	[dreg:$0x1] =	wrdreg $0xFFFFFFFF  }
0xae: {  	[dreg:$0x0] =	wrdreg $0x60  }
0xaf: {  	[dreg:$0x2] =	wrdreg s2  }
0xb0: {  	[dreg:$0x3] =	wrdreg s18  }
0xb1: {  	[dreg:$0x4] =	wrdreg s24  }
0xb2: {  	[dreg:$0x5] =	wrdreg $0x9  }
0xb3: {  	_ =	task.clear_ibuf [dreg:s8], $0x6FFFF;
	_ =	strace $0x90000046  }
0xb4: {  	s29 =	simm.s32 $0x9;
	_ =	strace $0x80000048  }
0xb5: {  	_ =	swait.ge [sflag:s29], $0x1  }
0xb6: {  	[sflag:s29] =	ssyncadd.s32 $0xFFFFFFFF  }
0xb7: {  	_ =	strace $0x90000048  }
0xb8: {  	_ =	sfence  }
0xb9: {  	s30 =	sld [smem:$0x0];
	_ =	sdelay $0x2  }
0xba: {  	s31 =	sshll.u32 s1, $0xD;
	s1 =	sshrl.u32 s1, $0x2  }
0xbb: {  	s3 =	sand.u32 $0x4000, s31;
	s1 =	sadd.s32 s1, s30  }
0xbc: {  	s0 =	sor.u32 s3, s0;
	s1 =	sshll.u32 s1, $0x11  }
0xbd: {  	s0 =	sor.u32 s1, s0  }
0xbe: {  	s0 =	sadd.s32 $0x8F2B, s0  }
0xbf: {  	[sflag:s0] =	ssyncadd.remote.s32 $0x1  }
0xc0: {  	_ =	sfence.sel $0xFFFF  }
0xc1: {  	[dreg:$0x0] =	wrdreg $0xFFFFFFFF;
	(pc) =	sbr.abs _section_cstart, $3  }
0xc2: {  	[dreg:$0x1] =	wrdreg $0xFFFFFFFF  }
0xc3: {  	_ =	task.clear_ibuf [dreg:s8], $0x2FFFF;
	_ =	strace $0x9FFFFFFF  }
0xc4: {  	(tm) =	ssettm $0x7FFFFFFF  }
0xc5: {  	_ =	shalt  }
tec
execute0_lowered:
.L_overlay_start_1:
0x0: {  	(tag) =	ssettag $0x1  }
0x1: {  	s0 =	rddreg [dreg:$0x0]  }
0x2: {  	s1 =	rddreg [dreg:$0x1]  }
0x3: {  	s3 =	rddreg [dreg:$0x2];
	s2 =	simm.s32 $0x0;
	s11 =	stileid.u32  }
0x4: {  	s9 =	srdreg.scid;
	s16 =	simm.s32 $0x5;
	s20 =	simm.s32 $0x1  }
0x5: {  	s21 =	simm.s32 $0x38;
	s22 =	simm.s32 $0x2;
	s4 =	sadd.s32 $0x18A600, s3  }
0x6: {  	[smem:$0x7FF] =	sst s2;
	s23 =	sadd.s32 $0x235600, s3;
	s5 =	sadd.s32 $0x3C00, s3  }
0x7: {  	s24 =	smul.u32 $0x1C000, s11;
	s6 =	sadd.s32 $0x2E0600, s3;
	s7 =	sadd.s32 $0xC7200, s3  }
0x8: {  	s8 =	sadd.s32 $0xF8000, s3;
	s9 =	sand.u32 $0x1, s9;
	s10 =	smul.u32 $0x7000, s11  }
0x9: {  	s11 =	sshll.u32 s11, $0x8;
	_ =	strace $0x80000047;
	[dreg:$0x4] =	wrdreg s4  }
0xa: {  	[dreg:$0x5] =	wrdreg s23;
	s12 =	sshll.u32 s9, $0x7;
	s25 =	smul.u32 $0xE000, s9  }
0xb: {  	s13 =	ssub.s32 $0x2, s9;
	s9 =	smul.u32 $0x3800, s9;
	s23 =	simm.s32 $0x3  }
0xc: {  	s4 =	sadd.s32 s24, s3;
	s11 =	sor.u32 s12, s11;
	s14 =	sshrl.u32 s13, $0x1  }
0xd: {  	s3 =	sadd.s32 s10, s3;
	s24 =	simm.s32 $0x4;
	s11 =	sshrl.u32 s11, $0x3  }
0xe: {  	s13 =	ssub.s32 s13, s14;
	s28 =	sadd.s32 s25, s4;
	s0 =	sadd.s32 s0, s11  }
0xf: {  	s29 =	sadd.s32 s9, s3;
	s26 =	sadd.s32 s1, s11;
	[dreg:$0x6] =	wrdreg s0  }
0x10: {  	s25 =	simm.s32 $0x0;
	s30 =	smax.u32 s13, $0x1;
	[dreg:$0x7] =	wrdreg s26  }
0x11: {  	s31 =	sadd.s32 $0x483C00, s28;
	s18 =	sadd.s32 $0x3A3C00, s29;
	[dreg:$0x8] =	wrdreg s30  }
0x12: {  	s14 =	sadd.s32 $0x643C00, s28;
	s15 =	sadd.s32 $0x413C00, s29;
	[dreg:$0x9] =	wrdreg s31  }
.LBB2_1:
0x13: {  	s0 =	rddreg [dreg:$0x6]  }
0x14: {  	[tilespmem:s2], [sflag:$0x5] =	stream.linear.gather [hbm4b:s0+s2], $0x80, $0x38;
	[tilespmem:$0x15100] =	vst v63  }
0x15: {  	_ =	swait.ge [sflag:s16], $0x80  }
0x16: {  	s1 =	simm.s32 $0x80;
	[sflag:s16] =	ssyncset.done $0x0  }
0x17: {  	s3 =	simm.s32 $0x100;
	s4 =	rddreg [dreg:$0x4];
	[sflag:s16] =	ssyncadd.s32 $0xFFFFFF80  }
0x18: {  	[tilespmem:s3], [sflag:$0x1] =	stream.indirect.gather [hbm4b:s4+s1], $0x38, s2, s1, $0xb8;
	[tilespmem:$0x15100] =	vst v63  }
0x19: {  	s9 =	rddreg [dreg:$0x7]  }
0x1a: {  	[tilespmem:s1], [sflag:$0x5] =	stream.linear.gather [hbm4b:s9+s2], $0x80, $0x38;
	[tilespmem:$0x15100] =	vst v63  }
0x1b: {  	_ =	swait.ge [sflag:s16], $0x80  }
0x1c: {  	[sflag:s16] =	ssyncset.done $0x0  }
0x1d: {  	s11 =	simm.s32 $0x1D00;
	s10 =	rddreg [dreg:$0x5];
	[sflag:s16] =	ssyncadd.s32 $0xFFFFFF80  }
0x1e: {  	[tilespmem:s11], [sflag:$0x1] =	stream.indirect.gather [hbm4b:s10+s1], $0x38, s1, s1, $0xb8;
	[tilespmem:$0x15100] =	vst v63  }
0x1f: {  	_ =	swait.ge [sflag:s20], $0x1C00  }
0x20: {  	[sflag:s20] =	ssyncset.done $0x0  }
0x21: {  	[sflag:s20] =	ssyncadd.s32 $0xFFFFE400  }
0x22: {  	_ =	swait.ge [sflag:s20], $0x1C00  }
0x23: {  	p0 =	por $0x1, $0x1;
	[sflag:s20] =	ssyncset.done $0x0  }
0x24: {  	s0 =	simm.s32 @!p0 $0x4;
	[sflag:s20] =	ssyncadd.s32 $0xFFFFE400  }
0x25: {  	_ =	swait.ge @!p0 [sflag:s0], $0x7000  }
0x26: {  	s12 =	sand.u32 $0x1, s2;
	[sflag:s0] =	ssyncset.done @!p0 $0x0  }
0x27: {  	s13 =	smul.u32 $0x1C000, s12;
	[sflag:s0] =	ssyncadd.s32 @!p0 $0xFFFF9000  }
0x28: {  	s1 =	smul.u32 $0x7000, s12;
	_ =	swait.ge @!p0 [sflag:s0], $0x1C00  }
0x29: {  	s17 =	simm.s32 $0x100;
	s3 =	sshrl.u32 s13, $0x2;
	[sflag:s0] =	ssyncset.done @!p0 $0x0  }
0x2a: {  	s29 =	sadd.s32 $0x3900, s3;
	s1 =	sshrl.u32 s1, $0x2;
	[sflag:s0] =	ssyncadd.s32 @!p0 $0xFFFFE400  }
0x2b: {  	[tilespmem:s29], [sflag:$0x2] =	stream.indirect.gather [hbm4b:s5+s21], $0x40, s17, s21, $0xb8;
	[tilespmem:$0x15100] =	vst v63  }
0x2c: {  	s30 =	sadd.s32 $0x11900, s1  }
0x2d: {  	[tilespmem:s30], [sflag:$0x3] =	stream.indirect.gather [hbm4b:s7+s21], $0x10, s17, s21, $0xb8;
	[tilespmem:$0x15100] =	vst v63  }
0x2e: {  	s19 =	simm.s32 $0x138;
	s4 =	sadd.s32 $0x4700, s3  }
0x2f: {  	[tilespmem:s4], [sflag:$0x2] =	stream.indirect.gather [hbm4b:s5+s21], $0x40, s19, s21, $0xb8;
	[tilespmem:$0x15100] =	vst v63  }
0x30: {  	s26 =	sadd.s32 $0x11C80, s1  }
0x31: {  	[tilespmem:s26], [sflag:$0x3] =	stream.indirect.gather [hbm4b:s7+s21], $0x10, s19, s21, $0xb8;
	[tilespmem:$0x15100] =	vst v63  }
0x32: {  	s9 =	sadd.s32 $0x5500, s3;
	s10 =	simm.s32 $0x170  }
0x33: {  	[tilespmem:s9], [sflag:$0x2] =	stream.indirect.gather [hbm4b:s5+s21], $0x40, s10, s21, $0xb8;
	[tilespmem:$0x15100] =	vst v63  }
0x34: {  	s11 =	sor.u32 $0x12000, s1  }
0x35: {  	[tilespmem:s11], [sflag:$0x3] =	stream.indirect.gather [hbm4b:s7+s21], $0x10, s10, s21, $0xb8;
	[tilespmem:$0x15100] =	vst v63  }
0x36: {  	s13 =	sadd.s32 $0x6300, s3;
	s12 =	simm.s32 $0x1A8  }
0x37: {  	[tilespmem:s13], [sflag:$0x2] =	stream.indirect.gather [hbm4b:s5+s21], $0x40, s12, s21, $0xb8;
	[tilespmem:$0x15100] =	vst v63  }
0x38: {  	s17 =	sor.u32 $0x12380, s1  }
0x39: {  	[tilespmem:s17], [sflag:$0x3] =	stream.indirect.gather [hbm4b:s7+s21], $0x10, s12, s21, $0xb8;
	[tilespmem:$0x15100] =	vst v63  }
0x3a: {  	s19 =	simm.s32 $0x1E0;
	s26 =	sadd.s32 $0x7100, s3  }
0x3b: {  	[tilespmem:s26], [sflag:$0x2] =	stream.indirect.gather [hbm4b:s5+s21], $0x40, s19, s21, $0xb8;
	[tilespmem:$0x15100] =	vst v63  }
0x3c: {  	s9 =	sadd.s32 $0x12700, s1  }
0x3d: {  	[tilespmem:s9], [sflag:$0x3] =	stream.indirect.gather [hbm4b:s7+s21], $0x10, s19, s21, $0xb8;
	[tilespmem:$0x15100] =	vst v63  }
0x3e: {  	s10 =	simm.s32 $0x218;
	s11 =	sadd.s32 $0x7F00, s3  }
0x3f: {  	[tilespmem:s11], [sflag:$0x2] =	stream.indirect.gather [hbm4b:s5+s21], $0x40, s10, s21, $0xb8;
	[tilespmem:$0x15100] =	vst v63  }
0x40: {  	s12 =	sadd.s32 $0x12A80, s1  }
0x41: {  	[tilespmem:s12], [sflag:$0x3] =	stream.indirect.gather [hbm4b:s7+s21], $0x10, s10, s21, $0xb8;
	[tilespmem:$0x15100] =	vst v63  }
0x42: {  	s13 =	sor.u32 $0x8D00, s3;
	s17 =	simm.s32 $0x250  }
0x43: {  	[tilespmem:s13], [sflag:$0x2] =	stream.indirect.gather [hbm4b:s5+s21], $0x40, s17, s21, $0xb8;
	[tilespmem:$0x15100] =	vst v63  }
0x44: {  	s19 =	sadd.s32 $0x12E00, s1  }
0x45: {  	[tilespmem:s19], [sflag:$0x3] =	stream.indirect.gather [hbm4b:s7+s21], $0x10, s17, s21, $0xb8;
	[tilespmem:$0x15100] =	vst v63  }
0x46: {  	s3 =	sadd.s32 $0x9B00, s3;
	s26 =	simm.s32 $0x288  }
0x47: {  	[tilespmem:s3], [sflag:$0x2] =	stream.indirect.gather [hbm4b:s5+s21], $0x40, s26, s21, $0xb8;
	[tilespmem:$0x15100] =	vst v63  }
0x48: {  	s1 =	sadd.s32 $0x13180, s1  }
0x49: {  	[tilespmem:s1], [sflag:$0x3] =	stream.indirect.gather [hbm4b:s7+s21], $0x10, s26, s21, $0xb8;
	[tilespmem:$0x15100] =	vst v63  }
0x4a: {  	_ =	swait.ge [sflag:s22], $0xE00  }
0x4b: {  	[sflag:s22] =	ssyncset.done $0x0  }
0x4c: {  	[sflag:s22] =	ssyncadd.s32 $0xFFFFF200  }
0x4d: {  	_ =	swait.ge [sflag:s23], $0x380  }
0x4e: {  	[sflag:s23] =	ssyncset.done $0x0  }
0x4f: {  	[sflag:s23] =	ssyncadd.s32 $0xFFFFFC80  }
0x50: {  	_ =	swait.ge [sflag:s22], $0xE00  }
0x51: {  	[sflag:s22] =	ssyncset.done $0x0  }
0x52: {  	[sflag:s22] =	ssyncadd.s32 $0xFFFFF200  }
0x53: {  	_ =	swait.ge [sflag:s23], $0x380  }
0x54: {  	[sflag:s23] =	ssyncset.done $0x0  }
0x55: {  	[sflag:s23] =	ssyncadd.s32 $0xFFFFFC80  }
0x56: {  	_ =	swait.ge [sflag:s22], $0xE00  }
0x57: {  	[sflag:s22] =	ssyncset.done $0x0  }
0x58: {  	[sflag:s22] =	ssyncadd.s32 $0xFFFFF200  }
0x59: {  	_ =	swait.ge [sflag:s23], $0x380  }
0x5a: {  	[sflag:s23] =	ssyncset.done $0x0  }
0x5b: {  	[sflag:s23] =	ssyncadd.s32 $0xFFFFFC80  }
0x5c: {  	_ =	swait.ge [sflag:s22], $0xE00  }
0x5d: {  	[sflag:s22] =	ssyncset.done $0x0  }
0x5e: {  	[sflag:s22] =	ssyncadd.s32 $0xFFFFF200  }
0x5f: {  	_ =	swait.ge [sflag:s23], $0x380  }
0x60: {  	[sflag:s23] =	ssyncset.done $0x0  }
0x61: {  	[sflag:s23] =	ssyncadd.s32 $0xFFFFFC80  }
0x62: {  	_ =	swait.ge [sflag:s22], $0xE00  }
0x63: {  	[sflag:s22] =	ssyncset.done $0x0  }
0x64: {  	[sflag:s22] =	ssyncadd.s32 $0xFFFFF200  }
0x65: {  	_ =	swait.ge [sflag:s23], $0x380  }
0x66: {  	[sflag:s23] =	ssyncset.done $0x0  }
0x67: {  	[sflag:s23] =	ssyncadd.s32 $0xFFFFFC80  }
0x68: {  	_ =	swait.ge [sflag:s22], $0xE00  }
0x69: {  	[sflag:s22] =	ssyncset.done $0x0  }
0x6a: {  	[sflag:s22] =	ssyncadd.s32 $0xFFFFF200  }
0x6b: {  	_ =	swait.ge [sflag:s23], $0x380  }
0x6c: {  	[sflag:s23] =	ssyncset.done $0x0  }
0x6d: {  	[sflag:s23] =	ssyncadd.s32 $0xFFFFFC80  }
0x6e: {  	_ =	swait.ge [sflag:s22], $0xE00  }
0x6f: {  	[sflag:s22] =	ssyncset.done $0x0  }
0x70: {  	[sflag:s22] =	ssyncadd.s32 $0xFFFFF200  }
0x71: {  	_ =	swait.ge [sflag:s23], $0x380  }
0x72: {  	[sflag:s23] =	ssyncset.done $0x0  }
0x73: {  	[sflag:s23] =	ssyncadd.s32 $0xFFFFFC80  }
0x74: {  	_ =	swait.ge [sflag:s22], $0xE00  }
0x75: {  	[sflag:s22] =	ssyncset.done $0x0  }
0x76: {  	s31 =	simm.s32 $0x700;
	p1 =	por $0x1, $0x1;
	[sflag:s22] =	ssyncadd.s32 $0xFFFFF200  }
0x77: {  	s28 =	sadd.s32 $0x380, s18;
	s0 =	simm.s32 $0x1;
	_ =	swait.ge [sflag:s23], $0x380  }
0x78: {  	s13 =	smov.u32 s18;
	[sflag:s23] =	ssyncset.done $0x0;
	s12 =	rddreg [dreg:$0x9]  }
0x79: {  	s1 =	simm.s32 $0xE00;
	[sflag:s23] =	ssyncadd.s32 $0xFFFFFC80;
	s26 =	sadd.s32 $0xE00, s12  }
.LBB2_2:
0x7a: {  	[hbm4b:s12+s2] =	stream.linear.scatter [tilespmem:s29], [sflag:$0x4], $0x7000, $0x38;
	[tilespmem:$0x15100] =	vst v63  }
0x7b: {  	s10 =	simm.s32 @!p1 $0x4;
	s11 =	smov.u32 s1;
	s1 =	sadd.s32 $0x700, s1  }
0x7c: {  	[hbm4b:s13+s2] =	stream.linear.scatter [tilespmem:s30], [sflag:$0x4], $0x1C00, $0x38;
	[tilespmem:$0x15100] =	vst v63  }
0x7d: {  	s3 =	sand.u32 $0x1, s0;
	p0 =	sne.s32 s1, $0x7000;
	_ =	swait.ge @!p1 [sflag:s10], $0x7000  }
0x7e: {  	s12 =	smov.u32 s26;
	s4 =	smul.u32 $0x1C000, s3;
	[sflag:s10] =	ssyncset.done @!p1 $0x0  }
0x7f: {  	s30 =	smul.u32 $0x7000, s3;
	s13 =	smov.u32 s28;
	[sflag:s10] =	ssyncadd.s32 @!p1 $0xFFFF9000  }
0x80: {  	s9 =	sshra.s32 s31, $0x2;
	s3 =	sshrl.u32 s4, $0x2;
	_ =	swait.ge @!p1 [sflag:s10], $0x1C00  }
0x81: {  	s29 =	sadd.s32 $0x3900, s3;
	s4 =	sshrl.u32 s30, $0x2;
	[sflag:s10] =	ssyncset.done @!p1 $0x0  }
0x82: {  	s31 =	smov.u32 s11;
	[sflag:s10] =	ssyncadd.s32 @!p1 $0xFFFFE400;
	s10 =	sadd.s32 $0x100, s9  }
0x83: {  	[tilespmem:s29], [sflag:$0x2] =	stream.indirect.gather [hbm4b:s5+s21], $0x40, s10, s21, $0xb8;
	[tilespmem:$0x15100] =	vst v63  }
0x84: {  	s11 =	sadd.s32 $0x138, s9;
	s30 =	sadd.s32 $0x11900, s4  }
0x85: {  	[tilespmem:s30], [sflag:$0x3] =	stream.indirect.gather [hbm4b:s7+s21], $0x10, s10, s21, $0xb8;
	[tilespmem:$0x15100] =	vst v63  }
0x86: {  	s10 =	sadd.s32 $0x4700, s3  }
0x87: {  	[tilespmem:s10], [sflag:$0x2] =	stream.indirect.gather [hbm4b:s5+s21], $0x40, s11, s21, $0xb8;
	[tilespmem:$0x15100] =	vst v63  }
0x88: {  	s19 =	sadd.s32 $0x170, s9;
	s17 =	sadd.s32 $0x5500, s3;
	s10 =	sadd.s32 $0x11C80, s4  }
0x89: {  	[tilespmem:s10], [sflag:$0x3] =	stream.indirect.gather [hbm4b:s7+s21], $0x10, s11, s21, $0xb8;
	[tilespmem:$0x15100] =	vst v63  }
0x8a: {  	_ = 	snop  }
0x8b: {  	[tilespmem:s17], [sflag:$0x2] =	stream.indirect.gather [hbm4b:s5+s21], $0x40, s19, s21, $0xb8;
	[tilespmem:$0x15100] =	vst v63  }
0x8c: {  	s10 =	sor.u32 $0x12000, s4;
	s11 =	sadd.s32 $0x1A8, s9  }
0x8d: {  	[tilespmem:s10], [sflag:$0x3] =	stream.indirect.gather [hbm4b:s7+s21], $0x10, s19, s21, $0xb8;
	[tilespmem:$0x15100] =	vst v63  }
0x8e: {  	s10 =	sadd.s32 $0x6300, s3  }
0x8f: {  	[tilespmem:s10], [sflag:$0x2] =	stream.indirect.gather [hbm4b:s5+s21], $0x40, s11, s21, $0xb8;
	[tilespmem:$0x15100] =	vst v63  }
0x90: {  	s17 =	sadd.s32 $0x1E0, s9;
	s10 =	sor.u32 $0x12380, s4  }
0x91: {  	[tilespmem:s10], [sflag:$0x3] =	stream.indirect.gather [hbm4b:s7+s21], $0x10, s11, s21, $0xb8;
	[tilespmem:$0x15100] =	vst v63  }
0x92: {  	s10 =	sadd.s32 $0x7100, s3  }
0x93: {  	[tilespmem:s10], [sflag:$0x2] =	stream.indirect.gather [hbm4b:s5+s21], $0x40, s17, s21, $0xb8;
	[tilespmem:$0x15100] =	vst v63  }
0x94: {  	s11 =	sadd.s32 $0x218, s9;
	s10 =	sadd.s32 $0x12700, s4  }
0x95: {  	[tilespmem:s10], [sflag:$0x3] =	stream.indirect.gather [hbm4b:s7+s21], $0x10, s17, s21, $0xb8;
	[tilespmem:$0x15100] =	vst v63  }
0x96: {  	s10 =	sadd.s32 $0x7F00, s3  }
0x97: {  	[tilespmem:s10], [sflag:$0x2] =	stream.indirect.gather [hbm4b:s5+s21], $0x40, s11, s21, $0xb8;
	[tilespmem:$0x15100] =	vst v63  }
0x98: {  	s19 =	sadd.s32 $0x250, s9;
	s17 =	sor.u32 $0x8D00, s3;
	s10 =	sadd.s32 $0x12A80, s4  }
0x99: {  	[tilespmem:s10], [sflag:$0x3] =	stream.indirect.gather [hbm4b:s7+s21], $0x10, s11, s21, $0xb8;
	[tilespmem:$0x15100] =	vst v63  }
0x9a: {  	_ = 	snop  }
0x9b: {  	[tilespmem:s17], [sflag:$0x2] =	stream.indirect.gather [hbm4b:s5+s21], $0x40, s19, s21, $0xb8;
	[tilespmem:$0x15100] =	vst v63  }
0x9c: {  	s9 =	sadd.s32 $0x288, s9;
	s10 =	sadd.s32 $0x12E00, s4  }
0x9d: {  	[tilespmem:s10], [sflag:$0x3] =	stream.indirect.gather [hbm4b:s7+s21], $0x10, s19, s21, $0xb8;
	[tilespmem:$0x15100] =	vst v63  }
0x9e: {  	s3 =	sadd.s32 $0x9B00, s3  }
0x9f: {  	[tilespmem:s3], [sflag:$0x2] =	stream.indirect.gather [hbm4b:s5+s21], $0x40, s9, s21, $0xb8;
	[tilespmem:$0x15100] =	vst v63  }
0xa0: {  	s3 =	sadd.s32 $0x13180, s4  }
0xa1: {  	[tilespmem:s3], [sflag:$0x3] =	stream.indirect.gather [hbm4b:s7+s21], $0x10, s9, s21, $0xb8;
	[tilespmem:$0x15100] =	vst v63  }
0xa2: {  	_ =	swait.ge [sflag:s22], $0xE00  }
0xa3: {  	[sflag:s22] =	ssyncset.done $0x0  }
0xa4: {  	[sflag:s22] =	ssyncadd.s32 $0xFFFFF200  }
0xa5: {  	_ =	swait.ge [sflag:s23], $0x380  }
0xa6: {  	[sflag:s23] =	ssyncset.done $0x0  }
0xa7: {  	[sflag:s23] =	ssyncadd.s32 $0xFFFFFC80  }
0xa8: {  	_ =	swait.ge [sflag:s22], $0xE00  }
0xa9: {  	[sflag:s22] =	ssyncset.done $0x0  }
0xaa: {  	[sflag:s22] =	ssyncadd.s32 $0xFFFFF200  }
0xab: {  	_ =	swait.ge [sflag:s23], $0x380  }
0xac: {  	[sflag:s23] =	ssyncset.done $0x0  }
0xad: {  	[sflag:s23] =	ssyncadd.s32 $0xFFFFFC80  }
0xae: {  	_ =	swait.ge [sflag:s22], $0xE00  }
0xaf: {  	[sflag:s22] =	ssyncset.done $0x0  }
0xb0: {  	[sflag:s22] =	ssyncadd.s32 $0xFFFFF200  }
0xb1: {  	_ =	swait.ge [sflag:s23], $0x380  }
0xb2: {  	[sflag:s23] =	ssyncset.done $0x0  }
0xb3: {  	[sflag:s23] =	ssyncadd.s32 $0xFFFFFC80  }
0xb4: {  	_ =	swait.ge [sflag:s22], $0xE00  }
0xb5: {  	[sflag:s22] =	ssyncset.done $0x0  }
0xb6: {  	[sflag:s22] =	ssyncadd.s32 $0xFFFFF200  }
0xb7: {  	_ =	swait.ge [sflag:s23], $0x380  }
0xb8: {  	[sflag:s23] =	ssyncset.done $0x0  }
0xb9: {  	[sflag:s23] =	ssyncadd.s32 $0xFFFFFC80  }
0xba: {  	_ =	swait.ge [sflag:s22], $0xE00  }
0xbb: {  	[sflag:s22] =	ssyncset.done $0x0  }
0xbc: {  	[sflag:s22] =	ssyncadd.s32 $0xFFFFF200  }
0xbd: {  	_ =	swait.ge [sflag:s23], $0x380  }
0xbe: {  	[sflag:s23] =	ssyncset.done $0x0  }
0xbf: {  	[sflag:s23] =	ssyncadd.s32 $0xFFFFFC80  }
0xc0: {  	_ =	swait.ge [sflag:s22], $0xE00  }
0xc1: {  	[sflag:s22] =	ssyncset.done $0x0  }
0xc2: {  	[sflag:s22] =	ssyncadd.s32 $0xFFFFF200  }
0xc3: {  	_ =	swait.ge [sflag:s23], $0x380  }
0xc4: {  	[sflag:s23] =	ssyncset.done $0x0  }
0xc5: {  	[sflag:s23] =	ssyncadd.s32 $0xFFFFFC80  }
0xc6: {  	_ =	swait.ge [sflag:s22], $0xE00  }
0xc7: {  	[sflag:s22] =	ssyncset.done $0x0  }
0xc8: {  	[sflag:s22] =	ssyncadd.s32 $0xFFFFF200  }
0xc9: {  	_ =	swait.ge [sflag:s23], $0x380  }
0xca: {  	[sflag:s23] =	ssyncset.done $0x0  }
0xcb: {  	[sflag:s23] =	ssyncadd.s32 $0xFFFFFC80  }
0xcc: {  	_ =	swait.ge [sflag:s22], $0xE00  }
.Ltmp0:
0xcd: {  	[sflag:s22] =	ssyncset.done $0x0;
	(pc) =	sbr.rel @p0 .LBB2_2-.Ltmp0, $4  }
0xce: {  	[sflag:s22] =	ssyncadd.s32 $0xFFFFF200  }
0xcf: {  	s0 =	sadd.s32 $0x1, s0;
	_ =	swait.ge [sflag:s23], $0x380  }
0xd0: {  	p1 =	slt.u32 s0, $0x2;
	[sflag:s23] =	ssyncset.done $0x0  }
0xd1: {  	s26 =	sadd.s32 $0xE00, s26;
	s28 =	sadd.s32 $0x380, s28;
	[sflag:s23] =	ssyncadd.s32 $0xFFFFFC80  }
0xd2: {  	[hbm4b:s12+s2] =	stream.linear.scatter [tilespmem:s29], [sflag:$0x4], $0x7000, $0x38;
	[tilespmem:$0x15100] =	vst v63  }
0xd3: {  	s1 =	simm.s32 @!p1 $0x4  }
0xd4: {  	[hbm4b:s13+s2] =	stream.linear.scatter [tilespmem:s30], [sflag:$0x4], $0x1C00, $0x38;
	[tilespmem:$0x15100] =	vst v63  }
0xd5: {  	_ =	swait.ge @!p1 [sflag:s1], $0x7000  }
0xd6: {  	s0 =	sand.u32 $0x1, s0;
	[sflag:s1] =	ssyncset.done @!p1 $0x0  }
0xd7: {  	s3 =	smul.u32 $0x1C000, s0;
	[sflag:s1] =	ssyncadd.s32 @!p1 $0xFFFF9000  }
0xd8: {  	s9 =	sshra.s32 s31, $0x2;
	s4 =	smul.u32 $0x7000, s0;
	_ =	swait.ge @!p1 [sflag:s1], $0x1C00  }
0xd9: {  	s10 =	sadd.s32 $0x100, s9;
	s3 =	sshrl.u32 s3, $0x2;
	[sflag:s1] =	ssyncset.done @!p1 $0x0  }
0xda: {  	s4 =	sshrl.u32 s4, $0x2;
	s0 =	sadd.s32 $0x3900, s3;
	[sflag:s1] =	ssyncadd.s32 @!p1 $0xFFFFE400  }
0xdb: {  	[tilespmem:s0], [sflag:$0x2] =	stream.indirect.gather [hbm4b:s5+s21], $0x40, s10, s21, $0xb8;
	[tilespmem:$0x15100] =	vst v63  }
0xdc: {  	s1 =	sadd.s32 $0x11900, s4  }
0xdd: {  	[tilespmem:s1], [sflag:$0x3] =	stream.indirect.gather [hbm4b:s7+s21], $0x10, s10, s21, $0xb8;
	[tilespmem:$0x15100] =	vst v63  }
0xde: {  	s19 =	sadd.s32 $0x138, s9;
	s11 =	sadd.s32 $0x4700, s3  }
0xdf: {  	[tilespmem:s11], [sflag:$0x2] =	stream.indirect.gather [hbm4b:s5+s21], $0x40, s19, s21, $0xb8;
	[tilespmem:$0x15100] =	vst v63  }
0xe0: {  	s12 =	sadd.s32 $0x11C80, s4  }
0xe1: {  	[tilespmem:s12], [sflag:$0x3] =	stream.indirect.gather [hbm4b:s7+s21], $0x10, s19, s21, $0xb8;
	[tilespmem:$0x15100] =	vst v63  }
0xe2: {  	s17 =	sadd.s32 $0x170, s9;
	s13 =	sadd.s32 $0x5500, s3  }
0xe3: {  	[tilespmem:s13], [sflag:$0x2] =	stream.indirect.gather [hbm4b:s5+s21], $0x40, s17, s21, $0xb8;
	[tilespmem:$0x15100] =	vst v63  }
0xe4: {  	s19 =	sor.u32 $0x12000, s4  }
0xe5: {  	[tilespmem:s19], [sflag:$0x3] =	stream.indirect.gather [hbm4b:s7+s21], $0x10, s17, s21, $0xb8;
	[tilespmem:$0x15100] =	vst v63  }
0xe6: {  	s12 =	sadd.s32 $0x1A8, s9;
	s13 =	sadd.s32 $0x6300, s3  }
0xe7: {  	[tilespmem:s13], [sflag:$0x2] =	stream.indirect.gather [hbm4b:s5+s21], $0x40, s12, s21, $0xb8;
	[tilespmem:$0x15100] =	vst v63  }
0xe8: {  	s17 =	sor.u32 $0x12380, s4  }
0xe9: {  	[tilespmem:s17], [sflag:$0x3] =	stream.indirect.gather [hbm4b:s7+s21], $0x10, s12, s21, $0xb8;
	[tilespmem:$0x15100] =	vst v63  }
0xea: {  	s19 =	sadd.s32 $0x1E0, s9;
	s12 =	sadd.s32 $0x7100, s3  }
0xeb: {  	[tilespmem:s12], [sflag:$0x2] =	stream.indirect.gather [hbm4b:s5+s21], $0x40, s19, s21, $0xb8;
	[tilespmem:$0x15100] =	vst v63  }
0xec: {  	s13 =	sadd.s32 $0x12700, s4  }
0xed: {  	[tilespmem:s13], [sflag:$0x3] =	stream.indirect.gather [hbm4b:s7+s21], $0x10, s19, s21, $0xb8;
	[tilespmem:$0x15100] =	vst v63  }
0xee: {  	s17 =	sadd.s32 $0x218, s9;
	s19 =	sadd.s32 $0x7F00, s3  }
0xef: {  	[tilespmem:s19], [sflag:$0x2] =	stream.indirect.gather [hbm4b:s5+s21], $0x40, s17, s21, $0xb8;
	[tilespmem:$0x15100] =	vst v63  }
0xf0: {  	s12 =	sadd.s32 $0x12A80, s4  }
0xf1: {  	[tilespmem:s12], [sflag:$0x3] =	stream.indirect.gather [hbm4b:s7+s21], $0x10, s17, s21, $0xb8;
	[tilespmem:$0x15100] =	vst v63  }
0xf2: {  	s13 =	sor.u32 $0x8D00, s3;
	s17 =	sadd.s32 $0x250, s9  }
0xf3: {  	[tilespmem:s13], [sflag:$0x2] =	stream.indirect.gather [hbm4b:s5+s21], $0x40, s17, s21, $0xb8;
	[tilespmem:$0x15100] =	vst v63  }
0xf4: {  	s19 =	sadd.s32 $0x12E00, s4  }
0xf5: {  	[tilespmem:s19], [sflag:$0x3] =	stream.indirect.gather [hbm4b:s7+s21], $0x10, s17, s21, $0xb8;
	[tilespmem:$0x15100] =	vst v63  }
0xf6: {  	s3 =	sadd.s32 $0x9B00, s3;
	s9 =	sadd.s32 $0x288, s9  }
0xf7: {  	[tilespmem:s3], [sflag:$0x2] =	stream.indirect.gather [hbm4b:s5+s21], $0x40, s9, s21, $0xb8;
	[tilespmem:$0x15100] =	vst v63  }
0xf8: {  	s10 =	sadd.s32 $0x13180, s4  }
0xf9: {  	[tilespmem:s10], [sflag:$0x3] =	stream.indirect.gather [hbm4b:s7+s21], $0x10, s9, s21, $0xb8;
	[tilespmem:$0x15100] =	vst v63  }
0xfa: {  	_ =	swait.ge [sflag:s22], $0xE00  }
0xfb: {  	[sflag:s22] =	ssyncset.done $0x0  }
0xfc: {  	[sflag:s22] =	ssyncadd.s32 $0xFFFFF200  }
0xfd: {  	_ =	swait.ge [sflag:s23], $0x380  }
0xfe: {  	[sflag:s23] =	ssyncset.done $0x0  }
0xff: {  	[sflag:s23] =	ssyncadd.s32 $0xFFFFFC80  }
0x100: {  	_ =	swait.ge [sflag:s22], $0xE00  }
0x101: {  	[sflag:s22] =	ssyncset.done $0x0  }
0x102: {  	[sflag:s22] =	ssyncadd.s32 $0xFFFFF200  }
0x103: {  	_ =	swait.ge [sflag:s23], $0x380  }
0x104: {  	[sflag:s23] =	ssyncset.done $0x0  }
0x105: {  	[sflag:s23] =	ssyncadd.s32 $0xFFFFFC80  }
0x106: {  	_ =	swait.ge [sflag:s22], $0xE00  }
0x107: {  	[sflag:s22] =	ssyncset.done $0x0  }
0x108: {  	[sflag:s22] =	ssyncadd.s32 $0xFFFFF200  }
0x109: {  	_ =	swait.ge [sflag:s23], $0x380  }
0x10a: {  	[sflag:s23] =	ssyncset.done $0x0  }
0x10b: {  	[sflag:s23] =	ssyncadd.s32 $0xFFFFFC80  }
0x10c: {  	_ =	swait.ge [sflag:s22], $0xE00  }
0x10d: {  	[sflag:s22] =	ssyncset.done $0x0  }
0x10e: {  	[sflag:s22] =	ssyncadd.s32 $0xFFFFF200  }
0x10f: {  	_ =	swait.ge [sflag:s23], $0x380  }
0x110: {  	[sflag:s23] =	ssyncset.done $0x0  }
0x111: {  	[sflag:s23] =	ssyncadd.s32 $0xFFFFFC80  }
0x112: {  	_ =	swait.ge [sflag:s22], $0xE00  }
0x113: {  	[sflag:s22] =	ssyncset.done $0x0  }
0x114: {  	[sflag:s22] =	ssyncadd.s32 $0xFFFFF200  }
0x115: {  	_ =	swait.ge [sflag:s23], $0x380  }
0x116: {  	[sflag:s23] =	ssyncset.done $0x0  }
0x117: {  	[sflag:s23] =	ssyncadd.s32 $0xFFFFFC80  }
0x118: {  	_ =	swait.ge [sflag:s22], $0xE00  }
0x119: {  	[sflag:s22] =	ssyncset.done $0x0  }
0x11a: {  	[sflag:s22] =	ssyncadd.s32 $0xFFFFF200  }
0x11b: {  	_ =	swait.ge [sflag:s23], $0x380  }
0x11c: {  	[sflag:s23] =	ssyncset.done $0x0  }
0x11d: {  	[sflag:s23] =	ssyncadd.s32 $0xFFFFFC80  }
0x11e: {  	_ =	swait.ge [sflag:s22], $0xE00  }
0x11f: {  	[sflag:s22] =	ssyncset.done $0x0  }
0x120: {  	[sflag:s22] =	ssyncadd.s32 $0xFFFFF200  }
0x121: {  	_ =	swait.ge [sflag:s23], $0x380  }
0x122: {  	[sflag:s23] =	ssyncset.done $0x0  }
0x123: {  	[sflag:s23] =	ssyncadd.s32 $0xFFFFFC80  }
0x124: {  	_ =	swait.ge [sflag:s22], $0xE00  }
0x125: {  	[sflag:s22] =	ssyncset.done $0x0  }
0x126: {  	[sflag:s22] =	ssyncadd.s32 $0xFFFFF200  }
0x127: {  	_ =	swait.ge [sflag:s23], $0x380  }
0x128: {  	[sflag:s23] =	ssyncset.done $0x0  }
0x129: {  	[sflag:s23] =	ssyncadd.s32 $0xFFFFFC80  }
0x12a: {  	[hbm4b:s26+s2] =	stream.linear.scatter [tilespmem:s0], [sflag:$0x4], $0x7000, $0x38;
	[tilespmem:$0x15100] =	vst v63  }
0x12b: {  	_ = 	snop  }
0x12c: {  	[hbm4b:s28+s2] =	stream.linear.scatter [tilespmem:s1], [sflag:$0x4], $0x1C00, $0x38;
	[tilespmem:$0x15100] =	vst v63  }
0x12d: {  	_ =	swait.ge [sflag:s24], $0x7000  }
0x12e: {  	[sflag:s24] =	ssyncset.done $0x0  }
0x12f: {  	[sflag:s24] =	ssyncadd.s32 $0xFFFF9000  }
0x130: {  	_ =	swait.ge [sflag:s24], $0x1C00  }
0x131: {  	[sflag:s24] =	ssyncset.done $0x0  }
0x132: {  	[sflag:s24] =	ssyncadd.s32 $0xFFFFE400  }
0x133: {  	_ =	swait.ge [sflag:s24], $0x7000  }
0x134: {  	[sflag:s24] =	ssyncset.done $0x0  }
0x135: {  	[sflag:s24] =	ssyncadd.s32 $0xFFFF9000  }
0x136: {  	_ =	swait.ge [sflag:s24], $0x1C00  }
0x137: {  	p0 =	por $0x1, $0x1;
	[sflag:s24] =	ssyncset.done $0x0  }
0x138: {  	s1 =	simm.s32 @!p0 $0x4;
	[sflag:s24] =	ssyncadd.s32 $0xFFFFE400  }
0x139: {  	s11 =	simm.s32 $0x0;
	_ =	swait.ge @!p0 [sflag:s1], $0x7000  }
0x13a: {  	s0 =	sand.u32 $0x1, s11;
	[sflag:s1] =	ssyncset.done @!p0 $0x0  }
0x13b: {  	s12 =	smul.u32 $0x1C000, s0;
	[sflag:s1] =	ssyncadd.s32 @!p0 $0xFFFF9000  }
0x13c: {  	s0 =	smul.u32 $0x7000, s0;
	_ =	swait.ge @!p0 [sflag:s1], $0x1C00  }
0x13d: {  	s13 =	simm.s32 $0x1D00;
	s3 =	sshrl.u32 s12, $0x2;
	[sflag:s1] =	ssyncset.done @!p0 $0x0  }
0x13e: {  	s0 =	sshrl.u32 s0, $0x2;
	s29 =	sadd.s32 $0x3900, s3;
	[sflag:s1] =	ssyncadd.s32 @!p0 $0xFFFFE400  }
0x13f: {  	[tilespmem:s29], [sflag:$0x2] =	stream.indirect.gather [hbm4b:s6+s21], $0x40, s13, s21, $0xb8;
	[tilespmem:$0x15100] =	vst v63  }
0x140: {  	s30 =	sadd.s32 $0x11900, s0  }
0x141: {  	[tilespmem:s30], [sflag:$0x3] =	stream.indirect.gather [hbm4b:s8+s21], $0x10, s13, s21, $0xb8;
	[tilespmem:$0x15100] =	vst v63  }
0x142: {  	s17 =	simm.s32 $0x1D38;
	s19 =	sadd.s32 $0x4700, s3  }
0x143: {  	[tilespmem:s19], [sflag:$0x2] =	stream.indirect.gather [hbm4b:s6+s21], $0x40, s17, s21, $0xb8;
	[tilespmem:$0x15100] =	vst v63  }
0x144: {  	s26 =	sadd.s32 $0x11C80, s0  }
0x145: {  	[tilespmem:s26], [sflag:$0x3] =	stream.indirect.gather [hbm4b:s8+s21], $0x10, s17, s21, $0xb8;
	[tilespmem:$0x15100] =	vst v63  }
0x146: {  	s10 =	simm.s32 $0x1D70;
	s9 =	sadd.s32 $0x5500, s3  }
0x147: {  	[tilespmem:s9], [sflag:$0x2] =	stream.indirect.gather [hbm4b:s6+s21], $0x40, s10, s21, $0xb8;
	[tilespmem:$0x15100] =	vst v63  }
0x148: {  	s11 =	sor.u32 $0x12000, s0  }
0x149: {  	[tilespmem:s11], [sflag:$0x3] =	stream.indirect.gather [hbm4b:s8+s21], $0x10, s10, s21, $0xb8;
	[tilespmem:$0x15100] =	vst v63  }
0x14a: {  	s12 =	simm.s32 $0x1DA8;
	s13 =	sadd.s32 $0x6300, s3  }
0x14b: {  	[tilespmem:s13], [sflag:$0x2] =	stream.indirect.gather [hbm4b:s6+s21], $0x40, s12, s21, $0xb8;
	[tilespmem:$0x15100] =	vst v63  }
0x14c: {  	s17 =	sor.u32 $0x12380, s0  }
0x14d: {  	[tilespmem:s17], [sflag:$0x3] =	stream.indirect.gather [hbm4b:s8+s21], $0x10, s12, s21, $0xb8;
	[tilespmem:$0x15100] =	vst v63  }
0x14e: {  	s19 =	simm.s32 $0x1DE0;
	s26 =	sadd.s32 $0x7100, s3  }
0x14f: {  	[tilespmem:s26], [sflag:$0x2] =	stream.indirect.gather [hbm4b:s6+s21], $0x40, s19, s21, $0xb8;
	[tilespmem:$0x15100] =	vst v63  }
0x150: {  	s9 =	sadd.s32 $0x12700, s0  }
0x151: {  	[tilespmem:s9], [sflag:$0x3] =	stream.indirect.gather [hbm4b:s8+s21], $0x10, s19, s21, $0xb8;
	[tilespmem:$0x15100] =	vst v63  }
0x152: {  	s10 =	simm.s32 $0x1E18;
	s11 =	sadd.s32 $0x7F00, s3  }
0x153: {  	[tilespmem:s11], [sflag:$0x2] =	stream.indirect.gather [hbm4b:s6+s21], $0x40, s10, s21, $0xb8;
	[tilespmem:$0x15100] =	vst v63  }
0x154: {  	s12 =	sadd.s32 $0x12A80, s0  }
0x155: {  	[tilespmem:s12], [sflag:$0x3] =	stream.indirect.gather [hbm4b:s8+s21], $0x10, s10, s21, $0xb8;
	[tilespmem:$0x15100] =	vst v63  }
0x156: {  	s13 =	sor.u32 $0x8D00, s3;
	s17 =	simm.s32 $0x1E50  }
0x157: {  	[tilespmem:s13], [sflag:$0x2] =	stream.indirect.gather [hbm4b:s6+s21], $0x40, s17, s21, $0xb8;
	[tilespmem:$0x15100] =	vst v63  }
0x158: {  	s19 =	sadd.s32 $0x12E00, s0  }
0x159: {  	[tilespmem:s19], [sflag:$0x3] =	stream.indirect.gather [hbm4b:s8+s21], $0x10, s17, s21, $0xb8;
	[tilespmem:$0x15100] =	vst v63  }
0x15a: {  	s3 =	sadd.s32 $0x9B00, s3;
	s26 =	simm.s32 $0x1E88  }
0x15b: {  	[tilespmem:s3], [sflag:$0x2] =	stream.indirect.gather [hbm4b:s6+s21], $0x40, s26, s21, $0xb8;
	[tilespmem:$0x15100] =	vst v63  }
0x15c: {  	s0 =	sadd.s32 $0x13180, s0  }
0x15d: {  	[tilespmem:s0], [sflag:$0x3] =	stream.indirect.gather [hbm4b:s8+s21], $0x10, s26, s21, $0xb8;
	[tilespmem:$0x15100] =	vst v63  }
0x15e: {  	_ =	swait.ge [sflag:s22], $0xE00  }
0x15f: {  	[sflag:s22] =	ssyncset.done $0x0  }
0x160: {  	[sflag:s22] =	ssyncadd.s32 $0xFFFFF200  }
0x161: {  	_ =	swait.ge [sflag:s23], $0x380  }
0x162: {  	[sflag:s23] =	ssyncset.done $0x0  }
0x163: {  	[sflag:s23] =	ssyncadd.s32 $0xFFFFFC80  }
0x164: {  	_ =	swait.ge [sflag:s22], $0xE00  }
0x165: {  	[sflag:s22] =	ssyncset.done $0x0  }
0x166: {  	[sflag:s22] =	ssyncadd.s32 $0xFFFFF200  }
0x167: {  	_ =	swait.ge [sflag:s23], $0x380  }
0x168: {  	[sflag:s23] =	ssyncset.done $0x0  }
0x169: {  	[sflag:s23] =	ssyncadd.s32 $0xFFFFFC80  }
0x16a: {  	_ =	swait.ge [sflag:s22], $0xE00  }
0x16b: {  	[sflag:s22] =	ssyncset.done $0x0  }
0x16c: {  	[sflag:s22] =	ssyncadd.s32 $0xFFFFF200  }
0x16d: {  	_ =	swait.ge [sflag:s23], $0x380  }
0x16e: {  	[sflag:s23] =	ssyncset.done $0x0  }
0x16f: {  	[sflag:s23] =	ssyncadd.s32 $0xFFFFFC80  }
0x170: {  	_ =	swait.ge [sflag:s22], $0xE00  }
0x171: {  	[sflag:s22] =	ssyncset.done $0x0  }
0x172: {  	[sflag:s22] =	ssyncadd.s32 $0xFFFFF200  }
0x173: {  	_ =	swait.ge [sflag:s23], $0x380  }
0x174: {  	[sflag:s23] =	ssyncset.done $0x0  }
0x175: {  	[sflag:s23] =	ssyncadd.s32 $0xFFFFFC80  }
0x176: {  	_ =	swait.ge [sflag:s22], $0xE00  }
0x177: {  	[sflag:s22] =	ssyncset.done $0x0  }
0x178: {  	[sflag:s22] =	ssyncadd.s32 $0xFFFFF200  }
0x179: {  	_ =	swait.ge [sflag:s23], $0x380  }
0x17a: {  	[sflag:s23] =	ssyncset.done $0x0  }
0x17b: {  	[sflag:s23] =	ssyncadd.s32 $0xFFFFFC80  }
0x17c: {  	_ =	swait.ge [sflag:s22], $0xE00  }
0x17d: {  	[sflag:s22] =	ssyncset.done $0x0  }
0x17e: {  	[sflag:s22] =	ssyncadd.s32 $0xFFFFF200  }
0x17f: {  	_ =	swait.ge [sflag:s23], $0x380  }
0x180: {  	[sflag:s23] =	ssyncset.done $0x0  }
0x181: {  	[sflag:s23] =	ssyncadd.s32 $0xFFFFFC80  }
0x182: {  	_ =	swait.ge [sflag:s22], $0xE00  }
0x183: {  	[sflag:s22] =	ssyncset.done $0x0  }
0x184: {  	[sflag:s22] =	ssyncadd.s32 $0xFFFFF200  }
0x185: {  	_ =	swait.ge [sflag:s23], $0x380  }
0x186: {  	[sflag:s23] =	ssyncset.done $0x0  }
0x187: {  	[sflag:s23] =	ssyncadd.s32 $0xFFFFFC80  }
0x188: {  	_ =	swait.ge [sflag:s22], $0xE00  }
0x189: {  	[sflag:s22] =	ssyncset.done $0x0  }
0x18a: {  	s31 =	simm.s32 $0x700;
	p1 =	por $0x1, $0x1;
	[sflag:s22] =	ssyncadd.s32 $0xFFFFF200  }
0x18b: {  	s28 =	sadd.s32 $0x380, s15;
	s1 =	simm.s32 $0xE00;
	_ =	swait.ge [sflag:s23], $0x380  }
0x18c: {  	s12 =	smov.u32 s14;
	s13 =	smov.u32 s15;
	[sflag:s23] =	ssyncset.done $0x0  }
0x18d: {  	s0 =	simm.s32 $0x1;
	s26 =	sadd.s32 $0xE00, s14;
	[sflag:s23] =	ssyncadd.s32 $0xFFFFFC80  }
.LBB2_4:
0x18e: {  	[hbm4b:s12+s2] =	stream.linear.scatter [tilespmem:s29], [sflag:$0x4], $0x7000, $0x38;
	[tilespmem:$0x15100] =	vst v63  }
0x18f: {  	s10 =	simm.s32 @!p1 $0x4;
	s11 =	smov.u32 s1;
	s1 =	sadd.s32 $0x700, s1  }
0x190: {  	[hbm4b:s13+s2] =	stream.linear.scatter [tilespmem:s30], [sflag:$0x4], $0x1C00, $0x38;
	[tilespmem:$0x15100] =	vst v63  }
0x191: {  	s3 =	sand.u32 $0x1, s0;
	p0 =	sne.s32 s1, $0x7000;
	_ =	swait.ge @!p1 [sflag:s10], $0x7000  }
0x192: {  	s12 =	smov.u32 s26;
	s4 =	smul.u32 $0x1C000, s3;
	[sflag:s10] =	ssyncset.done @!p1 $0x0  }
0x193: {  	s17 =	smul.u32 $0x7000, s3;
	s13 =	smov.u32 s28;
	[sflag:s10] =	ssyncadd.s32 @!p1 $0xFFFF9000  }
0x194: {  	s9 =	sshra.s32 s31, $0x2;
	s3 =	sshrl.u32 s4, $0x2;
	_ =	swait.ge @!p1 [sflag:s10], $0x1C00  }
0x195: {  	s4 =	sshrl.u32 s17, $0x2;
	s29 =	sadd.s32 $0x3900, s3;
	[sflag:s10] =	ssyncset.done @!p1 $0x0  }
0x196: {  	s31 =	smov.u32 s11;
	[sflag:s10] =	ssyncadd.s32 @!p1 $0xFFFFE400;
	s10 =	sadd.s32 $0x1D00, s9  }
0x197: {  	[tilespmem:s29], [sflag:$0x2] =	stream.indirect.gather [hbm4b:s6+s21], $0x40, s10, s21, $0xb8;
	[tilespmem:$0x15100] =	vst v63  }
0x198: {  	s11 =	sadd.s32 $0x1D38, s9;
	s30 =	sadd.s32 $0x11900, s4  }
0x199: {  	[tilespmem:s30], [sflag:$0x3] =	stream.indirect.gather [hbm4b:s8+s21], $0x10, s10, s21, $0xb8;
	[tilespmem:$0x15100] =	vst v63  }
0x19a: {  	s10 =	sadd.s32 $0x4700, s3  }
0x19b: {  	[tilespmem:s10], [sflag:$0x2] =	stream.indirect.gather [hbm4b:s6+s21], $0x40, s11, s21, $0xb8;
	[tilespmem:$0x15100] =	vst v63  }
0x19c: {  	s19 =	sadd.s32 $0x1D70, s9;
	s17 =	sadd.s32 $0x5500, s3;
	s10 =	sadd.s32 $0x11C80, s4  }
0x19d: {  	[tilespmem:s10], [sflag:$0x3] =	stream.indirect.gather [hbm4b:s8+s21], $0x10, s11, s21, $0xb8;
	[tilespmem:$0x15100] =	vst v63  }
0x19e: {  	_ = 	snop  }
0x19f: {  	[tilespmem:s17], [sflag:$0x2] =	stream.indirect.gather [hbm4b:s6+s21], $0x40, s19, s21, $0xb8;
	[tilespmem:$0x15100] =	vst v63  }
0x1a0: {  	s10 =	sor.u32 $0x12000, s4;
	s11 =	sadd.s32 $0x1DA8, s9  }
0x1a1: {  	[tilespmem:s10], [sflag:$0x3] =	stream.indirect.gather [hbm4b:s8+s21], $0x10, s19, s21, $0xb8;
	[tilespmem:$0x15100] =	vst v63  }
0x1a2: {  	s10 =	sadd.s32 $0x6300, s3  }
0x1a3: {  	[tilespmem:s10], [sflag:$0x2] =	stream.indirect.gather [hbm4b:s6+s21], $0x40, s11, s21, $0xb8;
	[tilespmem:$0x15100] =	vst v63  }
0x1a4: {  	s17 =	sadd.s32 $0x1DE0, s9;
	s10 =	sor.u32 $0x12380, s4  }
0x1a5: {  	[tilespmem:s10], [sflag:$0x3] =	stream.indirect.gather [hbm4b:s8+s21], $0x10, s11, s21, $0xb8;
	[tilespmem:$0x15100] =	vst v63  }
0x1a6: {  	s10 =	sadd.s32 $0x7100, s3  }
0x1a7: {  	[tilespmem:s10], [sflag:$0x2] =	stream.indirect.gather [hbm4b:s6+s21], $0x40, s17, s21, $0xb8;
	[tilespmem:$0x15100] =	vst v63  }
0x1a8: {  	s11 =	sadd.s32 $0x1E18, s9;
	s10 =	sadd.s32 $0x12700, s4  }
0x1a9: {  	[tilespmem:s10], [sflag:$0x3] =	stream.indirect.gather [hbm4b:s8+s21], $0x10, s17, s21, $0xb8;
	[tilespmem:$0x15100] =	vst v63  }
0x1aa: {  	s10 =	sadd.s32 $0x7F00, s3  }
0x1ab: {  	[tilespmem:s10], [sflag:$0x2] =	stream.indirect.gather [hbm4b:s6+s21], $0x40, s11, s21, $0xb8;
	[tilespmem:$0x15100] =	vst v63  }
0x1ac: {  	s19 =	sadd.s32 $0x1E50, s9;
	s17 =	sor.u32 $0x8D00, s3;
	s10 =	sadd.s32 $0x12A80, s4  }
0x1ad: {  	[tilespmem:s10], [sflag:$0x3] =	stream.indirect.gather [hbm4b:s8+s21], $0x10, s11, s21, $0xb8;
	[tilespmem:$0x15100] =	vst v63  }
0x1ae: {  	_ = 	snop  }
0x1af: {  	[tilespmem:s17], [sflag:$0x2] =	stream.indirect.gather [hbm4b:s6+s21], $0x40, s19, s21, $0xb8;
	[tilespmem:$0x15100] =	vst v63  }
0x1b0: {  	s9 =	sadd.s32 $0x1E88, s9;
	s10 =	sadd.s32 $0x12E00, s4  }
0x1b1: {  	[tilespmem:s10], [sflag:$0x3] =	stream.indirect.gather [hbm4b:s8+s21], $0x10, s19, s21, $0xb8;
	[tilespmem:$0x15100] =	vst v63  }
0x1b2: {  	s3 =	sadd.s32 $0x9B00, s3  }
0x1b3: {  	[tilespmem:s3], [sflag:$0x2] =	stream.indirect.gather [hbm4b:s6+s21], $0x40, s9, s21, $0xb8;
	[tilespmem:$0x15100] =	vst v63  }
0x1b4: {  	s3 =	sadd.s32 $0x13180, s4  }
0x1b5: {  	[tilespmem:s3], [sflag:$0x3] =	stream.indirect.gather [hbm4b:s8+s21], $0x10, s9, s21, $0xb8;
	[tilespmem:$0x15100] =	vst v63  }
0x1b6: {  	_ =	swait.ge [sflag:s22], $0xE00  }
0x1b7: {  	[sflag:s22] =	ssyncset.done $0x0  }
0x1b8: {  	[sflag:s22] =	ssyncadd.s32 $0xFFFFF200  }
0x1b9: {  	_ =	swait.ge [sflag:s23], $0x380  }
0x1ba: {  	[sflag:s23] =	ssyncset.done $0x0  }
0x1bb: {  	[sflag:s23] =	ssyncadd.s32 $0xFFFFFC80  }
0x1bc: {  	_ =	swait.ge [sflag:s22], $0xE00  }
0x1bd: {  	[sflag:s22] =	ssyncset.done $0x0  }
0x1be: {  	[sflag:s22] =	ssyncadd.s32 $0xFFFFF200  }
0x1bf: {  	_ =	swait.ge [sflag:s23], $0x380  }
0x1c0: {  	[sflag:s23] =	ssyncset.done $0x0  }
0x1c1: {  	[sflag:s23] =	ssyncadd.s32 $0xFFFFFC80  }
0x1c2: {  	_ =	swait.ge [sflag:s22], $0xE00  }
0x1c3: {  	[sflag:s22] =	ssyncset.done $0x0  }
0x1c4: {  	[sflag:s22] =	ssyncadd.s32 $0xFFFFF200  }
0x1c5: {  	_ =	swait.ge [sflag:s23], $0x380  }
0x1c6: {  	[sflag:s23] =	ssyncset.done $0x0  }
0x1c7: {  	[sflag:s23] =	ssyncadd.s32 $0xFFFFFC80  }
0x1c8: {  	_ =	swait.ge [sflag:s22], $0xE00  }
0x1c9: {  	[sflag:s22] =	ssyncset.done $0x0  }
0x1ca: {  	[sflag:s22] =	ssyncadd.s32 $0xFFFFF200  }
0x1cb: {  	_ =	swait.ge [sflag:s23], $0x380  }
0x1cc: {  	[sflag:s23] =	ssyncset.done $0x0  }
0x1cd: {  	[sflag:s23] =	ssyncadd.s32 $0xFFFFFC80  }
0x1ce: {  	_ =	swait.ge [sflag:s22], $0xE00  }
0x1cf: {  	[sflag:s22] =	ssyncset.done $0x0  }
0x1d0: {  	[sflag:s22] =	ssyncadd.s32 $0xFFFFF200  }
0x1d1: {  	_ =	swait.ge [sflag:s23], $0x380  }
0x1d2: {  	[sflag:s23] =	ssyncset.done $0x0  }
0x1d3: {  	[sflag:s23] =	ssyncadd.s32 $0xFFFFFC80  }
0x1d4: {  	_ =	swait.ge [sflag:s22], $0xE00  }
0x1d5: {  	[sflag:s22] =	ssyncset.done $0x0  }
0x1d6: {  	[sflag:s22] =	ssyncadd.s32 $0xFFFFF200  }
0x1d7: {  	_ =	swait.ge [sflag:s23], $0x380  }
0x1d8: {  	[sflag:s23] =	ssyncset.done $0x0  }
0x1d9: {  	[sflag:s23] =	ssyncadd.s32 $0xFFFFFC80  }
0x1da: {  	_ =	swait.ge [sflag:s22], $0xE00  }
0x1db: {  	[sflag:s22] =	ssyncset.done $0x0  }
0x1dc: {  	[sflag:s22] =	ssyncadd.s32 $0xFFFFF200  }
0x1dd: {  	_ =	swait.ge [sflag:s23], $0x380  }
0x1de: {  	[sflag:s23] =	ssyncset.done $0x0  }
0x1df: {  	[sflag:s23] =	ssyncadd.s32 $0xFFFFFC80  }
0x1e0: {  	_ =	swait.ge [sflag:s22], $0xE00  }
.Ltmp1:
0x1e1: {  	[sflag:s22] =	ssyncset.done $0x0;
	(pc) =	sbr.rel @p0 .LBB2_4-.Ltmp1, $4  }
0x1e2: {  	[sflag:s22] =	ssyncadd.s32 $0xFFFFF200  }
0x1e3: {  	s0 =	sadd.s32 $0x1, s0;
	_ =	swait.ge [sflag:s23], $0x380  }
0x1e4: {  	p1 =	slt.u32 s0, $0x2;
	[sflag:s23] =	ssyncset.done $0x0  }
0x1e5: {  	s26 =	sadd.s32 $0xE00, s26;
	s28 =	sadd.s32 $0x380, s28;
	[sflag:s23] =	ssyncadd.s32 $0xFFFFFC80  }
0x1e6: {  	[hbm4b:s12+s2] =	stream.linear.scatter [tilespmem:s29], [sflag:$0x4], $0x7000, $0x38;
	[tilespmem:$0x15100] =	vst v63  }
0x1e7: {  	s1 =	simm.s32 @!p1 $0x4  }
0x1e8: {  	[hbm4b:s13+s2] =	stream.linear.scatter [tilespmem:s30], [sflag:$0x4], $0x1C00, $0x38;
	[tilespmem:$0x15100] =	vst v63  }
0x1e9: {  	_ =	swait.ge @!p1 [sflag:s1], $0x7000  }
0x1ea: {  	s0 =	sand.u32 $0x1, s0;
	[sflag:s1] =	ssyncset.done @!p1 $0x0  }
0x1eb: {  	s3 =	smul.u32 $0x1C000, s0;
	[sflag:s1] =	ssyncadd.s32 @!p1 $0xFFFF9000  }
0x1ec: {  	s9 =	sshra.s32 s31, $0x2;
	s4 =	smul.u32 $0x7000, s0;
	_ =	swait.ge @!p1 [sflag:s1], $0x1C00  }
0x1ed: {  	s10 =	sadd.s32 $0x1D00, s9;
	s3 =	sshrl.u32 s3, $0x2;
	[sflag:s1] =	ssyncset.done @!p1 $0x0  }
0x1ee: {  	s4 =	sshrl.u32 s4, $0x2;
	s0 =	sadd.s32 $0x3900, s3;
	[sflag:s1] =	ssyncadd.s32 @!p1 $0xFFFFE400  }
0x1ef: {  	[tilespmem:s0], [sflag:$0x2] =	stream.indirect.gather [hbm4b:s6+s21], $0x40, s10, s21, $0xb8;
	[tilespmem:$0x15100] =	vst v63  }
0x1f0: {  	s1 =	sadd.s32 $0x11900, s4  }
0x1f1: {  	[tilespmem:s1], [sflag:$0x3] =	stream.indirect.gather [hbm4b:s8+s21], $0x10, s10, s21, $0xb8;
	[tilespmem:$0x15100] =	vst v63  }
0x1f2: {  	s17 =	sadd.s32 $0x1D38, s9;
	s11 =	sadd.s32 $0x4700, s3  }
0x1f3: {  	[tilespmem:s11], [sflag:$0x2] =	stream.indirect.gather [hbm4b:s6+s21], $0x40, s17, s21, $0xb8;
	[tilespmem:$0x15100] =	vst v63  }
0x1f4: {  	s19 =	sadd.s32 $0x11C80, s4  }
0x1f5: {  	[tilespmem:s19], [sflag:$0x3] =	stream.indirect.gather [hbm4b:s8+s21], $0x10, s17, s21, $0xb8;
	[tilespmem:$0x15100] =	vst v63  }
0x1f6: {  	s30 =	sadd.s32 $0x1D70, s9;
	s29 =	sadd.s32 $0x5500, s3  }
0x1f7: {  	[tilespmem:s29], [sflag:$0x2] =	stream.indirect.gather [hbm4b:s6+s21], $0x40, s30, s21, $0xb8;
	[tilespmem:$0x15100] =	vst v63  }
0x1f8: {  	s31 =	sor.u32 $0x12000, s4  }
0x1f9: {  	[tilespmem:s31], [sflag:$0x3] =	stream.indirect.gather [hbm4b:s8+s21], $0x10, s30, s21, $0xb8;
	[tilespmem:$0x15100] =	vst v63  }
0x1fa: {  	s12 =	sadd.s32 $0x1DA8, s9;
	s13 =	sadd.s32 $0x6300, s3  }
0x1fb: {  	[tilespmem:s13], [sflag:$0x2] =	stream.indirect.gather [hbm4b:s6+s21], $0x40, s12, s21, $0xb8;
	[tilespmem:$0x15100] =	vst v63  }
0x1fc: {  	s17 =	sor.u32 $0x12380, s4  }
0x1fd: {  	[tilespmem:s17], [sflag:$0x3] =	stream.indirect.gather [hbm4b:s8+s21], $0x10, s12, s21, $0xb8;
	[tilespmem:$0x15100] =	vst v63  }
0x1fe: {  	s19 =	sadd.s32 $0x1DE0, s9;
	s29 =	sadd.s32 $0x7100, s3  }
0x1ff: {  	[tilespmem:s29], [sflag:$0x2] =	stream.indirect.gather [hbm4b:s6+s21], $0x40, s19, s21, $0xb8;
	[tilespmem:$0x15100] =	vst v63  }
0x200: {  	s30 =	sadd.s32 $0x12700, s4  }
0x201: {  	[tilespmem:s30], [sflag:$0x3] =	stream.indirect.gather [hbm4b:s8+s21], $0x10, s19, s21, $0xb8;
	[tilespmem:$0x15100] =	vst v63  }
0x202: {  	s31 =	sadd.s32 $0x1E18, s9;
	s12 =	sadd.s32 $0x7F00, s3  }
0x203: {  	[tilespmem:s12], [sflag:$0x2] =	stream.indirect.gather [hbm4b:s6+s21], $0x40, s31, s21, $0xb8;
	[tilespmem:$0x15100] =	vst v63  }
0x204: {  	s13 =	sadd.s32 $0x12A80, s4  }
0x205: {  	[tilespmem:s13], [sflag:$0x3] =	stream.indirect.gather [hbm4b:s8+s21], $0x10, s31, s21, $0xb8;
	[tilespmem:$0x15100] =	vst v63  }
0x206: {  	s17 =	sor.u32 $0x8D00, s3;
	s19 =	sadd.s32 $0x1E50, s9  }
0x207: {  	[tilespmem:s17], [sflag:$0x2] =	stream.indirect.gather [hbm4b:s6+s21], $0x40, s19, s21, $0xb8;
	[tilespmem:$0x15100] =	vst v63  }
0x208: {  	s29 =	sadd.s32 $0x12E00, s4  }
0x209: {  	[tilespmem:s29], [sflag:$0x3] =	stream.indirect.gather [hbm4b:s8+s21], $0x10, s19, s21, $0xb8;
	[tilespmem:$0x15100] =	vst v63  }
0x20a: {  	s3 =	sadd.s32 $0x9B00, s3;
	s9 =	sadd.s32 $0x1E88, s9  }
0x20b: {  	[tilespmem:s3], [sflag:$0x2] =	stream.indirect.gather [hbm4b:s6+s21], $0x40, s9, s21, $0xb8;
	[tilespmem:$0x15100] =	vst v63  }
0x20c: {  	s30 =	sadd.s32 $0x13180, s4  }
0x20d: {  	[tilespmem:s30], [sflag:$0x3] =	stream.indirect.gather [hbm4b:s8+s21], $0x10, s9, s21, $0xb8;
	[tilespmem:$0x15100] =	vst v63  }
0x20e: {  	_ =	swait.ge [sflag:s22], $0xE00  }
0x20f: {  	[sflag:s22] =	ssyncset.done $0x0  }
0x210: {  	[sflag:s22] =	ssyncadd.s32 $0xFFFFF200  }
0x211: {  	_ =	swait.ge [sflag:s23], $0x380  }
0x212: {  	[sflag:s23] =	ssyncset.done $0x0  }
0x213: {  	[sflag:s23] =	ssyncadd.s32 $0xFFFFFC80  }
0x214: {  	_ =	swait.ge [sflag:s22], $0xE00  }
0x215: {  	[sflag:s22] =	ssyncset.done $0x0  }
0x216: {  	[sflag:s22] =	ssyncadd.s32 $0xFFFFF200  }
0x217: {  	_ =	swait.ge [sflag:s23], $0x380  }
0x218: {  	[sflag:s23] =	ssyncset.done $0x0  }
0x219: {  	[sflag:s23] =	ssyncadd.s32 $0xFFFFFC80  }
0x21a: {  	_ =	swait.ge [sflag:s22], $0xE00  }
0x21b: {  	[sflag:s22] =	ssyncset.done $0x0  }
0x21c: {  	[sflag:s22] =	ssyncadd.s32 $0xFFFFF200  }
0x21d: {  	_ =	swait.ge [sflag:s23], $0x380  }
0x21e: {  	[sflag:s23] =	ssyncset.done $0x0  }
0x21f: {  	[sflag:s23] =	ssyncadd.s32 $0xFFFFFC80  }
0x220: {  	_ =	swait.ge [sflag:s22], $0xE00  }
0x221: {  	[sflag:s22] =	ssyncset.done $0x0  }
0x222: {  	[sflag:s22] =	ssyncadd.s32 $0xFFFFF200  }
0x223: {  	_ =	swait.ge [sflag:s23], $0x380  }
0x224: {  	[sflag:s23] =	ssyncset.done $0x0  }
0x225: {  	[sflag:s23] =	ssyncadd.s32 $0xFFFFFC80  }
0x226: {  	_ =	swait.ge [sflag:s22], $0xE00  }
0x227: {  	[sflag:s22] =	ssyncset.done $0x0  }
0x228: {  	[sflag:s22] =	ssyncadd.s32 $0xFFFFF200  }
0x229: {  	_ =	swait.ge [sflag:s23], $0x380  }
0x22a: {  	[sflag:s23] =	ssyncset.done $0x0  }
0x22b: {  	[sflag:s23] =	ssyncadd.s32 $0xFFFFFC80  }
0x22c: {  	_ =	swait.ge [sflag:s22], $0xE00  }
0x22d: {  	[sflag:s22] =	ssyncset.done $0x0  }
0x22e: {  	[sflag:s22] =	ssyncadd.s32 $0xFFFFF200  }
0x22f: {  	_ =	swait.ge [sflag:s23], $0x380  }
0x230: {  	[sflag:s23] =	ssyncset.done $0x0  }
0x231: {  	[sflag:s23] =	ssyncadd.s32 $0xFFFFFC80  }
0x232: {  	_ =	swait.ge [sflag:s22], $0xE00  }
0x233: {  	[sflag:s22] =	ssyncset.done $0x0  }
0x234: {  	[sflag:s22] =	ssyncadd.s32 $0xFFFFF200  }
0x235: {  	_ =	swait.ge [sflag:s23], $0x380  }
0x236: {  	[sflag:s23] =	ssyncset.done $0x0  }
0x237: {  	[sflag:s23] =	ssyncadd.s32 $0xFFFFFC80  }
0x238: {  	_ =	swait.ge [sflag:s22], $0xE00  }
0x239: {  	[sflag:s22] =	ssyncset.done $0x0  }
0x23a: {  	[sflag:s22] =	ssyncadd.s32 $0xFFFFF200  }
0x23b: {  	_ =	swait.ge [sflag:s23], $0x380  }
0x23c: {  	[sflag:s23] =	ssyncset.done $0x0  }
0x23d: {  	[sflag:s23] =	ssyncadd.s32 $0xFFFFFC80  }
0x23e: {  	[hbm4b:s26+s2] =	stream.linear.scatter [tilespmem:s0], [sflag:$0x4], $0x7000, $0x38;
	[tilespmem:$0x15100] =	vst v63  }
0x23f: {  	_ = 	snop  }
0x240: {  	[hbm4b:s28+s2] =	stream.linear.scatter [tilespmem:s1], [sflag:$0x4], $0x1C00, $0x38;
	[tilespmem:$0x15100] =	vst v63  }
0x241: {  	_ =	swait.ge [sflag:s24], $0x7000  }
0x242: {  	[sflag:s24] =	ssyncset.done $0x0  }
0x243: {  	[sflag:s24] =	ssyncadd.s32 $0xFFFF9000  }
0x244: {  	_ =	swait.ge [sflag:s24], $0x1C00  }
0x245: {  	[sflag:s24] =	ssyncset.done $0x0  }
0x246: {  	[sflag:s24] =	ssyncadd.s32 $0xFFFFE400  }
0x247: {  	_ =	swait.ge [sflag:s24], $0x7000  }
0x248: {  	[sflag:s24] =	ssyncset.done $0x0  }
0x249: {  	[sflag:s24] =	ssyncadd.s32 $0xFFFF9000  }
0x24a: {  	_ =	swait.ge [sflag:s24], $0x1C00  }
0x24b: {  	s25 =	sadd.s32 $0x1, s25;
	s31 =	rddreg [dreg:$0x8]  }
0x24c: {  	p0 =	sne.s32 s25, s31  }
.Ltmp2:
0x24d: {  	_ = 	snop;
	(pc) =	sbr.rel @p0 .LBB2_1-.Ltmp2, $3  }
0x24e: {  	_ =	sdelay $0x1  }
0x24f: {  	[sflag:s24] =	ssyncset.done $0x0  }
0x250: {  	[sflag:s24] =	ssyncadd.s32 $0xFFFFE400  }
0x251: {  	_ =	sfence.sel $0x180000  }
0x252: {  	[bflag:$0x0] =	sbarrier.arrive $0xFFFF  }
0x253: {  	_ =	strace $0x90000047  }
0x254: {  	s0 =	stileid.u32;
	[bflag:$0x2] =	sbarrier.arrive $0xFFFF  }
0x255: {  	p0 =	sne.s32 s0, $0x0;
	s0 =	rddreg [dreg:$0x3]  }
0x256: {  	s0 =	sadd.s32 @!p0 $0x100000, s0  }
0x257: {  	[sflag:s0] =	ssyncadd.tile.s32 @!p0 $0x1;
	_ =	shalt  }
.Lfunc_end2:
_tile_overlayer_lowered:
.L_overlay_start_2:
0x258: {  	(tag) =	ssettag $0x2  }
0x259: {  	s0 =	rddreg [dreg:$0x0];
	s2 =	stileid.u32  }
0x25a: {  	s1 =	rddreg [dreg:$0x1];
	p0 =	sne.s32 s2, $0x0  }
0x25b: {  	s3 =	rddreg [dreg:$0x2];
	[bflag:$0x3] =	sbarrier.arrive $0xFFFF;
	s2 =	simm.s32 @!p0 $0x1C05  }
0x25c: {  	[timem:s3], [sflag:s2] =	dma.local @!p0 [hbm:s0], s1  }
0x25d: {  	s0 =	simm.s32 @!p0 $0x5  }
0x25e: {  	_ =	swait.ge @!p0 [sflag:s0], s1  }
0x25f: {  	s1 =	ssub.s32 @!p0 $0x0, s1;
	[sflag:s0] =	ssyncset.done @!p0 $0x0  }
0x260: {  	[sflag:s0] =	ssyncadd.s32 @!p0 s1  }
0x261: {  	[bflag:$0x3] =	sbarrier.arrive $0xFFFF  }
0x262: {  	_ =	shalt  }

</sc_bundles>
